<compile_context>
chip_gen: v7x
topology: tpu7x:2x2x1
jax: 0.10.2.dev20260603
libtpu: 0.0.44.dev20260713+nightly
codegen_flags: <defaults>
</compile_context>

<pallas_src>
import functools

import numpy as np
import jax
import jax.numpy as jnp
from jax import lax
from jax.experimental import pallas as pl
from jax.experimental.pallas import tpu as pltpu
from jax.experimental.pallas import tpu_sc as plsc

N_EXPERTS = 64
EXPANSION = 8
CAP = 1152

try:
    _SC_INFO = plsc.get_sparse_core_info()
    _NC, _NS = _SC_INFO.num_cores, _SC_INFO.num_subcores
except Exception:
    _NC, _NS = 2, 16
_NW = _NC * _NS
_EPW = N_EXPERTS // _NW

_INT_MIN = np.int32(-2147483648)


def _router_body(nsteps, k, x_ref, rw_ref, allwt_ref, keys_ref, xb_ref,
                 t_ref, keys_acc):
    lgt = lax.dot_general(rw_ref[...].astype(jnp.bfloat16),
                          x_ref[...].astype(jnp.bfloat16),
                          (((1,), (1,)), ((), ())),
                          preferred_element_type=jnp.float32)
    m = jnp.max(lgt, axis=0, keepdims=True)
    e = jnp.exp(lgt - m)
    allwt_ref[...] = e / jnp.sum(e, axis=0, keepdims=True)
    u = lax.bitcast_convert_type(lgt, jnp.uint32)
    neg = u >= jnp.uint32(0x80000000)
    up = jnp.where(neg, ~u, u | jnp.uint32(0x80000000))
    ikeys = lax.bitcast_convert_type(up ^ jnp.uint32(0x80000000), jnp.int32)
    keys_ref[...] = ikeys
    blk = ikeys.shape[1]
    keys_acc[:, pl.ds(pl.program_id(0) * blk, blk)] = ikeys

    @pl.when(pl.program_id(0) == nsteps - 1)
    def _():
        keys = keys_acc[...]
        t = jnp.full((N_EXPERTS, 1), _INT_MIN, jnp.int32)
        for b in range(31, -1, -1):
            cand = t + np.array(1 << b, dtype=np.uint32).view(np.int32)
            cnt = jnp.sum((keys >= cand).astype(jnp.int32), axis=1,
                          keepdims=True)
            t = jnp.where(cnt >= k, cand, t)
        t_ref[...] = jnp.broadcast_to(t, (N_EXPERTS, 128))

    xb = x_ref[...].astype(jnp.bfloat16)
    c = xb.shape[1]
    a = lax.bitcast_convert_type(xb[:, : c // 2], jnp.uint16).astype(jnp.uint32)
    b = lax.bitcast_convert_type(xb[:, c // 2 :], jnp.uint16).astype(jnp.uint32)
    xb_ref[...] = lax.bitcast_convert_type((a << 16) | b, jnp.int32)


def _router(x_flat, router_W, k):
    n, c = x_flat.shape
    blk = 1024
    return pl.pallas_call(
        functools.partial(_router_body, n // blk, k),
        grid=(n // blk,),
        in_specs=[
            pl.BlockSpec((blk, c), lambda i: (i, 0)),
            pl.BlockSpec((N_EXPERTS, c), lambda i: (0, 0)),
        ],
        out_specs=[
            pl.BlockSpec((N_EXPERTS, blk), lambda i: (0, i)),
            pl.BlockSpec((N_EXPERTS, blk), lambda i: (0, i)),
            pl.BlockSpec((blk, c // 2), lambda i: (i, 0)),
            pl.BlockSpec((N_EXPERTS, 128), lambda i: (0, 0)),
        ],
        out_shape=[
            jax.ShapeDtypeStruct((N_EXPERTS, n), jnp.float32),
            jax.ShapeDtypeStruct((N_EXPERTS, n), jnp.int32),
            jax.ShapeDtypeStruct((n, c // 2), jnp.int32),
            jax.ShapeDtypeStruct((N_EXPERTS, 128), jnp.int32),
        ],
        scratch_shapes=[pltpu.VMEM((N_EXPERTS, n), jnp.int32)],
    )(x_flat, router_W)


def _thresh_body(k, keys_ref, t_ref):
    keys = keys_ref[...]
    t = jnp.full((N_EXPERTS, 1), _INT_MIN, jnp.int32)
    for b in range(31, -1, -1):
        cand = t + np.array(1 << b, dtype=np.uint32).view(np.int32)
        cnt = jnp.sum((keys >= cand).astype(jnp.int32), axis=1, keepdims=True)
        t = jnp.where(cnt >= k, cand, t)
    t_ref[...] = jnp.broadcast_to(t, (N_EXPERTS, 128))


def _threshold(keys, k):
    n = keys.shape[1]
    return pl.pallas_call(
        functools.partial(_thresh_body, k),
        in_specs=[pl.BlockSpec((N_EXPERTS, n), lambda: (0, 0))],
        out_specs=pl.BlockSpec((N_EXPERTS, 128), lambda: (0, 0)),
        out_shape=jax.ShapeDtypeStruct((N_EXPERTS, 128), jnp.int32),
    )(keys)


def _make_sc_compact(n):
    n_vregs = n // 16
    mesh = plsc.VectorSubcoreMesh(core_axis_name="c", subcore_axis_name="s")

    @functools.partial(
        pl.kernel,
        mesh=mesh,
        compiler_params=pltpu.CompilerParams(needs_layout_passes=False),
        out_type=(
            jax.ShapeDtypeStruct((N_EXPERTS * CAP,), jnp.int32),
            jax.ShapeDtypeStruct((N_EXPERTS * CAP,), jnp.int32),
        ),
        scratch_types=[
            pltpu.VMEM((n,), jnp.int32),
            pltpu.VMEM((16,), jnp.int32),
            pltpu.VMEM((CAP,), jnp.int32),
            pltpu.VMEM((CAP,), jnp.int32),
        ],
    )
    def compact_k(keys_hbm, t_hbm, keysc_hbm, idxc_hbm, keys_v, t_v, kc_v, ic_v):
        wid = lax.axis_index("s") * _NC + lax.axis_index("c")
        for t in range(_EPW):
            e = wid * _EPW + t
            pltpu.sync_copy(keys_hbm.at[pl.ds(e * n, n)], keys_v)
            pltpu.sync_copy(t_hbm.at[pl.ds(e * 16, 16)], t_v)
            tvec = t_v[...]

            def fill(j, carry):
                kc_v[pl.ds(j * 16, 16)] = jnp.full((16,), _INT_MIN, jnp.int32)
                ic_v[pl.ds(j * 16, 16)] = jnp.full((16,), 0x7FFFFFFF, jnp.int32)
                return carry

            lax.fori_loop(0, CAP // 16, fill, 0)

            def step(i, cnt):
                kv = keys_v[pl.ds(i * 16, 16)]
                m = (kv >= tvec) & (cnt < CAP - 16)
                iv = lax.iota(jnp.int32, 16) + i * 16
                cs = plsc.cumsum(m.astype(jnp.int32))
                dest = cnt + cs - 1
                plsc.store_scatter(kc_v, [dest], kv, mask=m)
                plsc.store_scatter(ic_v, [dest], iv, mask=m)
                return cnt + jnp.max(cs)

            lax.fori_loop(0, n_vregs, step, jnp.int32(0))
            pltpu.sync_copy(kc_v, keysc_hbm.at[pl.ds(e * CAP, CAP)])
            pltpu.sync_copy(ic_v, idxc_hbm.at[pl.ds(e * CAP, CAP)])

    return compact_k


def _rank_body(keys_ref, rank_ref):
    keys = keys_ref[0, 0]
    kc = keys.reshape(CAP, 1)
    kr = keys.reshape(1, CAP)
    row = lax.broadcasted_iota(jnp.int32, (CAP, CAP), 0)
    col = lax.broadcasted_iota(jnp.int32, (CAP, CAP), 1)
    a = (kr > kc) | ((kr == kc) & (col < row))
    rank_ref[0, 0] = jnp.sum(a.astype(jnp.int32), axis=1)


def _ranks(keysc):
    return pl.pallas_call(
        _rank_body,
        grid=(N_EXPERTS,),
        in_specs=[pl.BlockSpec((1, 1, CAP), lambda i: (i, 0, 0))],
        out_specs=pl.BlockSpec((1, 1, CAP), lambda i: (i, 0, 0)),
        out_shape=jax.ShapeDtypeStruct((N_EXPERTS, 1, CAP), jnp.int32),
    )(keysc.reshape(N_EXPERTS, 1, CAP))


def _make_sc_place_gather(n, k, cw):
    ch = 64
    nch = k // ch
    mesh = plsc.VectorSubcoreMesh(core_axis_name="c", subcore_axis_name="s")

    @functools.partial(
        pl.kernel,
        mesh=mesh,
        compiler_params=pltpu.CompilerParams(needs_layout_passes=False),
        out_type=(
            jax.ShapeDtypeStruct((N_EXPERTS * k,), jnp.int32),
            jax.ShapeDtypeStruct((N_EXPERTS * k,), jnp.float32),
            jax.ShapeDtypeStruct((_NW * n,), jnp.float32),
            jax.ShapeDtypeStruct((N_EXPERTS * k, cw), jnp.int32),
        ),
        scratch_types=[
            pltpu.VMEM((CAP,), jnp.int32),
            pltpu.VMEM((CAP,), jnp.int32),
            pltpu.VMEM((k,), jnp.int32),
            pltpu.VMEM((n,), jnp.float32),
            pltpu.VMEM((k,), jnp.float32),
            pltpu.VMEM((n,), jnp.float32),
            pltpu.VMEM((64, cw), jnp.int32),
            pltpu.VMEM((64, cw), jnp.int32),
            pltpu.SemaphoreType.DMA,
            pltpu.SemaphoreType.DMA,
            pltpu.SemaphoreType.DMA,
        ],
    )
    def place_k(idxc_hbm, rank_hbm, allwt_hbm, zi_hbm, zf_hbm, xb_hbm,
                lidx_hbm, wflat_hbm, fpart_hbm, xg_hbm,
                ic_v, rk_v, tk_v, aw_v, w_v, hist_v, rb0, rb1, gsem, os0, os1):
        wid = lax.axis_index("s") * _NC + lax.axis_index("c")
        pltpu.sync_copy(zf_hbm, hist_v)
        ones = jnp.full((16,), 1.0, jnp.float32)
        rbufs = (rb0, rb1)
        osems = (os0, os1)
        for t in range(_EPW):
            e = wid * _EPW + t
            pltpu.sync_copy(idxc_hbm.at[pl.ds(e * CAP, CAP)], ic_v)
            pltpu.sync_copy(rank_hbm.at[pl.ds(e * CAP, CAP)], rk_v)
            pltpu.sync_copy(zi_hbm.at[pl.ds(0, k)], tk_v)

            def place(j, carry):
                r = rk_v[pl.ds(j * 16, 16)]
                iv = ic_v[pl.ds(j * 16, 16)]
                m = r < k
                plsc.store_scatter(tk_v, [r], iv, mask=m)
                return carry

            lax.fori_loop(0, CAP // 16, place, 0)
            pltpu.sync_copy(tk_v, lidx_hbm.at[pl.ds(e * k, k)])
            pltpu.sync_copy(allwt_hbm.at[pl.ds(e * n, n)], aw_v)

            def wgather(j, carry):
                tok = tk_v[pl.ds(j * 16, 16)]
                w_v[pl.ds(j * 16, 16)] = plsc.load_gather(aw_v, [tok])
                plsc.addupdate_scatter(hist_v, [tok], ones)
                return carry

            lax.fori_loop(0, k // 16, wgather, 0)
            pltpu.sync_copy(w_v, wflat_hbm.at[pl.ds(e * k, k)])

            ch = 64
            out_cps = [None, None]
            for i in range(k // ch):
                b = i & 1
                if out_cps[b] is not None:
                    out_cps[b].wait()
                pltpu.async_copy(xb_hbm.at[tk_v.at[pl.ds(i * ch, ch)]],
                                 rbufs[b], gsem).wait()
                out_cps[b] = pltpu.async_copy(
                    rbufs[b], xg_hbm.at[pl.ds(e * k + i * ch, ch)], osems[b])
            out_cps[0].wait()
            out_cps[1].wait()
        pltpu.sync_copy(hist_v, fpart_hbm.at[pl.ds(wid * n, n)])

    return place_k


def _experts_body(xg_ref, w1_ref, w2_ref, fp_ref, out_ref, fo_ref):
    u = lax.bitcast_convert_type(xg_ref[...], jnp.uint32)
    h1 = lax.bitcast_convert_type((u >> 16).astype(jnp.uint16), jnp.bfloat16)
    h2 = lax.bitcast_convert_type(
        (u & jnp.uint32(0xFFFF)).astype(jnp.uint16), jnp.bfloat16)
    x = jnp.concatenate([h1, h2], axis=1)
    h = lax.dot_general(x, w1_ref[0].astype(jnp.bfloat16),
                        (((1,), (1,)), ((), ())),
                        preferred_element_type=jnp.float32)
    h = jax.nn.gelu(h)
    out_ref[...] = lax.dot_general(h, w2_ref[0], (((1,), (1,)), ((), ())),
                                   preferred_element_type=jnp.float32)
    @pl.when((pl.program_id(0) == 0) & (pl.program_id(1) == 0))
    def _():
        fo_ref[...] = jnp.sum(fp_ref[...], axis=0, keepdims=True)


def _experts(xg, expert_W1, expert_W2, fpart, k):
    e, d, c = expert_W1.shape
    n = fpart.shape[1]
    rb = 1024
    nrb = k // rb
    return pl.pallas_call(
        _experts_body,
        grid=(e, nrb),
        in_specs=[
            pl.BlockSpec((rb, c // 2), lambda i, j: (i * nrb + j, 0)),
            pl.BlockSpec((1, d, c), lambda i, j: (i, 0, 0)),
            pl.BlockSpec((1, c, d), lambda i, j: (i, 0, 0)),
            pl.BlockSpec((_NW, n), lambda i, j: (0, 0)),
        ],
        out_specs=[
            pl.BlockSpec((rb, c), lambda i, j: (i * nrb + j, 0)),
            pl.BlockSpec((1, n), lambda i, j: (0, 0)),
        ],
        out_shape=[
            jax.ShapeDtypeStruct((e * k, c), jnp.float32),
            jax.ShapeDtypeStruct((1, n), jnp.float32),
        ],
        compiler_params=pltpu.CompilerParams(
            dimension_semantics=("arbitrary", "arbitrary")),
    )(xg, expert_W1, expert_W2, fpart)


def kernel(x, router_W, expert_W1, expert_W2):
    B, T, C = x.shape
    n_tokens = B * T
    k = n_tokens // EXPANSION
    x_flat = x.reshape(-1, C)

    allwt, keys, xbf, t_bcast = _router(x_flat, router_W, k)
    t_sc = t_bcast[:, :16].reshape(-1)
    keysc, idxc = _make_sc_compact(n_tokens)(keys.reshape(-1), t_sc)
    ranks = _ranks(keysc.reshape(N_EXPERTS, CAP))

    zi = jnp.zeros((n_tokens,), jnp.int32)
    zf = jnp.zeros((n_tokens,), jnp.float32)
    local_indices, weights_flat, fpart, xg = _make_sc_place_gather(
        n_tokens, k, C // 2)(idxc, ranks.reshape(-1), allwt.reshape(-1),
                             zi, zf, xbf)
    h_flat, fo = _experts(xg, expert_W1, expert_W2,
                          fpart.reshape(_NW, n_tokens), k)
    return h_flat, local_indices, weights_flat, fo.reshape(n_tokens)

# --- scband reference (transcript-rebuilt; emitter-appended) ---
"""Pipeline reference for scband-parallel-experts-22651657519433 (READ-ONLY COPY).

The authoritative reference and input builder live on the scoring server;
editing this copy changes nothing except your own understanding.
"""

import jax, jax.numpy as jnp
import numpy as np

N_EXPERTS = 64
EXPANSION = 8

def setup_inputs(seed: int = 0) -> dict:
    key = jax.random.key(seed)
    k1, k2, k3, k4 = jax.random.split(key, 4)
    B, T, C = 2, 4096, 1024
    d = 128
    x = jax.random.normal(k1, (B, T, C), dtype=jnp.float32)
    router_W = jax.random.normal(k2, (N_EXPERTS, C), dtype=jnp.float32) * 0.02
    expert_W1 = jax.random.normal(k3, (N_EXPERTS, d, C), dtype=jnp.float32) * 0.02
    expert_W2 = jax.random.normal(k4, (N_EXPERTS, C, d), dtype=jnp.float32) * 0.02
    return {"x": x, "router_W": router_W, "expert_W1": expert_W1, "expert_W2": expert_W2}

def reference(x, router_W, expert_W1, expert_W2):
    # Single-rank (world_size=1) faithful trace of ParallelExperts.forward_topk.
    B, T, C = x.shape
    n_tokens = B * T
    x_flat = x.reshape(-1, C)
    # Step 1: router logits
    router_logits_flat = (x_flat @ router_W.T).astype(jnp.float32)  # (N, E)
    # apply_router_activation: softmax over experts -> unnormalized routed weights
    all_weights = jax.nn.softmax(router_logits_flat, axis=-1)
    # Steps 2-3: all-gather is identity at world_size=1; expert-choice top-k per expert
    k = n_tokens // EXPANSION
    topk_values, topk_indices = jax.lax.top_k(router_logits_flat.T, k)  # (E, k)
    cutoffs = topk_values[:, -1]
    # Steps 4-5: dispatch (identity all-to-all at world_size=1): gather chosen tokens per expert
    tokens_received = jnp.take(x_flat, topk_indices, axis=0)  # (E, k, C)
    # Step 6: batched expert forward: gelu(x @ W1^T) @ W2^T per expert
    h = jax.nn.gelu(jnp.einsum('ekc,edc->ekd', tokens_received, expert_W1))
    out = jnp.einsum('ekd,ecd->ekc', h, expert_W2)
    # Step 7: combine (identity all-to-all)
    h_flat = out.reshape(N_EXPERTS * k, C)
    local_indices = topk_indices.reshape(-1)  # expert-major, matches per-expert concat order
    expert_ids = jnp.repeat(jnp.arange(N_EXPERTS), k)
    weights_flat = all_weights[local_indices, expert_ids]
    fanout = jnp.bincount(local_indices, length=n_tokens).astype(jnp.float32)
    return h_flat, local_indices, weights_flat, fanout

if __name__ == "__main__":
    import jax
    _d = setup_inputs()
    print(jax.jit(kernel)(*tuple(_d.values())))

</pallas_src>

<mosaic_0001>
#map = affine_map<(d0, d1) -> (0)>
#map1 = affine_map<(d0, d1) -> (0, 0)>
module attributes {stable_mosaic.version = 14 : i64} {
  func.func @place_k(%arg0: i32, %arg1: i32, %arg2: memref<73728xi32, #tpu.memory_space<hbm>>, %arg3: memref<73728xi32, #tpu.memory_space<hbm>>, %arg4: memref<524288xf32, #tpu.memory_space<hbm>>, %arg5: memref<8192xi32, #tpu.memory_space<hbm>>, %arg6: memref<8192xf32, #tpu.memory_space<hbm>>, %arg7: memref<8192x512xi32, #tpu.memory_space<hbm>>, %arg8: memref<65536xi32, #tpu.memory_space<hbm>>, %arg9: memref<65536xf32, #tpu.memory_space<hbm>>, %arg10: memref<262144xf32, #tpu.memory_space<hbm>>, %arg11: memref<65536x512xi32, #tpu.memory_space<hbm>>, %arg12: memref<1152xi32, #tpu.memory_space<vmem>>, %arg13: memref<1152xi32, #tpu.memory_space<vmem>>, %arg14: memref<1024xi32, #tpu.memory_space<vmem>>, %arg15: memref<8192xf32, #tpu.memory_space<vmem>>, %arg16: memref<1024xf32, #tpu.memory_space<vmem>>, %arg17: memref<8192xf32, #tpu.memory_space<vmem>>, %arg18: memref<64x512xi32, #tpu.memory_space<vmem>>, %arg19: memref<64x512xi32, #tpu.memory_space<vmem>>, %arg20: memref<!tpu.dma_semaphore, #tpu.memory_space<semaphore_mem>>, %arg21: memref<!tpu.dma_semaphore, #tpu.memory_space<semaphore_mem>>, %arg22: memref<!tpu.dma_semaphore, #tpu.memory_space<semaphore_mem>>) attributes {dimension_semantics = [#tpu.dimension_semantics<core_parallel>, #tpu.dimension_semantics<subcore_parallel>], iteration_bounds = array<i64: 2, 16>, scalar_prefetch = 0 : i64, scratch_operands = 11 : i64, tpu.core_type = #tpu.core_type<sc_vector_subcore>, window_params = [{transform_indices = #map}, {transform_indices = #map}, {transform_indices = #map}, {transform_indices = #map}, {transform_indices = #map}, {transform_indices = #map1}, {transform_indices = #map}, {transform_indices = #map}, {transform_indices = #map}, {transform_indices = #map1}]} {
    %mul3A = arith.constant 2 : i32
    %mul3A_0 = arith.muli %arg1, %mul3A : i32
    %add3A = arith.addi %mul3A_0, %arg0 : i32
    "tpu.region"() ({
      %run_scoped3A = tpu.sem_alloc : memref<!tpu.dma_semaphore, #tpu.memory_space<semaphore_mem>>
      tpu.enqueue_dma source(%arg6 : memref<8192xf32, #tpu.memory_space<hbm>>) target(%arg17 : memref<8192xf32, #tpu.memory_space<vmem>>) target_semaphore(%run_scoped3A : memref<!tpu.dma_semaphore, #tpu.memory_space<semaphore_mem>>)
      tpu.wait_dma2 semaphore(%run_scoped3A : memref<!tpu.dma_semaphore, #tpu.memory_space<semaphore_mem>>) src(%arg6 : memref<8192xf32, #tpu.memory_space<hbm>>) dst(%arg17 : memref<8192xf32, #tpu.memory_space<vmem>>)
      tpu.yield
    }) : () -> ()
    %broadcast_in_dim3A = arith.constant 1.000000e+00 : f32
    %broadcast_in_dim3A_1 = vector.broadcast %broadcast_in_dim3A : f32 to vector<16xf32>
    %mul3A_2 = arith.constant 2 : i32
    %mul3A_3 = arith.muli %add3A, %mul3A_2 : i32
    %add3A_4 = arith.constant 0 : i32
    %add3A_5 = arith.addi %mul3A_3, %add3A_4 : i32
    %mul3A_6 = arith.constant 1152 : i32
    %mul3A_7 = arith.muli %add3A_5, %mul3A_6 : i32
    "tpu.region"() ({
      %run_scoped3A = tpu.sem_alloc : memref<!tpu.dma_semaphore, #tpu.memory_space<semaphore_mem>>
      %dma_start3A_757 = tpu.memref_slice %arg2[%mul3A_7] : memref<73728xi32, #tpu.memory_space<hbm>> -> memref<1152xi32, #tpu.memory_space<hbm>>
      %dma_start3A_758 = tpu.memref_slice %arg2[%mul3A_7] : memref<73728xi32, #tpu.memory_space<hbm>> -> memref<1152xi32, #tpu.memory_space<hbm>>
      tpu.enqueue_dma source(%dma_start3A_758 : memref<1152xi32, #tpu.memory_space<hbm>>) target(%arg12 : memref<1152xi32, #tpu.memory_space<vmem>>) target_semaphore(%run_scoped3A : memref<!tpu.dma_semaphore, #tpu.memory_space<semaphore_mem>>)
      %dma_wait3A_759 = tpu.memref_slice %arg2[%mul3A_7] : memref<73728xi32, #tpu.memory_space<hbm>> -> memref<1152xi32, #tpu.memory_space<hbm>>
      %dma_wait3A_760 = tpu.memref_slice %arg2[%mul3A_7] : memref<73728xi32, #tpu.memory_space<hbm>> -> memref<1152xi32, #tpu.memory_space<hbm>>
      tpu.wait_dma2 semaphore(%run_scoped3A : memref<!tpu.dma_semaphore, #tpu.memory_space<semaphore_mem>>) src(%dma_wait3A_760 : memref<1152xi32, #tpu.memory_space<hbm>>) dst(%arg12 : memref<1152xi32, #tpu.memory_space<vmem>>)
      tpu.yield
    }) : () -> ()
    %mul3A_8 = arith.constant 1152 : i32
    %mul3A_9 = arith.muli %add3A_5, %mul3A_8 : i32
    "tpu.region"() ({
      %run_scoped3A = tpu.sem_alloc : memref<!tpu.dma_semaphore, #tpu.memory_space<semaphore_mem>>
      %dma_start3A_757 = tpu.memref_slice %arg3[%mul3A_9] : memref<73728xi32, #tpu.memory_space<hbm>> -> memref<1152xi32, #tpu.memory_space<hbm>>
      %dma_start3A_758 = tpu.memref_slice %arg3[%mul3A_9] : memref<73728xi32, #tpu.memory_space<hbm>> -> memref<1152xi32, #tpu.memory_space<hbm>>
      tpu.enqueue_dma source(%dma_start3A_758 : memref<1152xi32, #tpu.memory_space<hbm>>) target(%arg13 : memref<1152xi32, #tpu.memory_space<vmem>>) target_semaphore(%run_scoped3A : memref<!tpu.dma_semaphore, #tpu.memory_space<semaphore_mem>>)
      %dma_wait3A_759 = tpu.memref_slice %arg3[%mul3A_9] : memref<73728xi32, #tpu.memory_space<hbm>> -> memref<1152xi32, #tpu.memory_space<hbm>>
      %dma_wait3A_760 = tpu.memref_slice %arg3[%mul3A_9] : memref<73728xi32, #tpu.memory_space<hbm>> -> memref<1152xi32, #tpu.memory_space<hbm>>
      tpu.wait_dma2 semaphore(%run_scoped3A : memref<!tpu.dma_semaphore, #tpu.memory_space<semaphore_mem>>) src(%dma_wait3A_760 : memref<1152xi32, #tpu.memory_space<hbm>>) dst(%arg13 : memref<1152xi32, #tpu.memory_space<vmem>>)
      tpu.yield
    }) : () -> ()
    "tpu.region"() ({
      %run_scoped3A = tpu.sem_alloc : memref<!tpu.dma_semaphore, #tpu.memory_space<semaphore_mem>>
      %dma_start3A_757 = arith.constant 0 : i32
      %dma_start3A_758 = tpu.memref_slice %arg5[%dma_start3A_757] : memref<8192xi32, #tpu.memory_space<hbm>> -> memref<1024xi32, #tpu.memory_space<hbm>>
      %dma_start3A_759 = arith.constant 0 : i32
      %dma_start3A_760 = tpu.memref_slice %arg5[%dma_start3A_759] : memref<8192xi32, #tpu.memory_space<hbm>> -> memref<1024xi32, #tpu.memory_space<hbm>>
      tpu.enqueue_dma source(%dma_start3A_760 : memref<1024xi32, #tpu.memory_space<hbm>>) target(%arg14 : memref<1024xi32, #tpu.memory_space<vmem>>) target_semaphore(%run_scoped3A : memref<!tpu.dma_semaphore, #tpu.memory_space<semaphore_mem>>)
      %dma_wait3A_761 = arith.constant 0 : i32
      %dma_wait3A_762 = tpu.memref_slice %arg5[%dma_wait3A_761] : memref<8192xi32, #tpu.memory_space<hbm>> -> memref<1024xi32, #tpu.memory_space<hbm>>
      %dma_wait3A_763 = arith.constant 0 : i32
      %dma_wait3A_764 = tpu.memref_slice %arg5[%dma_wait3A_763] : memref<8192xi32, #tpu.memory_space<hbm>> -> memref<1024xi32, #tpu.memory_space<hbm>>
      tpu.wait_dma2 semaphore(%run_scoped3A : memref<!tpu.dma_semaphore, #tpu.memory_space<semaphore_mem>>) src(%dma_wait3A_764 : memref<1024xi32, #tpu.memory_space<hbm>>) dst(%arg14 : memref<1024xi32, #tpu.memory_space<vmem>>)
      tpu.yield
    }) : () -> ()
    %scan3A = arith.constant 0 : i32
    %scan3A_10 = arith.constant 0 : i32
    %scan3A_11 = arith.constant 72 : i32
    %scan3A_12 = arith.addi %scan3A_10, %scan3A_11 : i32
    %scan3A_13 = arith.constant 1 : i32
    scf.for %scan3A_757 = %scan3A_10 to %scan3A_12 step %scan3A_13  : i32 {
      %mul3A_758 = arith.constant 16 : i32
      %mul3A_759 = arith.muli %scan3A_757, %mul3A_758 : i32
      %get3A = arith.index_cast %mul3A_759 : i32 to index
      %get3A_760 = tpu.vector_load %arg13[%get3A] {strides = array<i32>} : memref<1152xi32, #tpu.memory_space<vmem>>, vector<16xi32>,
      %mul3A_761 = arith.constant 16 : i32
      %mul3A_762 = arith.muli %scan3A_757, %mul3A_761 : i32
      %get3A_763 = arith.index_cast %mul3A_762 : i32 to index
      %get3A_764 = tpu.vector_load %arg12[%get3A_763] {strides = array<i32>} : memref<1152xi32, #tpu.memory_space<vmem>>, vector<16xi32>,
      %lt3A = arith.constant 1024 : i32
      %lt3A_765 = vector.broadcast %lt3A : i32 to vector<16xi32>
      %lt3A_766 = arith.cmpi slt, %get3A_760, %lt3A_765 : vector<16xi32>
      tpu.vector_store_idx %arg14[%get3A_760], %get3A_764 masked %lt3A_766 : memref<1024xi32, #tpu.memory_space<vmem>>[vector<16xi32>], vector<16xi32>, vector<16xi1>
    }
    %scan3A_14 = arith.constant 72 : i32
    %mul3A_15 = arith.constant 1024 : i32
    %mul3A_16 = arith.muli %add3A_5, %mul3A_15 : i32
    "tpu.region"() ({
      %run_scoped3A = tpu.sem_alloc : memref<!tpu.dma_semaphore, #tpu.memory_space<semaphore_mem>>
      %dma_start3A_757 = tpu.memref_slice %arg8[%mul3A_16] : memref<65536xi32, #tpu.memory_space<hbm>> -> memref<1024xi32, #tpu.memory_space<hbm>>
      %dma_start3A_758 = tpu.memref_slice %arg8[%mul3A_16] : memref<65536xi32, #tpu.memory_space<hbm>> -> memref<1024xi32, #tpu.memory_space<hbm>>
      tpu.enqueue_dma source(%arg14 : memref<1024xi32, #tpu.memory_space<vmem>>) target(%dma_start3A_758 : memref<1024xi32, #tpu.memory_space<hbm>>) target_semaphore(%run_scoped3A : memref<!tpu.dma_semaphore, #tpu.memory_space<semaphore_mem>>)
      %dma_wait3A_759 = tpu.memref_slice %arg8[%mul3A_16] : memref<65536xi32, #tpu.memory_space<hbm>> -> memref<1024xi32, #tpu.memory_space<hbm>>
      %dma_wait3A_760 = tpu.memref_slice %arg8[%mul3A_16] : memref<65536xi32, #tpu.memory_space<hbm>> -> memref<1024xi32, #tpu.memory_space<hbm>>
      tpu.wait_dma2 semaphore(%run_scoped3A : memref<!tpu.dma_semaphore, #tpu.memory_space<semaphore_mem>>) src(%arg14 : memref<1024xi32, #tpu.memory_space<vmem>>) dst(%dma_wait3A_760 : memref<1024xi32, #tpu.memory_space<hbm>>)
      tpu.yield
    }) : () -> ()
    %mul3A_17 = arith.constant 8192 : i32
    %mul3A_18 = arith.muli %add3A_5, %mul3A_17 : i32
    "tpu.region"() ({
      %run_scoped3A = tpu.sem_alloc : memref<!tpu.dma_semaphore, #tpu.memory_space<semaphore_mem>>
      %dma_start3A_757 = tpu.memref_slice %arg4[%mul3A_18] : memref<524288xf32, #tpu.memory_space<hbm>> -> memref<8192xf32, #tpu.memory_space<hbm>>
      %dma_start3A_758 = tpu.memref_slice %arg4[%mul3A_18] : memref<524288xf32, #tpu.memory_space<hbm>> -> memref<8192xf32, #tpu.memory_space<hbm>>
      tpu.enqueue_dma source(%dma_start3A_758 : memref<8192xf32, #tpu.memory_space<hbm>>) target(%arg15 : memref<8192xf32, #tpu.memory_space<vmem>>) target_semaphore(%run_scoped3A : memref<!tpu.dma_semaphore, #tpu.memory_space<semaphore_mem>>)
      %dma_wait3A_759 = tpu.memref_slice %arg4[%mul3A_18] : memref<524288xf32, #tpu.memory_space<hbm>> -> memref<8192xf32, #tpu.memory_space<hbm>>
      %dma_wait3A_760 = tpu.memref_slice %arg4[%mul3A_18] : memref<524288xf32, #tpu.memory_space<hbm>> -> memref<8192xf32, #tpu.memory_space<hbm>>
      tpu.wait_dma2 semaphore(%run_scoped3A : memref<!tpu.dma_semaphore, #tpu.memory_space<semaphore_mem>>) src(%dma_wait3A_760 : memref<8192xf32, #tpu.memory_space<hbm>>) dst(%arg15 : memref<8192xf32, #tpu.memory_space<vmem>>)
      tpu.yield
    }) : () -> ()
    %scan3A_19 = arith.constant 0 : i32
    %scan3A_20 = arith.constant 0 : i32
    %scan3A_21 = arith.constant 64 : i32
    %scan3A_22 = arith.addi %scan3A_20, %scan3A_21 : i32
    %scan3A_23 = arith.constant 1 : i32
    scf.for %scan3A_757 = %scan3A_20 to %scan3A_22 step %scan3A_23  : i32 {
      %mul3A_758 = arith.constant 16 : i32
      %mul3A_759 = arith.muli %scan3A_757, %mul3A_758 : i32
      %get3A = arith.index_cast %mul3A_759 : i32 to index
      %get3A_760 = tpu.vector_load %arg14[%get3A] {strides = array<i32>} : memref<1024xi32, #tpu.memory_space<vmem>>, vector<16xi32>,
      %gather3A = tpu.vector_load_idx %arg15[%get3A_760] : memref<8192xf32, #tpu.memory_space<vmem>>[vector<16xi32>], vector<16xf32>,
      %mul3A_761 = arith.constant 16 : i32
      %mul3A_762 = arith.muli %scan3A_757, %mul3A_761 : i32
      %swap3A = arith.index_cast %mul3A_762 : i32 to index
      %swap3A_763 = tpu.vector_load %arg16[%swap3A] {strides = array<i32>} : memref<1024xf32, #tpu.memory_space<vmem>>, vector<16xf32>,
      tpu.vector_store %arg16[%swap3A], %gather3A {strides = array<i32>} : memref<1024xf32, #tpu.memory_space<vmem>>, vector<16xf32>,
      tpu.vector_store_idx %arg17[%get3A_760], %broadcast_in_dim3A_1 {add = true} : memref<8192xf32, #tpu.memory_space<vmem>>[vector<16xi32>], vector<16xf32>,
    }
    %scan3A_24 = arith.constant 64 : i32
    %mul3A_25 = arith.constant 1024 : i32
    %mul3A_26 = arith.muli %add3A_5, %mul3A_25 : i32
    "tpu.region"() ({
      %run_scoped3A = tpu.sem_alloc : memref<!tpu.dma_semaphore, #tpu.memory_space<semaphore_mem>>
      %dma_start3A_757 = tpu.memref_slice %arg9[%mul3A_26] : memref<65536xf32, #tpu.memory_space<hbm>> -> memref<1024xf32, #tpu.memory_space<hbm>>
      %dma_start3A_758 = tpu.memref_slice %arg9[%mul3A_26] : memref<65536xf32, #tpu.memory_space<hbm>> -> memref<1024xf32, #tpu.memory_space<hbm>>
      tpu.enqueue_dma source(%arg16 : memref<1024xf32, #tpu.memory_space<vmem>>) target(%dma_start3A_758 : memref<1024xf32, #tpu.memory_space<hbm>>) target_semaphore(%run_scoped3A : memref<!tpu.dma_semaphore, #tpu.memory_space<semaphore_mem>>)
      %dma_wait3A_759 = tpu.memref_slice %arg9[%mul3A_26] : memref<65536xf32, #tpu.memory_space<hbm>> -> memref<1024xf32, #tpu.memory_space<hbm>>
      %dma_wait3A_760 = tpu.memref_slice %arg9[%mul3A_26] : memref<65536xf32, #tpu.memory_space<hbm>> -> memref<1024xf32, #tpu.memory_space<hbm>>
      tpu.wait_dma2 semaphore(%run_scoped3A : memref<!tpu.dma_semaphore, #tpu.memory_space<semaphore_mem>>) src(%arg16 : memref<1024xf32, #tpu.memory_space<vmem>>) dst(%dma_wait3A_760 : memref<1024xf32, #tpu.memory_space<hbm>>)
      tpu.yield
    }) : () -> ()
    %dma_start3A = arith.constant 0 : i32
    %dma_start3A_27 = tpu.memref_slice %arg14[%dma_start3A] : memref<1024xi32, #tpu.memory_space<vmem>> -> memref<64xi32, #tpu.memory_space<vmem>>
    %dma_start3A_28 = arith.constant 0 : i32
    %dma_start3A_29 = arith.constant 0 : i32
    %dma_start3A_30 = tpu.memref_slice %arg7[%dma_start3A_28, %dma_start3A_29] : memref<8192x512xi32, #tpu.memory_space<hbm>> -> memref<8192x512xi32, #tpu.memory_space<hbm>>
    tpu.enqueue_indirect_dma source(%dma_start3A_30 : memref<8192x512xi32, #tpu.memory_space<hbm>>) target(%arg18 : memref<64x512xi32, #tpu.memory_space<vmem>>) offsets(%dma_start3A_27 : memref<64xi32, #tpu.memory_space<vmem>>) semaphore(%arg20 : memref<!tpu.dma_semaphore, #tpu.memory_space<semaphore_mem>>)
    %dma_wait3A = arith.constant 0 : i32
    %dma_wait3A_31 = tpu.memref_slice %arg14[%dma_wait3A] : memref<1024xi32, #tpu.memory_space<vmem>> -> memref<64xi32, #tpu.memory_space<vmem>>
    %dma_wait3A_32 = arith.constant 0 : i32
    %dma_wait3A_33 = arith.constant 0 : i32
    %dma_wait3A_34 = tpu.memref_slice %arg7[%dma_wait3A_32, %dma_wait3A_33] : memref<8192x512xi32, #tpu.memory_space<hbm>> -> memref<8192x512xi32, #tpu.memory_space<hbm>>
    tpu.wait_indirect_dma semaphore(%arg20 : memref<!tpu.dma_semaphore, #tpu.memory_space<semaphore_mem>>) src(%dma_wait3A_34 : memref<8192x512xi32, #tpu.memory_space<hbm>>) dst(%arg18 : memref<64x512xi32, #tpu.memory_space<vmem>>)
    %mul3A_35 = arith.constant 1024 : i32
    %mul3A_36 = arith.muli %add3A_5, %mul3A_35 : i32
    %add3A_37 = arith.constant 0 : i32
    %add3A_38 = arith.addi %mul3A_36, %add3A_37 : i32
    %dma_start3A_39 = arith.constant 0 : i32
    %dma_start3A_40 = tpu.memref_slice %arg11[%add3A_38, %dma_start3A_39] : memref<65536x512xi32, #tpu.memory_space<hbm>> -> memref<64x512xi32, #tpu.memory_space<hbm>>
    %dma_start3A_41 = arith.constant 0 : i32
    %dma_start3A_42 = tpu.memref_slice %arg11[%add3A_38, %dma_start3A_41] : memref<65536x512xi32, #tpu.memory_space<hbm>> -> memref<64x512xi32, #tpu.memory_space<hbm>>
    tpu.enqueue_dma source(%arg18 : memref<64x512xi32, #tpu.memory_space<vmem>>) target(%dma_start3A_42 : memref<64x512xi32, #tpu.memory_space<hbm>>) target_semaphore(%arg21 : memref<!tpu.dma_semaphore, #tpu.memory_space<semaphore_mem>>)
    %dma_start3A_43 = arith.constant 64 : i32
    %dma_start3A_44 = tpu.memref_slice %arg14[%dma_start3A_43] : memref<1024xi32, #tpu.memory_space<vmem>> -> memref<64xi32, #tpu.memory_space<vmem>>
    %dma_start3A_45 = arith.constant 0 : i32
    %dma_start3A_46 = arith.constant 0 : i32
    %dma_start3A_47 = tpu.memref_slice %arg7[%dma_start3A_45, %dma_start3A_46] : memref<8192x512xi32, #tpu.memory_space<hbm>> -> memref<8192x512xi32, #tpu.memory_space<hbm>>
    tpu.enqueue_indirect_dma source(%dma_start3A_47 : memref<8192x512xi32, #tpu.memory_space<hbm>>) target(%arg19 : memref<64x512xi32, #tpu.memory_space<vmem>>) offsets(%dma_start3A_44 : memref<64xi32, #tpu.memory_space<vmem>>) semaphore(%arg20 : memref<!tpu.dma_semaphore, #tpu.memory_space<semaphore_mem>>)
    %dma_wait3A_48 = arith.constant 64 : i32
    %dma_wait3A_49 = tpu.memref_slice %arg14[%dma_wait3A_48] : memref<1024xi32, #tpu.memory_space<vmem>> -> memref<64xi32, #tpu.memory_space<vmem>>
    %dma_wait3A_50 = arith.constant 0 : i32
    %dma_wait3A_51 = arith.constant 0 : i32
    %dma_wait3A_52 = tpu.memref_slice %arg7[%dma_wait3A_50, %dma_wait3A_51] : memref<8192x512xi32, #tpu.memory_space<hbm>> -> memref<8192x512xi32, #tpu.memory_space<hbm>>
    tpu.wait_indirect_dma semaphore(%arg20 : memref<!tpu.dma_semaphore, #tpu.memory_space<semaphore_mem>>) src(%dma_wait3A_52 : memref<8192x512xi32, #tpu.memory_space<hbm>>) dst(%arg19 : memref<64x512xi32, #tpu.memory_space<vmem>>)
    %mul3A_53 = arith.constant 1024 : i32
    %mul3A_54 = arith.muli %add3A_5, %mul3A_53 : i32
    %add3A_55 = arith.constant 64 : i32
    %add3A_56 = arith.addi %mul3A_54, %add3A_55 : i32
    %dma_start3A_57 = arith.constant 0 : i32
    %dma_start3A_58 = tpu.memref_slice %arg11[%add3A_56, %dma_start3A_57] : memref<65536x512xi32, #tpu.memory_space<hbm>> -> memref<64x512xi32, #tpu.memory_space<hbm>>
    %dma_start3A_59 = arith.constant 0 : i32
    %dma_start3A_60 = tpu.memref_slice %arg11[%add3A_56, %dma_start3A_59] : memref<65536x512xi32, #tpu.memory_space<hbm>> -> memref<64x512xi32, #tpu.memory_space<hbm>>
    tpu.enqueue_dma source(%arg19 : memref<64x512xi32, #tpu.memory_space<vmem>>) target(%dma_start3A_60 : memref<64x512xi32, #tpu.memory_space<hbm>>) target_semaphore(%arg22 : memref<!tpu.dma_semaphore, #tpu.memory_space<semaphore_mem>>)
    %dma_wait3A_61 = arith.constant 0 : i32
    %dma_wait3A_62 = tpu.memref_slice %arg11[%add3A_38, %dma_wait3A_61] : memref<65536x512xi32, #tpu.memory_space<hbm>> -> memref<64x512xi32, #tpu.memory_space<hbm>>
    %dma_wait3A_63 = arith.constant 0 : i32
    %dma_wait3A_64 = tpu.memref_slice %arg11[%add3A_38, %dma_wait3A_63] : memref<65536x512xi32, #tpu.memory_space<hbm>> -> memref<64x512xi32, #tpu.memory_space<hbm>>
    tpu.wait_dma2 semaphore(%arg21 : memref<!tpu.dma_semaphore, #tpu.memory_space<semaphore_mem>>) src(%arg18 : memref<64x512xi32, #tpu.memory_space<vmem>>) dst(%dma_wait3A_64 : memref<64x512xi32, #tpu.memory_space<hbm>>)
    %dma_start3A_65 = arith.constant 128 : i32
    %dma_start3A_66 = tpu.memref_slice %arg14[%dma_start3A_65] : memref<1024xi32, #tpu.memory_space<vmem>> -> memref<64xi32, #tpu.memory_space<vmem>>
    %dma_start3A_67 = arith.constant 0 : i32
    %dma_start3A_68 = arith.constant 0 : i32
    %dma_start3A_69 = tpu.memref_slice %arg7[%dma_start3A_67, %dma_start3A_68] : memref<8192x512xi32, #tpu.memory_space<hbm>> -> memref<8192x512xi32, #tpu.memory_space<hbm>>
    tpu.enqueue_indirect_dma source(%dma_start3A_69 : memref<8192x512xi32, #tpu.memory_space<hbm>>) target(%arg18 : memref<64x512xi32, #tpu.memory_space<vmem>>) offsets(%dma_start3A_66 : memref<64xi32, #tpu.memory_space<vmem>>) semaphore(%arg20 : memref<!tpu.dma_semaphore, #tpu.memory_space<semaphore_mem>>)
    %dma_wait3A_70 = arith.constant 128 : i32
    %dma_wait3A_71 = tpu.memref_slice %arg14[%dma_wait3A_70] : memref<1024xi32, #tpu.memory_space<vmem>> -> memref<64xi32, #tpu.memory_space<vmem>>
    %dma_wait3A_72 = arith.constant 0 : i32
    %dma_wait3A_73 = arith.constant 0 : i32
    %dma_wait3A_74 = tpu.memref_slice %arg7[%dma_wait3A_72, %dma_wait3A_73] : memref<8192x512xi32, #tpu.memory_space<hbm>> -> memref<8192x512xi32, #tpu.memory_space<hbm>>
    tpu.wait_indirect_dma semaphore(%arg20 : memref<!tpu.dma_semaphore, #tpu.memory_space<semaphore_mem>>) src(%dma_wait3A_74 : memref<8192x512xi32, #tpu.memory_space<hbm>>) dst(%arg18 : memref<64x512xi32, #tpu.memory_space<vmem>>)
    %mul3A_75 = arith.constant 1024 : i32
    %mul3A_76 = arith.muli %add3A_5, %mul3A_75 : i32
    %add3A_77 = arith.constant 128 : i32
    %add3A_78 = arith.addi %mul3A_76, %add3A_77 : i32
    %dma_start3A_79 = arith.constant 0 : i32
    %dma_start3A_80 = tpu.memref_slice %arg11[%add3A_78, %dma_start3A_79] : memref<65536x512xi32, #tpu.memory_space<hbm>> -> memref<64x512xi32, #tpu.memory_space<hbm>>
    %dma_start3A_81 = arith.constant 0 : i32
    %dma_start3A_82 = tpu.memref_slice %arg11[%add3A_78, %dma_start3A_81] : memref<65536x512xi32, #tpu.memory_space<hbm>> -> memref<64x512xi32, #tpu.memory_space<hbm>>
    tpu.enqueue_dma source(%arg18 : memref<64x512xi32, #tpu.memory_space<vmem>>) target(%dma_start3A_82 : memref<64x512xi32, #tpu.memory_space<hbm>>) target_semaphore(%arg21 : memref<!tpu.dma_semaphore, #tpu.memory_space<semaphore_mem>>)
    %dma_wait3A_83 = arith.constant 0 : i32
    %dma_wait3A_84 = tpu.memref_slice %arg11[%add3A_56, %dma_wait3A_83] : memref<65536x512xi32, #tpu.memory_space<hbm>> -> memref<64x512xi32, #tpu.memory_space<hbm>>
    %dma_wait3A_85 = arith.constant 0 : i32
    %dma_wait3A_86 = tpu.memref_slice %arg11[%add3A_56, %dma_wait3A_85] : memref<65536x512xi32, #tpu.memory_space<hbm>> -> memref<64x512xi32, #tpu.memory_space<hbm>>
    tpu.wait_dma2 semaphore(%arg22 : memref<!tpu.dma_semaphore, #tpu.memory_space<semaphore_mem>>) src(%arg19 : memref<64x512xi32, #tpu.memory_space<vmem>>) dst(%dma_wait3A_86 : memref<64x512xi32, #tpu.memory_space<hbm>>)
    %dma_start3A_87 = arith.constant 192 : i32
    %dma_start3A_88 = tpu.memref_slice %arg14[%dma_start3A_87] : memref<1024xi32, #tpu.memory_space<vmem>> -> memref<64xi32, #tpu.memory_space<vmem>>
    %dma_start3A_89 = arith.constant 0 : i32
    %dma_start3A_90 = arith.constant 0 : i32
    %dma_start3A_91 = tpu.memref_slice %arg7[%dma_start3A_89, %dma_start3A_90] : memref<8192x512xi32, #tpu.memory_space<hbm>> -> memref<8192x512xi32, #tpu.memory_space<hbm>>
    tpu.enqueue_indirect_dma source(%dma_start3A_91 : memref<8192x512xi32, #tpu.memory_space<hbm>>) target(%arg19 : memref<64x512xi32, #tpu.memory_space<vmem>>) offsets(%dma_start3A_88 : memref<64xi32, #tpu.memory_space<vmem>>) semaphore(%arg20 : memref<!tpu.dma_semaphore, #tpu.memory_space<semaphore_mem>>)
    %dma_wait3A_92 = arith.constant 192 : i32
    %dma_wait3A_93 = tpu.memref_slice %arg14[%dma_wait3A_92] : memref<1024xi32, #tpu.memory_space<vmem>> -> memref<64xi32, #tpu.memory_space<vmem>>
    %dma_wait3A_94 = arith.constant 0 : i32
    %dma_wait3A_95 = arith.constant 0 : i32
    %dma_wait3A_96 = tpu.memref_slice %arg7[%dma_wait3A_94, %dma_wait3A_95] : memref<8192x512xi32, #tpu.memory_space<hbm>> -> memref<8192x512xi32, #tpu.memory_space<hbm>>
    tpu.wait_indirect_dma semaphore(%arg20 : memref<!tpu.dma_semaphore, #tpu.memory_space<semaphore_mem>>) src(%dma_wait3A_96 : memref<8192x512xi32, #tpu.memory_space<hbm>>) dst(%arg19 : memref<64x512xi32, #tpu.memory_space<vmem>>)
    %mul3A_97 = arith.constant 1024 : i32
    %mul3A_98 = arith.muli %add3A_5, %mul3A_97 : i32
    %add3A_99 = arith.constant 192 : i32
    %add3A_100 = arith.addi %mul3A_98, %add3A_99 : i32
    %dma_start3A_101 = arith.constant 0 : i32
    %dma_start3A_102 = tpu.memref_slice %arg11[%add3A_100, %dma_start3A_101] : memref<65536x512xi32, #tpu.memory_space<hbm>> -> memref<64x512xi32, #tpu.memory_space<hbm>>
    %dma_start3A_103 = arith.constant 0 : i32
    %dma_start3A_104 = tpu.memref_slice %arg11[%add3A_100, %dma_start3A_103] : memref<65536x512xi32, #tpu.memory_space<hbm>> -> memref<64x512xi32, #tpu.memory_space<hbm>>
    tpu.enqueue_dma source(%arg19 : memref<64x512xi32, #tpu.memory_space<vmem>>) target(%dma_start3A_104 : memref<64x512xi32, #tpu.memory_space<hbm>>) target_semaphore(%arg22 : memref<!tpu.dma_semaphore, #tpu.memory_space<semaphore_mem>>)
    %dma_wait3A_105 = arith.constant 0 : i32
    %dma_wait3A_106 = tpu.memref_slice %arg11[%add3A_78, %dma_wait3A_105] : memref<65536x512xi32, #tpu.memory_space<hbm>> -> memref<64x512xi32, #tpu.memory_space<hbm>>
    %dma_wait3A_107 = arith.constant 0 : i32
    %dma_wait3A_108 = tpu.memref_slice %arg11[%add3A_78, %dma_wait3A_107] : memref<65536x512xi32, #tpu.memory_space<hbm>> -> memref<64x512xi32, #tpu.memory_space<hbm>>
    tpu.wait_dma2 semaphore(%arg21 : memref<!tpu.dma_semaphore, #tpu.memory_space<semaphore_mem>>) src(%arg18 : memref<64x512xi32, #tpu.memory_space<vmem>>) dst(%dma_wait3A_108 : memref<64x512xi32, #tpu.memory_space<hbm>>)
    %dma_start3A_109 = arith.constant 256 : i32
    %dma_start3A_110 = tpu.memref_slice %arg14[%dma_start3A_109] : memref<1024xi32, #tpu.memory_space<vmem>> -> memref<64xi32, #tpu.memory_space<vmem>>
    %dma_start3A_111 = arith.constant 0 : i32
    %dma_start3A_112 = arith.constant 0 : i32
    %dma_start3A_113 = tpu.memref_slice %arg7[%dma_start3A_111, %dma_start3A_112] : memref<8192x512xi32, #tpu.memory_space<hbm>> -> memref<8192x512xi32, #tpu.memory_space<hbm>>
    tpu.enqueue_indirect_dma source(%dma_start3A_113 : memref<8192x512xi32, #tpu.memory_space<hbm>>) target(%arg18 : memref<64x512xi32, #tpu.memory_space<vmem>>) offsets(%dma_start3A_110 : memref<64xi32, #tpu.memory_space<vmem>>) semaphore(%arg20 : memref<!tpu.dma_semaphore, #tpu.memory_space<semaphore_mem>>)
    %dma_wait3A_114 = arith.constant 256 : i32
    %dma_wait3A_115 = tpu.memref_slice %arg14[%dma_wait3A_114] : memref<1024xi32, #tpu.memory_space<vmem>> -> memref<64xi32, #tpu.memory_space<vmem>>
    %dma_wait3A_116 = arith.constant 0 : i32
    %dma_wait3A_117 = arith.constant 0 : i32
    %dma_wait3A_118 = tpu.memref_slice %arg7[%dma_wait3A_116, %dma_wait3A_117] : memref<8192x512xi32, #tpu.memory_space<hbm>> -> memref<8192x512xi32, #tpu.memory_space<hbm>>
    tpu.wait_indirect_dma semaphore(%arg20 : memref<!tpu.dma_semaphore, #tpu.memory_space<semaphore_mem>>) src(%dma_wait3A_118 : memref<8192x512xi32, #tpu.memory_space<hbm>>) dst(%arg18 : memref<64x512xi32, #tpu.memory_space<vmem>>)
    %mul3A_119 = arith.constant 1024 : i32
    %mul3A_120 = arith.muli %add3A_5, %mul3A_119 : i32
    %add3A_121 = arith.constant 256 : i32
    %add3A_122 = arith.addi %mul3A_120, %add3A_121 : i32
    %dma_start3A_123 = arith.constant 0 : i32
    %dma_start3A_124 = tpu.memref_slice %arg11[%add3A_122, %dma_start3A_123] : memref<65536x512xi32, #tpu.memory_space<hbm>> -> memref<64x512xi32, #tpu.memory_space<hbm>>
    %dma_start3A_125 = arith.constant 0 : i32
    %dma_start3A_126 = tpu.memref_slice %arg11[%add3A_122, %dma_start3A_125] : memref<65536x512xi32, #tpu.memory_space<hbm>> -> memref<64x512xi32, #tpu.memory_space<hbm>>
    tpu.enqueue_dma source(%arg18 : memref<64x512xi32, #tpu.memory_space<vmem>>) target(%dma_start3A_126 : memref<64x512xi32, #tpu.memory_space<hbm>>) target_semaphore(%arg21 : memref<!tpu.dma_semaphore, #tpu.memory_space<semaphore_mem>>)
    %dma_wait3A_127 = arith.constant 0 : i32
    %dma_wait3A_128 = tpu.memref_slice %arg11[%add3A_100, %dma_wait3A_127] : memref<65536x512xi32, #tpu.memory_space<hbm>> -> memref<64x512xi32, #tpu.memory_space<hbm>>
    %dma_wait3A_129 = arith.constant 0 : i32
    %dma_wait3A_130 = tpu.memref_slice %arg11[%add3A_100, %dma_wait3A_129] : memref<65536x512xi32, #tpu.memory_space<hbm>> -> memref<64x512xi32, #tpu.memory_space<hbm>>
    tpu.wait_dma2 semaphore(%arg22 : memref<!tpu.dma_semaphore, #tpu.memory_space<semaphore_mem>>) src(%arg19 : memref<64x512xi32, #tpu.memory_space<vmem>>) dst(%dma_wait3A_130 : memref<64x512xi32, #tpu.memory_space<hbm>>)
    %dma_start3A_131 = arith.constant 320 : i32
    %dma_start3A_132 = tpu.memref_slice %arg14[%dma_start3A_131] : memref<1024xi32, #tpu.memory_space<vmem>> -> memref<64xi32, #tpu.memory_space<vmem>>
    %dma_start3A_133 = arith.constant 0 : i32
    %dma_start3A_134 = arith.constant 0 : i32
    %dma_start3A_135 = tpu.memref_slice %arg7[%dma_start3A_133, %dma_start3A_134] : memref<8192x512xi32, #tpu.memory_space<hbm>> -> memref<8192x512xi32, #tpu.memory_space<hbm>>
    tpu.enqueue_indirect_dma source(%dma_start3A_135 : memref<8192x512xi32, #tpu.memory_space<hbm>>) target(%arg19 : memref<64x512xi32, #tpu.memory_space<vmem>>) offsets(%dma_start3A_132 : memref<64xi32, #tpu.memory_space<vmem>>) semaphore(%arg20 : memref<!tpu.dma_semaphore, #tpu.memory_space<semaphore_mem>>)
    %dma_wait3A_136 = arith.constant 320 : i32
    %dma_wait3A_137 = tpu.memref_slice %arg14[%dma_wait3A_136] : memref<1024xi32, #tpu.memory_space<vmem>> -> memref<64xi32, #tpu.memory_space<vmem>>
    %dma_wait3A_138 = arith.constant 0 : i32
    %dma_wait3A_139 = arith.constant 0 : i32
    %dma_wait3A_140 = tpu.memref_slice %arg7[%dma_wait3A_138, %dma_wait3A_139] : memref<8192x512xi32, #tpu.memory_space<hbm>> -> memref<8192x512xi32, #tpu.memory_space<hbm>>
    tpu.wait_indirect_dma semaphore(%arg20 : memref<!tpu.dma_semaphore, #tpu.memory_space<semaphore_mem>>) src(%dma_wait3A_140 : memref<8192x512xi32, #tpu.memory_space<hbm>>) dst(%arg19 : memref<64x512xi32, #tpu.memory_space<vmem>>)
    %mul3A_141 = arith.constant 1024 : i32
    %mul3A_142 = arith.muli %add3A_5, %mul3A_141 : i32
    %add3A_143 = arith.constant 320 : i32
    %add3A_144 = arith.addi %mul3A_142, %add3A_143 : i32
    %dma_start3A_145 = arith.constant 0 : i32
    %dma_start3A_146 = tpu.memref_slice %arg11[%add3A_144, %dma_start3A_145] : memref<65536x512xi32, #tpu.memory_space<hbm>> -> memref<64x512xi32, #tpu.memory_space<hbm>>
    %dma_start3A_147 = arith.constant 0 : i32
    %dma_start3A_148 = tpu.memref_slice %arg11[%add3A_144, %dma_start3A_147] : memref<65536x512xi32, #tpu.memory_space<hbm>> -> memref<64x512xi32, #tpu.memory_space<hbm>>
    tpu.enqueue_dma source(%arg19 : memref<64x512xi32, #tpu.memory_space<vmem>>) target(%dma_start3A_148 : memref<64x512xi32, #tpu.memory_space<hbm>>) target_semaphore(%arg22 : memref<!tpu.dma_semaphore, #tpu.memory_space<semaphore_mem>>)
    %dma_wait3A_149 = arith.constant 0 : i32
    %dma_wait3A_150 = tpu.memref_slice %arg11[%add3A_122, %dma_wait3A_149] : memref<65536x512xi32, #tpu.memory_space<hbm>> -> memref<64x512xi32, #tpu.memory_space<hbm>>
    %dma_wait3A_151 = arith.constant 0 : i32
    %dma_wait3A_152 = tpu.memref_slice %arg11[%add3A_122, %dma_wait3A_151] : memref<65536x512xi32, #tpu.memory_space<hbm>> -> memref<64x512xi32, #tpu.memory_space<hbm>>
    tpu.wait_dma2 semaphore(%arg21 : memref<!tpu.dma_semaphore, #tpu.memory_space<semaphore_mem>>) src(%arg18 : memref<64x512xi32, #tpu.memory_space<vmem>>) dst(%dma_wait3A_152 : memref<64x512xi32, #tpu.memory_space<hbm>>)
    %dma_start3A_153 = arith.constant 384 : i32
    %dma_start3A_154 = tpu.memref_slice %arg14[%dma_start3A_153] : memref<1024xi32, #tpu.memory_space<vmem>> -> memref<64xi32, #tpu.memory_space<vmem>>
    %dma_start3A_155 = arith.constant 0 : i32
    %dma_start3A_156 = arith.constant 0 : i32
    %dma_start3A_157 = tpu.memref_slice %arg7[%dma_start3A_155, %dma_start3A_156] : memref<8192x512xi32, #tpu.memory_space<hbm>> -> memref<8192x512xi32, #tpu.memory_space<hbm>>
    tpu.enqueue_indirect_dma source(%dma_start3A_157 : memref<8192x512xi32, #tpu.memory_space<hbm>>) target(%arg18 : memref<64x512xi32, #tpu.memory_space<vmem>>) offsets(%dma_start3A_154 : memref<64xi32, #tpu.memory_space<vmem>>) semaphore(%arg20 : memref<!tpu.dma_semaphore, #tpu.memory_space<semaphore_mem>>)
    %dma_wait3A_158 = arith.constant 384 : i32
    %dma_wait3A_159 = tpu.memref_slice %arg14[%dma_wait3A_158] : memref<1024xi32, #tpu.memory_space<vmem>> -> memref<64xi32, #tpu.memory_space<vmem>>
    %dma_wait3A_160 = arith.constant 0 : i32
    %dma_wait3A_161 = arith.constant 0 : i32
    %dma_wait3A_162 = tpu.memref_slice %arg7[%dma_wait3A_160, %dma_wait3A_161] : memref<8192x512xi32, #tpu.memory_space<hbm>> -> memref<8192x512xi32, #tpu.memory_space<hbm>>
    tpu.wait_indirect_dma semaphore(%arg20 : memref<!tpu.dma_semaphore, #tpu.memory_space<semaphore_mem>>) src(%dma_wait3A_162 : memref<8192x512xi32, #tpu.memory_space<hbm>>) dst(%arg18 : memref<64x512xi32, #tpu.memory_space<vmem>>)
    %mul3A_163 = arith.constant 1024 : i32
    %mul3A_164 = arith.muli %add3A_5, %mul3A_163 : i32
    %add3A_165 = arith.constant 384 : i32
    %add3A_166 = arith.addi %mul3A_164, %add3A_165 : i32
    %dma_start3A_167 = arith.constant 0 : i32
    %dma_start3A_168 = tpu.memref_slice %arg11[%add3A_166, %dma_start3A_167] : memref<65536x512xi32, #tpu.memory_space<hbm>> -> memref<64x512xi32, #tpu.memory_space<hbm>>
    %dma_start3A_169 = arith.constant 0 : i32
    %dma_start3A_170 = tpu.memref_slice %arg11[%add3A_166, %dma_start3A_169] : memref<65536x512xi32, #tpu.memory_space<hbm>> -> memref<64x512xi32, #tpu.memory_space<hbm>>
    tpu.enqueue_dma source(%arg18 : memref<64x512xi32, #tpu.memory_space<vmem>>) target(%dma_start3A_170 : memref<64x512xi32, #tpu.memory_space<hbm>>) target_semaphore(%arg21 : memref<!tpu.dma_semaphore, #tpu.memory_space<semaphore_mem>>)
    %dma_wait3A_171 = arith.constant 0 : i32
    %dma_wait3A_172 = tpu.memref_slice %arg11[%add3A_144, %dma_wait3A_171] : memref<65536x512xi32, #tpu.memory_space<hbm>> -> memref<64x512xi32, #tpu.memory_space<hbm>>
    %dma_wait3A_173 = arith.constant 0 : i32
    %dma_wait3A_174 = tpu.memref_slice %arg11[%add3A_144, %dma_wait3A_173] : memref<65536x512xi32, #tpu.memory_space<hbm>> -> memref<64x512xi32, #tpu.memory_space<hbm>>
    tpu.wait_dma2 semaphore(%arg22 : memref<!tpu.dma_semaphore, #tpu.memory_space<semaphore_mem>>) src(%arg19 : memref<64x512xi32, #tpu.memory_space<vmem>>) dst(%dma_wait3A_174 : memref<64x512xi32, #tpu.memory_space<hbm>>)
    %dma_start3A_175 = arith.constant 448 : i32
    %dma_start3A_176 = tpu.memref_slice %arg14[%dma_start3A_175] : memref<1024xi32, #tpu.memory_space<vmem>> -> memref<64xi32, #tpu.memory_space<vmem>>
    %dma_start3A_177 = arith.constant 0 : i32
    %dma_start3A_178 = arith.constant 0 : i32
    %dma_start3A_179 = tpu.memref_slice %arg7[%dma_start3A_177, %dma_start3A_178] : memref<8192x512xi32, #tpu.memory_space<hbm>> -> memref<8192x512xi32, #tpu.memory_space<hbm>>
    tpu.enqueue_indirect_dma source(%dma_start3A_179 : memref<8192x512xi32, #tpu.memory_space<hbm>>) target(%arg19 : memref<64x512xi32, #tpu.memory_space<vmem>>) offsets(%dma_start3A_176 : memref<64xi32, #tpu.memory_space<vmem>>) semaphore(%arg20 : memref<!tpu.dma_semaphore, #tpu.memory_space<semaphore_mem>>)
    %dma_wait3A_180 = arith.constant 448 : i32
    %dma_wait3A_181 = tpu.memref_slice %arg14[%dma_wait3A_180] : memref<1024xi32, #tpu.memory_space<vmem>> -> memref<64xi32, #tpu.memory_space<vmem>>
    %dma_wait3A_182 = arith.constant 0 : i32
    %dma_wait3A_183 = arith.constant 0 : i32
    %dma_wait3A_184 = tpu.memref_slice %arg7[%dma_wait3A_182, %dma_wait3A_183] : memref<8192x512xi32, #tpu.memory_space<hbm>> -> memref<8192x512xi32, #tpu.memory_space<hbm>>
    tpu.wait_indirect_dma semaphore(%arg20 : memref<!tpu.dma_semaphore, #tpu.memory_space<semaphore_mem>>) src(%dma_wait3A_184 : memref<8192x512xi32, #tpu.memory_space<hbm>>) dst(%arg19 : memref<64x512xi32, #tpu.memory_space<vmem>>)
    %mul3A_185 = arith.constant 1024 : i32
    %mul3A_186 = arith.muli %add3A_5, %mul3A_185 : i32
    %add3A_187 = arith.constant 448 : i32
    %add3A_188 = arith.addi %mul3A_186, %add3A_187 : i32
    %dma_start3A_189 = arith.constant 0 : i32
    %dma_start3A_190 = tpu.memref_slice %arg11[%add3A_188, %dma_start3A_189] : memref<65536x512xi32, #tpu.memory_space<hbm>> -> memref<64x512xi32, #tpu.memory_space<hbm>>
    %dma_start3A_191 = arith.constant 0 : i32
    %dma_start3A_192 = tpu.memref_slice %arg11[%add3A_188, %dma_start3A_191] : memref<65536x512xi32, #tpu.memory_space<hbm>> -> memref<64x512xi32, #tpu.memory_space<hbm>>
    tpu.enqueue_dma source(%arg19 : memref<64x512xi32, #tpu.memory_space<vmem>>) target(%dma_start3A_192 : memref<64x512xi32, #tpu.memory_space<hbm>>) target_semaphore(%arg22 : memref<!tpu.dma_semaphore, #tpu.memory_space<semaphore_mem>>)
    %dma_wait3A_193 = arith.constant 0 : i32
    %dma_wait3A_194 = tpu.memref_slice %arg11[%add3A_166, %dma_wait3A_193] : memref<65536x512xi32, #tpu.memory_space<hbm>> -> memref<64x512xi32, #tpu.memory_space<hbm>>
    %dma_wait3A_195 = arith.constant 0 : i32
    %dma_wait3A_196 = tpu.memref_slice %arg11[%add3A_166, %dma_wait3A_195] : memref<65536x512xi32, #tpu.memory_space<hbm>> -> memref<64x512xi32, #tpu.memory_space<hbm>>
    tpu.wait_dma2 semaphore(%arg21 : memref<!tpu.dma_semaphore, #tpu.memory_space<semaphore_mem>>) src(%arg18 : memref<64x512xi32, #tpu.memory_space<vmem>>) dst(%dma_wait3A_196 : memref<64x512xi32, #tpu.memory_space<hbm>>)
    %dma_start3A_197 = arith.constant 512 : i32
    %dma_start3A_198 = tpu.memref_slice %arg14[%dma_start3A_197] : memref<1024xi32, #tpu.memory_space<vmem>> -> memref<64xi32, #tpu.memory_space<vmem>>
    %dma_start3A_199 = arith.constant 0 : i32
    %dma_start3A_200 = arith.constant 0 : i32
    %dma_start3A_201 = tpu.memref_slice %arg7[%dma_start3A_199, %dma_start3A_200] : memref<8192x512xi32, #tpu.memory_space<hbm>> -> memref<8192x512xi32, #tpu.memory_space<hbm>>
    tpu.enqueue_indirect_dma source(%dma_start3A_201 : memref<8192x512xi32, #tpu.memory_space<hbm>>) target(%arg18 : memref<64x512xi32, #tpu.memory_space<vmem>>) offsets(%dma_start3A_198 : memref<64xi32, #tpu.memory_space<vmem>>) semaphore(%arg20 : memref<!tpu.dma_semaphore, #tpu.memory_space<semaphore_mem>>)
    %dma_wait3A_202 = arith.constant 512 : i32
    %dma_wait3A_203 = tpu.memref_slice %arg14[%dma_wait3A_202] : memref<1024xi32, #tpu.memory_space<vmem>> -> memref<64xi32, #tpu.memory_space<vmem>>
    %dma_wait3A_204 = arith.constant 0 : i32
    %dma_wait3A_205 = arith.constant 0 : i32
    %dma_wait3A_206 = tpu.memref_slice %arg7[%dma_wait3A_204, %dma_wait3A_205] : memref<8192x512xi32, #tpu.memory_space<hbm>> -> memref<8192x512xi32, #tpu.memory_space<hbm>>
    tpu.wait_indirect_dma semaphore(%arg20 : memref<!tpu.dma_semaphore, #tpu.memory_space<semaphore_mem>>) src(%dma_wait3A_206 : memref<8192x512xi32, #tpu.memory_space<hbm>>) dst(%arg18 : memref<64x512xi32, #tpu.memory_space<vmem>>)
    %mul3A_207 = arith.constant 1024 : i32
    %mul3A_208 = arith.muli %add3A_5, %mul3A_207 : i32
    %add3A_209 = arith.constant 512 : i32
    %add3A_210 = arith.addi %mul3A_208, %add3A_209 : i32
    %dma_start3A_211 = arith.constant 0 : i32
    %dma_start3A_212 = tpu.memref_slice %arg11[%add3A_210, %dma_start3A_211] : memref<65536x512xi32, #tpu.memory_space<hbm>> -> memref<64x512xi32, #tpu.memory_space<hbm>>
    %dma_start3A_213 = arith.constant 0 : i32
    %dma_start3A_214 = tpu.memref_slice %arg11[%add3A_210, %dma_start3A_213] : memref<65536x512xi32, #tpu.memory_space<hbm>> -> memref<64x512xi32, #tpu.memory_space<hbm>>
    tpu.enqueue_dma source(%arg18 : memref<64x512xi32, #tpu.memory_space<vmem>>) target(%dma_start3A_214 : memref<64x512xi32, #tpu.memory_space<hbm>>) target_semaphore(%arg21 : memref<!tpu.dma_semaphore, #tpu.memory_space<semaphore_mem>>)
    %dma_wait3A_215 = arith.constant 0 : i32
    %dma_wait3A_216 = tpu.memref_slice %arg11[%add3A_188, %dma_wait3A_215] : memref<65536x512xi32, #tpu.memory_space<hbm>> -> memref<64x512xi32, #tpu.memory_space<hbm>>
    %dma_wait3A_217 = arith.constant 0 : i32
    %dma_wait3A_218 = tpu.memref_slice %arg11[%add3A_188, %dma_wait3A_217] : memref<65536x512xi32, #tpu.memory_space<hbm>> -> memref<64x512xi32, #tpu.memory_space<hbm>>
    tpu.wait_dma2 semaphore(%arg22 : memref<!tpu.dma_semaphore, #tpu.memory_space<semaphore_mem>>) src(%arg19 : memref<64x512xi32, #tpu.memory_space<vmem>>) dst(%dma_wait3A_218 : memref<64x512xi32, #tpu.memory_space<hbm>>)
    %dma_start3A_219 = arith.constant 576 : i32
    %dma_start3A_220 = tpu.memref_slice %arg14[%dma_start3A_219] : memref<1024xi32, #tpu.memory_space<vmem>> -> memref<64xi32, #tpu.memory_space<vmem>>
    %dma_start3A_221 = arith.constant 0 : i32
    %dma_start3A_222 = arith.constant 0 : i32
    %dma_start3A_223 = tpu.memref_slice %arg7[%dma_start3A_221, %dma_start3A_222] : memref<8192x512xi32, #tpu.memory_space<hbm>> -> memref<8192x512xi32, #tpu.memory_space<hbm>>
    tpu.enqueue_indirect_dma source(%dma_start3A_223 : memref<8192x512xi32, #tpu.memory_space<hbm>>) target(%arg19 : memref<64x512xi32, #tpu.memory_space<vmem>>) offsets(%dma_start3A_220 : memref<64xi32, #tpu.memory_space<vmem>>) semaphore(%arg20 : memref<!tpu.dma_semaphore, #tpu.memory_space<semaphore_mem>>)
    %dma_wait3A_224 = arith.constant 576 : i32
    %dma_wait3A_225 = tpu.memref_slice %arg14[%dma_wait3A_224] : memref<1024xi32, #tpu.memory_space<vmem>> -> memref<64xi32, #tpu.memory_space<vmem>>
    %dma_wait3A_226 = arith.constant 0 : i32
    %dma_wait3A_227 = arith.constant 0 : i32
    %dma_wait3A_228 = tpu.memref_slice %arg7[%dma_wait3A_226, %dma_wait3A_227] : memref<8192x512xi32, #tpu.memory_space<hbm>> -> memref<8192x512xi32, #tpu.memory_space<hbm>>
    tpu.wait_indirect_dma semaphore(%arg20 : memref<!tpu.dma_semaphore, #tpu.memory_space<semaphore_mem>>) src(%dma_wait3A_228 : memref<8192x512xi32, #tpu.memory_space<hbm>>) dst(%arg19 : memref<64x512xi32, #tpu.memory_space<vmem>>)
    %mul3A_229 = arith.constant 1024 : i32
    %mul3A_230 = arith.muli %add3A_5, %mul3A_229 : i32
    %add3A_231 = arith.constant 576 : i32
    %add3A_232 = arith.addi %mul3A_230, %add3A_231 : i32
    %dma_start3A_233 = arith.constant 0 : i32
    %dma_start3A_234 = tpu.memref_slice %arg11[%add3A_232, %dma_start3A_233] : memref<65536x512xi32, #tpu.memory_space<hbm>> -> memref<64x512xi32, #tpu.memory_space<hbm>>
    %dma_start3A_235 = arith.constant 0 : i32
    %dma_start3A_236 = tpu.memref_slice %arg11[%add3A_232, %dma_start3A_235] : memref<65536x512xi32, #tpu.memory_space<hbm>> -> memref<64x512xi32, #tpu.memory_space<hbm>>
    tpu.enqueue_dma source(%arg19 : memref<64x512xi32, #tpu.memory_space<vmem>>) target(%dma_start3A_236 : memref<64x512xi32, #tpu.memory_space<hbm>>) target_semaphore(%arg22 : memref<!tpu.dma_semaphore, #tpu.memory_space<semaphore_mem>>)
    %dma_wait3A_237 = arith.constant 0 : i32
    %dma_wait3A_238 = tpu.memref_slice %arg11[%add3A_210, %dma_wait3A_237] : memref<65536x512xi32, #tpu.memory_space<hbm>> -> memref<64x512xi32, #tpu.memory_space<hbm>>
    %dma_wait3A_239 = arith.constant 0 : i32
    %dma_wait3A_240 = tpu.memref_slice %arg11[%add3A_210, %dma_wait3A_239] : memref<65536x512xi32, #tpu.memory_space<hbm>> -> memref<64x512xi32, #tpu.memory_space<hbm>>
    tpu.wait_dma2 semaphore(%arg21 : memref<!tpu.dma_semaphore, #tpu.memory_space<semaphore_mem>>) src(%arg18 : memref<64x512xi32, #tpu.memory_space<vmem>>) dst(%dma_wait3A_240 : memref<64x512xi32, #tpu.memory_space<hbm>>)
    %dma_start3A_241 = arith.constant 640 : i32
    %dma_start3A_242 = tpu.memref_slice %arg14[%dma_start3A_241] : memref<1024xi32, #tpu.memory_space<vmem>> -> memref<64xi32, #tpu.memory_space<vmem>>
    %dma_start3A_243 = arith.constant 0 : i32
    %dma_start3A_244 = arith.constant 0 : i32
    %dma_start3A_245 = tpu.memref_slice %arg7[%dma_start3A_243, %dma_start3A_244] : memref<8192x512xi32, #tpu.memory_space<hbm>> -> memref<8192x512xi32, #tpu.memory_space<hbm>>
    tpu.enqueue_indirect_dma source(%dma_start3A_245 : memref<8192x512xi32, #tpu.memory_space<hbm>>) target(%arg18 : memref<64x512xi32, #tpu.memory_space<vmem>>) offsets(%dma_start3A_242 : memref<64xi32, #tpu.memory_space<vmem>>) semaphore(%arg20 : memref<!tpu.dma_semaphore, #tpu.memory_space<semaphore_mem>>)
    %dma_wait3A_246 = arith.constant 640 : i32
    %dma_wait3A_247 = tpu.memref_slice %arg14[%dma_wait3A_246] : memref<1024xi32, #tpu.memory_space<vmem>> -> memref<64xi32, #tpu.memory_space<vmem>>
    %dma_wait3A_248 = arith.constant 0 : i32
    %dma_wait3A_249 = arith.constant 0 : i32
    %dma_wait3A_250 = tpu.memref_slice %arg7[%dma_wait3A_248, %dma_wait3A_249] : memref<8192x512xi32, #tpu.memory_space<hbm>> -> memref<8192x512xi32, #tpu.memory_space<hbm>>
    tpu.wait_indirect_dma semaphore(%arg20 : memref<!tpu.dma_semaphore, #tpu.memory_space<semaphore_mem>>) src(%dma_wait3A_250 : memref<8192x512xi32, #tpu.memory_space<hbm>>) dst(%arg18 : memref<64x512xi32, #tpu.memory_space<vmem>>)
    %mul3A_251 = arith.constant 1024 : i32
    %mul3A_252 = arith.muli %add3A_5, %mul3A_251 : i32
    %add3A_253 = arith.constant 640 : i32
    %add3A_254 = arith.addi %mul3A_252, %add3A_253 : i32
    %dma_start3A_255 = arith.constant 0 : i32
    %dma_start3A_256 = tpu.memref_slice %arg11[%add3A_254, %dma_start3A_255] : memref<65536x512xi32, #tpu.memory_space<hbm>> -> memref<64x512xi32, #tpu.memory_space<hbm>>
    %dma_start3A_257 = arith.constant 0 : i32
    %dma_start3A_258 = tpu.memref_slice %arg11[%add3A_254, %dma_start3A_257] : memref<65536x512xi32, #tpu.memory_space<hbm>> -> memref<64x512xi32, #tpu.memory_space<hbm>>
    tpu.enqueue_dma source(%arg18 : memref<64x512xi32, #tpu.memory_space<vmem>>) target(%dma_start3A_258 : memref<64x512xi32, #tpu.memory_space<hbm>>) target_semaphore(%arg21 : memref<!tpu.dma_semaphore, #tpu.memory_space<semaphore_mem>>)
    %dma_wait3A_259 = arith.constant 0 : i32
    %dma_wait3A_260 = tpu.memref_slice %arg11[%add3A_232, %dma_wait3A_259] : memref<65536x512xi32, #tpu.memory_space<hbm>> -> memref<64x512xi32, #tpu.memory_space<hbm>>
    %dma_wait3A_261 = arith.constant 0 : i32
    %dma_wait3A_262 = tpu.memref_slice %arg11[%add3A_232, %dma_wait3A_261] : memref<65536x512xi32, #tpu.memory_space<hbm>> -> memref<64x512xi32, #tpu.memory_space<hbm>>
    tpu.wait_dma2 semaphore(%arg22 : memref<!tpu.dma_semaphore, #tpu.memory_space<semaphore_mem>>) src(%arg19 : memref<64x512xi32, #tpu.memory_space<vmem>>) dst(%dma_wait3A_262 : memref<64x512xi32, #tpu.memory_space<hbm>>)
    %dma_start3A_263 = arith.constant 704 : i32
    %dma_start3A_264 = tpu.memref_slice %arg14[%dma_start3A_263] : memref<1024xi32, #tpu.memory_space<vmem>> -> memref<64xi32, #tpu.memory_space<vmem>>
    %dma_start3A_265 = arith.constant 0 : i32
    %dma_start3A_266 = arith.constant 0 : i32
    %dma_start3A_267 = tpu.memref_slice %arg7[%dma_start3A_265, %dma_start3A_266] : memref<8192x512xi32, #tpu.memory_space<hbm>> -> memref<8192x512xi32, #tpu.memory_space<hbm>>
    tpu.enqueue_indirect_dma source(%dma_start3A_267 : memref<8192x512xi32, #tpu.memory_space<hbm>>) target(%arg19 : memref<64x512xi32, #tpu.memory_space<vmem>>) offsets(%dma_start3A_264 : memref<64xi32, #tpu.memory_space<vmem>>) semaphore(%arg20 : memref<!tpu.dma_semaphore, #tpu.memory_space<semaphore_mem>>)
    %dma_wait3A_268 = arith.constant 704 : i32
    %dma_wait3A_269 = tpu.memref_slice %arg14[%dma_wait3A_268] : memref<1024xi32, #tpu.memory_space<vmem>> -> memref<64xi32, #tpu.memory_space<vmem>>
    %dma_wait3A_270 = arith.constant 0 : i32
    %dma_wait3A_271 = arith.constant 0 : i32
    %dma_wait3A_272 = tpu.memref_slice %arg7[%dma_wait3A_270, %dma_wait3A_271] : memref<8192x512xi32, #tpu.memory_space<hbm>> -> memref<8192x512xi32, #tpu.memory_space<hbm>>
    tpu.wait_indirect_dma semaphore(%arg20 : memref<!tpu.dma_semaphore, #tpu.memory_space<semaphore_mem>>) src(%dma_wait3A_272 : memref<8192x512xi32, #tpu.memory_space<hbm>>) dst(%arg19 : memref<64x512xi32, #tpu.memory_space<vmem>>)
    %mul3A_273 = arith.constant 1024 : i32
    %mul3A_274 = arith.muli %add3A_5, %mul3A_273 : i32
    %add3A_275 = arith.constant 704 : i32
    %add3A_276 = arith.addi %mul3A_274, %add3A_275 : i32
    %dma_start3A_277 = arith.constant 0 : i32
    %dma_start3A_278 = tpu.memref_slice %arg11[%add3A_276, %dma_start3A_277] : memref<65536x512xi32, #tpu.memory_space<hbm>> -> memref<64x512xi32, #tpu.memory_space<hbm>>
    %dma_start3A_279 = arith.constant 0 : i32
    %dma_start3A_280 = tpu.memref_slice %arg11[%add3A_276, %dma_start3A_279] : memref<65536x512xi32, #tpu.memory_space<hbm>> -> memref<64x512xi32, #tpu.memory_space<hbm>>
    tpu.enqueue_dma source(%arg19 : memref<64x512xi32, #tpu.memory_space<vmem>>) target(%dma_start3A_280 : memref<64x512xi32, #tpu.memory_space<hbm>>) target_semaphore(%arg22 : memref<!tpu.dma_semaphore, #tpu.memory_space<semaphore_mem>>)
    %dma_wait3A_281 = arith.constant 0 : i32
    %dma_wait3A_282 = tpu.memref_slice %arg11[%add3A_254, %dma_wait3A_281] : memref<65536x512xi32, #tpu.memory_space<hbm>> -> memref<64x512xi32, #tpu.memory_space<hbm>>
    %dma_wait3A_283 = arith.constant 0 : i32
    %dma_wait3A_284 = tpu.memref_slice %arg11[%add3A_254, %dma_wait3A_283] : memref<65536x512xi32, #tpu.memory_space<hbm>> -> memref<64x512xi32, #tpu.memory_space<hbm>>
    tpu.wait_dma2 semaphore(%arg21 : memref<!tpu.dma_semaphore, #tpu.memory_space<semaphore_mem>>) src(%arg18 : memref<64x512xi32, #tpu.memory_space<vmem>>) dst(%dma_wait3A_284 : memref<64x512xi32, #tpu.memory_space<hbm>>)
    %dma_start3A_285 = arith.constant 768 : i32
    %dma_start3A_286 = tpu.memref_slice %arg14[%dma_start3A_285] : memref<1024xi32, #tpu.memory_space<vmem>> -> memref<64xi32, #tpu.memory_space<vmem>>
    %dma_start3A_287 = arith.constant 0 : i32
    %dma_start3A_288 = arith.constant 0 : i32
    %dma_start3A_289 = tpu.memref_slice %arg7[%dma_start3A_287, %dma_start3A_288] : memref<8192x512xi32, #tpu.memory_space<hbm>> -> memref<8192x512xi32, #tpu.memory_space<hbm>>
    tpu.enqueue_indirect_dma source(%dma_start3A_289 : memref<8192x512xi32, #tpu.memory_space<hbm>>) target(%arg18 : memref<64x512xi32, #tpu.memory_space<vmem>>) offsets(%dma_start3A_286 : memref<64xi32, #tpu.memory_space<vmem>>) semaphore(%arg20 : memref<!tpu.dma_semaphore, #tpu.memory_space<semaphore_mem>>)
    %dma_wait3A_290 = arith.constant 768 : i32
    %dma_wait3A_291 = tpu.memref_slice %arg14[%dma_wait3A_290] : memref<1024xi32, #tpu.memory_space<vmem>> -> memref<64xi32, #tpu.memory_space<vmem>>
    %dma_wait3A_292 = arith.constant 0 : i32
    %dma_wait3A_293 = arith.constant 0 : i32
    %dma_wait3A_294 = tpu.memref_slice %arg7[%dma_wait3A_292, %dma_wait3A_293] : memref<8192x512xi32, #tpu.memory_space<hbm>> -> memref<8192x512xi32, #tpu.memory_space<hbm>>
    tpu.wait_indirect_dma semaphore(%arg20 : memref<!tpu.dma_semaphore, #tpu.memory_space<semaphore_mem>>) src(%dma_wait3A_294 : memref<8192x512xi32, #tpu.memory_space<hbm>>) dst(%arg18 : memref<64x512xi32, #tpu.memory_space<vmem>>)
    %mul3A_295 = arith.constant 1024 : i32
    %mul3A_296 = arith.muli %add3A_5, %mul3A_295 : i32
    %add3A_297 = arith.constant 768 : i32
    %add3A_298 = arith.addi %mul3A_296, %add3A_297 : i32
    %dma_start3A_299 = arith.constant 0 : i32
    %dma_start3A_300 = tpu.memref_slice %arg11[%add3A_298, %dma_start3A_299] : memref<65536x512xi32, #tpu.memory_space<hbm>> -> memref<64x512xi32, #tpu.memory_space<hbm>>
    %dma_start3A_301 = arith.constant 0 : i32
    %dma_start3A_302 = tpu.memref_slice %arg11[%add3A_298, %dma_start3A_301] : memref<65536x512xi32, #tpu.memory_space<hbm>> -> memref<64x512xi32, #tpu.memory_space<hbm>>
    tpu.enqueue_dma source(%arg18 : memref<64x512xi32, #tpu.memory_space<vmem>>) target(%dma_start3A_302 : memref<64x512xi32, #tpu.memory_space<hbm>>) target_semaphore(%arg21 : memref<!tpu.dma_semaphore, #tpu.memory_space<semaphore_mem>>)
    %dma_wait3A_303 = arith.constant 0 : i32
    %dma_wait3A_304 = tpu.memref_slice %arg11[%add3A_276, %dma_wait3A_303] : memref<65536x512xi32, #tpu.memory_space<hbm>> -> memref<64x512xi32, #tpu.memory_space<hbm>>
    %dma_wait3A_305 = arith.constant 0 : i32
    %dma_wait3A_306 = tpu.memref_slice %arg11[%add3A_276, %dma_wait3A_305] : memref<65536x512xi32, #tpu.memory_space<hbm>> -> memref<64x512xi32, #tpu.memory_space<hbm>>
    tpu.wait_dma2 semaphore(%arg22 : memref<!tpu.dma_semaphore, #tpu.memory_space<semaphore_mem>>) src(%arg19 : memref<64x512xi32, #tpu.memory_space<vmem>>) dst(%dma_wait3A_306 : memref<64x512xi32, #tpu.memory_space<hbm>>)
    %dma_start3A_307 = arith.constant 832 : i32
    %dma_start3A_308 = tpu.memref_slice %arg14[%dma_start3A_307] : memref<1024xi32, #tpu.memory_space<vmem>> -> memref<64xi32, #tpu.memory_space<vmem>>
    %dma_start3A_309 = arith.constant 0 : i32
    %dma_start3A_310 = arith.constant 0 : i32
    %dma_start3A_311 = tpu.memref_slice %arg7[%dma_start3A_309, %dma_start3A_310] : memref<8192x512xi32, #tpu.memory_space<hbm>> -> memref<8192x512xi32, #tpu.memory_space<hbm>>
    tpu.enqueue_indirect_dma source(%dma_start3A_311 : memref<8192x512xi32, #tpu.memory_space<hbm>>) target(%arg19 : memref<64x512xi32, #tpu.memory_space<vmem>>) offsets(%dma_start3A_308 : memref<64xi32, #tpu.memory_space<vmem>>) semaphore(%arg20 : memref<!tpu.dma_semaphore, #tpu.memory_space<semaphore_mem>>)
    %dma_wait3A_312 = arith.constant 832 : i32
    %dma_wait3A_313 = tpu.memref_slice %arg14[%dma_wait3A_312] : memref<1024xi32, #tpu.memory_space<vmem>> -> memref<64xi32, #tpu.memory_space<vmem>>
    %dma_wait3A_314 = arith.constant 0 : i32
    %dma_wait3A_315 = arith.constant 0 : i32
    %dma_wait3A_316 = tpu.memref_slice %arg7[%dma_wait3A_314, %dma_wait3A_315] : memref<8192x512xi32, #tpu.memory_space<hbm>> -> memref<8192x512xi32, #tpu.memory_space<hbm>>
    tpu.wait_indirect_dma semaphore(%arg20 : memref<!tpu.dma_semaphore, #tpu.memory_space<semaphore_mem>>) src(%dma_wait3A_316 : memref<8192x512xi32, #tpu.memory_space<hbm>>) dst(%arg19 : memref<64x512xi32, #tpu.memory_space<vmem>>)
    %mul3A_317 = arith.constant 1024 : i32
    %mul3A_318 = arith.muli %add3A_5, %mul3A_317 : i32
    %add3A_319 = arith.constant 832 : i32
    %add3A_320 = arith.addi %mul3A_318, %add3A_319 : i32
    %dma_start3A_321 = arith.constant 0 : i32
    %dma_start3A_322 = tpu.memref_slice %arg11[%add3A_320, %dma_start3A_321] : memref<65536x512xi32, #tpu.memory_space<hbm>> -> memref<64x512xi32, #tpu.memory_space<hbm>>
    %dma_start3A_323 = arith.constant 0 : i32
    %dma_start3A_324 = tpu.memref_slice %arg11[%add3A_320, %dma_start3A_323] : memref<65536x512xi32, #tpu.memory_space<hbm>> -> memref<64x512xi32, #tpu.memory_space<hbm>>
    tpu.enqueue_dma source(%arg19 : memref<64x512xi32, #tpu.memory_space<vmem>>) target(%dma_start3A_324 : memref<64x512xi32, #tpu.memory_space<hbm>>) target_semaphore(%arg22 : memref<!tpu.dma_semaphore, #tpu.memory_space<semaphore_mem>>)
    %dma_wait3A_325 = arith.constant 0 : i32
    %dma_wait3A_326 = tpu.memref_slice %arg11[%add3A_298, %dma_wait3A_325] : memref<65536x512xi32, #tpu.memory_space<hbm>> -> memref<64x512xi32, #tpu.memory_space<hbm>>
    %dma_wait3A_327 = arith.constant 0 : i32
    %dma_wait3A_328 = tpu.memref_slice %arg11[%add3A_298, %dma_wait3A_327] : memref<65536x512xi32, #tpu.memory_space<hbm>> -> memref<64x512xi32, #tpu.memory_space<hbm>>
    tpu.wait_dma2 semaphore(%arg21 : memref<!tpu.dma_semaphore, #tpu.memory_space<semaphore_mem>>) src(%arg18 : memref<64x512xi32, #tpu.memory_space<vmem>>) dst(%dma_wait3A_328 : memref<64x512xi32, #tpu.memory_space<hbm>>)
    %dma_start3A_329 = arith.constant 896 : i32
    %dma_start3A_330 = tpu.memref_slice %arg14[%dma_start3A_329] : memref<1024xi32, #tpu.memory_space<vmem>> -> memref<64xi32, #tpu.memory_space<vmem>>
    %dma_start3A_331 = arith.constant 0 : i32
    %dma_start3A_332 = arith.constant 0 : i32
    %dma_start3A_333 = tpu.memref_slice %arg7[%dma_start3A_331, %dma_start3A_332] : memref<8192x512xi32, #tpu.memory_space<hbm>> -> memref<8192x512xi32, #tpu.memory_space<hbm>>
    tpu.enqueue_indirect_dma source(%dma_start3A_333 : memref<8192x512xi32, #tpu.memory_space<hbm>>) target(%arg18 : memref<64x512xi32, #tpu.memory_space<vmem>>) offsets(%dma_start3A_330 : memref<64xi32, #tpu.memory_space<vmem>>) semaphore(%arg20 : memref<!tpu.dma_semaphore, #tpu.memory_space<semaphore_mem>>)
    %dma_wait3A_334 = arith.constant 896 : i32
    %dma_wait3A_335 = tpu.memref_slice %arg14[%dma_wait3A_334] : memref<1024xi32, #tpu.memory_space<vmem>> -> memref<64xi32, #tpu.memory_space<vmem>>
    %dma_wait3A_336 = arith.constant 0 : i32
    %dma_wait3A_337 = arith.constant 0 : i32
    %dma_wait3A_338 = tpu.memref_slice %arg7[%dma_wait3A_336, %dma_wait3A_337] : memref<8192x512xi32, #tpu.memory_space<hbm>> -> memref<8192x512xi32, #tpu.memory_space<hbm>>
    tpu.wait_indirect_dma semaphore(%arg20 : memref<!tpu.dma_semaphore, #tpu.memory_space<semaphore_mem>>) src(%dma_wait3A_338 : memref<8192x512xi32, #tpu.memory_space<hbm>>) dst(%arg18 : memref<64x512xi32, #tpu.memory_space<vmem>>)
    %mul3A_339 = arith.constant 1024 : i32
    %mul3A_340 = arith.muli %add3A_5, %mul3A_339 : i32
    %add3A_341 = arith.constant 896 : i32
    %add3A_342 = arith.addi %mul3A_340, %add3A_341 : i32
    %dma_start3A_343 = arith.constant 0 : i32
    %dma_start3A_344 = tpu.memref_slice %arg11[%add3A_342, %dma_start3A_343] : memref<65536x512xi32, #tpu.memory_space<hbm>> -> memref<64x512xi32, #tpu.memory_space<hbm>>
    %dma_start3A_345 = arith.constant 0 : i32
    %dma_start3A_346 = tpu.memref_slice %arg11[%add3A_342, %dma_start3A_345] : memref<65536x512xi32, #tpu.memory_space<hbm>> -> memref<64x512xi32, #tpu.memory_space<hbm>>
    tpu.enqueue_dma source(%arg18 : memref<64x512xi32, #tpu.memory_space<vmem>>) target(%dma_start3A_346 : memref<64x512xi32, #tpu.memory_space<hbm>>) target_semaphore(%arg21 : memref<!tpu.dma_semaphore, #tpu.memory_space<semaphore_mem>>)
    %dma_wait3A_347 = arith.constant 0 : i32
    %dma_wait3A_348 = tpu.memref_slice %arg11[%add3A_320, %dma_wait3A_347] : memref<65536x512xi32, #tpu.memory_space<hbm>> -> memref<64x512xi32, #tpu.memory_space<hbm>>
    %dma_wait3A_349 = arith.constant 0 : i32
    %dma_wait3A_350 = tpu.memref_slice %arg11[%add3A_320, %dma_wait3A_349] : memref<65536x512xi32, #tpu.memory_space<hbm>> -> memref<64x512xi32, #tpu.memory_space<hbm>>
    tpu.wait_dma2 semaphore(%arg22 : memref<!tpu.dma_semaphore, #tpu.memory_space<semaphore_mem>>) src(%arg19 : memref<64x512xi32, #tpu.memory_space<vmem>>) dst(%dma_wait3A_350 : memref<64x512xi32, #tpu.memory_space<hbm>>)
    %dma_start3A_351 = arith.constant 960 : i32
    %dma_start3A_352 = tpu.memref_slice %arg14[%dma_start3A_351] : memref<1024xi32, #tpu.memory_space<vmem>> -> memref<64xi32, #tpu.memory_space<vmem>>
    %dma_start3A_353 = arith.constant 0 : i32
    %dma_start3A_354 = arith.constant 0 : i32
    %dma_start3A_355 = tpu.memref_slice %arg7[%dma_start3A_353, %dma_start3A_354] : memref<8192x512xi32, #tpu.memory_space<hbm>> -> memref<8192x512xi32, #tpu.memory_space<hbm>>
    tpu.enqueue_indirect_dma source(%dma_start3A_355 : memref<8192x512xi32, #tpu.memory_space<hbm>>) target(%arg19 : memref<64x512xi32, #tpu.memory_space<vmem>>) offsets(%dma_start3A_352 : memref<64xi32, #tpu.memory_space<vmem>>) semaphore(%arg20 : memref<!tpu.dma_semaphore, #tpu.memory_space<semaphore_mem>>)
    %dma_wait3A_356 = arith.constant 960 : i32
    %dma_wait3A_357 = tpu.memref_slice %arg14[%dma_wait3A_356] : memref<1024xi32, #tpu.memory_space<vmem>> -> memref<64xi32, #tpu.memory_space<vmem>>
    %dma_wait3A_358 = arith.constant 0 : i32
    %dma_wait3A_359 = arith.constant 0 : i32
    %dma_wait3A_360 = tpu.memref_slice %arg7[%dma_wait3A_358, %dma_wait3A_359] : memref<8192x512xi32, #tpu.memory_space<hbm>> -> memref<8192x512xi32, #tpu.memory_space<hbm>>
    tpu.wait_indirect_dma semaphore(%arg20 : memref<!tpu.dma_semaphore, #tpu.memory_space<semaphore_mem>>) src(%dma_wait3A_360 : memref<8192x512xi32, #tpu.memory_space<hbm>>) dst(%arg19 : memref<64x512xi32, #tpu.memory_space<vmem>>)
    %mul3A_361 = arith.constant 1024 : i32
    %mul3A_362 = arith.muli %add3A_5, %mul3A_361 : i32
    %add3A_363 = arith.constant 960 : i32
    %add3A_364 = arith.addi %mul3A_362, %add3A_363 : i32
    %dma_start3A_365 = arith.constant 0 : i32
    %dma_start3A_366 = tpu.memref_slice %arg11[%add3A_364, %dma_start3A_365] : memref<65536x512xi32, #tpu.memory_space<hbm>> -> memref<64x512xi32, #tpu.memory_space<hbm>>
    %dma_start3A_367 = arith.constant 0 : i32
    %dma_start3A_368 = tpu.memref_slice %arg11[%add3A_364, %dma_start3A_367] : memref<65536x512xi32, #tpu.memory_space<hbm>> -> memref<64x512xi32, #tpu.memory_space<hbm>>
    tpu.enqueue_dma source(%arg19 : memref<64x512xi32, #tpu.memory_space<vmem>>) target(%dma_start3A_368 : memref<64x512xi32, #tpu.memory_space<hbm>>) target_semaphore(%arg22 : memref<!tpu.dma_semaphore, #tpu.memory_space<semaphore_mem>>)
    %dma_wait3A_369 = arith.constant 0 : i32
    %dma_wait3A_370 = tpu.memref_slice %arg11[%add3A_342, %dma_wait3A_369] : memref<65536x512xi32, #tpu.memory_space<hbm>> -> memref<64x512xi32, #tpu.memory_space<hbm>>
    %dma_wait3A_371 = arith.constant 0 : i32
    %dma_wait3A_372 = tpu.memref_slice %arg11[%add3A_342, %dma_wait3A_371] : memref<65536x512xi32, #tpu.memory_space<hbm>> -> memref<64x512xi32, #tpu.memory_space<hbm>>
    tpu.wait_dma2 semaphore(%arg21 : memref<!tpu.dma_semaphore, #tpu.memory_space<semaphore_mem>>) src(%arg18 : memref<64x512xi32, #tpu.memory_space<vmem>>) dst(%dma_wait3A_372 : memref<64x512xi32, #tpu.memory_space<hbm>>)
    %dma_wait3A_373 = arith.constant 0 : i32
    %dma_wait3A_374 = tpu.memref_slice %arg11[%add3A_364, %dma_wait3A_373] : memref<65536x512xi32, #tpu.memory_space<hbm>> -> memref<64x512xi32, #tpu.memory_space<hbm>>
    %dma_wait3A_375 = arith.constant 0 : i32
    %dma_wait3A_376 = tpu.memref_slice %arg11[%add3A_364, %dma_wait3A_375] : memref<65536x512xi32, #tpu.memory_space<hbm>> -> memref<64x512xi32, #tpu.memory_space<hbm>>
    tpu.wait_dma2 semaphore(%arg22 : memref<!tpu.dma_semaphore, #tpu.memory_space<semaphore_mem>>) src(%arg19 : memref<64x512xi32, #tpu.memory_space<vmem>>) dst(%dma_wait3A_376 : memref<64x512xi32, #tpu.memory_space<hbm>>)
    %mul3A_377 = arith.constant 2 : i32
    %mul3A_378 = arith.muli %add3A, %mul3A_377 : i32
    %add3A_379 = arith.constant 1 : i32
    %add3A_380 = arith.addi %mul3A_378, %add3A_379 : i32
    %mul3A_381 = arith.constant 1152 : i32
    %mul3A_382 = arith.muli %add3A_380, %mul3A_381 : i32
    "tpu.region"() ({
      %run_scoped3A = tpu.sem_alloc : memref<!tpu.dma_semaphore, #tpu.memory_space<semaphore_mem>>
      %dma_start3A_757 = tpu.memref_slice %arg2[%mul3A_382] : memref<73728xi32, #tpu.memory_space<hbm>> -> memref<1152xi32, #tpu.memory_space<hbm>>
      %dma_start3A_758 = tpu.memref_slice %arg2[%mul3A_382] : memref<73728xi32, #tpu.memory_space<hbm>> -> memref<1152xi32, #tpu.memory_space<hbm>>
      tpu.enqueue_dma source(%dma_start3A_758 : memref<1152xi32, #tpu.memory_space<hbm>>) target(%arg12 : memref<1152xi32, #tpu.memory_space<vmem>>) target_semaphore(%run_scoped3A : memref<!tpu.dma_semaphore, #tpu.memory_space<semaphore_mem>>)
      %dma_wait3A_759 = tpu.memref_slice %arg2[%mul3A_382] : memref<73728xi32, #tpu.memory_space<hbm>> -> memref<1152xi32, #tpu.memory_space<hbm>>
      %dma_wait3A_760 = tpu.memref_slice %arg2[%mul3A_382] : memref<73728xi32, #tpu.memory_space<hbm>> -> memref<1152xi32, #tpu.memory_space<hbm>>
      tpu.wait_dma2 semaphore(%run_scoped3A : memref<!tpu.dma_semaphore, #tpu.memory_space<semaphore_mem>>) src(%dma_wait3A_760 : memref<1152xi32, #tpu.memory_space<hbm>>) dst(%arg12 : memref<1152xi32, #tpu.memory_space<vmem>>)
      tpu.yield
    }) : () -> ()
    %mul3A_383 = arith.constant 1152 : i32
    %mul3A_384 = arith.muli %add3A_380, %mul3A_383 : i32
    "tpu.region"() ({
      %run_scoped3A = tpu.sem_alloc : memref<!tpu.dma_semaphore, #tpu.memory_space<semaphore_mem>>
      %dma_start3A_757 = tpu.memref_slice %arg3[%mul3A_384] : memref<73728xi32, #tpu.memory_space<hbm>> -> memref<1152xi32, #tpu.memory_space<hbm>>
      %dma_start3A_758 = tpu.memref_slice %arg3[%mul3A_384] : memref<73728xi32, #tpu.memory_space<hbm>> -> memref<1152xi32, #tpu.memory_space<hbm>>
      tpu.enqueue_dma source(%dma_start3A_758 : memref<1152xi32, #tpu.memory_space<hbm>>) target(%arg13 : memref<1152xi32, #tpu.memory_space<vmem>>) target_semaphore(%run_scoped3A : memref<!tpu.dma_semaphore, #tpu.memory_space<semaphore_mem>>)
      %dma_wait3A_759 = tpu.memref_slice %arg3[%mul3A_384] : memref<73728xi32, #tpu.memory_space<hbm>> -> memref<1152xi32, #tpu.memory_space<hbm>>
      %dma_wait3A_760 = tpu.memref_slice %arg3[%mul3A_384] : memref<73728xi32, #tpu.memory_space<hbm>> -> memref<1152xi32, #tpu.memory_space<hbm>>
      tpu.wait_dma2 semaphore(%run_scoped3A : memref<!tpu.dma_semaphore, #tpu.memory_space<semaphore_mem>>) src(%dma_wait3A_760 : memref<1152xi32, #tpu.memory_space<hbm>>) dst(%arg13 : memref<1152xi32, #tpu.memory_space<vmem>>)
      tpu.yield
    }) : () -> ()
    "tpu.region"() ({
      %run_scoped3A = tpu.sem_alloc : memref<!tpu.dma_semaphore, #tpu.memory_space<semaphore_mem>>
      %dma_start3A_757 = arith.constant 0 : i32
      %dma_start3A_758 = tpu.memref_slice %arg5[%dma_start3A_757] : memref<8192xi32, #tpu.memory_space<hbm>> -> memref<1024xi32, #tpu.memory_space<hbm>>
      %dma_start3A_759 = arith.constant 0 : i32
      %dma_start3A_760 = tpu.memref_slice %arg5[%dma_start3A_759] : memref<8192xi32, #tpu.memory_space<hbm>> -> memref<1024xi32, #tpu.memory_space<hbm>>
      tpu.enqueue_dma source(%dma_start3A_760 : memref<1024xi32, #tpu.memory_space<hbm>>) target(%arg14 : memref<1024xi32, #tpu.memory_space<vmem>>) target_semaphore(%run_scoped3A : memref<!tpu.dma_semaphore, #tpu.memory_space<semaphore_mem>>)
      %dma_wait3A_761 = arith.constant 0 : i32
      %dma_wait3A_762 = tpu.memref_slice %arg5[%dma_wait3A_761] : memref<8192xi32, #tpu.memory_space<hbm>> -> memref<1024xi32, #tpu.memory_space<hbm>>
      %dma_wait3A_763 = arith.constant 0 : i32
      %dma_wait3A_764 = tpu.memref_slice %arg5[%dma_wait3A_763] : memref<8192xi32, #tpu.memory_space<hbm>> -> memref<1024xi32, #tpu.memory_space<hbm>>
      tpu.wait_dma2 semaphore(%run_scoped3A : memref<!tpu.dma_semaphore, #tpu.memory_space<semaphore_mem>>) src(%dma_wait3A_764 : memref<1024xi32, #tpu.memory_space<hbm>>) dst(%arg14 : memref<1024xi32, #tpu.memory_space<vmem>>)
      tpu.yield
    }) : () -> ()
    %scan3A_385 = arith.constant 0 : i32
    %scan3A_386 = arith.constant 0 : i32
    %scan3A_387 = arith.constant 72 : i32
    %scan3A_388 = arith.addi %scan3A_386, %scan3A_387 : i32
    %scan3A_389 = arith.constant 1 : i32
    scf.for %scan3A_757 = %scan3A_386 to %scan3A_388 step %scan3A_389  : i32 {
      %mul3A_758 = arith.constant 16 : i32
      %mul3A_759 = arith.muli %scan3A_757, %mul3A_758 : i32
      %get3A = arith.index_cast %mul3A_759 : i32 to index
      %get3A_760 = tpu.vector_load %arg13[%get3A] {strides = array<i32>} : memref<1152xi32, #tpu.memory_space<vmem>>, vector<16xi32>,
      %mul3A_761 = arith.constant 16 : i32
      %mul3A_762 = arith.muli %scan3A_757, %mul3A_761 : i32
      %get3A_763 = arith.index_cast %mul3A_762 : i32 to index
      %get3A_764 = tpu.vector_load %arg12[%get3A_763] {strides = array<i32>} : memref<1152xi32, #tpu.memory_space<vmem>>, vector<16xi32>,
      %lt3A = arith.constant 1024 : i32
      %lt3A_765 = vector.broadcast %lt3A : i32 to vector<16xi32>
      %lt3A_766 = arith.cmpi slt, %get3A_760, %lt3A_765 : vector<16xi32>
      tpu.vector_store_idx %arg14[%get3A_760], %get3A_764 masked %lt3A_766 : memref<1024xi32, #tpu.memory_space<vmem>>[vector<16xi32>], vector<16xi32>, vector<16xi1>
    }
    %scan3A_390 = arith.constant 72 : i32
    %mul3A_391 = arith.constant 1024 : i32
    %mul3A_392 = arith.muli %add3A_380, %mul3A_391 : i32
    "tpu.region"() ({
      %run_scoped3A = tpu.sem_alloc : memref<!tpu.dma_semaphore, #tpu.memory_space<semaphore_mem>>
      %dma_start3A_757 = tpu.memref_slice %arg8[%mul3A_392] : memref<65536xi32, #tpu.memory_space<hbm>> -> memref<1024xi32, #tpu.memory_space<hbm>>
      %dma_start3A_758 = tpu.memref_slice %arg8[%mul3A_392] : memref<65536xi32, #tpu.memory_space<hbm>> -> memref<1024xi32, #tpu.memory_space<hbm>>
      tpu.enqueue_dma source(%arg14 : memref<1024xi32, #tpu.memory_space<vmem>>) target(%dma_start3A_758 : memref<1024xi32, #tpu.memory_space<hbm>>) target_semaphore(%run_scoped3A : memref<!tpu.dma_semaphore, #tpu.memory_space<semaphore_mem>>)
      %dma_wait3A_759 = tpu.memref_slice %arg8[%mul3A_392] : memref<65536xi32, #tpu.memory_space<hbm>> -> memref<1024xi32, #tpu.memory_space<hbm>>
      %dma_wait3A_760 = tpu.memref_slice %arg8[%mul3A_392] : memref<65536xi32, #tpu.memory_space<hbm>> -> memref<1024xi32, #tpu.memory_space<hbm>>
      tpu.wait_dma2 semaphore(%run_scoped3A : memref<!tpu.dma_semaphore, #tpu.memory_space<semaphore_mem>>) src(%arg14 : memref<1024xi32, #tpu.memory_space<vmem>>) dst(%dma_wait3A_760 : memref<1024xi32, #tpu.memory_space<hbm>>)
      tpu.yield
    }) : () -> ()
    %mul3A_393 = arith.constant 8192 : i32
    %mul3A_394 = arith.muli %add3A_380, %mul3A_393 : i32
    "tpu.region"() ({
      %run_scoped3A = tpu.sem_alloc : memref<!tpu.dma_semaphore, #tpu.memory_space<semaphore_mem>>
      %dma_start3A_757 = tpu.memref_slice %arg4[%mul3A_394] : memref<524288xf32, #tpu.memory_space<hbm>> -> memref<8192xf32, #tpu.memory_space<hbm>>
      %dma_start3A_758 = tpu.memref_slice %arg4[%mul3A_394] : memref<524288xf32, #tpu.memory_space<hbm>> -> memref<8192xf32, #tpu.memory_space<hbm>>
      tpu.enqueue_dma source(%dma_start3A_758 : memref<8192xf32, #tpu.memory_space<hbm>>) target(%arg15 : memref<8192xf32, #tpu.memory_space<vmem>>) target_semaphore(%run_scoped3A : memref<!tpu.dma_semaphore, #tpu.memory_space<semaphore_mem>>)
      %dma_wait3A_759 = tpu.memref_slice %arg4[%mul3A_394] : memref<524288xf32, #tpu.memory_space<hbm>> -> memref<8192xf32, #tpu.memory_space<hbm>>
      %dma_wait3A_760 = tpu.memref_slice %arg4[%mul3A_394] : memref<524288xf32, #tpu.memory_space<hbm>> -> memref<8192xf32, #tpu.memory_space<hbm>>
      tpu.wait_dma2 semaphore(%run_scoped3A : memref<!tpu.dma_semaphore, #tpu.memory_space<semaphore_mem>>) src(%dma_wait3A_760 : memref<8192xf32, #tpu.memory_space<hbm>>) dst(%arg15 : memref<8192xf32, #tpu.memory_space<vmem>>)
      tpu.yield
    }) : () -> ()
    %scan3A_395 = arith.constant 0 : i32
    %scan3A_396 = arith.constant 0 : i32
    %scan3A_397 = arith.constant 64 : i32
    %scan3A_398 = arith.addi %scan3A_396, %scan3A_397 : i32
    %scan3A_399 = arith.constant 1 : i32
    scf.for %scan3A_757 = %scan3A_396 to %scan3A_398 step %scan3A_399  : i32 {
      %mul3A_758 = arith.constant 16 : i32
      %mul3A_759 = arith.muli %scan3A_757, %mul3A_758 : i32
      %get3A = arith.index_cast %mul3A_759 : i32 to index
      %get3A_760 = tpu.vector_load %arg14[%get3A] {strides = array<i32>} : memref<1024xi32, #tpu.memory_space<vmem>>, vector<16xi32>,
      %gather3A = tpu.vector_load_idx %arg15[%get3A_760] : memref<8192xf32, #tpu.memory_space<vmem>>[vector<16xi32>], vector<16xf32>,
      %mul3A_761 = arith.constant 16 : i32
      %mul3A_762 = arith.muli %scan3A_757, %mul3A_761 : i32
      %swap3A = arith.index_cast %mul3A_762 : i32 to index
      %swap3A_763 = tpu.vector_load %arg16[%swap3A] {strides = array<i32>} : memref<1024xf32, #tpu.memory_space<vmem>>, vector<16xf32>,
      tpu.vector_store %arg16[%swap3A], %gather3A {strides = array<i32>} : memref<1024xf32, #tpu.memory_space<vmem>>, vector<16xf32>,
      tpu.vector_store_idx %arg17[%get3A_760], %broadcast_in_dim3A_1 {add = true} : memref<8192xf32, #tpu.memory_space<vmem>>[vector<16xi32>], vector<16xf32>,
    }
    %scan3A_400 = arith.constant 64 : i32
    %mul3A_401 = arith.constant 1024 : i32
    %mul3A_402 = arith.muli %add3A_380, %mul3A_401 : i32
    "tpu.region"() ({
      %run_scoped3A = tpu.sem_alloc : memref<!tpu.dma_semaphore, #tpu.memory_space<semaphore_mem>>
      %dma_start3A_757 = tpu.memref_slice %arg9[%mul3A_402] : memref<65536xf32, #tpu.memory_space<hbm>> -> memref<1024xf32, #tpu.memory_space<hbm>>
      %dma_start3A_758 = tpu.memref_slice %arg9[%mul3A_402] : memref<65536xf32, #tpu.memory_space<hbm>> -> memref<1024xf32, #tpu.memory_space<hbm>>
      tpu.enqueue_dma source(%arg16 : memref<1024xf32, #tpu.memory_space<vmem>>) target(%dma_start3A_758 : memref<1024xf32, #tpu.memory_space<hbm>>) target_semaphore(%run_scoped3A : memref<!tpu.dma_semaphore, #tpu.memory_space<semaphore_mem>>)
      %dma_wait3A_759 = tpu.memref_slice %arg9[%mul3A_402] : memref<65536xf32, #tpu.memory_space<hbm>> -> memref<1024xf32, #tpu.memory_space<hbm>>
      %dma_wait3A_760 = tpu.memref_slice %arg9[%mul3A_402] : memref<65536xf32, #tpu.memory_space<hbm>> -> memref<1024xf32, #tpu.memory_space<hbm>>
      tpu.wait_dma2 semaphore(%run_scoped3A : memref<!tpu.dma_semaphore, #tpu.memory_space<semaphore_mem>>) src(%arg16 : memref<1024xf32, #tpu.memory_space<vmem>>) dst(%dma_wait3A_760 : memref<1024xf32, #tpu.memory_space<hbm>>)
      tpu.yield
    }) : () -> ()
    %dma_start3A_403 = arith.constant 0 : i32
    %dma_start3A_404 = tpu.memref_slice %arg14[%dma_start3A_403] : memref<1024xi32, #tpu.memory_space<vmem>> -> memref<64xi32, #tpu.memory_space<vmem>>
    %dma_start3A_405 = arith.constant 0 : i32
    %dma_start3A_406 = arith.constant 0 : i32
    %dma_start3A_407 = tpu.memref_slice %arg7[%dma_start3A_405, %dma_start3A_406] : memref<8192x512xi32, #tpu.memory_space<hbm>> -> memref<8192x512xi32, #tpu.memory_space<hbm>>
    tpu.enqueue_indirect_dma source(%dma_start3A_407 : memref<8192x512xi32, #tpu.memory_space<hbm>>) target(%arg18 : memref<64x512xi32, #tpu.memory_space<vmem>>) offsets(%dma_start3A_404 : memref<64xi32, #tpu.memory_space<vmem>>) semaphore(%arg20 : memref<!tpu.dma_semaphore, #tpu.memory_space<semaphore_mem>>)
    %dma_wait3A_408 = arith.constant 0 : i32
    %dma_wait3A_409 = tpu.memref_slice %arg14[%dma_wait3A_408] : memref<1024xi32, #tpu.memory_space<vmem>> -> memref<64xi32, #tpu.memory_space<vmem>>
    %dma_wait3A_410 = arith.constant 0 : i32
    %dma_wait3A_411 = arith.constant 0 : i32
    %dma_wait3A_412 = tpu.memref_slice %arg7[%dma_wait3A_410, %dma_wait3A_411] : memref<8192x512xi32, #tpu.memory_space<hbm>> -> memref<8192x512xi32, #tpu.memory_space<hbm>>
    tpu.wait_indirect_dma semaphore(%arg20 : memref<!tpu.dma_semaphore, #tpu.memory_space<semaphore_mem>>) src(%dma_wait3A_412 : memref<8192x512xi32, #tpu.memory_space<hbm>>) dst(%arg18 : memref<64x512xi32, #tpu.memory_space<vmem>>)
    %mul3A_413 = arith.constant 1024 : i32
    %mul3A_414 = arith.muli %add3A_380, %mul3A_413 : i32
    %add3A_415 = arith.constant 0 : i32
    %add3A_416 = arith.addi %mul3A_414, %add3A_415 : i32
    %dma_start3A_417 = arith.constant 0 : i32
    %dma_start3A_418 = tpu.memref_slice %arg11[%add3A_416, %dma_start3A_417] : memref<65536x512xi32, #tpu.memory_space<hbm>> -> memref<64x512xi32, #tpu.memory_space<hbm>>
    %dma_start3A_419 = arith.constant 0 : i32
    %dma_start3A_420 = tpu.memref_slice %arg11[%add3A_416, %dma_start3A_419] : memref<65536x512xi32, #tpu.memory_space<hbm>> -> memref<64x512xi32, #tpu.memory_space<hbm>>
    tpu.enqueue_dma source(%arg18 : memref<64x512xi32, #tpu.memory_space<vmem>>) target(%dma_start3A_420 : memref<64x512xi32, #tpu.memory_space<hbm>>) target_semaphore(%arg21 : memref<!tpu.dma_semaphore, #tpu.memory_space<semaphore_mem>>)
    %dma_start3A_421 = arith.constant 64 : i32
    %dma_start3A_422 = tpu.memref_slice %arg14[%dma_start3A_421] : memref<1024xi32, #tpu.memory_space<vmem>> -> memref<64xi32, #tpu.memory_space<vmem>>
    %dma_start3A_423 = arith.constant 0 : i32
    %dma_start3A_424 = arith.constant 0 : i32
    %dma_start3A_425 = tpu.memref_slice %arg7[%dma_start3A_423, %dma_start3A_424] : memref<8192x512xi32, #tpu.memory_space<hbm>> -> memref<8192x512xi32, #tpu.memory_space<hbm>>
    tpu.enqueue_indirect_dma source(%dma_start3A_425 : memref<8192x512xi32, #tpu.memory_space<hbm>>) target(%arg19 : memref<64x512xi32, #tpu.memory_space<vmem>>) offsets(%dma_start3A_422 : memref<64xi32, #tpu.memory_space<vmem>>) semaphore(%arg20 : memref<!tpu.dma_semaphore, #tpu.memory_space<semaphore_mem>>)
    %dma_wait3A_426 = arith.constant 64 : i32
    %dma_wait3A_427 = tpu.memref_slice %arg14[%dma_wait3A_426] : memref<1024xi32, #tpu.memory_space<vmem>> -> memref<64xi32, #tpu.memory_space<vmem>>
    %dma_wait3A_428 = arith.constant 0 : i32
    %dma_wait3A_429 = arith.constant 0 : i32
    %dma_wait3A_430 = tpu.memref_slice %arg7[%dma_wait3A_428, %dma_wait3A_429] : memref<8192x512xi32, #tpu.memory_space<hbm>> -> memref<8192x512xi32, #tpu.memory_space<hbm>>
    tpu.wait_indirect_dma semaphore(%arg20 : memref<!tpu.dma_semaphore, #tpu.memory_space<semaphore_mem>>) src(%dma_wait3A_430 : memref<8192x512xi32, #tpu.memory_space<hbm>>) dst(%arg19 : memref<64x512xi32, #tpu.memory_space<vmem>>)
    %mul3A_431 = arith.constant 1024 : i32
    %mul3A_432 = arith.muli %add3A_380, %mul3A_431 : i32
    %add3A_433 = arith.constant 64 : i32
    %add3A_434 = arith.addi %mul3A_432, %add3A_433 : i32
    %dma_start3A_435 = arith.constant 0 : i32
    %dma_start3A_436 = tpu.memref_slice %arg11[%add3A_434, %dma_start3A_435] : memref<65536x512xi32, #tpu.memory_space<hbm>> -> memref<64x512xi32, #tpu.memory_space<hbm>>
    %dma_start3A_437 = arith.constant 0 : i32
    %dma_start3A_438 = tpu.memref_slice %arg11[%add3A_434, %dma_start3A_437] : memref<65536x512xi32, #tpu.memory_space<hbm>> -> memref<64x512xi32, #tpu.memory_space<hbm>>
    tpu.enqueue_dma source(%arg19 : memref<64x512xi32, #tpu.memory_space<vmem>>) target(%dma_start3A_438 : memref<64x512xi32, #tpu.memory_space<hbm>>) target_semaphore(%arg22 : memref<!tpu.dma_semaphore, #tpu.memory_space<semaphore_mem>>)
    %dma_wait3A_439 = arith.constant 0 : i32
    %dma_wait3A_440 = tpu.memref_slice %arg11[%add3A_416, %dma_wait3A_439] : memref<65536x512xi32, #tpu.memory_space<hbm>> -> memref<64x512xi32, #tpu.memory_space<hbm>>
    %dma_wait3A_441 = arith.constant 0 : i32
    %dma_wait3A_442 = tpu.memref_slice %arg11[%add3A_416, %dma_wait3A_441] : memref<65536x512xi32, #tpu.memory_space<hbm>> -> memref<64x512xi32, #tpu.memory_space<hbm>>
    tpu.wait_dma2 semaphore(%arg21 : memref<!tpu.dma_semaphore, #tpu.memory_space<semaphore_mem>>) src(%arg18 : memref<64x512xi32, #tpu.memory_space<vmem>>) dst(%dma_wait3A_442 : memref<64x512xi32, #tpu.memory_space<hbm>>)
    %dma_start3A_443 = arith.constant 128 : i32
    %dma_start3A_444 = tpu.memref_slice %arg14[%dma_start3A_443] : memref<1024xi32, #tpu.memory_space<vmem>> -> memref<64xi32, #tpu.memory_space<vmem>>
    %dma_start3A_445 = arith.constant 0 : i32
    %dma_start3A_446 = arith.constant 0 : i32
    %dma_start3A_447 = tpu.memref_slice %arg7[%dma_start3A_445, %dma_start3A_446] : memref<8192x512xi32, #tpu.memory_space<hbm>> -> memref<8192x512xi32, #tpu.memory_space<hbm>>
    tpu.enqueue_indirect_dma source(%dma_start3A_447 : memref<8192x512xi32, #tpu.memory_space<hbm>>) target(%arg18 : memref<64x512xi32, #tpu.memory_space<vmem>>) offsets(%dma_start3A_444 : memref<64xi32, #tpu.memory_space<vmem>>) semaphore(%arg20 : memref<!tpu.dma_semaphore, #tpu.memory_space<semaphore_mem>>)
    %dma_wait3A_448 = arith.constant 128 : i32
    %dma_wait3A_449 = tpu.memref_slice %arg14[%dma_wait3A_448] : memref<1024xi32, #tpu.memory_space<vmem>> -> memref<64xi32, #tpu.memory_space<vmem>>
    %dma_wait3A_450 = arith.constant 0 : i32
    %dma_wait3A_451 = arith.constant 0 : i32
    %dma_wait3A_452 = tpu.memref_slice %arg7[%dma_wait3A_450, %dma_wait3A_451] : memref<8192x512xi32, #tpu.memory_space<hbm>> -> memref<8192x512xi32, #tpu.memory_space<hbm>>
    tpu.wait_indirect_dma semaphore(%arg20 : memref<!tpu.dma_semaphore, #tpu.memory_space<semaphore_mem>>) src(%dma_wait3A_452 : memref<8192x512xi32, #tpu.memory_space<hbm>>) dst(%arg18 : memref<64x512xi32, #tpu.memory_space<vmem>>)
    %mul3A_453 = arith.constant 1024 : i32
    %mul3A_454 = arith.muli %add3A_380, %mul3A_453 : i32
    %add3A_455 = arith.constant 128 : i32
    %add3A_456 = arith.addi %mul3A_454, %add3A_455 : i32
    %dma_start3A_457 = arith.constant 0 : i32
    %dma_start3A_458 = tpu.memref_slice %arg11[%add3A_456, %dma_start3A_457] : memref<65536x512xi32, #tpu.memory_space<hbm>> -> memref<64x512xi32, #tpu.memory_space<hbm>>
    %dma_start3A_459 = arith.constant 0 : i32
    %dma_start3A_460 = tpu.memref_slice %arg11[%add3A_456, %dma_start3A_459] : memref<65536x512xi32, #tpu.memory_space<hbm>> -> memref<64x512xi32, #tpu.memory_space<hbm>>
    tpu.enqueue_dma source(%arg18 : memref<64x512xi32, #tpu.memory_space<vmem>>) target(%dma_start3A_460 : memref<64x512xi32, #tpu.memory_space<hbm>>) target_semaphore(%arg21 : memref<!tpu.dma_semaphore, #tpu.memory_space<semaphore_mem>>)
    %dma_wait3A_461 = arith.constant 0 : i32
    %dma_wait3A_462 = tpu.memref_slice %arg11[%add3A_434, %dma_wait3A_461] : memref<65536x512xi32, #tpu.memory_space<hbm>> -> memref<64x512xi32, #tpu.memory_space<hbm>>
    %dma_wait3A_463 = arith.constant 0 : i32
    %dma_wait3A_464 = tpu.memref_slice %arg11[%add3A_434, %dma_wait3A_463] : memref<65536x512xi32, #tpu.memory_space<hbm>> -> memref<64x512xi32, #tpu.memory_space<hbm>>
    tpu.wait_dma2 semaphore(%arg22 : memref<!tpu.dma_semaphore, #tpu.memory_space<semaphore_mem>>) src(%arg19 : memref<64x512xi32, #tpu.memory_space<vmem>>) dst(%dma_wait3A_464 : memref<64x512xi32, #tpu.memory_space<hbm>>)
    %dma_start3A_465 = arith.constant 192 : i32
    %dma_start3A_466 = tpu.memref_slice %arg14[%dma_start3A_465] : memref<1024xi32, #tpu.memory_space<vmem>> -> memref<64xi32, #tpu.memory_space<vmem>>
    %dma_start3A_467 = arith.constant 0 : i32
    %dma_start3A_468 = arith.constant 0 : i32
    %dma_start3A_469 = tpu.memref_slice %arg7[%dma_start3A_467, %dma_start3A_468] : memref<8192x512xi32, #tpu.memory_space<hbm>> -> memref<8192x512xi32, #tpu.memory_space<hbm>>
    tpu.enqueue_indirect_dma source(%dma_start3A_469 : memref<8192x512xi32, #tpu.memory_space<hbm>>) target(%arg19 : memref<64x512xi32, #tpu.memory_space<vmem>>) offsets(%dma_start3A_466 : memref<64xi32, #tpu.memory_space<vmem>>) semaphore(%arg20 : memref<!tpu.dma_semaphore, #tpu.memory_space<semaphore_mem>>)
    %dma_wait3A_470 = arith.constant 192 : i32
    %dma_wait3A_471 = tpu.memref_slice %arg14[%dma_wait3A_470] : memref<1024xi32, #tpu.memory_space<vmem>> -> memref<64xi32, #tpu.memory_space<vmem>>
    %dma_wait3A_472 = arith.constant 0 : i32
    %dma_wait3A_473 = arith.constant 0 : i32
    %dma_wait3A_474 = tpu.memref_slice %arg7[%dma_wait3A_472, %dma_wait3A_473] : memref<8192x512xi32, #tpu.memory_space<hbm>> -> memref<8192x512xi32, #tpu.memory_space<hbm>>
    tpu.wait_indirect_dma semaphore(%arg20 : memref<!tpu.dma_semaphore, #tpu.memory_space<semaphore_mem>>) src(%dma_wait3A_474 : memref<8192x512xi32, #tpu.memory_space<hbm>>) dst(%arg19 : memref<64x512xi32, #tpu.memory_space<vmem>>)
    %mul3A_475 = arith.constant 1024 : i32
    %mul3A_476 = arith.muli %add3A_380, %mul3A_475 : i32
    %add3A_477 = arith.constant 192 : i32
    %add3A_478 = arith.addi %mul3A_476, %add3A_477 : i32
    %dma_start3A_479 = arith.constant 0 : i32
    %dma_start3A_480 = tpu.memref_slice %arg11[%add3A_478, %dma_start3A_479] : memref<65536x512xi32, #tpu.memory_space<hbm>> -> memref<64x512xi32, #tpu.memory_space<hbm>>
    %dma_start3A_481 = arith.constant 0 : i32
    %dma_start3A_482 = tpu.memref_slice %arg11[%add3A_478, %dma_start3A_481] : memref<65536x512xi32, #tpu.memory_space<hbm>> -> memref<64x512xi32, #tpu.memory_space<hbm>>
    tpu.enqueue_dma source(%arg19 : memref<64x512xi32, #tpu.memory_space<vmem>>) target(%dma_start3A_482 : memref<64x512xi32, #tpu.memory_space<hbm>>) target_semaphore(%arg22 : memref<!tpu.dma_semaphore, #tpu.memory_space<semaphore_mem>>)
    %dma_wait3A_483 = arith.constant 0 : i32
    %dma_wait3A_484 = tpu.memref_slice %arg11[%add3A_456, %dma_wait3A_483] : memref<65536x512xi32, #tpu.memory_space<hbm>> -> memref<64x512xi32, #tpu.memory_space<hbm>>
    %dma_wait3A_485 = arith.constant 0 : i32
    %dma_wait3A_486 = tpu.memref_slice %arg11[%add3A_456, %dma_wait3A_485] : memref<65536x512xi32, #tpu.memory_space<hbm>> -> memref<64x512xi32, #tpu.memory_space<hbm>>
    tpu.wait_dma2 semaphore(%arg21 : memref<!tpu.dma_semaphore, #tpu.memory_space<semaphore_mem>>) src(%arg18 : memref<64x512xi32, #tpu.memory_space<vmem>>) dst(%dma_wait3A_486 : memref<64x512xi32, #tpu.memory_space<hbm>>)
    %dma_start3A_487 = arith.constant 256 : i32
    %dma_start3A_488 = tpu.memref_slice %arg14[%dma_start3A_487] : memref<1024xi32, #tpu.memory_space<vmem>> -> memref<64xi32, #tpu.memory_space<vmem>>
    %dma_start3A_489 = arith.constant 0 : i32
    %dma_start3A_490 = arith.constant 0 : i32
    %dma_start3A_491 = tpu.memref_slice %arg7[%dma_start3A_489, %dma_start3A_490] : memref<8192x512xi32, #tpu.memory_space<hbm>> -> memref<8192x512xi32, #tpu.memory_space<hbm>>
    tpu.enqueue_indirect_dma source(%dma_start3A_491 : memref<8192x512xi32, #tpu.memory_space<hbm>>) target(%arg18 : memref<64x512xi32, #tpu.memory_space<vmem>>) offsets(%dma_start3A_488 : memref<64xi32, #tpu.memory_space<vmem>>) semaphore(%arg20 : memref<!tpu.dma_semaphore, #tpu.memory_space<semaphore_mem>>)
    %dma_wait3A_492 = arith.constant 256 : i32
    %dma_wait3A_493 = tpu.memref_slice %arg14[%dma_wait3A_492] : memref<1024xi32, #tpu.memory_space<vmem>> -> memref<64xi32, #tpu.memory_space<vmem>>
    %dma_wait3A_494 = arith.constant 0 : i32
    %dma_wait3A_495 = arith.constant 0 : i32
    %dma_wait3A_496 = tpu.memref_slice %arg7[%dma_wait3A_494, %dma_wait3A_495] : memref<8192x512xi32, #tpu.memory_space<hbm>> -> memref<8192x512xi32, #tpu.memory_space<hbm>>
    tpu.wait_indirect_dma semaphore(%arg20 : memref<!tpu.dma_semaphore, #tpu.memory_space<semaphore_mem>>) src(%dma_wait3A_496 : memref<8192x512xi32, #tpu.memory_space<hbm>>) dst(%arg18 : memref<64x512xi32, #tpu.memory_space<vmem>>)
    %mul3A_497 = arith.constant 1024 : i32
    %mul3A_498 = arith.muli %add3A_380, %mul3A_497 : i32
    %add3A_499 = arith.constant 256 : i32
    %add3A_500 = arith.addi %mul3A_498, %add3A_499 : i32
    %dma_start3A_501 = arith.constant 0 : i32
    %dma_start3A_502 = tpu.memref_slice %arg11[%add3A_500, %dma_start3A_501] : memref<65536x512xi32, #tpu.memory_space<hbm>> -> memref<64x512xi32, #tpu.memory_space<hbm>>
    %dma_start3A_503 = arith.constant 0 : i32
    %dma_start3A_504 = tpu.memref_slice %arg11[%add3A_500, %dma_start3A_503] : memref<65536x512xi32, #tpu.memory_space<hbm>> -> memref<64x512xi32, #tpu.memory_space<hbm>>
    tpu.enqueue_dma source(%arg18 : memref<64x512xi32, #tpu.memory_space<vmem>>) target(%dma_start3A_504 : memref<64x512xi32, #tpu.memory_space<hbm>>) target_semaphore(%arg21 : memref<!tpu.dma_semaphore, #tpu.memory_space<semaphore_mem>>)
    %dma_wait3A_505 = arith.constant 0 : i32
    %dma_wait3A_506 = tpu.memref_slice %arg11[%add3A_478, %dma_wait3A_505] : memref<65536x512xi32, #tpu.memory_space<hbm>> -> memref<64x512xi32, #tpu.memory_space<hbm>>
    %dma_wait3A_507 = arith.constant 0 : i32
    %dma_wait3A_508 = tpu.memref_slice %arg11[%add3A_478, %dma_wait3A_507] : memref<65536x512xi32, #tpu.memory_space<hbm>> -> memref<64x512xi32, #tpu.memory_space<hbm>>
    tpu.wait_dma2 semaphore(%arg22 : memref<!tpu.dma_semaphore, #tpu.memory_space<semaphore_mem>>) src(%arg19 : memref<64x512xi32, #tpu.memory_space<vmem>>) dst(%dma_wait3A_508 : memref<64x512xi32, #tpu.memory_space<hbm>>)
    %dma_start3A_509 = arith.constant 320 : i32
    %dma_start3A_510 = tpu.memref_slice %arg14[%dma_start3A_509] : memref<1024xi32, #tpu.memory_space<vmem>> -> memref<64xi32, #tpu.memory_space<vmem>>
    %dma_start3A_511 = arith.constant 0 : i32
    %dma_start3A_512 = arith.constant 0 : i32
    %dma_start3A_513 = tpu.memref_slice %arg7[%dma_start3A_511, %dma_start3A_512] : memref<8192x512xi32, #tpu.memory_space<hbm>> -> memref<8192x512xi32, #tpu.memory_space<hbm>>
    tpu.enqueue_indirect_dma source(%dma_start3A_513 : memref<8192x512xi32, #tpu.memory_space<hbm>>) target(%arg19 : memref<64x512xi32, #tpu.memory_space<vmem>>) offsets(%dma_start3A_510 : memref<64xi32, #tpu.memory_space<vmem>>) semaphore(%arg20 : memref<!tpu.dma_semaphore, #tpu.memory_space<semaphore_mem>>)
    %dma_wait3A_514 = arith.constant 320 : i32
    %dma_wait3A_515 = tpu.memref_slice %arg14[%dma_wait3A_514] : memref<1024xi32, #tpu.memory_space<vmem>> -> memref<64xi32, #tpu.memory_space<vmem>>
    %dma_wait3A_516 = arith.constant 0 : i32
    %dma_wait3A_517 = arith.constant 0 : i32
    %dma_wait3A_518 = tpu.memref_slice %arg7[%dma_wait3A_516, %dma_wait3A_517] : memref<8192x512xi32, #tpu.memory_space<hbm>> -> memref<8192x512xi32, #tpu.memory_space<hbm>>
    tpu.wait_indirect_dma semaphore(%arg20 : memref<!tpu.dma_semaphore, #tpu.memory_space<semaphore_mem>>) src(%dma_wait3A_518 : memref<8192x512xi32, #tpu.memory_space<hbm>>) dst(%arg19 : memref<64x512xi32, #tpu.memory_space<vmem>>)
    %mul3A_519 = arith.constant 1024 : i32
    %mul3A_520 = arith.muli %add3A_380, %mul3A_519 : i32
    %add3A_521 = arith.constant 320 : i32
    %add3A_522 = arith.addi %mul3A_520, %add3A_521 : i32
    %dma_start3A_523 = arith.constant 0 : i32
    %dma_start3A_524 = tpu.memref_slice %arg11[%add3A_522, %dma_start3A_523] : memref<65536x512xi32, #tpu.memory_space<hbm>> -> memref<64x512xi32, #tpu.memory_space<hbm>>
    %dma_start3A_525 = arith.constant 0 : i32
    %dma_start3A_526 = tpu.memref_slice %arg11[%add3A_522, %dma_start3A_525] : memref<65536x512xi32, #tpu.memory_space<hbm>> -> memref<64x512xi32, #tpu.memory_space<hbm>>
    tpu.enqueue_dma source(%arg19 : memref<64x512xi32, #tpu.memory_space<vmem>>) target(%dma_start3A_526 : memref<64x512xi32, #tpu.memory_space<hbm>>) target_semaphore(%arg22 : memref<!tpu.dma_semaphore, #tpu.memory_space<semaphore_mem>>)
    %dma_wait3A_527 = arith.constant 0 : i32
    %dma_wait3A_528 = tpu.memref_slice %arg11[%add3A_500, %dma_wait3A_527] : memref<65536x512xi32, #tpu.memory_space<hbm>> -> memref<64x512xi32, #tpu.memory_space<hbm>>
    %dma_wait3A_529 = arith.constant 0 : i32
    %dma_wait3A_530 = tpu.memref_slice %arg11[%add3A_500, %dma_wait3A_529] : memref<65536x512xi32, #tpu.memory_space<hbm>> -> memref<64x512xi32, #tpu.memory_space<hbm>>
    tpu.wait_dma2 semaphore(%arg21 : memref<!tpu.dma_semaphore, #tpu.memory_space<semaphore_mem>>) src(%arg18 : memref<64x512xi32, #tpu.memory_space<vmem>>) dst(%dma_wait3A_530 : memref<64x512xi32, #tpu.memory_space<hbm>>)
    %dma_start3A_531 = arith.constant 384 : i32
    %dma_start3A_532 = tpu.memref_slice %arg14[%dma_start3A_531] : memref<1024xi32, #tpu.memory_space<vmem>> -> memref<64xi32, #tpu.memory_space<vmem>>
    %dma_start3A_533 = arith.constant 0 : i32
    %dma_start3A_534 = arith.constant 0 : i32
    %dma_start3A_535 = tpu.memref_slice %arg7[%dma_start3A_533, %dma_start3A_534] : memref<8192x512xi32, #tpu.memory_space<hbm>> -> memref<8192x512xi32, #tpu.memory_space<hbm>>
    tpu.enqueue_indirect_dma source(%dma_start3A_535 : memref<8192x512xi32, #tpu.memory_space<hbm>>) target(%arg18 : memref<64x512xi32, #tpu.memory_space<vmem>>) offsets(%dma_start3A_532 : memref<64xi32, #tpu.memory_space<vmem>>) semaphore(%arg20 : memref<!tpu.dma_semaphore, #tpu.memory_space<semaphore_mem>>)
    %dma_wait3A_536 = arith.constant 384 : i32
    %dma_wait3A_537 = tpu.memref_slice %arg14[%dma_wait3A_536] : memref<1024xi32, #tpu.memory_space<vmem>> -> memref<64xi32, #tpu.memory_space<vmem>>
    %dma_wait3A_538 = arith.constant 0 : i32
    %dma_wait3A_539 = arith.constant 0 : i32
    %dma_wait3A_540 = tpu.memref_slice %arg7[%dma_wait3A_538, %dma_wait3A_539] : memref<8192x512xi32, #tpu.memory_space<hbm>> -> memref<8192x512xi32, #tpu.memory_space<hbm>>
    tpu.wait_indirect_dma semaphore(%arg20 : memref<!tpu.dma_semaphore, #tpu.memory_space<semaphore_mem>>) src(%dma_wait3A_540 : memref<8192x512xi32, #tpu.memory_space<hbm>>) dst(%arg18 : memref<64x512xi32, #tpu.memory_space<vmem>>)
    %mul3A_541 = arith.constant 1024 : i32
    %mul3A_542 = arith.muli %add3A_380, %mul3A_541 : i32
    %add3A_543 = arith.constant 384 : i32
    %add3A_544 = arith.addi %mul3A_542, %add3A_543 : i32
    %dma_start3A_545 = arith.constant 0 : i32
    %dma_start3A_546 = tpu.memref_slice %arg11[%add3A_544, %dma_start3A_545] : memref<65536x512xi32, #tpu.memory_space<hbm>> -> memref<64x512xi32, #tpu.memory_space<hbm>>
    %dma_start3A_547 = arith.constant 0 : i32
    %dma_start3A_548 = tpu.memref_slice %arg11[%add3A_544, %dma_start3A_547] : memref<65536x512xi32, #tpu.memory_space<hbm>> -> memref<64x512xi32, #tpu.memory_space<hbm>>
    tpu.enqueue_dma source(%arg18 : memref<64x512xi32, #tpu.memory_space<vmem>>) target(%dma_start3A_548 : memref<64x512xi32, #tpu.memory_space<hbm>>) target_semaphore(%arg21 : memref<!tpu.dma_semaphore, #tpu.memory_space<semaphore_mem>>)
    %dma_wait3A_549 = arith.constant 0 : i32
    %dma_wait3A_550 = tpu.memref_slice %arg11[%add3A_522, %dma_wait3A_549] : memref<65536x512xi32, #tpu.memory_space<hbm>> -> memref<64x512xi32, #tpu.memory_space<hbm>>
    %dma_wait3A_551 = arith.constant 0 : i32
    %dma_wait3A_552 = tpu.memref_slice %arg11[%add3A_522, %dma_wait3A_551] : memref<65536x512xi32, #tpu.memory_space<hbm>> -> memref<64x512xi32, #tpu.memory_space<hbm>>
    tpu.wait_dma2 semaphore(%arg22 : memref<!tpu.dma_semaphore, #tpu.memory_space<semaphore_mem>>) src(%arg19 : memref<64x512xi32, #tpu.memory_space<vmem>>) dst(%dma_wait3A_552 : memref<64x512xi32, #tpu.memory_space<hbm>>)
    %dma_start3A_553 = arith.constant 448 : i32
    %dma_start3A_554 = tpu.memref_slice %arg14[%dma_start3A_553] : memref<1024xi32, #tpu.memory_space<vmem>> -> memref<64xi32, #tpu.memory_space<vmem>>
    %dma_start3A_555 = arith.constant 0 : i32
    %dma_start3A_556 = arith.constant 0 : i32
    %dma_start3A_557 = tpu.memref_slice %arg7[%dma_start3A_555, %dma_start3A_556] : memref<8192x512xi32, #tpu.memory_space<hbm>> -> memref<8192x512xi32, #tpu.memory_space<hbm>>
    tpu.enqueue_indirect_dma source(%dma_start3A_557 : memref<8192x512xi32, #tpu.memory_space<hbm>>) target(%arg19 : memref<64x512xi32, #tpu.memory_space<vmem>>) offsets(%dma_start3A_554 : memref<64xi32, #tpu.memory_space<vmem>>) semaphore(%arg20 : memref<!tpu.dma_semaphore, #tpu.memory_space<semaphore_mem>>)
    %dma_wait3A_558 = arith.constant 448 : i32
    %dma_wait3A_559 = tpu.memref_slice %arg14[%dma_wait3A_558] : memref<1024xi32, #tpu.memory_space<vmem>> -> memref<64xi32, #tpu.memory_space<vmem>>
    %dma_wait3A_560 = arith.constant 0 : i32
    %dma_wait3A_561 = arith.constant 0 : i32
    %dma_wait3A_562 = tpu.memref_slice %arg7[%dma_wait3A_560, %dma_wait3A_561] : memref<8192x512xi32, #tpu.memory_space<hbm>> -> memref<8192x512xi32, #tpu.memory_space<hbm>>
    tpu.wait_indirect_dma semaphore(%arg20 : memref<!tpu.dma_semaphore, #tpu.memory_space<semaphore_mem>>) src(%dma_wait3A_562 : memref<8192x512xi32, #tpu.memory_space<hbm>>) dst(%arg19 : memref<64x512xi32, #tpu.memory_space<vmem>>)
    %mul3A_563 = arith.constant 1024 : i32
    %mul3A_564 = arith.muli %add3A_380, %mul3A_563 : i32
    %add3A_565 = arith.constant 448 : i32
    %add3A_566 = arith.addi %mul3A_564, %add3A_565 : i32
    %dma_start3A_567 = arith.constant 0 : i32
    %dma_start3A_568 = tpu.memref_slice %arg11[%add3A_566, %dma_start3A_567] : memref<65536x512xi32, #tpu.memory_space<hbm>> -> memref<64x512xi32, #tpu.memory_space<hbm>>
    %dma_start3A_569 = arith.constant 0 : i32
    %dma_start3A_570 = tpu.memref_slice %arg11[%add3A_566, %dma_start3A_569] : memref<65536x512xi32, #tpu.memory_space<hbm>> -> memref<64x512xi32, #tpu.memory_space<hbm>>
    tpu.enqueue_dma source(%arg19 : memref<64x512xi32, #tpu.memory_space<vmem>>) target(%dma_start3A_570 : memref<64x512xi32, #tpu.memory_space<hbm>>) target_semaphore(%arg22 : memref<!tpu.dma_semaphore, #tpu.memory_space<semaphore_mem>>)
    %dma_wait3A_571 = arith.constant 0 : i32
    %dma_wait3A_572 = tpu.memref_slice %arg11[%add3A_544, %dma_wait3A_571] : memref<65536x512xi32, #tpu.memory_space<hbm>> -> memref<64x512xi32, #tpu.memory_space<hbm>>
    %dma_wait3A_573 = arith.constant 0 : i32
    %dma_wait3A_574 = tpu.memref_slice %arg11[%add3A_544, %dma_wait3A_573] : memref<65536x512xi32, #tpu.memory_space<hbm>> -> memref<64x512xi32, #tpu.memory_space<hbm>>
    tpu.wait_dma2 semaphore(%arg21 : memref<!tpu.dma_semaphore, #tpu.memory_space<semaphore_mem>>) src(%arg18 : memref<64x512xi32, #tpu.memory_space<vmem>>) dst(%dma_wait3A_574 : memref<64x512xi32, #tpu.memory_space<hbm>>)
    %dma_start3A_575 = arith.constant 512 : i32
    %dma_start3A_576 = tpu.memref_slice %arg14[%dma_start3A_575] : memref<1024xi32, #tpu.memory_space<vmem>> -> memref<64xi32, #tpu.memory_space<vmem>>
    %dma_start3A_577 = arith.constant 0 : i32
    %dma_start3A_578 = arith.constant 0 : i32
    %dma_start3A_579 = tpu.memref_slice %arg7[%dma_start3A_577, %dma_start3A_578] : memref<8192x512xi32, #tpu.memory_space<hbm>> -> memref<8192x512xi32, #tpu.memory_space<hbm>>
    tpu.enqueue_indirect_dma source(%dma_start3A_579 : memref<8192x512xi32, #tpu.memory_space<hbm>>) target(%arg18 : memref<64x512xi32, #tpu.memory_space<vmem>>) offsets(%dma_start3A_576 : memref<64xi32, #tpu.memory_space<vmem>>) semaphore(%arg20 : memref<!tpu.dma_semaphore, #tpu.memory_space<semaphore_mem>>)
    %dma_wait3A_580 = arith.constant 512 : i32
    %dma_wait3A_581 = tpu.memref_slice %arg14[%dma_wait3A_580] : memref<1024xi32, #tpu.memory_space<vmem>> -> memref<64xi32, #tpu.memory_space<vmem>>
    %dma_wait3A_582 = arith.constant 0 : i32
    %dma_wait3A_583 = arith.constant 0 : i32
    %dma_wait3A_584 = tpu.memref_slice %arg7[%dma_wait3A_582, %dma_wait3A_583] : memref<8192x512xi32, #tpu.memory_space<hbm>> -> memref<8192x512xi32, #tpu.memory_space<hbm>>
    tpu.wait_indirect_dma semaphore(%arg20 : memref<!tpu.dma_semaphore, #tpu.memory_space<semaphore_mem>>) src(%dma_wait3A_584 : memref<8192x512xi32, #tpu.memory_space<hbm>>) dst(%arg18 : memref<64x512xi32, #tpu.memory_space<vmem>>)
    %mul3A_585 = arith.constant 1024 : i32
    %mul3A_586 = arith.muli %add3A_380, %mul3A_585 : i32
    %add3A_587 = arith.constant 512 : i32
    %add3A_588 = arith.addi %mul3A_586, %add3A_587 : i32
    %dma_start3A_589 = arith.constant 0 : i32
    %dma_start3A_590 = tpu.memref_slice %arg11[%add3A_588, %dma_start3A_589] : memref<65536x512xi32, #tpu.memory_space<hbm>> -> memref<64x512xi32, #tpu.memory_space<hbm>>
    %dma_start3A_591 = arith.constant 0 : i32
    %dma_start3A_592 = tpu.memref_slice %arg11[%add3A_588, %dma_start3A_591] : memref<65536x512xi32, #tpu.memory_space<hbm>> -> memref<64x512xi32, #tpu.memory_space<hbm>>
    tpu.enqueue_dma source(%arg18 : memref<64x512xi32, #tpu.memory_space<vmem>>) target(%dma_start3A_592 : memref<64x512xi32, #tpu.memory_space<hbm>>) target_semaphore(%arg21 : memref<!tpu.dma_semaphore, #tpu.memory_space<semaphore_mem>>)
    %dma_wait3A_593 = arith.constant 0 : i32
    %dma_wait3A_594 = tpu.memref_slice %arg11[%add3A_566, %dma_wait3A_593] : memref<65536x512xi32, #tpu.memory_space<hbm>> -> memref<64x512xi32, #tpu.memory_space<hbm>>
    %dma_wait3A_595 = arith.constant 0 : i32
    %dma_wait3A_596 = tpu.memref_slice %arg11[%add3A_566, %dma_wait3A_595] : memref<65536x512xi32, #tpu.memory_space<hbm>> -> memref<64x512xi32, #tpu.memory_space<hbm>>
    tpu.wait_dma2 semaphore(%arg22 : memref<!tpu.dma_semaphore, #tpu.memory_space<semaphore_mem>>) src(%arg19 : memref<64x512xi32, #tpu.memory_space<vmem>>) dst(%dma_wait3A_596 : memref<64x512xi32, #tpu.memory_space<hbm>>)
    %dma_start3A_597 = arith.constant 576 : i32
    %dma_start3A_598 = tpu.memref_slice %arg14[%dma_start3A_597] : memref<1024xi32, #tpu.memory_space<vmem>> -> memref<64xi32, #tpu.memory_space<vmem>>
    %dma_start3A_599 = arith.constant 0 : i32
    %dma_start3A_600 = arith.constant 0 : i32
    %dma_start3A_601 = tpu.memref_slice %arg7[%dma_start3A_599, %dma_start3A_600] : memref<8192x512xi32, #tpu.memory_space<hbm>> -> memref<8192x512xi32, #tpu.memory_space<hbm>>
    tpu.enqueue_indirect_dma source(%dma_start3A_601 : memref<8192x512xi32, #tpu.memory_space<hbm>>) target(%arg19 : memref<64x512xi32, #tpu.memory_space<vmem>>) offsets(%dma_start3A_598 : memref<64xi32, #tpu.memory_space<vmem>>) semaphore(%arg20 : memref<!tpu.dma_semaphore, #tpu.memory_space<semaphore_mem>>)
    %dma_wait3A_602 = arith.constant 576 : i32
    %dma_wait3A_603 = tpu.memref_slice %arg14[%dma_wait3A_602] : memref<1024xi32, #tpu.memory_space<vmem>> -> memref<64xi32, #tpu.memory_space<vmem>>
    %dma_wait3A_604 = arith.constant 0 : i32
    %dma_wait3A_605 = arith.constant 0 : i32
    %dma_wait3A_606 = tpu.memref_slice %arg7[%dma_wait3A_604, %dma_wait3A_605] : memref<8192x512xi32, #tpu.memory_space<hbm>> -> memref<8192x512xi32, #tpu.memory_space<hbm>>
    tpu.wait_indirect_dma semaphore(%arg20 : memref<!tpu.dma_semaphore, #tpu.memory_space<semaphore_mem>>) src(%dma_wait3A_606 : memref<8192x512xi32, #tpu.memory_space<hbm>>) dst(%arg19 : memref<64x512xi32, #tpu.memory_space<vmem>>)
    %mul3A_607 = arith.constant 1024 : i32
    %mul3A_608 = arith.muli %add3A_380, %mul3A_607 : i32
    %add3A_609 = arith.constant 576 : i32
    %add3A_610 = arith.addi %mul3A_608, %add3A_609 : i32
    %dma_start3A_611 = arith.constant 0 : i32
    %dma_start3A_612 = tpu.memref_slice %arg11[%add3A_610, %dma_start3A_611] : memref<65536x512xi32, #tpu.memory_space<hbm>> -> memref<64x512xi32, #tpu.memory_space<hbm>>
    %dma_start3A_613 = arith.constant 0 : i32
    %dma_start3A_614 = tpu.memref_slice %arg11[%add3A_610, %dma_start3A_613] : memref<65536x512xi32, #tpu.memory_space<hbm>> -> memref<64x512xi32, #tpu.memory_space<hbm>>
    tpu.enqueue_dma source(%arg19 : memref<64x512xi32, #tpu.memory_space<vmem>>) target(%dma_start3A_614 : memref<64x512xi32, #tpu.memory_space<hbm>>) target_semaphore(%arg22 : memref<!tpu.dma_semaphore, #tpu.memory_space<semaphore_mem>>)
    %dma_wait3A_615 = arith.constant 0 : i32
    %dma_wait3A_616 = tpu.memref_slice %arg11[%add3A_588, %dma_wait3A_615] : memref<65536x512xi32, #tpu.memory_space<hbm>> -> memref<64x512xi32, #tpu.memory_space<hbm>>
    %dma_wait3A_617 = arith.constant 0 : i32
    %dma_wait3A_618 = tpu.memref_slice %arg11[%add3A_588, %dma_wait3A_617] : memref<65536x512xi32, #tpu.memory_space<hbm>> -> memref<64x512xi32, #tpu.memory_space<hbm>>
    tpu.wait_dma2 semaphore(%arg21 : memref<!tpu.dma_semaphore, #tpu.memory_space<semaphore_mem>>) src(%arg18 : memref<64x512xi32, #tpu.memory_space<vmem>>) dst(%dma_wait3A_618 : memref<64x512xi32, #tpu.memory_space<hbm>>)
    %dma_start3A_619 = arith.constant 640 : i32
    %dma_start3A_620 = tpu.memref_slice %arg14[%dma_start3A_619] : memref<1024xi32, #tpu.memory_space<vmem>> -> memref<64xi32, #tpu.memory_space<vmem>>
    %dma_start3A_621 = arith.constant 0 : i32
    %dma_start3A_622 = arith.constant 0 : i32
    %dma_start3A_623 = tpu.memref_slice %arg7[%dma_start3A_621, %dma_start3A_622] : memref<8192x512xi32, #tpu.memory_space<hbm>> -> memref<8192x512xi32, #tpu.memory_space<hbm>>
    tpu.enqueue_indirect_dma source(%dma_start3A_623 : memref<8192x512xi32, #tpu.memory_space<hbm>>) target(%arg18 : memref<64x512xi32, #tpu.memory_space<vmem>>) offsets(%dma_start3A_620 : memref<64xi32, #tpu.memory_space<vmem>>) semaphore(%arg20 : memref<!tpu.dma_semaphore, #tpu.memory_space<semaphore_mem>>)
    %dma_wait3A_624 = arith.constant 640 : i32
    %dma_wait3A_625 = tpu.memref_slice %arg14[%dma_wait3A_624] : memref<1024xi32, #tpu.memory_space<vmem>> -> memref<64xi32, #tpu.memory_space<vmem>>
    %dma_wait3A_626 = arith.constant 0 : i32
    %dma_wait3A_627 = arith.constant 0 : i32
    %dma_wait3A_628 = tpu.memref_slice %arg7[%dma_wait3A_626, %dma_wait3A_627] : memref<8192x512xi32, #tpu.memory_space<hbm>> -> memref<8192x512xi32, #tpu.memory_space<hbm>>
    tpu.wait_indirect_dma semaphore(%arg20 : memref<!tpu.dma_semaphore, #tpu.memory_space<semaphore_mem>>) src(%dma_wait3A_628 : memref<8192x512xi32, #tpu.memory_space<hbm>>) dst(%arg18 : memref<64x512xi32, #tpu.memory_space<vmem>>)
    %mul3A_629 = arith.constant 1024 : i32
    %mul3A_630 = arith.muli %add3A_380, %mul3A_629 : i32
    %add3A_631 = arith.constant 640 : i32
    %add3A_632 = arith.addi %mul3A_630, %add3A_631 : i32
    %dma_start3A_633 = arith.constant 0 : i32
    %dma_start3A_634 = tpu.memref_slice %arg11[%add3A_632, %dma_start3A_633] : memref<65536x512xi32, #tpu.memory_space<hbm>> -> memref<64x512xi32, #tpu.memory_space<hbm>>
    %dma_start3A_635 = arith.constant 0 : i32
    %dma_start3A_636 = tpu.memref_slice %arg11[%add3A_632, %dma_start3A_635] : memref<65536x512xi32, #tpu.memory_space<hbm>> -> memref<64x512xi32, #tpu.memory_space<hbm>>
    tpu.enqueue_dma source(%arg18 : memref<64x512xi32, #tpu.memory_space<vmem>>) target(%dma_start3A_636 : memref<64x512xi32, #tpu.memory_space<hbm>>) target_semaphore(%arg21 : memref<!tpu.dma_semaphore, #tpu.memory_space<semaphore_mem>>)
    %dma_wait3A_637 = arith.constant 0 : i32
    %dma_wait3A_638 = tpu.memref_slice %arg11[%add3A_610, %dma_wait3A_637] : memref<65536x512xi32, #tpu.memory_space<hbm>> -> memref<64x512xi32, #tpu.memory_space<hbm>>
    %dma_wait3A_639 = arith.constant 0 : i32
    %dma_wait3A_640 = tpu.memref_slice %arg11[%add3A_610, %dma_wait3A_639] : memref<65536x512xi32, #tpu.memory_space<hbm>> -> memref<64x512xi32, #tpu.memory_space<hbm>>
    tpu.wait_dma2 semaphore(%arg22 : memref<!tpu.dma_semaphore, #tpu.memory_space<semaphore_mem>>) src(%arg19 : memref<64x512xi32, #tpu.memory_space<vmem>>) dst(%dma_wait3A_640 : memref<64x512xi32, #tpu.memory_space<hbm>>)
    %dma_start3A_641 = arith.constant 704 : i32
    %dma_start3A_642 = tpu.memref_slice %arg14[%dma_start3A_641] : memref<1024xi32, #tpu.memory_space<vmem>> -> memref<64xi32, #tpu.memory_space<vmem>>
    %dma_start3A_643 = arith.constant 0 : i32
    %dma_start3A_644 = arith.constant 0 : i32
    %dma_start3A_645 = tpu.memref_slice %arg7[%dma_start3A_643, %dma_start3A_644] : memref<8192x512xi32, #tpu.memory_space<hbm>> -> memref<8192x512xi32, #tpu.memory_space<hbm>>
    tpu.enqueue_indirect_dma source(%dma_start3A_645 : memref<8192x512xi32, #tpu.memory_space<hbm>>) target(%arg19 : memref<64x512xi32, #tpu.memory_space<vmem>>) offsets(%dma_start3A_642 : memref<64xi32, #tpu.memory_space<vmem>>) semaphore(%arg20 : memref<!tpu.dma_semaphore, #tpu.memory_space<semaphore_mem>>)
    %dma_wait3A_646 = arith.constant 704 : i32
    %dma_wait3A_647 = tpu.memref_slice %arg14[%dma_wait3A_646] : memref<1024xi32, #tpu.memory_space<vmem>> -> memref<64xi32, #tpu.memory_space<vmem>>
    %dma_wait3A_648 = arith.constant 0 : i32
    %dma_wait3A_649 = arith.constant 0 : i32
    %dma_wait3A_650 = tpu.memref_slice %arg7[%dma_wait3A_648, %dma_wait3A_649] : memref<8192x512xi32, #tpu.memory_space<hbm>> -> memref<8192x512xi32, #tpu.memory_space<hbm>>
    tpu.wait_indirect_dma semaphore(%arg20 : memref<!tpu.dma_semaphore, #tpu.memory_space<semaphore_mem>>) src(%dma_wait3A_650 : memref<8192x512xi32, #tpu.memory_space<hbm>>) dst(%arg19 : memref<64x512xi32, #tpu.memory_space<vmem>>)
    %mul3A_651 = arith.constant 1024 : i32
    %mul3A_652 = arith.muli %add3A_380, %mul3A_651 : i32
    %add3A_653 = arith.constant 704 : i32
    %add3A_654 = arith.addi %mul3A_652, %add3A_653 : i32
    %dma_start3A_655 = arith.constant 0 : i32
    %dma_start3A_656 = tpu.memref_slice %arg11[%add3A_654, %dma_start3A_655] : memref<65536x512xi32, #tpu.memory_space<hbm>> -> memref<64x512xi32, #tpu.memory_space<hbm>>
    %dma_start3A_657 = arith.constant 0 : i32
    %dma_start3A_658 = tpu.memref_slice %arg11[%add3A_654, %dma_start3A_657] : memref<65536x512xi32, #tpu.memory_space<hbm>> -> memref<64x512xi32, #tpu.memory_space<hbm>>
    tpu.enqueue_dma source(%arg19 : memref<64x512xi32, #tpu.memory_space<vmem>>) target(%dma_start3A_658 : memref<64x512xi32, #tpu.memory_space<hbm>>) target_semaphore(%arg22 : memref<!tpu.dma_semaphore, #tpu.memory_space<semaphore_mem>>)
    %dma_wait3A_659 = arith.constant 0 : i32
    %dma_wait3A_660 = tpu.memref_slice %arg11[%add3A_632, %dma_wait3A_659] : memref<65536x512xi32, #tpu.memory_space<hbm>> -> memref<64x512xi32, #tpu.memory_space<hbm>>
    %dma_wait3A_661 = arith.constant 0 : i32
    %dma_wait3A_662 = tpu.memref_slice %arg11[%add3A_632, %dma_wait3A_661] : memref<65536x512xi32, #tpu.memory_space<hbm>> -> memref<64x512xi32, #tpu.memory_space<hbm>>
    tpu.wait_dma2 semaphore(%arg21 : memref<!tpu.dma_semaphore, #tpu.memory_space<semaphore_mem>>) src(%arg18 : memref<64x512xi32, #tpu.memory_space<vmem>>) dst(%dma_wait3A_662 : memref<64x512xi32, #tpu.memory_space<hbm>>)
    %dma_start3A_663 = arith.constant 768 : i32
    %dma_start3A_664 = tpu.memref_slice %arg14[%dma_start3A_663] : memref<1024xi32, #tpu.memory_space<vmem>> -> memref<64xi32, #tpu.memory_space<vmem>>
    %dma_start3A_665 = arith.constant 0 : i32
    %dma_start3A_666 = arith.constant 0 : i32
    %dma_start3A_667 = tpu.memref_slice %arg7[%dma_start3A_665, %dma_start3A_666] : memref<8192x512xi32, #tpu.memory_space<hbm>> -> memref<8192x512xi32, #tpu.memory_space<hbm>>
    tpu.enqueue_indirect_dma source(%dma_start3A_667 : memref<8192x512xi32, #tpu.memory_space<hbm>>) target(%arg18 : memref<64x512xi32, #tpu.memory_space<vmem>>) offsets(%dma_start3A_664 : memref<64xi32, #tpu.memory_space<vmem>>) semaphore(%arg20 : memref<!tpu.dma_semaphore, #tpu.memory_space<semaphore_mem>>)
    %dma_wait3A_668 = arith.constant 768 : i32
    %dma_wait3A_669 = tpu.memref_slice %arg14[%dma_wait3A_668] : memref<1024xi32, #tpu.memory_space<vmem>> -> memref<64xi32, #tpu.memory_space<vmem>>
    %dma_wait3A_670 = arith.constant 0 : i32
    %dma_wait3A_671 = arith.constant 0 : i32
    %dma_wait3A_672 = tpu.memref_slice %arg7[%dma_wait3A_670, %dma_wait3A_671] : memref<8192x512xi32, #tpu.memory_space<hbm>> -> memref<8192x512xi32, #tpu.memory_space<hbm>>
    tpu.wait_indirect_dma semaphore(%arg20 : memref<!tpu.dma_semaphore, #tpu.memory_space<semaphore_mem>>) src(%dma_wait3A_672 : memref<8192x512xi32, #tpu.memory_space<hbm>>) dst(%arg18 : memref<64x512xi32, #tpu.memory_space<vmem>>)
    %mul3A_673 = arith.constant 1024 : i32
    %mul3A_674 = arith.muli %add3A_380, %mul3A_673 : i32
    %add3A_675 = arith.constant 768 : i32
    %add3A_676 = arith.addi %mul3A_674, %add3A_675 : i32
    %dma_start3A_677 = arith.constant 0 : i32
    %dma_start3A_678 = tpu.memref_slice %arg11[%add3A_676, %dma_start3A_677] : memref<65536x512xi32, #tpu.memory_space<hbm>> -> memref<64x512xi32, #tpu.memory_space<hbm>>
    %dma_start3A_679 = arith.constant 0 : i32
    %dma_start3A_680 = tpu.memref_slice %arg11[%add3A_676, %dma_start3A_679] : memref<65536x512xi32, #tpu.memory_space<hbm>> -> memref<64x512xi32, #tpu.memory_space<hbm>>
    tpu.enqueue_dma source(%arg18 : memref<64x512xi32, #tpu.memory_space<vmem>>) target(%dma_start3A_680 : memref<64x512xi32, #tpu.memory_space<hbm>>) target_semaphore(%arg21 : memref<!tpu.dma_semaphore, #tpu.memory_space<semaphore_mem>>)
    %dma_wait3A_681 = arith.constant 0 : i32
    %dma_wait3A_682 = tpu.memref_slice %arg11[%add3A_654, %dma_wait3A_681] : memref<65536x512xi32, #tpu.memory_space<hbm>> -> memref<64x512xi32, #tpu.memory_space<hbm>>
    %dma_wait3A_683 = arith.constant 0 : i32
    %dma_wait3A_684 = tpu.memref_slice %arg11[%add3A_654, %dma_wait3A_683] : memref<65536x512xi32, #tpu.memory_space<hbm>> -> memref<64x512xi32, #tpu.memory_space<hbm>>
    tpu.wait_dma2 semaphore(%arg22 : memref<!tpu.dma_semaphore, #tpu.memory_space<semaphore_mem>>) src(%arg19 : memref<64x512xi32, #tpu.memory_space<vmem>>) dst(%dma_wait3A_684 : memref<64x512xi32, #tpu.memory_space<hbm>>)
    %dma_start3A_685 = arith.constant 832 : i32
    %dma_start3A_686 = tpu.memref_slice %arg14[%dma_start3A_685] : memref<1024xi32, #tpu.memory_space<vmem>> -> memref<64xi32, #tpu.memory_space<vmem>>
    %dma_start3A_687 = arith.constant 0 : i32
    %dma_start3A_688 = arith.constant 0 : i32
    %dma_start3A_689 = tpu.memref_slice %arg7[%dma_start3A_687, %dma_start3A_688] : memref<8192x512xi32, #tpu.memory_space<hbm>> -> memref<8192x512xi32, #tpu.memory_space<hbm>>
    tpu.enqueue_indirect_dma source(%dma_start3A_689 : memref<8192x512xi32, #tpu.memory_space<hbm>>) target(%arg19 : memref<64x512xi32, #tpu.memory_space<vmem>>) offsets(%dma_start3A_686 : memref<64xi32, #tpu.memory_space<vmem>>) semaphore(%arg20 : memref<!tpu.dma_semaphore, #tpu.memory_space<semaphore_mem>>)
    %dma_wait3A_690 = arith.constant 832 : i32
    %dma_wait3A_691 = tpu.memref_slice %arg14[%dma_wait3A_690] : memref<1024xi32, #tpu.memory_space<vmem>> -> memref<64xi32, #tpu.memory_space<vmem>>
    %dma_wait3A_692 = arith.constant 0 : i32
    %dma_wait3A_693 = arith.constant 0 : i32
    %dma_wait3A_694 = tpu.memref_slice %arg7[%dma_wait3A_692, %dma_wait3A_693] : memref<8192x512xi32, #tpu.memory_space<hbm>> -> memref<8192x512xi32, #tpu.memory_space<hbm>>
    tpu.wait_indirect_dma semaphore(%arg20 : memref<!tpu.dma_semaphore, #tpu.memory_space<semaphore_mem>>) src(%dma_wait3A_694 : memref<8192x512xi32, #tpu.memory_space<hbm>>) dst(%arg19 : memref<64x512xi32, #tpu.memory_space<vmem>>)
    %mul3A_695 = arith.constant 1024 : i32
    %mul3A_696 = arith.muli %add3A_380, %mul3A_695 : i32
    %add3A_697 = arith.constant 832 : i32
    %add3A_698 = arith.addi %mul3A_696, %add3A_697 : i32
    %dma_start3A_699 = arith.constant 0 : i32
    %dma_start3A_700 = tpu.memref_slice %arg11[%add3A_698, %dma_start3A_699] : memref<65536x512xi32, #tpu.memory_space<hbm>> -> memref<64x512xi32, #tpu.memory_space<hbm>>
    %dma_start3A_701 = arith.constant 0 : i32
    %dma_start3A_702 = tpu.memref_slice %arg11[%add3A_698, %dma_start3A_701] : memref<65536x512xi32, #tpu.memory_space<hbm>> -> memref<64x512xi32, #tpu.memory_space<hbm>>
    tpu.enqueue_dma source(%arg19 : memref<64x512xi32, #tpu.memory_space<vmem>>) target(%dma_start3A_702 : memref<64x512xi32, #tpu.memory_space<hbm>>) target_semaphore(%arg22 : memref<!tpu.dma_semaphore, #tpu.memory_space<semaphore_mem>>)
    %dma_wait3A_703 = arith.constant 0 : i32
    %dma_wait3A_704 = tpu.memref_slice %arg11[%add3A_676, %dma_wait3A_703] : memref<65536x512xi32, #tpu.memory_space<hbm>> -> memref<64x512xi32, #tpu.memory_space<hbm>>
    %dma_wait3A_705 = arith.constant 0 : i32
    %dma_wait3A_706 = tpu.memref_slice %arg11[%add3A_676, %dma_wait3A_705] : memref<65536x512xi32, #tpu.memory_space<hbm>> -> memref<64x512xi32, #tpu.memory_space<hbm>>
    tpu.wait_dma2 semaphore(%arg21 : memref<!tpu.dma_semaphore, #tpu.memory_space<semaphore_mem>>) src(%arg18 : memref<64x512xi32, #tpu.memory_space<vmem>>) dst(%dma_wait3A_706 : memref<64x512xi32, #tpu.memory_space<hbm>>)
    %dma_start3A_707 = arith.constant 896 : i32
    %dma_start3A_708 = tpu.memref_slice %arg14[%dma_start3A_707] : memref<1024xi32, #tpu.memory_space<vmem>> -> memref<64xi32, #tpu.memory_space<vmem>>
    %dma_start3A_709 = arith.constant 0 : i32
    %dma_start3A_710 = arith.constant 0 : i32
    %dma_start3A_711 = tpu.memref_slice %arg7[%dma_start3A_709, %dma_start3A_710] : memref<8192x512xi32, #tpu.memory_space<hbm>> -> memref<8192x512xi32, #tpu.memory_space<hbm>>
    tpu.enqueue_indirect_dma source(%dma_start3A_711 : memref<8192x512xi32, #tpu.memory_space<hbm>>) target(%arg18 : memref<64x512xi32, #tpu.memory_space<vmem>>) offsets(%dma_start3A_708 : memref<64xi32, #tpu.memory_space<vmem>>) semaphore(%arg20 : memref<!tpu.dma_semaphore, #tpu.memory_space<semaphore_mem>>)
    %dma_wait3A_712 = arith.constant 896 : i32
    %dma_wait3A_713 = tpu.memref_slice %arg14[%dma_wait3A_712] : memref<1024xi32, #tpu.memory_space<vmem>> -> memref<64xi32, #tpu.memory_space<vmem>>
    %dma_wait3A_714 = arith.constant 0 : i32
    %dma_wait3A_715 = arith.constant 0 : i32
    %dma_wait3A_716 = tpu.memref_slice %arg7[%dma_wait3A_714, %dma_wait3A_715] : memref<8192x512xi32, #tpu.memory_space<hbm>> -> memref<8192x512xi32, #tpu.memory_space<hbm>>
    tpu.wait_indirect_dma semaphore(%arg20 : memref<!tpu.dma_semaphore, #tpu.memory_space<semaphore_mem>>) src(%dma_wait3A_716 : memref<8192x512xi32, #tpu.memory_space<hbm>>) dst(%arg18 : memref<64x512xi32, #tpu.memory_space<vmem>>)
    %mul3A_717 = arith.constant 1024 : i32
    %mul3A_718 = arith.muli %add3A_380, %mul3A_717 : i32
    %add3A_719 = arith.constant 896 : i32
    %add3A_720 = arith.addi %mul3A_718, %add3A_719 : i32
    %dma_start3A_721 = arith.constant 0 : i32
    %dma_start3A_722 = tpu.memref_slice %arg11[%add3A_720, %dma_start3A_721] : memref<65536x512xi32, #tpu.memory_space<hbm>> -> memref<64x512xi32, #tpu.memory_space<hbm>>
    %dma_start3A_723 = arith.constant 0 : i32
    %dma_start3A_724 = tpu.memref_slice %arg11[%add3A_720, %dma_start3A_723] : memref<65536x512xi32, #tpu.memory_space<hbm>> -> memref<64x512xi32, #tpu.memory_space<hbm>>
    tpu.enqueue_dma source(%arg18 : memref<64x512xi32, #tpu.memory_space<vmem>>) target(%dma_start3A_724 : memref<64x512xi32, #tpu.memory_space<hbm>>) target_semaphore(%arg21 : memref<!tpu.dma_semaphore, #tpu.memory_space<semaphore_mem>>)
    %dma_wait3A_725 = arith.constant 0 : i32
    %dma_wait3A_726 = tpu.memref_slice %arg11[%add3A_698, %dma_wait3A_725] : memref<65536x512xi32, #tpu.memory_space<hbm>> -> memref<64x512xi32, #tpu.memory_space<hbm>>
    %dma_wait3A_727 = arith.constant 0 : i32
    %dma_wait3A_728 = tpu.memref_slice %arg11[%add3A_698, %dma_wait3A_727] : memref<65536x512xi32, #tpu.memory_space<hbm>> -> memref<64x512xi32, #tpu.memory_space<hbm>>
    tpu.wait_dma2 semaphore(%arg22 : memref<!tpu.dma_semaphore, #tpu.memory_space<semaphore_mem>>) src(%arg19 : memref<64x512xi32, #tpu.memory_space<vmem>>) dst(%dma_wait3A_728 : memref<64x512xi32, #tpu.memory_space<hbm>>)
    %dma_start3A_729 = arith.constant 960 : i32
    %dma_start3A_730 = tpu.memref_slice %arg14[%dma_start3A_729] : memref<1024xi32, #tpu.memory_space<vmem>> -> memref<64xi32, #tpu.memory_space<vmem>>
    %dma_start3A_731 = arith.constant 0 : i32
    %dma_start3A_732 = arith.constant 0 : i32
    %dma_start3A_733 = tpu.memref_slice %arg7[%dma_start3A_731, %dma_start3A_732] : memref<8192x512xi32, #tpu.memory_space<hbm>> -> memref<8192x512xi32, #tpu.memory_space<hbm>>
    tpu.enqueue_indirect_dma source(%dma_start3A_733 : memref<8192x512xi32, #tpu.memory_space<hbm>>) target(%arg19 : memref<64x512xi32, #tpu.memory_space<vmem>>) offsets(%dma_start3A_730 : memref<64xi32, #tpu.memory_space<vmem>>) semaphore(%arg20 : memref<!tpu.dma_semaphore, #tpu.memory_space<semaphore_mem>>)
    %dma_wait3A_734 = arith.constant 960 : i32
    %dma_wait3A_735 = tpu.memref_slice %arg14[%dma_wait3A_734] : memref<1024xi32, #tpu.memory_space<vmem>> -> memref<64xi32, #tpu.memory_space<vmem>>
    %dma_wait3A_736 = arith.constant 0 : i32
    %dma_wait3A_737 = arith.constant 0 : i32
    %dma_wait3A_738 = tpu.memref_slice %arg7[%dma_wait3A_736, %dma_wait3A_737] : memref<8192x512xi32, #tpu.memory_space<hbm>> -> memref<8192x512xi32, #tpu.memory_space<hbm>>
    tpu.wait_indirect_dma semaphore(%arg20 : memref<!tpu.dma_semaphore, #tpu.memory_space<semaphore_mem>>) src(%dma_wait3A_738 : memref<8192x512xi32, #tpu.memory_space<hbm>>) dst(%arg19 : memref<64x512xi32, #tpu.memory_space<vmem>>)
    %mul3A_739 = arith.constant 1024 : i32
    %mul3A_740 = arith.muli %add3A_380, %mul3A_739 : i32
    %add3A_741 = arith.constant 960 : i32
    %add3A_742 = arith.addi %mul3A_740, %add3A_741 : i32
    %dma_start3A_743 = arith.constant 0 : i32
    %dma_start3A_744 = tpu.memref_slice %arg11[%add3A_742, %dma_start3A_743] : memref<65536x512xi32, #tpu.memory_space<hbm>> -> memref<64x512xi32, #tpu.memory_space<hbm>>
    %dma_start3A_745 = arith.constant 0 : i32
    %dma_start3A_746 = tpu.memref_slice %arg11[%add3A_742, %dma_start3A_745] : memref<65536x512xi32, #tpu.memory_space<hbm>> -> memref<64x512xi32, #tpu.memory_space<hbm>>
    tpu.enqueue_dma source(%arg19 : memref<64x512xi32, #tpu.memory_space<vmem>>) target(%dma_start3A_746 : memref<64x512xi32, #tpu.memory_space<hbm>>) target_semaphore(%arg22 : memref<!tpu.dma_semaphore, #tpu.memory_space<semaphore_mem>>)
    %dma_wait3A_747 = arith.constant 0 : i32
    %dma_wait3A_748 = tpu.memref_slice %arg11[%add3A_720, %dma_wait3A_747] : memref<65536x512xi32, #tpu.memory_space<hbm>> -> memref<64x512xi32, #tpu.memory_space<hbm>>
    %dma_wait3A_749 = arith.constant 0 : i32
    %dma_wait3A_750 = tpu.memref_slice %arg11[%add3A_720, %dma_wait3A_749] : memref<65536x512xi32, #tpu.memory_space<hbm>> -> memref<64x512xi32, #tpu.memory_space<hbm>>
    tpu.wait_dma2 semaphore(%arg21 : memref<!tpu.dma_semaphore, #tpu.memory_space<semaphore_mem>>) src(%arg18 : memref<64x512xi32, #tpu.memory_space<vmem>>) dst(%dma_wait3A_750 : memref<64x512xi32, #tpu.memory_space<hbm>>)
    %dma_wait3A_751 = arith.constant 0 : i32
    %dma_wait3A_752 = tpu.memref_slice %arg11[%add3A_742, %dma_wait3A_751] : memref<65536x512xi32, #tpu.memory_space<hbm>> -> memref<64x512xi32, #tpu.memory_space<hbm>>
    %dma_wait3A_753 = arith.constant 0 : i32
    %dma_wait3A_754 = tpu.memref_slice %arg11[%add3A_742, %dma_wait3A_753] : memref<65536x512xi32, #tpu.memory_space<hbm>> -> memref<64x512xi32, #tpu.memory_space<hbm>>
    tpu.wait_dma2 semaphore(%arg22 : memref<!tpu.dma_semaphore, #tpu.memory_space<semaphore_mem>>) src(%arg19 : memref<64x512xi32, #tpu.memory_space<vmem>>) dst(%dma_wait3A_754 : memref<64x512xi32, #tpu.memory_space<hbm>>)
    %mul3A_755 = arith.constant 8192 : i32
    %mul3A_756 = arith.muli %add3A, %mul3A_755 : i32
    "tpu.region"() ({
      %run_scoped3A = tpu.sem_alloc : memref<!tpu.dma_semaphore, #tpu.memory_space<semaphore_mem>>
      %dma_start3A_757 = tpu.memref_slice %arg10[%mul3A_756] : memref<262144xf32, #tpu.memory_space<hbm>> -> memref<8192xf32, #tpu.memory_space<hbm>>
      %dma_start3A_758 = tpu.memref_slice %arg10[%mul3A_756] : memref<262144xf32, #tpu.memory_space<hbm>> -> memref<8192xf32, #tpu.memory_space<hbm>>
      tpu.enqueue_dma source(%arg17 : memref<8192xf32, #tpu.memory_space<vmem>>) target(%dma_start3A_758 : memref<8192xf32, #tpu.memory_space<hbm>>) target_semaphore(%run_scoped3A : memref<!tpu.dma_semaphore, #tpu.memory_space<semaphore_mem>>)
      %dma_wait3A_759 = tpu.memref_slice %arg10[%mul3A_756] : memref<262144xf32, #tpu.memory_space<hbm>> -> memref<8192xf32, #tpu.memory_space<hbm>>
      %dma_wait3A_760 = tpu.memref_slice %arg10[%mul3A_756] : memref<262144xf32, #tpu.memory_space<hbm>> -> memref<8192xf32, #tpu.memory_space<hbm>>
      tpu.wait_dma2 semaphore(%run_scoped3A : memref<!tpu.dma_semaphore, #tpu.memory_space<semaphore_mem>>) src(%arg17 : memref<8192xf32, #tpu.memory_space<vmem>>) dst(%dma_wait3A_760 : memref<8192xf32, #tpu.memory_space<hbm>>)
      tpu.yield
    }) : () -> ()
    return
  }
}

#map = affine_map<(d0, d1) -> (0)>
module attributes {stable_mosaic.version = 14 : i64} {
  func.func @compact_k(%arg0: i32, %arg1: i32, %arg2: memref<524288xi32, #tpu.memory_space<hbm>>, %arg3: memref<1024xi32, #tpu.memory_space<hbm>>, %arg4: memref<73728xi32, #tpu.memory_space<hbm>>, %arg5: memref<73728xi32, #tpu.memory_space<hbm>>, %arg6: memref<8192xi32, #tpu.memory_space<vmem>>, %arg7: memref<16xi32, #tpu.memory_space<vmem>>, %arg8: memref<1152xi32, #tpu.memory_space<vmem>>, %arg9: memref<1152xi32, #tpu.memory_space<vmem>>) attributes {dimension_semantics = [#tpu.dimension_semantics<core_parallel>, #tpu.dimension_semantics<subcore_parallel>], iteration_bounds = array<i64: 2, 16>, scalar_prefetch = 0 : i64, scratch_operands = 4 : i64, tpu.core_type = #tpu.core_type<sc_vector_subcore>, window_params = [{transform_indices = #map}, {transform_indices = #map}, {transform_indices = #map}, {transform_indices = #map}]} {
    %mul3A = arith.constant 2 : i32
    %mul3A_0 = arith.muli %arg1, %mul3A : i32
    %add3A = arith.addi %mul3A_0, %arg0 : i32
    %mul3A_1 = arith.constant 2 : i32
    %mul3A_2 = arith.muli %add3A, %mul3A_1 : i32
    %add3A_3 = arith.constant 0 : i32
    %add3A_4 = arith.addi %mul3A_2, %add3A_3 : i32
    %mul3A_5 = arith.constant 8192 : i32
    %mul3A_6 = arith.muli %add3A_4, %mul3A_5 : i32
    "tpu.region"() ({
      %run_scoped3A = tpu.sem_alloc : memref<!tpu.dma_semaphore, #tpu.memory_space<semaphore_mem>>
      %dma_start3A = tpu.memref_slice %arg2[%mul3A_6] : memref<524288xi32, #tpu.memory_space<hbm>> -> memref<8192xi32, #tpu.memory_space<hbm>>
      %dma_start3A_53 = tpu.memref_slice %arg2[%mul3A_6] : memref<524288xi32, #tpu.memory_space<hbm>> -> memref<8192xi32, #tpu.memory_space<hbm>>
      tpu.enqueue_dma source(%dma_start3A_53 : memref<8192xi32, #tpu.memory_space<hbm>>) target(%arg6 : memref<8192xi32, #tpu.memory_space<vmem>>) target_semaphore(%run_scoped3A : memref<!tpu.dma_semaphore, #tpu.memory_space<semaphore_mem>>)
      %dma_wait3A = tpu.memref_slice %arg2[%mul3A_6] : memref<524288xi32, #tpu.memory_space<hbm>> -> memref<8192xi32, #tpu.memory_space<hbm>>
      %dma_wait3A_54 = tpu.memref_slice %arg2[%mul3A_6] : memref<524288xi32, #tpu.memory_space<hbm>> -> memref<8192xi32, #tpu.memory_space<hbm>>
      tpu.wait_dma2 semaphore(%run_scoped3A : memref<!tpu.dma_semaphore, #tpu.memory_space<semaphore_mem>>) src(%dma_wait3A_54 : memref<8192xi32, #tpu.memory_space<hbm>>) dst(%arg6 : memref<8192xi32, #tpu.memory_space<vmem>>)
      tpu.yield
    }) : () -> ()
    %mul3A_7 = arith.constant 16 : i32
    %mul3A_8 = arith.muli %add3A_4, %mul3A_7 : i32
    "tpu.region"() ({
      %run_scoped3A = tpu.sem_alloc : memref<!tpu.dma_semaphore, #tpu.memory_space<semaphore_mem>>
      %dma_start3A = tpu.memref_slice %arg3[%mul3A_8] : memref<1024xi32, #tpu.memory_space<hbm>> -> memref<16xi32, #tpu.memory_space<hbm>>
      %dma_start3A_53 = tpu.memref_slice %arg3[%mul3A_8] : memref<1024xi32, #tpu.memory_space<hbm>> -> memref<16xi32, #tpu.memory_space<hbm>>
      tpu.enqueue_dma source(%dma_start3A_53 : memref<16xi32, #tpu.memory_space<hbm>>) target(%arg7 : memref<16xi32, #tpu.memory_space<vmem>>) target_semaphore(%run_scoped3A : memref<!tpu.dma_semaphore, #tpu.memory_space<semaphore_mem>>)
      %dma_wait3A = tpu.memref_slice %arg3[%mul3A_8] : memref<1024xi32, #tpu.memory_space<hbm>> -> memref<16xi32, #tpu.memory_space<hbm>>
      %dma_wait3A_54 = tpu.memref_slice %arg3[%mul3A_8] : memref<1024xi32, #tpu.memory_space<hbm>> -> memref<16xi32, #tpu.memory_space<hbm>>
      tpu.wait_dma2 semaphore(%run_scoped3A : memref<!tpu.dma_semaphore, #tpu.memory_space<semaphore_mem>>) src(%dma_wait3A_54 : memref<16xi32, #tpu.memory_space<hbm>>) dst(%arg7 : memref<16xi32, #tpu.memory_space<vmem>>)
      tpu.yield
    }) : () -> ()
    %get3A = arith.constant 0 : index
    %get3A_9 = tpu.vector_load %arg7[%get3A] {strides = array<i32>} : memref<16xi32, #tpu.memory_space<vmem>>, vector<16xi32>,
    %scan3A = arith.constant 0 : i32
    %scan3A_10 = arith.constant 0 : i32
    %scan3A_11 = arith.constant 72 : i32
    %scan3A_12 = arith.addi %scan3A_10, %scan3A_11 : i32
    %scan3A_13 = arith.constant 1 : i32
    scf.for %scan3A_53 = %scan3A_10 to %scan3A_12 step %scan3A_13  : i32 {
      %broadcast_in_dim3A = arith.constant -2147483648 : i32
      %broadcast_in_dim3A_54 = vector.broadcast %broadcast_in_dim3A : i32 to vector<16xi32>
      %mul3A_55 = arith.constant 16 : i32
      %mul3A_56 = arith.muli %scan3A_53, %mul3A_55 : i32
      %swap3A = arith.index_cast %mul3A_56 : i32 to index
      %swap3A_57 = tpu.vector_load %arg8[%swap3A] {strides = array<i32>} : memref<1152xi32, #tpu.memory_space<vmem>>, vector<16xi32>,
      tpu.vector_store %arg8[%swap3A], %broadcast_in_dim3A_54 {strides = array<i32>} : memref<1152xi32, #tpu.memory_space<vmem>>, vector<16xi32>,
      %broadcast_in_dim3A_58 = arith.constant 2147483647 : i32
      %broadcast_in_dim3A_59 = vector.broadcast %broadcast_in_dim3A_58 : i32 to vector<16xi32>
      %mul3A_60 = arith.constant 16 : i32
      %mul3A_61 = arith.muli %scan3A_53, %mul3A_60 : i32
      %swap3A_62 = arith.index_cast %mul3A_61 : i32 to index
      %swap3A_63 = tpu.vector_load %arg9[%swap3A_62] {strides = array<i32>} : memref<1152xi32, #tpu.memory_space<vmem>>, vector<16xi32>,
      tpu.vector_store %arg9[%swap3A_62], %broadcast_in_dim3A_59 {strides = array<i32>} : memref<1152xi32, #tpu.memory_space<vmem>>, vector<16xi32>,
    }
    %scan3A_14 = arith.constant 72 : i32
    %scan3A_15 = arith.constant 0 : i32
    %scan3A_16 = arith.constant 0 : i32
    %scan3A_17 = arith.constant 512 : i32
    %scan3A_18 = arith.addi %scan3A_16, %scan3A_17 : i32
    %scan3A_19 = arith.constant 1 : i32
    %scan3A_20 = scf.for %scan3A_53 = %scan3A_16 to %scan3A_18 step %scan3A_19 iter_args(%scan3A_54 = %scan3A_15) -> (i32)  : i32 {
      %mul3A_55 = arith.constant 16 : i32
      %mul3A_56 = arith.muli %scan3A_53, %mul3A_55 : i32
      %get3A_57 = arith.index_cast %mul3A_56 : i32 to index
      %get3A_58 = tpu.vector_load %arg6[%get3A_57] {strides = array<i32>} : memref<8192xi32, #tpu.memory_space<vmem>>, vector<16xi32>,
      %ge3A = arith.cmpi sge, %get3A_58, %get3A_9 : vector<16xi32>
      %lt3A = arith.constant 1136 : i32
      %lt3A_59 = arith.cmpi slt, %scan3A_54, %lt3A : i32
      %and3A = vector.broadcast %lt3A_59 : i1 to vector<16xi1>
      %and3A_60 = arith.andi %ge3A, %and3A : vector<16xi1>
      %iota3A = tpu.iota {dimensions = array<i32: 0>} : vector<16xi32>
      %mul3A_61 = arith.constant 16 : i32
      %mul3A_62 = arith.muli %scan3A_53, %mul3A_61 : i32
      %add3A_63 = vector.broadcast %mul3A_62 : i32 to vector<16xi32>
      %add3A_64 = arith.addi %iota3A, %add3A_63 : vector<16xi32>
      %convert_element_type3A = arith.extui %and3A_60 : vector<16xi1> to vector<16xi32>
      %broadcast_in_dim3A = arith.constant true
      %broadcast_in_dim3A_65 = vector.broadcast %broadcast_in_dim3A : i1 to vector<16xi1>
      %masked_cumsum3A = tpu.scan <sum>, %convert_element_type3A masked %broadcast_in_dim3A_65 : vector<16xi32>, vector<16xi1> -> vector<16xi32>
      %add3A_66 = vector.broadcast %scan3A_54 : i32 to vector<16xi32>
      %add3A_67 = arith.addi %add3A_66, %masked_cumsum3A : vector<16xi32>
      %sub3A = arith.constant 1 : i32
      %sub3A_68 = vector.broadcast %sub3A : i32 to vector<16xi32>
      %sub3A_69 = arith.subi %add3A_67, %sub3A_68 : vector<16xi32>
      tpu.vector_store_idx %arg8[%sub3A_69], %get3A_58 masked %and3A_60 : memref<1152xi32, #tpu.memory_space<vmem>>[vector<16xi32>], vector<16xi32>, vector<16xi1>
      tpu.vector_store_idx %arg9[%sub3A_69], %add3A_64 masked %and3A_60 : memref<1152xi32, #tpu.memory_space<vmem>>[vector<16xi32>], vector<16xi32>, vector<16xi1>
      %reduce_max3A = arith.constant true
      %reduce_max3A_70 = vector.broadcast %reduce_max3A : i1 to vector<16xi1>
      %reduce_max3A_71 = arith.constant -2147483648 : i32
      %reduce_max3A_72 = vector.broadcast %reduce_max3A_71 : i32 to vector<16xi32>
      %reduce_max3A_73 = arith.xori %masked_cumsum3A, %reduce_max3A_72 : vector<16xi32>
      %reduce_max3A_74 = tpu.scan <max>, %reduce_max3A_73 masked %reduce_max3A_70 : vector<16xi32>, vector<16xi1> -> vector<16xi32>
      %reduce_max3A_75 = arith.xori %reduce_max3A_74, %reduce_max3A_72 : vector<16xi32>
      %reduce_max3A_76 = vector.extract %reduce_max3A_75[15] : i32 from vector<16xi32>
      %add3A_77 = arith.addi %scan3A_54, %reduce_max3A_76 : i32
      scf.yield %add3A_77 : i32
    }
    %scan3A_21 = arith.constant 512 : i32
    %mul3A_22 = arith.constant 1152 : i32
    %mul3A_23 = arith.muli %add3A_4, %mul3A_22 : i32
    "tpu.region"() ({
      %run_scoped3A = tpu.sem_alloc : memref<!tpu.dma_semaphore, #tpu.memory_space<semaphore_mem>>
      %dma_start3A = tpu.memref_slice %arg4[%mul3A_23] : memref<73728xi32, #tpu.memory_space<hbm>> -> memref<1152xi32, #tpu.memory_space<hbm>>
      %dma_start3A_53 = tpu.memref_slice %arg4[%mul3A_23] : memref<73728xi32, #tpu.memory_space<hbm>> -> memref<1152xi32, #tpu.memory_space<hbm>>
      tpu.enqueue_dma source(%arg8 : memref<1152xi32, #tpu.memory_space<vmem>>) target(%dma_start3A_53 : memref<1152xi32, #tpu.memory_space<hbm>>) target_semaphore(%run_scoped3A : memref<!tpu.dma_semaphore, #tpu.memory_space<semaphore_mem>>)
      %dma_wait3A = tpu.memref_slice %arg4[%mul3A_23] : memref<73728xi32, #tpu.memory_space<hbm>> -> memref<1152xi32, #tpu.memory_space<hbm>>
      %dma_wait3A_54 = tpu.memref_slice %arg4[%mul3A_23] : memref<73728xi32, #tpu.memory_space<hbm>> -> memref<1152xi32, #tpu.memory_space<hbm>>
      tpu.wait_dma2 semaphore(%run_scoped3A : memref<!tpu.dma_semaphore, #tpu.memory_space<semaphore_mem>>) src(%arg8 : memref<1152xi32, #tpu.memory_space<vmem>>) dst(%dma_wait3A_54 : memref<1152xi32, #tpu.memory_space<hbm>>)
      tpu.yield
    }) : () -> ()
    %mul3A_24 = arith.constant 1152 : i32
    %mul3A_25 = arith.muli %add3A_4, %mul3A_24 : i32
    "tpu.region"() ({
      %run_scoped3A = tpu.sem_alloc : memref<!tpu.dma_semaphore, #tpu.memory_space<semaphore_mem>>
      %dma_start3A = tpu.memref_slice %arg5[%mul3A_25] : memref<73728xi32, #tpu.memory_space<hbm>> -> memref<1152xi32, #tpu.memory_space<hbm>>
      %dma_start3A_53 = tpu.memref_slice %arg5[%mul3A_25] : memref<73728xi32, #tpu.memory_space<hbm>> -> memref<1152xi32, #tpu.memory_space<hbm>>
      tpu.enqueue_dma source(%arg9 : memref<1152xi32, #tpu.memory_space<vmem>>) target(%dma_start3A_53 : memref<1152xi32, #tpu.memory_space<hbm>>) target_semaphore(%run_scoped3A : memref<!tpu.dma_semaphore, #tpu.memory_space<semaphore_mem>>)
      %dma_wait3A = tpu.memref_slice %arg5[%mul3A_25] : memref<73728xi32, #tpu.memory_space<hbm>> -> memref<1152xi32, #tpu.memory_space<hbm>>
      %dma_wait3A_54 = tpu.memref_slice %arg5[%mul3A_25] : memref<73728xi32, #tpu.memory_space<hbm>> -> memref<1152xi32, #tpu.memory_space<hbm>>
      tpu.wait_dma2 semaphore(%run_scoped3A : memref<!tpu.dma_semaphore, #tpu.memory_space<semaphore_mem>>) src(%arg9 : memref<1152xi32, #tpu.memory_space<vmem>>) dst(%dma_wait3A_54 : memref<1152xi32, #tpu.memory_space<hbm>>)
      tpu.yield
    }) : () -> ()
    %mul3A_26 = arith.constant 2 : i32
    %mul3A_27 = arith.muli %add3A, %mul3A_26 : i32
    %add3A_28 = arith.constant 1 : i32
    %add3A_29 = arith.addi %mul3A_27, %add3A_28 : i32
    %mul3A_30 = arith.constant 8192 : i32
    %mul3A_31 = arith.muli %add3A_29, %mul3A_30 : i32
    "tpu.region"() ({
      %run_scoped3A = tpu.sem_alloc : memref<!tpu.dma_semaphore, #tpu.memory_space<semaphore_mem>>
      %dma_start3A = tpu.memref_slice %arg2[%mul3A_31] : memref<524288xi32, #tpu.memory_space<hbm>> -> memref<8192xi32, #tpu.memory_space<hbm>>
      %dma_start3A_53 = tpu.memref_slice %arg2[%mul3A_31] : memref<524288xi32, #tpu.memory_space<hbm>> -> memref<8192xi32, #tpu.memory_space<hbm>>
      tpu.enqueue_dma source(%dma_start3A_53 : memref<8192xi32, #tpu.memory_space<hbm>>) target(%arg6 : memref<8192xi32, #tpu.memory_space<vmem>>) target_semaphore(%run_scoped3A : memref<!tpu.dma_semaphore, #tpu.memory_space<semaphore_mem>>)
      %dma_wait3A = tpu.memref_slice %arg2[%mul3A_31] : memref<524288xi32, #tpu.memory_space<hbm>> -> memref<8192xi32, #tpu.memory_space<hbm>>
      %dma_wait3A_54 = tpu.memref_slice %arg2[%mul3A_31] : memref<524288xi32, #tpu.memory_space<hbm>> -> memref<8192xi32, #tpu.memory_space<hbm>>
      tpu.wait_dma2 semaphore(%run_scoped3A : memref<!tpu.dma_semaphore, #tpu.memory_space<semaphore_mem>>) src(%dma_wait3A_54 : memref<8192xi32, #tpu.memory_space<hbm>>) dst(%arg6 : memref<8192xi32, #tpu.memory_space<vmem>>)
      tpu.yield
    }) : () -> ()
    %mul3A_32 = arith.constant 16 : i32
    %mul3A_33 = arith.muli %add3A_29, %mul3A_32 : i32
    "tpu.region"() ({
      %run_scoped3A = tpu.sem_alloc : memref<!tpu.dma_semaphore, #tpu.memory_space<semaphore_mem>>
      %dma_start3A = tpu.memref_slice %arg3[%mul3A_33] : memref<1024xi32, #tpu.memory_space<hbm>> -> memref<16xi32, #tpu.memory_space<hbm>>
      %dma_start3A_53 = tpu.memref_slice %arg3[%mul3A_33] : memref<1024xi32, #tpu.memory_space<hbm>> -> memref<16xi32, #tpu.memory_space<hbm>>
      tpu.enqueue_dma source(%dma_start3A_53 : memref<16xi32, #tpu.memory_space<hbm>>) target(%arg7 : memref<16xi32, #tpu.memory_space<vmem>>) target_semaphore(%run_scoped3A : memref<!tpu.dma_semaphore, #tpu.memory_space<semaphore_mem>>)
      %dma_wait3A = tpu.memref_slice %arg3[%mul3A_33] : memref<1024xi32, #tpu.memory_space<hbm>> -> memref<16xi32, #tpu.memory_space<hbm>>
      %dma_wait3A_54 = tpu.memref_slice %arg3[%mul3A_33] : memref<1024xi32, #tpu.memory_space<hbm>> -> memref<16xi32, #tpu.memory_space<hbm>>
      tpu.wait_dma2 semaphore(%run_scoped3A : memref<!tpu.dma_semaphore, #tpu.memory_space<semaphore_mem>>) src(%dma_wait3A_54 : memref<16xi32, #tpu.memory_space<hbm>>) dst(%arg7 : memref<16xi32, #tpu.memory_space<vmem>>)
      tpu.yield
    }) : () -> ()
    %get3A_34 = arith.constant 0 : index
    %get3A_35 = tpu.vector_load %arg7[%get3A_34] {strides = array<i32>} : memref<16xi32, #tpu.memory_space<vmem>>, vector<16xi32>,
    %scan3A_36 = arith.constant 0 : i32
    %scan3A_37 = arith.constant 0 : i32
    %scan3A_38 = arith.constant 72 : i32
    %scan3A_39 = arith.addi %scan3A_37, %scan3A_38 : i32
    %scan3A_40 = arith.constant 1 : i32
    scf.for %scan3A_53 = %scan3A_37 to %scan3A_39 step %scan3A_40  : i32 {
      %broadcast_in_dim3A = arith.constant -2147483648 : i32
      %broadcast_in_dim3A_54 = vector.broadcast %broadcast_in_dim3A : i32 to vector<16xi32>
      %mul3A_55 = arith.constant 16 : i32
      %mul3A_56 = arith.muli %scan3A_53, %mul3A_55 : i32
      %swap3A = arith.index_cast %mul3A_56 : i32 to index
      %swap3A_57 = tpu.vector_load %arg8[%swap3A] {strides = array<i32>} : memref<1152xi32, #tpu.memory_space<vmem>>, vector<16xi32>,
      tpu.vector_store %arg8[%swap3A], %broadcast_in_dim3A_54 {strides = array<i32>} : memref<1152xi32, #tpu.memory_space<vmem>>, vector<16xi32>,
      %broadcast_in_dim3A_58 = arith.constant 2147483647 : i32
      %broadcast_in_dim3A_59 = vector.broadcast %broadcast_in_dim3A_58 : i32 to vector<16xi32>
      %mul3A_60 = arith.constant 16 : i32
      %mul3A_61 = arith.muli %scan3A_53, %mul3A_60 : i32
      %swap3A_62 = arith.index_cast %mul3A_61 : i32 to index
      %swap3A_63 = tpu.vector_load %arg9[%swap3A_62] {strides = array<i32>} : memref<1152xi32, #tpu.memory_space<vmem>>, vector<16xi32>,
      tpu.vector_store %arg9[%swap3A_62], %broadcast_in_dim3A_59 {strides = array<i32>} : memref<1152xi32, #tpu.memory_space<vmem>>, vector<16xi32>,
    }
    %scan3A_41 = arith.constant 72 : i32
    %scan3A_42 = arith.constant 0 : i32
    %scan3A_43 = arith.constant 0 : i32
    %scan3A_44 = arith.constant 512 : i32
    %scan3A_45 = arith.addi %scan3A_43, %scan3A_44 : i32
    %scan3A_46 = arith.constant 1 : i32
    %scan3A_47 = scf.for %scan3A_53 = %scan3A_43 to %scan3A_45 step %scan3A_46 iter_args(%scan3A_54 = %scan3A_42) -> (i32)  : i32 {
      %mul3A_55 = arith.constant 16 : i32
      %mul3A_56 = arith.muli %scan3A_53, %mul3A_55 : i32
      %get3A_57 = arith.index_cast %mul3A_56 : i32 to index
      %get3A_58 = tpu.vector_load %arg6[%get3A_57] {strides = array<i32>} : memref<8192xi32, #tpu.memory_space<vmem>>, vector<16xi32>,
      %ge3A = arith.cmpi sge, %get3A_58, %get3A_35 : vector<16xi32>
      %lt3A = arith.constant 1136 : i32
      %lt3A_59 = arith.cmpi slt, %scan3A_54, %lt3A : i32
      %and3A = vector.broadcast %lt3A_59 : i1 to vector<16xi1>
      %and3A_60 = arith.andi %ge3A, %and3A : vector<16xi1>
      %iota3A = tpu.iota {dimensions = array<i32: 0>} : vector<16xi32>
      %mul3A_61 = arith.constant 16 : i32
      %mul3A_62 = arith.muli %scan3A_53, %mul3A_61 : i32
      %add3A_63 = vector.broadcast %mul3A_62 : i32 to vector<16xi32>
      %add3A_64 = arith.addi %iota3A, %add3A_63 : vector<16xi32>
      %convert_element_type3A = arith.extui %and3A_60 : vector<16xi1> to vector<16xi32>
      %broadcast_in_dim3A = arith.constant true
      %broadcast_in_dim3A_65 = vector.broadcast %broadcast_in_dim3A : i1 to vector<16xi1>
      %masked_cumsum3A = tpu.scan <sum>, %convert_element_type3A masked %broadcast_in_dim3A_65 : vector<16xi32>, vector<16xi1> -> vector<16xi32>
      %add3A_66 = vector.broadcast %scan3A_54 : i32 to vector<16xi32>
      %add3A_67 = arith.addi %add3A_66, %masked_cumsum3A : vector<16xi32>
      %sub3A = arith.constant 1 : i32
      %sub3A_68 = vector.broadcast %sub3A : i32 to vector<16xi32>
      %sub3A_69 = arith.subi %add3A_67, %sub3A_68 : vector<16xi32>
      tpu.vector_store_idx %arg8[%sub3A_69], %get3A_58 masked %and3A_60 : memref<1152xi32, #tpu.memory_space<vmem>>[vector<16xi32>], vector<16xi32>, vector<16xi1>
      tpu.vector_store_idx %arg9[%sub3A_69], %add3A_64 masked %and3A_60 : memref<1152xi32, #tpu.memory_space<vmem>>[vector<16xi32>], vector<16xi32>, vector<16xi1>
      %reduce_max3A = arith.constant true
      %reduce_max3A_70 = vector.broadcast %reduce_max3A : i1 to vector<16xi1>
      %reduce_max3A_71 = arith.constant -2147483648 : i32
      %reduce_max3A_72 = vector.broadcast %reduce_max3A_71 : i32 to vector<16xi32>
      %reduce_max3A_73 = arith.xori %masked_cumsum3A, %reduce_max3A_72 : vector<16xi32>
      %reduce_max3A_74 = tpu.scan <max>, %reduce_max3A_73 masked %reduce_max3A_70 : vector<16xi32>, vector<16xi1> -> vector<16xi32>
      %reduce_max3A_75 = arith.xori %reduce_max3A_74, %reduce_max3A_72 : vector<16xi32>
      %reduce_max3A_76 = vector.extract %reduce_max3A_75[15] : i32 from vector<16xi32>
      %add3A_77 = arith.addi %scan3A_54, %reduce_max3A_76 : i32
      scf.yield %add3A_77 : i32
    }
    %scan3A_48 = arith.constant 512 : i32
    %mul3A_49 = arith.constant 1152 : i32
    %mul3A_50 = arith.muli %add3A_29, %mul3A_49 : i32
    "tpu.region"() ({
      %run_scoped3A = tpu.sem_alloc : memref<!tpu.dma_semaphore, #tpu.memory_space<semaphore_mem>>
      %dma_start3A = tpu.memref_slice %arg4[%mul3A_50] : memref<73728xi32, #tpu.memory_space<hbm>> -> memref<1152xi32, #tpu.memory_space<hbm>>
      %dma_start3A_53 = tpu.memref_slice %arg4[%mul3A_50] : memref<73728xi32, #tpu.memory_space<hbm>> -> memref<1152xi32, #tpu.memory_space<hbm>>
      tpu.enqueue_dma source(%arg8 : memref<1152xi32, #tpu.memory_space<vmem>>) target(%dma_start3A_53 : memref<1152xi32, #tpu.memory_space<hbm>>) target_semaphore(%run_scoped3A : memref<!tpu.dma_semaphore, #tpu.memory_space<semaphore_mem>>)
      %dma_wait3A = tpu.memref_slice %arg4[%mul3A_50] : memref<73728xi32, #tpu.memory_space<hbm>> -> memref<1152xi32, #tpu.memory_space<hbm>>
      %dma_wait3A_54 = tpu.memref_slice %arg4[%mul3A_50] : memref<73728xi32, #tpu.memory_space<hbm>> -> memref<1152xi32, #tpu.memory_space<hbm>>
      tpu.wait_dma2 semaphore(%run_scoped3A : memref<!tpu.dma_semaphore, #tpu.memory_space<semaphore_mem>>) src(%arg8 : memref<1152xi32, #tpu.memory_space<vmem>>) dst(%dma_wait3A_54 : memref<1152xi32, #tpu.memory_space<hbm>>)
      tpu.yield
    }) : () -> ()
    %mul3A_51 = arith.constant 1152 : i32
    %mul3A_52 = arith.muli %add3A_29, %mul3A_51 : i32
    "tpu.region"() ({
      %run_scoped3A = tpu.sem_alloc : memref<!tpu.dma_semaphore, #tpu.memory_space<semaphore_mem>>
      %dma_start3A = tpu.memref_slice %arg5[%mul3A_52] : memref<73728xi32, #tpu.memory_space<hbm>> -> memref<1152xi32, #tpu.memory_space<hbm>>
      %dma_start3A_53 = tpu.memref_slice %arg5[%mul3A_52] : memref<73728xi32, #tpu.memory_space<hbm>> -> memref<1152xi32, #tpu.memory_space<hbm>>
      tpu.enqueue_dma source(%arg9 : memref<1152xi32, #tpu.memory_space<vmem>>) target(%dma_start3A_53 : memref<1152xi32, #tpu.memory_space<hbm>>) target_semaphore(%run_scoped3A : memref<!tpu.dma_semaphore, #tpu.memory_space<semaphore_mem>>)
      %dma_wait3A = tpu.memref_slice %arg5[%mul3A_52] : memref<73728xi32, #tpu.memory_space<hbm>> -> memref<1152xi32, #tpu.memory_space<hbm>>
      %dma_wait3A_54 = tpu.memref_slice %arg5[%mul3A_52] : memref<73728xi32, #tpu.memory_space<hbm>> -> memref<1152xi32, #tpu.memory_space<hbm>>
      tpu.wait_dma2 semaphore(%run_scoped3A : memref<!tpu.dma_semaphore, #tpu.memory_space<semaphore_mem>>) src(%arg9 : memref<1152xi32, #tpu.memory_space<vmem>>) dst(%dma_wait3A_54 : memref<1152xi32, #tpu.memory_space<hbm>>)
      tpu.yield
    }) : () -> ()
    return
  }
}

module attributes {stable_mosaic.version = 14 : i64} {
  func.func @_rank_body(%arg0: i32, %arg1: memref<1x1x1152xi32, #tpu.memory_space<vmem>>, %arg2: memref<1x1x1152xi32, #tpu.memory_space<vmem>>) attributes {dimension_semantics = [#tpu.dimension_semantics<arbitrary>], iteration_bounds = array<i64: 64>, scalar_prefetch = 0 : i64, scratch_operands = 0 : i64, tpu.core_type = #tpu.core_type<tc>, window_params = [{transform_indices = @transform_0, window_bounds = array<i64: 1, 1, 1152>}, {transform_indices = @transform_1, window_bounds = array<i64: 1, 1, 1152>}]} {
    %get3A = arith.constant 0 : index
    %get3A_0 = arith.constant 0 : index
    %get3A_1 = arith.constant 0 : index
    %get3A_2 = vector.load %arg1[%get3A, %get3A_0, %get3A_1] : memref<1x1x1152xi32, #tpu.memory_space<vmem>>, vector<1x1x1152xi32>
    %get3A_3 = vector.shape_cast %get3A_2 : vector<1x1x1152xi32> to vector<1152xi32>
    %reshape3A = vector.shape_cast %get3A_3 : vector<1152xi32> to vector<1152x1xi32>
    %reshape3A_4 = vector.shape_cast %get3A_3 : vector<1152xi32> to vector<1x1152xi32>
    %iota3A = tpu.iota {dimensions = array<i32: 0>} : vector<1152x1152xi32>
    %iota3A_5 = tpu.iota {dimensions = array<i32: 1>} : vector<1152x1152xi32>
    %gt3A = vector.broadcast %reshape3A_4 : vector<1x1152xi32> to vector<1152x1152xi32>
    %gt3A_6 = vector.broadcast %reshape3A : vector<1152x1xi32> to vector<1152x1152xi32>
    %gt3A_7 = arith.cmpi sgt, %gt3A, %gt3A_6 : vector<1152x1152xi32>
    %eq3A = vector.broadcast %reshape3A_4 : vector<1x1152xi32> to vector<1152x1152xi32>
    %eq3A_8 = vector.broadcast %reshape3A : vector<1152x1xi32> to vector<1152x1152xi32>
    %eq3A_9 = arith.cmpi eq, %eq3A, %eq3A_8 : vector<1152x1152xi32>
    %lt3A = arith.cmpi slt, %iota3A_5, %iota3A : vector<1152x1152xi32>
    %and3A = arith.andi %eq3A_9, %lt3A : vector<1152x1152xi1>
    %or3A = arith.ori %gt3A_7, %and3A : vector<1152x1152xi1>
    %convert_element_type3A = arith.extui %or3A : vector<1152x1152xi1> to vector<1152x1152xi32>
    %reduce_sum3A = arith.constant dense<0> : vector<1152xi32>
    %reduce_sum3A_10 = vector.multi_reduction <add>, %convert_element_type3A, %reduce_sum3A [1] : vector<1152x1152xi32> to vector<1152xi32>
    %swap3A = arith.constant 0 : index
    %swap3A_11 = arith.constant 0 : index
    %swap3A_12 = arith.constant 0 : index
    %swap3A_13 = vector.load %arg2[%swap3A, %swap3A_11, %swap3A_12] : memref<1x1x1152xi32, #tpu.memory_space<vmem>>, vector<1x1x1152xi32>
    %swap3A_14 = vector.shape_cast %swap3A_13 : vector<1x1x1152xi32> to vector<1152xi32>
    %swap3A_15 = vector.shape_cast %reduce_sum3A_10 : vector<1152xi32> to vector<1x1x1152xi32>
    tpu.vector_store %arg2[%swap3A, %swap3A_11, %swap3A_12], %swap3A_15 {strides = array<i32>} : memref<1x1x1152xi32, #tpu.memory_space<vmem>>, vector<1x1x1152xi32>,
    return
  }
  func.func @transform_0(%arg0: i32) -> (i32, i32, i32) {
    %c0_i32 = arith.constant 0 : i32
    %c0_i32_0 = arith.constant 0 : i32
    %c0_i32_1 = arith.constant 0 : i32
    return %arg0, %c0_i32, %c0_i32_0 : i32, i32, i32
  }
  func.func @transform_1(%arg0: i32) -> (i32, i32, i32) {
    %c0_i32 = arith.constant 0 : i32
    %c0_i32_0 = arith.constant 0 : i32
    %c0_i32_1 = arith.constant 0 : i32
    return %arg0, %c0_i32, %c0_i32_0 : i32, i32, i32
  }
}

module attributes {stable_mosaic.version = 14 : i64} {
  func.func @_router_body(%arg0: i32, %arg1: memref<1024x1024xf32, #tpu.memory_space<vmem>>, %arg2: memref<64x1024xf32, #tpu.memory_space<vmem>>, %arg3: memref<64x1024xf32, #tpu.memory_space<vmem>>, %arg4: memref<64x1024xi32, #tpu.memory_space<vmem>>, %arg5: memref<1024x512xi32, #tpu.memory_space<vmem>>, %arg6: memref<64x128xi32, #tpu.memory_space<vmem>>, %arg7: memref<64x8192xi32, #tpu.memory_space<vmem>>) attributes {dimension_semantics = [#tpu.dimension_semantics<arbitrary>], iteration_bounds = array<i64: 8>, scalar_prefetch = 0 : i64, scratch_operands = 1 : i64, tpu.core_type = #tpu.core_type<tc>, window_params = [{transform_indices = @transform_0, window_bounds = array<i64: 1024, 1024>}, {pipeline_mode = #tpu.pipeline_mode<synchronous>, transform_indices = @transform_1, window_bounds = array<i64: 64, 1024>}, {transform_indices = @transform_2, window_bounds = array<i64: 64, 1024>}, {transform_indices = @transform_3, window_bounds = array<i64: 64, 1024>}, {transform_indices = @transform_4, window_bounds = array<i64: 1024, 512>}, {pipeline_mode = #tpu.pipeline_mode<synchronous>, transform_indices = @transform_5, window_bounds = array<i64: 64, 128>}]} {
    %get3A = arith.constant 0 : index
    %get3A_0 = arith.constant 0 : index
    %get3A_1 = vector.load %arg2[%get3A, %get3A_0] : memref<64x1024xf32, #tpu.memory_space<vmem>>, vector<64x1024xf32>
    %convert_element_type3A = arith.truncf %get3A_1 : vector<64x1024xf32> to vector<64x1024xbf16>
    %get3A_2 = arith.constant 0 : index
    %get3A_3 = arith.constant 0 : index
    %get3A_4 = vector.load %arg1[%get3A_2, %get3A_3] : memref<1024x1024xf32, #tpu.memory_space<vmem>>, vector<1024x1024xf32>
    %convert_element_type3A_5 = arith.truncf %get3A_4 : vector<1024x1024xf32> to vector<1024x1024xbf16>
    %dot_general3A = arith.constant dense<0.000000e+00> : vector<64x1024xf32>
    %dot_general3A_6 = tpu.matmul %convert_element_type3A, %convert_element_type3A_5, %dot_general3A {dimension_numbers = #tpu.dot_dimension_numbers<[1], [1], [0], [0], [0, 0, 1, 0], [], []>, transpose_lhs_hint = false} : vector<64x1024xbf16>, vector<1024x1024xbf16>, vector<64x1024xf32> -> vector<64x1024xf32>
    %reduce_max3A = arith.constant dense<0xFF800000> : vector<1024xf32>
    %reduce_max3A_7 = vector.multi_reduction <maximumf>, %dot_general3A_6, %reduce_max3A [0] : vector<64x1024xf32> to vector<1024xf32>
    %broadcast_in_dim3A = vector.shape_cast %reduce_max3A_7 : vector<1024xf32> to vector<1x1024xf32>
    %sub3A = vector.broadcast %broadcast_in_dim3A : vector<1x1024xf32> to vector<64x1024xf32>
    %sub3A_8 = arith.subf %dot_general3A_6, %sub3A : vector<64x1024xf32>
    %exp3A = math.exp %sub3A_8 : vector<64x1024xf32>
    %reduce_sum3A = arith.constant dense<0.000000e+00> : vector<1024xf32>
    %reduce_sum3A_9 = vector.multi_reduction <add>, %exp3A, %reduce_sum3A [0] : vector<64x1024xf32> to vector<1024xf32>
    %broadcast_in_dim3A_10 = vector.shape_cast %reduce_sum3A_9 : vector<1024xf32> to vector<1x1024xf32>
    %div3A = vector.broadcast %broadcast_in_dim3A_10 : vector<1x1024xf32> to vector<64x1024xf32>
    %div3A_11 = arith.divf %exp3A, %div3A : vector<64x1024xf32>
    %swap3A = arith.constant 0 : index
    %swap3A_12 = arith.constant 0 : index
    %swap3A_13 = vector.load %arg3[%swap3A, %swap3A_12] : memref<64x1024xf32, #tpu.memory_space<vmem>>, vector<64x1024xf32>
    tpu.vector_store %arg3[%swap3A, %swap3A_12], %div3A_11 {strides = array<i32>} : memref<64x1024xf32, #tpu.memory_space<vmem>>, vector<64x1024xf32>,
    %bitcast_convert_type3A = tpu.bitcast %dot_general3A_6 : vector<64x1024xf32> -> vector<64x1024xi32>
    %ge3A = arith.constant -2147483648 : i32
    %ge3A_14 = vector.broadcast %ge3A : i32 to vector<64x1024xi32>
    %ge3A_15 = arith.cmpi uge, %bitcast_convert_type3A, %ge3A_14 : vector<64x1024xi32>
    %not3A = arith.constant dense<-1> : vector<64x1024xi32>
    %not3A_16 = arith.xori %bitcast_convert_type3A, %not3A : vector<64x1024xi32>
    %or3A = arith.constant -2147483648 : i32
    %or3A_17 = vector.broadcast %or3A : i32 to vector<64x1024xi32>
    %or3A_18 = arith.ori %bitcast_convert_type3A, %or3A_17 : vector<64x1024xi32>
    %select_n3A = arith.select %ge3A_15, %not3A_16, %or3A_18 : vector<64x1024xi1>, vector<64x1024xi32>
    %xor3A = arith.constant -2147483648 : i32
    %xor3A_19 = vector.broadcast %xor3A : i32 to vector<64x1024xi32>
    %xor3A_20 = arith.xori %select_n3A, %xor3A_19 : vector<64x1024xi32>
    %bitcast_convert_type3A_21 = tpu.bitcast %xor3A_20 : vector<64x1024xi32> -> vector<64x1024xi32>
    %swap3A_22 = arith.constant 0 : index
    %swap3A_23 = arith.constant 0 : index
    %swap3A_24 = vector.load %arg4[%swap3A_22, %swap3A_23] : memref<64x1024xi32, #tpu.memory_space<vmem>>, vector<64x1024xi32>
    tpu.vector_store %arg4[%swap3A_22, %swap3A_23], %bitcast_convert_type3A_21 {strides = array<i32>} : memref<64x1024xi32, #tpu.memory_space<vmem>>, vector<64x1024xi32>,
    %mul3A = arith.constant 1024 : i32
    %mul3A_25 = arith.muli %arg0, %mul3A : i32
    %swap3A_26 = arith.constant 0 : index
    %swap3A_27 = arith.index_cast %mul3A_25 : i32 to index
    %swap3A_28 = vector.load %arg7[%swap3A_26, %swap3A_27] : memref<64x8192xi32, #tpu.memory_space<vmem>>, vector<64x1024xi32>
    tpu.vector_store %arg7[%swap3A_26, %swap3A_27], %bitcast_convert_type3A_21 {strides = array<i32>} : memref<64x8192xi32, #tpu.memory_space<vmem>>, vector<64x1024xi32>,
    %eq3A = arith.constant 7 : i32
    %eq3A_29 = arith.cmpi eq, %arg0, %eq3A : i32
    %convert_element_type3A_30 = arith.extui %eq3A_29 : i1 to i32
    %cond3A = arith.constant 0 : i32
    %cond3A_31 = arith.cmpi ne, %convert_element_type3A_30, %cond3A : i32
    scf.if %cond3A_31 {
      %get3A_48 = arith.constant 0 : index
      %get3A_49 = arith.constant 0 : index
      %get3A_50 = vector.load %arg7[%get3A_48, %get3A_49] : memref<64x8192xi32, #tpu.memory_space<vmem>>, vector<64x8192xi32>
      %broadcast_in_dim3A_51 = arith.constant -2147483648 : i32
      %broadcast_in_dim3A_52 = vector.broadcast %broadcast_in_dim3A_51 : i32 to vector<64x1xi32>
      %add3A = arith.constant -2147483648 : i32
      %add3A_53 = vector.broadcast %add3A : i32 to vector<64x1xi32>
      %add3A_54 = arith.addi %broadcast_in_dim3A_52, %add3A_53 : vector<64x1xi32>
      %ge3A_55 = vector.broadcast %add3A_54 : vector<64x1xi32> to vector<64x8192xi32>
      %ge3A_56 = arith.cmpi sge, %get3A_50, %ge3A_55 : vector<64x8192xi32>
      %convert_element_type3A_57 = arith.extui %ge3A_56 : vector<64x8192xi1> to vector<64x8192xi32>
      %reduce_sum3A_58 = arith.constant dense<0> : vector<64xi32>
      %reduce_sum3A_59 = vector.multi_reduction <add>, %convert_element_type3A_57, %reduce_sum3A_58 [1] : vector<64x8192xi32> to vector<64xi32>
      %broadcast_in_dim3A_60 = vector.shape_cast %reduce_sum3A_59 : vector<64xi32> to vector<64x1xi32>
      %ge3A_61 = arith.constant 1024 : i32
      %ge3A_62 = vector.broadcast %ge3A_61 : i32 to vector<64x1xi32>
      %ge3A_63 = arith.cmpi sge, %broadcast_in_dim3A_60, %ge3A_62 : vector<64x1xi32>
      %select_n3A_64 = arith.select %ge3A_63, %add3A_54, %broadcast_in_dim3A_52 : vector<64x1xi1>, vector<64x1xi32>
      %add3A_65 = arith.constant 1073741824 : i32
      %add3A_66 = vector.broadcast %add3A_65 : i32 to vector<64x1xi32>
      %add3A_67 = arith.addi %select_n3A_64, %add3A_66 : vector<64x1xi32>
      %ge3A_68 = vector.broadcast %add3A_67 : vector<64x1xi32> to vector<64x8192xi32>
      %ge3A_69 = arith.cmpi sge, %get3A_50, %ge3A_68 : vector<64x8192xi32>
      %convert_element_type3A_70 = arith.extui %ge3A_69 : vector<64x8192xi1> to vector<64x8192xi32>
      %reduce_sum3A_71 = arith.constant dense<0> : vector<64xi32>
      %reduce_sum3A_72 = vector.multi_reduction <add>, %convert_element_type3A_70, %reduce_sum3A_71 [1] : vector<64x8192xi32> to vector<64xi32>
      %broadcast_in_dim3A_73 = vector.shape_cast %reduce_sum3A_72 : vector<64xi32> to vector<64x1xi32>
      %ge3A_74 = arith.constant 1024 : i32
      %ge3A_75 = vector.broadcast %ge3A_74 : i32 to vector<64x1xi32>
      %ge3A_76 = arith.cmpi sge, %broadcast_in_dim3A_73, %ge3A_75 : vector<64x1xi32>
      %select_n3A_77 = arith.select %ge3A_76, %add3A_67, %select_n3A_64 : vector<64x1xi1>, vector<64x1xi32>
      %add3A_78 = arith.constant 536870912 : i32
      %add3A_79 = vector.broadcast %add3A_78 : i32 to vector<64x1xi32>
      %add3A_80 = arith.addi %select_n3A_77, %add3A_79 : vector<64x1xi32>
      %ge3A_81 = vector.broadcast %add3A_80 : vector<64x1xi32> to vector<64x8192xi32>
      %ge3A_82 = arith.cmpi sge, %get3A_50, %ge3A_81 : vector<64x8192xi32>
      %convert_element_type3A_83 = arith.extui %ge3A_82 : vector<64x8192xi1> to vector<64x8192xi32>
      %reduce_sum3A_84 = arith.constant dense<0> : vector<64xi32>
      %reduce_sum3A_85 = vector.multi_reduction <add>, %convert_element_type3A_83, %reduce_sum3A_84 [1] : vector<64x8192xi32> to vector<64xi32>
      %broadcast_in_dim3A_86 = vector.shape_cast %reduce_sum3A_85 : vector<64xi32> to vector<64x1xi32>
      %ge3A_87 = arith.constant 1024 : i32
      %ge3A_88 = vector.broadcast %ge3A_87 : i32 to vector<64x1xi32>
      %ge3A_89 = arith.cmpi sge, %broadcast_in_dim3A_86, %ge3A_88 : vector<64x1xi32>
      %select_n3A_90 = arith.select %ge3A_89, %add3A_80, %select_n3A_77 : vector<64x1xi1>, vector<64x1xi32>
      %add3A_91 = arith.constant 268435456 : i32
      %add3A_92 = vector.broadcast %add3A_91 : i32 to vector<64x1xi32>
      %add3A_93 = arith.addi %select_n3A_90, %add3A_92 : vector<64x1xi32>
      %ge3A_94 = vector.broadcast %add3A_93 : vector<64x1xi32> to vector<64x8192xi32>
      %ge3A_95 = arith.cmpi sge, %get3A_50, %ge3A_94 : vector<64x8192xi32>
      %convert_element_type3A_96 = arith.extui %ge3A_95 : vector<64x8192xi1> to vector<64x8192xi32>
      %reduce_sum3A_97 = arith.constant dense<0> : vector<64xi32>
      %reduce_sum3A_98 = vector.multi_reduction <add>, %convert_element_type3A_96, %reduce_sum3A_97 [1] : vector<64x8192xi32> to vector<64xi32>
      %broadcast_in_dim3A_99 = vector.shape_cast %reduce_sum3A_98 : vector<64xi32> to vector<64x1xi32>
      %ge3A_100 = arith.constant 1024 : i32
      %ge3A_101 = vector.broadcast %ge3A_100 : i32 to vector<64x1xi32>
      %ge3A_102 = arith.cmpi sge, %broadcast_in_dim3A_99, %ge3A_101 : vector<64x1xi32>
      %select_n3A_103 = arith.select %ge3A_102, %add3A_93, %select_n3A_90 : vector<64x1xi1>, vector<64x1xi32>
      %add3A_104 = arith.constant 134217728 : i32
      %add3A_105 = vector.broadcast %add3A_104 : i32 to vector<64x1xi32>
      %add3A_106 = arith.addi %select_n3A_103, %add3A_105 : vector<64x1xi32>
      %ge3A_107 = vector.broadcast %add3A_106 : vector<64x1xi32> to vector<64x8192xi32>
      %ge3A_108 = arith.cmpi sge, %get3A_50, %ge3A_107 : vector<64x8192xi32>
      %convert_element_type3A_109 = arith.extui %ge3A_108 : vector<64x8192xi1> to vector<64x8192xi32>
      %reduce_sum3A_110 = arith.constant dense<0> : vector<64xi32>
      %reduce_sum3A_111 = vector.multi_reduction <add>, %convert_element_type3A_109, %reduce_sum3A_110 [1] : vector<64x8192xi32> to vector<64xi32>
      %broadcast_in_dim3A_112 = vector.shape_cast %reduce_sum3A_111 : vector<64xi32> to vector<64x1xi32>
      %ge3A_113 = arith.constant 1024 : i32
      %ge3A_114 = vector.broadcast %ge3A_113 : i32 to vector<64x1xi32>
      %ge3A_115 = arith.cmpi sge, %broadcast_in_dim3A_112, %ge3A_114 : vector<64x1xi32>
      %select_n3A_116 = arith.select %ge3A_115, %add3A_106, %select_n3A_103 : vector<64x1xi1>, vector<64x1xi32>
      %add3A_117 = arith.constant 67108864 : i32
      %add3A_118 = vector.broadcast %add3A_117 : i32 to vector<64x1xi32>
      %add3A_119 = arith.addi %select_n3A_116, %add3A_118 : vector<64x1xi32>
      %ge3A_120 = vector.broadcast %add3A_119 : vector<64x1xi32> to vector<64x8192xi32>
      %ge3A_121 = arith.cmpi sge, %get3A_50, %ge3A_120 : vector<64x8192xi32>
      %convert_element_type3A_122 = arith.extui %ge3A_121 : vector<64x8192xi1> to vector<64x8192xi32>
      %reduce_sum3A_123 = arith.constant dense<0> : vector<64xi32>
      %reduce_sum3A_124 = vector.multi_reduction <add>, %convert_element_type3A_122, %reduce_sum3A_123 [1] : vector<64x8192xi32> to vector<64xi32>
      %broadcast_in_dim3A_125 = vector.shape_cast %reduce_sum3A_124 : vector<64xi32> to vector<64x1xi32>
      %ge3A_126 = arith.constant 1024 : i32
      %ge3A_127 = vector.broadcast %ge3A_126 : i32 to vector<64x1xi32>
      %ge3A_128 = arith.cmpi sge, %broadcast_in_dim3A_125, %ge3A_127 : vector<64x1xi32>
      %select_n3A_129 = arith.select %ge3A_128, %add3A_119, %select_n3A_116 : vector<64x1xi1>, vector<64x1xi32>
      %add3A_130 = arith.constant 33554432 : i32
      %add3A_131 = vector.broadcast %add3A_130 : i32 to vector<64x1xi32>
      %add3A_132 = arith.addi %select_n3A_129, %add3A_131 : vector<64x1xi32>
      %ge3A_133 = vector.broadcast %add3A_132 : vector<64x1xi32> to vector<64x8192xi32>
      %ge3A_134 = arith.cmpi sge, %get3A_50, %ge3A_133 : vector<64x8192xi32>
      %convert_element_type3A_135 = arith.extui %ge3A_134 : vector<64x8192xi1> to vector<64x8192xi32>
      %reduce_sum3A_136 = arith.constant dense<0> : vector<64xi32>
      %reduce_sum3A_137 = vector.multi_reduction <add>, %convert_element_type3A_135, %reduce_sum3A_136 [1] : vector<64x8192xi32> to vector<64xi32>
      %broadcast_in_dim3A_138 = vector.shape_cast %reduce_sum3A_137 : vector<64xi32> to vector<64x1xi32>
      %ge3A_139 = arith.constant 1024 : i32
      %ge3A_140 = vector.broadcast %ge3A_139 : i32 to vector<64x1xi32>
      %ge3A_141 = arith.cmpi sge, %broadcast_in_dim3A_138, %ge3A_140 : vector<64x1xi32>
      %select_n3A_142 = arith.select %ge3A_141, %add3A_132, %select_n3A_129 : vector<64x1xi1>, vector<64x1xi32>
      %add3A_143 = arith.constant 16777216 : i32
      %add3A_144 = vector.broadcast %add3A_143 : i32 to vector<64x1xi32>
      %add3A_145 = arith.addi %select_n3A_142, %add3A_144 : vector<64x1xi32>
      %ge3A_146 = vector.broadcast %add3A_145 : vector<64x1xi32> to vector<64x8192xi32>
      %ge3A_147 = arith.cmpi sge, %get3A_50, %ge3A_146 : vector<64x8192xi32>
      %convert_element_type3A_148 = arith.extui %ge3A_147 : vector<64x8192xi1> to vector<64x8192xi32>
      %reduce_sum3A_149 = arith.constant dense<0> : vector<64xi32>
      %reduce_sum3A_150 = vector.multi_reduction <add>, %convert_element_type3A_148, %reduce_sum3A_149 [1] : vector<64x8192xi32> to vector<64xi32>
      %broadcast_in_dim3A_151 = vector.shape_cast %reduce_sum3A_150 : vector<64xi32> to vector<64x1xi32>
      %ge3A_152 = arith.constant 1024 : i32
      %ge3A_153 = vector.broadcast %ge3A_152 : i32 to vector<64x1xi32>
      %ge3A_154 = arith.cmpi sge, %broadcast_in_dim3A_151, %ge3A_153 : vector<64x1xi32>
      %select_n3A_155 = arith.select %ge3A_154, %add3A_145, %select_n3A_142 : vector<64x1xi1>, vector<64x1xi32>
      %add3A_156 = arith.constant 8388608 : i32
      %add3A_157 = vector.broadcast %add3A_156 : i32 to vector<64x1xi32>
      %add3A_158 = arith.addi %select_n3A_155, %add3A_157 : vector<64x1xi32>
      %ge3A_159 = vector.broadcast %add3A_158 : vector<64x1xi32> to vector<64x8192xi32>
      %ge3A_160 = arith.cmpi sge, %get3A_50, %ge3A_159 : vector<64x8192xi32>
      %convert_element_type3A_161 = arith.extui %ge3A_160 : vector<64x8192xi1> to vector<64x8192xi32>
      %reduce_sum3A_162 = arith.constant dense<0> : vector<64xi32>
      %reduce_sum3A_163 = vector.multi_reduction <add>, %convert_element_type3A_161, %reduce_sum3A_162 [1] : vector<64x8192xi32> to vector<64xi32>
      %broadcast_in_dim3A_164 = vector.shape_cast %reduce_sum3A_163 : vector<64xi32> to vector<64x1xi32>
      %ge3A_165 = arith.constant 1024 : i32
      %ge3A_166 = vector.broadcast %ge3A_165 : i32 to vector<64x1xi32>
      %ge3A_167 = arith.cmpi sge, %broadcast_in_dim3A_164, %ge3A_166 : vector<64x1xi32>
      %select_n3A_168 = arith.select %ge3A_167, %add3A_158, %select_n3A_155 : vector<64x1xi1>, vector<64x1xi32>
      %add3A_169 = arith.constant 4194304 : i32
      %add3A_170 = vector.broadcast %add3A_169 : i32 to vector<64x1xi32>
      %add3A_171 = arith.addi %select_n3A_168, %add3A_170 : vector<64x1xi32>
      %ge3A_172 = vector.broadcast %add3A_171 : vector<64x1xi32> to vector<64x8192xi32>
      %ge3A_173 = arith.cmpi sge, %get3A_50, %ge3A_172 : vector<64x8192xi32>
      %convert_element_type3A_174 = arith.extui %ge3A_173 : vector<64x8192xi1> to vector<64x8192xi32>
      %reduce_sum3A_175 = arith.constant dense<0> : vector<64xi32>
      %reduce_sum3A_176 = vector.multi_reduction <add>, %convert_element_type3A_174, %reduce_sum3A_175 [1] : vector<64x8192xi32> to vector<64xi32>
      %broadcast_in_dim3A_177 = vector.shape_cast %reduce_sum3A_176 : vector<64xi32> to vector<64x1xi32>
      %ge3A_178 = arith.constant 1024 : i32
      %ge3A_179 = vector.broadcast %ge3A_178 : i32 to vector<64x1xi32>
      %ge3A_180 = arith.cmpi sge, %broadcast_in_dim3A_177, %ge3A_179 : vector<64x1xi32>
      %select_n3A_181 = arith.select %ge3A_180, %add3A_171, %select_n3A_168 : vector<64x1xi1>, vector<64x1xi32>
      %add3A_182 = arith.constant 2097152 : i32
      %add3A_183 = vector.broadcast %add3A_182 : i32 to vector<64x1xi32>
      %add3A_184 = arith.addi %select_n3A_181, %add3A_183 : vector<64x1xi32>
      %ge3A_185 = vector.broadcast %add3A_184 : vector<64x1xi32> to vector<64x8192xi32>
      %ge3A_186 = arith.cmpi sge, %get3A_50, %ge3A_185 : vector<64x8192xi32>
      %convert_element_type3A_187 = arith.extui %ge3A_186 : vector<64x8192xi1> to vector<64x8192xi32>
      %reduce_sum3A_188 = arith.constant dense<0> : vector<64xi32>
      %reduce_sum3A_189 = vector.multi_reduction <add>, %convert_element_type3A_187, %reduce_sum3A_188 [1] : vector<64x8192xi32> to vector<64xi32>
      %broadcast_in_dim3A_190 = vector.shape_cast %reduce_sum3A_189 : vector<64xi32> to vector<64x1xi32>
      %ge3A_191 = arith.constant 1024 : i32
      %ge3A_192 = vector.broadcast %ge3A_191 : i32 to vector<64x1xi32>
      %ge3A_193 = arith.cmpi sge, %broadcast_in_dim3A_190, %ge3A_192 : vector<64x1xi32>
      %select_n3A_194 = arith.select %ge3A_193, %add3A_184, %select_n3A_181 : vector<64x1xi1>, vector<64x1xi32>
      %add3A_195 = arith.constant 1048576 : i32
      %add3A_196 = vector.broadcast %add3A_195 : i32 to vector<64x1xi32>
      %add3A_197 = arith.addi %select_n3A_194, %add3A_196 : vector<64x1xi32>
      %ge3A_198 = vector.broadcast %add3A_197 : vector<64x1xi32> to vector<64x8192xi32>
      %ge3A_199 = arith.cmpi sge, %get3A_50, %ge3A_198 : vector<64x8192xi32>
      %convert_element_type3A_200 = arith.extui %ge3A_199 : vector<64x8192xi1> to vector<64x8192xi32>
      %reduce_sum3A_201 = arith.constant dense<0> : vector<64xi32>
      %reduce_sum3A_202 = vector.multi_reduction <add>, %convert_element_type3A_200, %reduce_sum3A_201 [1] : vector<64x8192xi32> to vector<64xi32>
      %broadcast_in_dim3A_203 = vector.shape_cast %reduce_sum3A_202 : vector<64xi32> to vector<64x1xi32>
      %ge3A_204 = arith.constant 1024 : i32
      %ge3A_205 = vector.broadcast %ge3A_204 : i32 to vector<64x1xi32>
      %ge3A_206 = arith.cmpi sge, %broadcast_in_dim3A_203, %ge3A_205 : vector<64x1xi32>
      %select_n3A_207 = arith.select %ge3A_206, %add3A_197, %select_n3A_194 : vector<64x1xi1>, vector<64x1xi32>
      %add3A_208 = arith.constant 524288 : i32
      %add3A_209 = vector.broadcast %add3A_208 : i32 to vector<64x1xi32>
      %add3A_210 = arith.addi %select_n3A_207, %add3A_209 : vector<64x1xi32>
      %ge3A_211 = vector.broadcast %add3A_210 : vector<64x1xi32> to vector<64x8192xi32>
      %ge3A_212 = arith.cmpi sge, %get3A_50, %ge3A_211 : vector<64x8192xi32>
      %convert_element_type3A_213 = arith.extui %ge3A_212 : vector<64x8192xi1> to vector<64x8192xi32>
      %reduce_sum3A_214 = arith.constant dense<0> : vector<64xi32>
      %reduce_sum3A_215 = vector.multi_reduction <add>, %convert_element_type3A_213, %reduce_sum3A_214 [1] : vector<64x8192xi32> to vector<64xi32>
      %broadcast_in_dim3A_216 = vector.shape_cast %reduce_sum3A_215 : vector<64xi32> to vector<64x1xi32>
      %ge3A_217 = arith.constant 1024 : i32
      %ge3A_218 = vector.broadcast %ge3A_217 : i32 to vector<64x1xi32>
      %ge3A_219 = arith.cmpi sge, %broadcast_in_dim3A_216, %ge3A_218 : vector<64x1xi32>
      %select_n3A_220 = arith.select %ge3A_219, %add3A_210, %select_n3A_207 : vector<64x1xi1>, vector<64x1xi32>
      %add3A_221 = arith.constant 262144 : i32
      %add3A_222 = vector.broadcast %add3A_221 : i32 to vector<64x1xi32>
      %add3A_223 = arith.addi %select_n3A_220, %add3A_222 : vector<64x1xi32>
      %ge3A_224 = vector.broadcast %add3A_223 : vector<64x1xi32> to vector<64x8192xi32>
      %ge3A_225 = arith.cmpi sge, %get3A_50, %ge3A_224 : vector<64x8192xi32>
      %convert_element_type3A_226 = arith.extui %ge3A_225 : vector<64x8192xi1> to vector<64x8192xi32>
      %reduce_sum3A_227 = arith.constant dense<0> : vector<64xi32>
      %reduce_sum3A_228 = vector.multi_reduction <add>, %convert_element_type3A_226, %reduce_sum3A_227 [1] : vector<64x8192xi32> to vector<64xi32>
      %broadcast_in_dim3A_229 = vector.shape_cast %reduce_sum3A_228 : vector<64xi32> to vector<64x1xi32>
      %ge3A_230 = arith.constant 1024 : i32
      %ge3A_231 = vector.broadcast %ge3A_230 : i32 to vector<64x1xi32>
      %ge3A_232 = arith.cmpi sge, %broadcast_in_dim3A_229, %ge3A_231 : vector<64x1xi32>
      %select_n3A_233 = arith.select %ge3A_232, %add3A_223, %select_n3A_220 : vector<64x1xi1>, vector<64x1xi32>
      %add3A_234 = arith.constant 131072 : i32
      %add3A_235 = vector.broadcast %add3A_234 : i32 to vector<64x1xi32>
      %add3A_236 = arith.addi %select_n3A_233, %add3A_235 : vector<64x1xi32>
      %ge3A_237 = vector.broadcast %add3A_236 : vector<64x1xi32> to vector<64x8192xi32>
      %ge3A_238 = arith.cmpi sge, %get3A_50, %ge3A_237 : vector<64x8192xi32>
      %convert_element_type3A_239 = arith.extui %ge3A_238 : vector<64x8192xi1> to vector<64x8192xi32>
      %reduce_sum3A_240 = arith.constant dense<0> : vector<64xi32>
      %reduce_sum3A_241 = vector.multi_reduction <add>, %convert_element_type3A_239, %reduce_sum3A_240 [1] : vector<64x8192xi32> to vector<64xi32>
      %broadcast_in_dim3A_242 = vector.shape_cast %reduce_sum3A_241 : vector<64xi32> to vector<64x1xi32>
      %ge3A_243 = arith.constant 1024 : i32
      %ge3A_244 = vector.broadcast %ge3A_243 : i32 to vector<64x1xi32>
      %ge3A_245 = arith.cmpi sge, %broadcast_in_dim3A_242, %ge3A_244 : vector<64x1xi32>
      %select_n3A_246 = arith.select %ge3A_245, %add3A_236, %select_n3A_233 : vector<64x1xi1>, vector<64x1xi32>
      %add3A_247 = arith.constant 65536 : i32
      %add3A_248 = vector.broadcast %add3A_247 : i32 to vector<64x1xi32>
      %add3A_249 = arith.addi %select_n3A_246, %add3A_248 : vector<64x1xi32>
      %ge3A_250 = vector.broadcast %add3A_249 : vector<64x1xi32> to vector<64x8192xi32>
      %ge3A_251 = arith.cmpi sge, %get3A_50, %ge3A_250 : vector<64x8192xi32>
      %convert_element_type3A_252 = arith.extui %ge3A_251 : vector<64x8192xi1> to vector<64x8192xi32>
      %reduce_sum3A_253 = arith.constant dense<0> : vector<64xi32>
      %reduce_sum3A_254 = vector.multi_reduction <add>, %convert_element_type3A_252, %reduce_sum3A_253 [1] : vector<64x8192xi32> to vector<64xi32>
      %broadcast_in_dim3A_255 = vector.shape_cast %reduce_sum3A_254 : vector<64xi32> to vector<64x1xi32>
      %ge3A_256 = arith.constant 1024 : i32
      %ge3A_257 = vector.broadcast %ge3A_256 : i32 to vector<64x1xi32>
      %ge3A_258 = arith.cmpi sge, %broadcast_in_dim3A_255, %ge3A_257 : vector<64x1xi32>
      %select_n3A_259 = arith.select %ge3A_258, %add3A_249, %select_n3A_246 : vector<64x1xi1>, vector<64x1xi32>
      %add3A_260 = arith.constant 32768 : i32
      %add3A_261 = vector.broadcast %add3A_260 : i32 to vector<64x1xi32>
      %add3A_262 = arith.addi %select_n3A_259, %add3A_261 : vector<64x1xi32>
      %ge3A_263 = vector.broadcast %add3A_262 : vector<64x1xi32> to vector<64x8192xi32>
      %ge3A_264 = arith.cmpi sge, %get3A_50, %ge3A_263 : vector<64x8192xi32>
      %convert_element_type3A_265 = arith.extui %ge3A_264 : vector<64x8192xi1> to vector<64x8192xi32>
      %reduce_sum3A_266 = arith.constant dense<0> : vector<64xi32>
      %reduce_sum3A_267 = vector.multi_reduction <add>, %convert_element_type3A_265, %reduce_sum3A_266 [1] : vector<64x8192xi32> to vector<64xi32>
      %broadcast_in_dim3A_268 = vector.shape_cast %reduce_sum3A_267 : vector<64xi32> to vector<64x1xi32>
      %ge3A_269 = arith.constant 1024 : i32
      %ge3A_270 = vector.broadcast %ge3A_269 : i32 to vector<64x1xi32>
      %ge3A_271 = arith.cmpi sge, %broadcast_in_dim3A_268, %ge3A_270 : vector<64x1xi32>
      %select_n3A_272 = arith.select %ge3A_271, %add3A_262, %select_n3A_259 : vector<64x1xi1>, vector<64x1xi32>
      %add3A_273 = arith.constant 16384 : i32
      %add3A_274 = vector.broadcast %add3A_273 : i32 to vector<64x1xi32>
      %add3A_275 = arith.addi %select_n3A_272, %add3A_274 : vector<64x1xi32>
      %ge3A_276 = vector.broadcast %add3A_275 : vector<64x1xi32> to vector<64x8192xi32>
      %ge3A_277 = arith.cmpi sge, %get3A_50, %ge3A_276 : vector<64x8192xi32>
      %convert_element_type3A_278 = arith.extui %ge3A_277 : vector<64x8192xi1> to vector<64x8192xi32>
      %reduce_sum3A_279 = arith.constant dense<0> : vector<64xi32>
      %reduce_sum3A_280 = vector.multi_reduction <add>, %convert_element_type3A_278, %reduce_sum3A_279 [1] : vector<64x8192xi32> to vector<64xi32>
      %broadcast_in_dim3A_281 = vector.shape_cast %reduce_sum3A_280 : vector<64xi32> to vector<64x1xi32>
      %ge3A_282 = arith.constant 1024 : i32
      %ge3A_283 = vector.broadcast %ge3A_282 : i32 to vector<64x1xi32>
      %ge3A_284 = arith.cmpi sge, %broadcast_in_dim3A_281, %ge3A_283 : vector<64x1xi32>
      %select_n3A_285 = arith.select %ge3A_284, %add3A_275, %select_n3A_272 : vector<64x1xi1>, vector<64x1xi32>
      %add3A_286 = arith.constant 8192 : i32
      %add3A_287 = vector.broadcast %add3A_286 : i32 to vector<64x1xi32>
      %add3A_288 = arith.addi %select_n3A_285, %add3A_287 : vector<64x1xi32>
      %ge3A_289 = vector.broadcast %add3A_288 : vector<64x1xi32> to vector<64x8192xi32>
      %ge3A_290 = arith.cmpi sge, %get3A_50, %ge3A_289 : vector<64x8192xi32>
      %convert_element_type3A_291 = arith.extui %ge3A_290 : vector<64x8192xi1> to vector<64x8192xi32>
      %reduce_sum3A_292 = arith.constant dense<0> : vector<64xi32>
      %reduce_sum3A_293 = vector.multi_reduction <add>, %convert_element_type3A_291, %reduce_sum3A_292 [1] : vector<64x8192xi32> to vector<64xi32>
      %broadcast_in_dim3A_294 = vector.shape_cast %reduce_sum3A_293 : vector<64xi32> to vector<64x1xi32>
      %ge3A_295 = arith.constant 1024 : i32
      %ge3A_296 = vector.broadcast %ge3A_295 : i32 to vector<64x1xi32>
      %ge3A_297 = arith.cmpi sge, %broadcast_in_dim3A_294, %ge3A_296 : vector<64x1xi32>
      %select_n3A_298 = arith.select %ge3A_297, %add3A_288, %select_n3A_285 : vector<64x1xi1>, vector<64x1xi32>
      %add3A_299 = arith.constant 4096 : i32
      %add3A_300 = vector.broadcast %add3A_299 : i32 to vector<64x1xi32>
      %add3A_301 = arith.addi %select_n3A_298, %add3A_300 : vector<64x1xi32>
      %ge3A_302 = vector.broadcast %add3A_301 : vector<64x1xi32> to vector<64x8192xi32>
      %ge3A_303 = arith.cmpi sge, %get3A_50, %ge3A_302 : vector<64x8192xi32>
      %convert_element_type3A_304 = arith.extui %ge3A_303 : vector<64x8192xi1> to vector<64x8192xi32>
      %reduce_sum3A_305 = arith.constant dense<0> : vector<64xi32>
      %reduce_sum3A_306 = vector.multi_reduction <add>, %convert_element_type3A_304, %reduce_sum3A_305 [1] : vector<64x8192xi32> to vector<64xi32>
      %broadcast_in_dim3A_307 = vector.shape_cast %reduce_sum3A_306 : vector<64xi32> to vector<64x1xi32>
      %ge3A_308 = arith.constant 1024 : i32
      %ge3A_309 = vector.broadcast %ge3A_308 : i32 to vector<64x1xi32>
      %ge3A_310 = arith.cmpi sge, %broadcast_in_dim3A_307, %ge3A_309 : vector<64x1xi32>
      %select_n3A_311 = arith.select %ge3A_310, %add3A_301, %select_n3A_298 : vector<64x1xi1>, vector<64x1xi32>
      %add3A_312 = arith.constant 2048 : i32
      %add3A_313 = vector.broadcast %add3A_312 : i32 to vector<64x1xi32>
      %add3A_314 = arith.addi %select_n3A_311, %add3A_313 : vector<64x1xi32>
      %ge3A_315 = vector.broadcast %add3A_314 : vector<64x1xi32> to vector<64x8192xi32>
      %ge3A_316 = arith.cmpi sge, %get3A_50, %ge3A_315 : vector<64x8192xi32>
      %convert_element_type3A_317 = arith.extui %ge3A_316 : vector<64x8192xi1> to vector<64x8192xi32>
      %reduce_sum3A_318 = arith.constant dense<0> : vector<64xi32>
      %reduce_sum3A_319 = vector.multi_reduction <add>, %convert_element_type3A_317, %reduce_sum3A_318 [1] : vector<64x8192xi32> to vector<64xi32>
      %broadcast_in_dim3A_320 = vector.shape_cast %reduce_sum3A_319 : vector<64xi32> to vector<64x1xi32>
      %ge3A_321 = arith.constant 1024 : i32
      %ge3A_322 = vector.broadcast %ge3A_321 : i32 to vector<64x1xi32>
      %ge3A_323 = arith.cmpi sge, %broadcast_in_dim3A_320, %ge3A_322 : vector<64x1xi32>
      %select_n3A_324 = arith.select %ge3A_323, %add3A_314, %select_n3A_311 : vector<64x1xi1>, vector<64x1xi32>
      %add3A_325 = arith.constant 1024 : i32
      %add3A_326 = vector.broadcast %add3A_325 : i32 to vector<64x1xi32>
      %add3A_327 = arith.addi %select_n3A_324, %add3A_326 : vector<64x1xi32>
      %ge3A_328 = vector.broadcast %add3A_327 : vector<64x1xi32> to vector<64x8192xi32>
      %ge3A_329 = arith.cmpi sge, %get3A_50, %ge3A_328 : vector<64x8192xi32>
      %convert_element_type3A_330 = arith.extui %ge3A_329 : vector<64x8192xi1> to vector<64x8192xi32>
      %reduce_sum3A_331 = arith.constant dense<0> : vector<64xi32>
      %reduce_sum3A_332 = vector.multi_reduction <add>, %convert_element_type3A_330, %reduce_sum3A_331 [1] : vector<64x8192xi32> to vector<64xi32>
      %broadcast_in_dim3A_333 = vector.shape_cast %reduce_sum3A_332 : vector<64xi32> to vector<64x1xi32>
      %ge3A_334 = arith.constant 1024 : i32
      %ge3A_335 = vector.broadcast %ge3A_334 : i32 to vector<64x1xi32>
      %ge3A_336 = arith.cmpi sge, %broadcast_in_dim3A_333, %ge3A_335 : vector<64x1xi32>
      %select_n3A_337 = arith.select %ge3A_336, %add3A_327, %select_n3A_324 : vector<64x1xi1>, vector<64x1xi32>
      %add3A_338 = arith.constant 512 : i32
      %add3A_339 = vector.broadcast %add3A_338 : i32 to vector<64x1xi32>
      %add3A_340 = arith.addi %select_n3A_337, %add3A_339 : vector<64x1xi32>
      %ge3A_341 = vector.broadcast %add3A_340 : vector<64x1xi32> to vector<64x8192xi32>
      %ge3A_342 = arith.cmpi sge, %get3A_50, %ge3A_341 : vector<64x8192xi32>
      %convert_element_type3A_343 = arith.extui %ge3A_342 : vector<64x8192xi1> to vector<64x8192xi32>
      %reduce_sum3A_344 = arith.constant dense<0> : vector<64xi32>
      %reduce_sum3A_345 = vector.multi_reduction <add>, %convert_element_type3A_343, %reduce_sum3A_344 [1] : vector<64x8192xi32> to vector<64xi32>
      %broadcast_in_dim3A_346 = vector.shape_cast %reduce_sum3A_345 : vector<64xi32> to vector<64x1xi32>
      %ge3A_347 = arith.constant 1024 : i32
      %ge3A_348 = vector.broadcast %ge3A_347 : i32 to vector<64x1xi32>
      %ge3A_349 = arith.cmpi sge, %broadcast_in_dim3A_346, %ge3A_348 : vector<64x1xi32>
      %select_n3A_350 = arith.select %ge3A_349, %add3A_340, %select_n3A_337 : vector<64x1xi1>, vector<64x1xi32>
      %add3A_351 = arith.constant 256 : i32
      %add3A_352 = vector.broadcast %add3A_351 : i32 to vector<64x1xi32>
      %add3A_353 = arith.addi %select_n3A_350, %add3A_352 : vector<64x1xi32>
      %ge3A_354 = vector.broadcast %add3A_353 : vector<64x1xi32> to vector<64x8192xi32>
      %ge3A_355 = arith.cmpi sge, %get3A_50, %ge3A_354 : vector<64x8192xi32>
      %convert_element_type3A_356 = arith.extui %ge3A_355 : vector<64x8192xi1> to vector<64x8192xi32>
      %reduce_sum3A_357 = arith.constant dense<0> : vector<64xi32>
      %reduce_sum3A_358 = vector.multi_reduction <add>, %convert_element_type3A_356, %reduce_sum3A_357 [1] : vector<64x8192xi32> to vector<64xi32>
      %broadcast_in_dim3A_359 = vector.shape_cast %reduce_sum3A_358 : vector<64xi32> to vector<64x1xi32>
      %ge3A_360 = arith.constant 1024 : i32
      %ge3A_361 = vector.broadcast %ge3A_360 : i32 to vector<64x1xi32>
      %ge3A_362 = arith.cmpi sge, %broadcast_in_dim3A_359, %ge3A_361 : vector<64x1xi32>
      %select_n3A_363 = arith.select %ge3A_362, %add3A_353, %select_n3A_350 : vector<64x1xi1>, vector<64x1xi32>
      %add3A_364 = arith.constant 128 : i32
      %add3A_365 = vector.broadcast %add3A_364 : i32 to vector<64x1xi32>
      %add3A_366 = arith.addi %select_n3A_363, %add3A_365 : vector<64x1xi32>
      %ge3A_367 = vector.broadcast %add3A_366 : vector<64x1xi32> to vector<64x8192xi32>
      %ge3A_368 = arith.cmpi sge, %get3A_50, %ge3A_367 : vector<64x8192xi32>
      %convert_element_type3A_369 = arith.extui %ge3A_368 : vector<64x8192xi1> to vector<64x8192xi32>
      %reduce_sum3A_370 = arith.constant dense<0> : vector<64xi32>
      %reduce_sum3A_371 = vector.multi_reduction <add>, %convert_element_type3A_369, %reduce_sum3A_370 [1] : vector<64x8192xi32> to vector<64xi32>
      %broadcast_in_dim3A_372 = vector.shape_cast %reduce_sum3A_371 : vector<64xi32> to vector<64x1xi32>
      %ge3A_373 = arith.constant 1024 : i32
      %ge3A_374 = vector.broadcast %ge3A_373 : i32 to vector<64x1xi32>
      %ge3A_375 = arith.cmpi sge, %broadcast_in_dim3A_372, %ge3A_374 : vector<64x1xi32>
      %select_n3A_376 = arith.select %ge3A_375, %add3A_366, %select_n3A_363 : vector<64x1xi1>, vector<64x1xi32>
      %add3A_377 = arith.constant 64 : i32
      %add3A_378 = vector.broadcast %add3A_377 : i32 to vector<64x1xi32>
      %add3A_379 = arith.addi %select_n3A_376, %add3A_378 : vector<64x1xi32>
      %ge3A_380 = vector.broadcast %add3A_379 : vector<64x1xi32> to vector<64x8192xi32>
      %ge3A_381 = arith.cmpi sge, %get3A_50, %ge3A_380 : vector<64x8192xi32>
      %convert_element_type3A_382 = arith.extui %ge3A_381 : vector<64x8192xi1> to vector<64x8192xi32>
      %reduce_sum3A_383 = arith.constant dense<0> : vector<64xi32>
      %reduce_sum3A_384 = vector.multi_reduction <add>, %convert_element_type3A_382, %reduce_sum3A_383 [1] : vector<64x8192xi32> to vector<64xi32>
      %broadcast_in_dim3A_385 = vector.shape_cast %reduce_sum3A_384 : vector<64xi32> to vector<64x1xi32>
      %ge3A_386 = arith.constant 1024 : i32
      %ge3A_387 = vector.broadcast %ge3A_386 : i32 to vector<64x1xi32>
      %ge3A_388 = arith.cmpi sge, %broadcast_in_dim3A_385, %ge3A_387 : vector<64x1xi32>
      %select_n3A_389 = arith.select %ge3A_388, %add3A_379, %select_n3A_376 : vector<64x1xi1>, vector<64x1xi32>
      %add3A_390 = arith.constant 32 : i32
      %add3A_391 = vector.broadcast %add3A_390 : i32 to vector<64x1xi32>
      %add3A_392 = arith.addi %select_n3A_389, %add3A_391 : vector<64x1xi32>
      %ge3A_393 = vector.broadcast %add3A_392 : vector<64x1xi32> to vector<64x8192xi32>
      %ge3A_394 = arith.cmpi sge, %get3A_50, %ge3A_393 : vector<64x8192xi32>
      %convert_element_type3A_395 = arith.extui %ge3A_394 : vector<64x8192xi1> to vector<64x8192xi32>
      %reduce_sum3A_396 = arith.constant dense<0> : vector<64xi32>
      %reduce_sum3A_397 = vector.multi_reduction <add>, %convert_element_type3A_395, %reduce_sum3A_396 [1] : vector<64x8192xi32> to vector<64xi32>
      %broadcast_in_dim3A_398 = vector.shape_cast %reduce_sum3A_397 : vector<64xi32> to vector<64x1xi32>
      %ge3A_399 = arith.constant 1024 : i32
      %ge3A_400 = vector.broadcast %ge3A_399 : i32 to vector<64x1xi32>
      %ge3A_401 = arith.cmpi sge, %broadcast_in_dim3A_398, %ge3A_400 : vector<64x1xi32>
      %select_n3A_402 = arith.select %ge3A_401, %add3A_392, %select_n3A_389 : vector<64x1xi1>, vector<64x1xi32>
      %add3A_403 = arith.constant 16 : i32
      %add3A_404 = vector.broadcast %add3A_403 : i32 to vector<64x1xi32>
      %add3A_405 = arith.addi %select_n3A_402, %add3A_404 : vector<64x1xi32>
      %ge3A_406 = vector.broadcast %add3A_405 : vector<64x1xi32> to vector<64x8192xi32>
      %ge3A_407 = arith.cmpi sge, %get3A_50, %ge3A_406 : vector<64x8192xi32>
      %convert_element_type3A_408 = arith.extui %ge3A_407 : vector<64x8192xi1> to vector<64x8192xi32>
      %reduce_sum3A_409 = arith.constant dense<0> : vector<64xi32>
      %reduce_sum3A_410 = vector.multi_reduction <add>, %convert_element_type3A_408, %reduce_sum3A_409 [1] : vector<64x8192xi32> to vector<64xi32>
      %broadcast_in_dim3A_411 = vector.shape_cast %reduce_sum3A_410 : vector<64xi32> to vector<64x1xi32>
      %ge3A_412 = arith.constant 1024 : i32
      %ge3A_413 = vector.broadcast %ge3A_412 : i32 to vector<64x1xi32>
      %ge3A_414 = arith.cmpi sge, %broadcast_in_dim3A_411, %ge3A_413 : vector<64x1xi32>
      %select_n3A_415 = arith.select %ge3A_414, %add3A_405, %select_n3A_402 : vector<64x1xi1>, vector<64x1xi32>
      %add3A_416 = arith.constant 8 : i32
      %add3A_417 = vector.broadcast %add3A_416 : i32 to vector<64x1xi32>
      %add3A_418 = arith.addi %select_n3A_415, %add3A_417 : vector<64x1xi32>
      %ge3A_419 = vector.broadcast %add3A_418 : vector<64x1xi32> to vector<64x8192xi32>
      %ge3A_420 = arith.cmpi sge, %get3A_50, %ge3A_419 : vector<64x8192xi32>
      %convert_element_type3A_421 = arith.extui %ge3A_420 : vector<64x8192xi1> to vector<64x8192xi32>
      %reduce_sum3A_422 = arith.constant dense<0> : vector<64xi32>
      %reduce_sum3A_423 = vector.multi_reduction <add>, %convert_element_type3A_421, %reduce_sum3A_422 [1] : vector<64x8192xi32> to vector<64xi32>
      %broadcast_in_dim3A_424 = vector.shape_cast %reduce_sum3A_423 : vector<64xi32> to vector<64x1xi32>
      %ge3A_425 = arith.constant 1024 : i32
      %ge3A_426 = vector.broadcast %ge3A_425 : i32 to vector<64x1xi32>
      %ge3A_427 = arith.cmpi sge, %broadcast_in_dim3A_424, %ge3A_426 : vector<64x1xi32>
      %select_n3A_428 = arith.select %ge3A_427, %add3A_418, %select_n3A_415 : vector<64x1xi1>, vector<64x1xi32>
      %add3A_429 = arith.constant 4 : i32
      %add3A_430 = vector.broadcast %add3A_429 : i32 to vector<64x1xi32>
      %add3A_431 = arith.addi %select_n3A_428, %add3A_430 : vector<64x1xi32>
      %ge3A_432 = vector.broadcast %add3A_431 : vector<64x1xi32> to vector<64x8192xi32>
      %ge3A_433 = arith.cmpi sge, %get3A_50, %ge3A_432 : vector<64x8192xi32>
      %convert_element_type3A_434 = arith.extui %ge3A_433 : vector<64x8192xi1> to vector<64x8192xi32>
      %reduce_sum3A_435 = arith.constant dense<0> : vector<64xi32>
      %reduce_sum3A_436 = vector.multi_reduction <add>, %convert_element_type3A_434, %reduce_sum3A_435 [1] : vector<64x8192xi32> to vector<64xi32>
      %broadcast_in_dim3A_437 = vector.shape_cast %reduce_sum3A_436 : vector<64xi32> to vector<64x1xi32>
      %ge3A_438 = arith.constant 1024 : i32
      %ge3A_439 = vector.broadcast %ge3A_438 : i32 to vector<64x1xi32>
      %ge3A_440 = arith.cmpi sge, %broadcast_in_dim3A_437, %ge3A_439 : vector<64x1xi32>
      %select_n3A_441 = arith.select %ge3A_440, %add3A_431, %select_n3A_428 : vector<64x1xi1>, vector<64x1xi32>
      %add3A_442 = arith.constant 2 : i32
      %add3A_443 = vector.broadcast %add3A_442 : i32 to vector<64x1xi32>
      %add3A_444 = arith.addi %select_n3A_441, %add3A_443 : vector<64x1xi32>
      %ge3A_445 = vector.broadcast %add3A_444 : vector<64x1xi32> to vector<64x8192xi32>
      %ge3A_446 = arith.cmpi sge, %get3A_50, %ge3A_445 : vector<64x8192xi32>
      %convert_element_type3A_447 = arith.extui %ge3A_446 : vector<64x8192xi1> to vector<64x8192xi32>
      %reduce_sum3A_448 = arith.constant dense<0> : vector<64xi32>
      %reduce_sum3A_449 = vector.multi_reduction <add>, %convert_element_type3A_447, %reduce_sum3A_448 [1] : vector<64x8192xi32> to vector<64xi32>
      %broadcast_in_dim3A_450 = vector.shape_cast %reduce_sum3A_449 : vector<64xi32> to vector<64x1xi32>
      %ge3A_451 = arith.constant 1024 : i32
      %ge3A_452 = vector.broadcast %ge3A_451 : i32 to vector<64x1xi32>
      %ge3A_453 = arith.cmpi sge, %broadcast_in_dim3A_450, %ge3A_452 : vector<64x1xi32>
      %select_n3A_454 = arith.select %ge3A_453, %add3A_444, %select_n3A_441 : vector<64x1xi1>, vector<64x1xi32>
      %add3A_455 = arith.constant 1 : i32
      %add3A_456 = vector.broadcast %add3A_455 : i32 to vector<64x1xi32>
      %add3A_457 = arith.addi %select_n3A_454, %add3A_456 : vector<64x1xi32>
      %ge3A_458 = vector.broadcast %add3A_457 : vector<64x1xi32> to vector<64x8192xi32>
      %ge3A_459 = arith.cmpi sge, %get3A_50, %ge3A_458 : vector<64x8192xi32>
      %convert_element_type3A_460 = arith.extui %ge3A_459 : vector<64x8192xi1> to vector<64x8192xi32>
      %reduce_sum3A_461 = arith.constant dense<0> : vector<64xi32>
      %reduce_sum3A_462 = vector.multi_reduction <add>, %convert_element_type3A_460, %reduce_sum3A_461 [1] : vector<64x8192xi32> to vector<64xi32>
      %broadcast_in_dim3A_463 = vector.shape_cast %reduce_sum3A_462 : vector<64xi32> to vector<64x1xi32>
      %ge3A_464 = arith.constant 1024 : i32
      %ge3A_465 = vector.broadcast %ge3A_464 : i32 to vector<64x1xi32>
      %ge3A_466 = arith.cmpi sge, %broadcast_in_dim3A_463, %ge3A_465 : vector<64x1xi32>
      %select_n3A_467 = arith.select %ge3A_466, %add3A_457, %select_n3A_454 : vector<64x1xi1>, vector<64x1xi32>
      %broadcast_in_dim3A_468 = vector.shape_cast %select_n3A_467 : vector<64x1xi32> to vector<64x1xi32>
      %broadcast_in_dim3A_469 = vector.broadcast %broadcast_in_dim3A_468 : vector<64x1xi32> to vector<64x128xi32>
      %swap3A_470 = arith.constant 0 : index
      %swap3A_471 = arith.constant 0 : index
      %swap3A_472 = vector.load %arg6[%swap3A_470, %swap3A_471] : memref<64x128xi32, #tpu.memory_space<vmem>>, vector<64x128xi32>
      tpu.vector_store %arg6[%swap3A_470, %swap3A_471], %broadcast_in_dim3A_469 {strides = array<i32>} : memref<64x128xi32, #tpu.memory_space<vmem>>, vector<64x128xi32>,
    } else {
    }
    %get3A_32 = arith.constant 0 : index
    %get3A_33 = arith.constant 0 : index
    %get3A_34 = vector.load %arg1[%get3A_32, %get3A_33] : memref<1024x1024xf32, #tpu.memory_space<vmem>>, vector<1024x1024xf32>
    %convert_element_type3A_35 = arith.truncf %get3A_34 : vector<1024x1024xf32> to vector<1024x1024xbf16>
    %slice3A = vector.extract_strided_slice %convert_element_type3A_35 {offsets = [0, 0], sizes = [1024, 512], strides = [1, 1]} : vector<1024x1024xbf16> to vector<1024x512xbf16>
    %bitcast_convert_type3A_36 = tpu.bitcast %slice3A : vector<1024x512xbf16> -> vector<1024x512xi16>
    %convert_element_type3A_37 = arith.extui %bitcast_convert_type3A_36 : vector<1024x512xi16> to vector<1024x512xi32>
    %slice3A_38 = vector.extract_strided_slice %convert_element_type3A_35 {offsets = [0, 512], sizes = [1024, 512], strides = [1, 1]} : vector<1024x1024xbf16> to vector<1024x512xbf16>
    %bitcast_convert_type3A_39 = tpu.bitcast %slice3A_38 : vector<1024x512xbf16> -> vector<1024x512xi16>
    %convert_element_type3A_40 = arith.extui %bitcast_convert_type3A_39 : vector<1024x512xi16> to vector<1024x512xi32>
    %shift_left3A = arith.constant 16 : i32
    %shift_left3A_41 = vector.broadcast %shift_left3A : i32 to vector<1024x512xi32>
    %shift_left3A_42 = arith.shli %convert_element_type3A_37, %shift_left3A_41 : vector<1024x512xi32>
    %or3A_43 = arith.ori %shift_left3A_42, %convert_element_type3A_40 : vector<1024x512xi32>
    %bitcast_convert_type3A_44 = tpu.bitcast %or3A_43 : vector<1024x512xi32> -> vector<1024x512xi32>
    %swap3A_45 = arith.constant 0 : index
    %swap3A_46 = arith.constant 0 : index
    %swap3A_47 = vector.load %arg5[%swap3A_45, %swap3A_46] : memref<1024x512xi32, #tpu.memory_space<vmem>>, vector<1024x512xi32>
    tpu.vector_store %arg5[%swap3A_45, %swap3A_46], %bitcast_convert_type3A_44 {strides = array<i32>} : memref<1024x512xi32, #tpu.memory_space<vmem>>, vector<1024x512xi32>,
    return
  }
  func.func @transform_0(%arg0: i32) -> (i32, i32) {
    %c0_i32 = arith.constant 0 : i32
    %c0_i32_0 = arith.constant 0 : i32
    return %arg0, %c0_i32 : i32, i32
  }
  func.func @transform_1(%arg0: i32) -> (i32, i32) {
    %c0_i32 = arith.constant 0 : i32
    %c0_i32_0 = arith.constant 0 : i32
    %c0_i32_1 = arith.constant 0 : i32
    return %c0_i32, %c0_i32_0 : i32, i32
  }
  func.func @transform_2(%arg0: i32) -> (i32, i32) {
    %c0_i32 = arith.constant 0 : i32
    %c0_i32_0 = arith.constant 0 : i32
    return %c0_i32, %arg0 : i32, i32
  }
  func.func @transform_3(%arg0: i32) -> (i32, i32) {
    %c0_i32 = arith.constant 0 : i32
    %c0_i32_0 = arith.constant 0 : i32
    return %c0_i32, %arg0 : i32, i32
  }
  func.func @transform_4(%arg0: i32) -> (i32, i32) {
    %c0_i32 = arith.constant 0 : i32
    %c0_i32_0 = arith.constant 0 : i32
    return %arg0, %c0_i32 : i32, i32
  }
  func.func @transform_5(%arg0: i32) -> (i32, i32) {
    %c0_i32 = arith.constant 0 : i32
    %c0_i32_0 = arith.constant 0 : i32
    %c0_i32_1 = arith.constant 0 : i32
    return %c0_i32, %c0_i32_0 : i32, i32
  }
}

module attributes {stable_mosaic.version = 14 : i64} {
  func.func @_experts_body(%arg0: i32, %arg1: i32, %arg2: memref<1024x512xi32, #tpu.memory_space<vmem>>, %arg3: memref<1x128x1024xf32, #tpu.memory_space<vmem>>, %arg4: memref<1x1024x128xf32, #tpu.memory_space<vmem>>, %arg5: memref<32x8192xf32, #tpu.memory_space<vmem>>, %arg6: memref<1024x1024xf32, #tpu.memory_space<vmem>>, %arg7: memref<1x8192xf32, #tpu.memory_space<vmem>>) attributes {dimension_semantics = [#tpu.dimension_semantics<arbitrary>, #tpu.dimension_semantics<arbitrary>], iteration_bounds = array<i64: 64, 1>, scalar_prefetch = 0 : i64, scratch_operands = 0 : i64, tpu.core_type = #tpu.core_type<tc>, window_params = [{transform_indices = @transform_0, window_bounds = array<i64: 1024, 512>}, {transform_indices = @transform_1, window_bounds = array<i64: 1, 128, 1024>}, {transform_indices = @transform_2, window_bounds = array<i64: 1, 1024, 128>}, {pipeline_mode = #tpu.pipeline_mode<synchronous>, transform_indices = @transform_3, window_bounds = array<i64: 32, 8192>}, {transform_indices = @transform_4, window_bounds = array<i64: 1024, 1024>}, {pipeline_mode = #tpu.pipeline_mode<synchronous>, transform_indices = @transform_5, window_bounds = array<i64: 1, 8192>}]} {
    %get3A = arith.constant 0 : index
    %get3A_0 = arith.constant 0 : index
    %get3A_1 = vector.load %arg2[%get3A, %get3A_0] : memref<1024x512xi32, #tpu.memory_space<vmem>>, vector<1024x512xi32>
    %bitcast_convert_type3A = tpu.bitcast %get3A_1 : vector<1024x512xi32> -> vector<1024x512xi32>
    %shift_right_logical3A = arith.constant 16 : i32
    %shift_right_logical3A_2 = vector.broadcast %shift_right_logical3A : i32 to vector<1024x512xi32>
    %shift_right_logical3A_3 = arith.shrui %bitcast_convert_type3A, %shift_right_logical3A_2 : vector<1024x512xi32>
    %convert_element_type3A = arith.trunci %shift_right_logical3A_3 : vector<1024x512xi32> to vector<1024x512xi16>
    %bitcast_convert_type3A_4 = tpu.bitcast %convert_element_type3A : vector<1024x512xi16> -> vector<1024x512xbf16>
    %and3A = arith.constant 65535 : i32
    %and3A_5 = vector.broadcast %and3A : i32 to vector<1024x512xi32>
    %and3A_6 = arith.andi %bitcast_convert_type3A, %and3A_5 : vector<1024x512xi32>
    %convert_element_type3A_7 = arith.trunci %and3A_6 : vector<1024x512xi32> to vector<1024x512xi16>
    %bitcast_convert_type3A_8 = tpu.bitcast %convert_element_type3A_7 : vector<1024x512xi16> -> vector<1024x512xbf16>
    %concatenate3A = tpu.concatenate %bitcast_convert_type3A_4, %bitcast_convert_type3A_8 in 1 : vector<1024x512xbf16>, vector<1024x512xbf16> -> vector<1024x1024xbf16>
    %get3A_9 = arith.constant 0 : index
    %get3A_10 = arith.constant 0 : index
    %get3A_11 = arith.constant 0 : index
    %get3A_12 = vector.load %arg3[%get3A_9, %get3A_10, %get3A_11] : memref<1x128x1024xf32, #tpu.memory_space<vmem>>, vector<1x128x1024xf32>
    %get3A_13 = vector.shape_cast %get3A_12 : vector<1x128x1024xf32> to vector<128x1024xf32>
    %convert_element_type3A_14 = arith.truncf %get3A_13 : vector<128x1024xf32> to vector<128x1024xbf16>
    %dot_general3A = arith.constant dense<0.000000e+00> : vector<1024x128xf32>
    %dot_general3A_15 = tpu.matmul %concatenate3A, %convert_element_type3A_14, %dot_general3A {dimension_numbers = #tpu.dot_dimension_numbers<[1], [1], [0], [0], [0, 0, 1, 0], [], []>, transpose_lhs_hint = false} : vector<1024x1024xbf16>, vector<128x1024xbf16>, vector<1024x128xf32> -> vector<1024x128xf32>
    %integer_pow3A = arith.mulf %dot_general3A_15, %dot_general3A_15 : vector<1024x128xf32>
    %integer_pow3A_16 = arith.mulf %dot_general3A_15, %integer_pow3A : vector<1024x128xf32>
    %mul3A = arith.constant 4.471500e-02 : f32
    %mul3A_17 = vector.broadcast %mul3A : f32 to vector<1024x128xf32>
    %mul3A_18 = arith.mulf %mul3A_17, %integer_pow3A_16 : vector<1024x128xf32>
    %add3A = arith.addf %dot_general3A_15, %mul3A_18 : vector<1024x128xf32>
    %mul3A_19 = arith.constant 0.797884583 : f32
    %mul3A_20 = vector.broadcast %mul3A_19 : f32 to vector<1024x128xf32>
    %mul3A_21 = arith.mulf %mul3A_20, %add3A : vector<1024x128xf32>
    %tanh3A = math.tanh %mul3A_21 : vector<1024x128xf32>
    %add3A_22 = arith.constant 1.000000e+00 : f32
    %add3A_23 = vector.broadcast %add3A_22 : f32 to vector<1024x128xf32>
    %add3A_24 = arith.addf %add3A_23, %tanh3A : vector<1024x128xf32>
    %mul3A_25 = arith.constant 5.000000e-01 : f32
    %mul3A_26 = vector.broadcast %mul3A_25 : f32 to vector<1024x128xf32>
    %mul3A_27 = arith.mulf %mul3A_26, %add3A_24 : vector<1024x128xf32>
    %mul3A_28 = arith.mulf %dot_general3A_15, %mul3A_27 : vector<1024x128xf32>
    %get3A_29 = arith.constant 0 : index
    %get3A_30 = arith.constant 0 : index
    %get3A_31 = arith.constant 0 : index
    %get3A_32 = vector.load %arg4[%get3A_29, %get3A_30, %get3A_31] : memref<1x1024x128xf32, #tpu.memory_space<vmem>>, vector<1x1024x128xf32>
    %get3A_33 = vector.shape_cast %get3A_32 : vector<1x1024x128xf32> to vector<1024x128xf32>
    %dot_general3A_34 = arith.constant dense<0.000000e+00> : vector<1024x1024xf32>
    %dot_general3A_35 = tpu.matmul %mul3A_28, %get3A_33, %dot_general3A_34 {dimension_numbers = #tpu.dot_dimension_numbers<[1], [1], [0], [0], [0, 0, 1, 0], [], []>, transpose_lhs_hint = false} : vector<1024x128xf32>, vector<1024x128xf32>, vector<1024x1024xf32> -> vector<1024x1024xf32>
    %swap3A = arith.constant 0 : index
    %swap3A_36 = arith.constant 0 : index
    %swap3A_37 = vector.load %arg6[%swap3A, %swap3A_36] : memref<1024x1024xf32, #tpu.memory_space<vmem>>, vector<1024x1024xf32>
    tpu.vector_store %arg6[%swap3A, %swap3A_36], %dot_general3A_35 {strides = array<i32>} : memref<1024x1024xf32, #tpu.memory_space<vmem>>, vector<1024x1024xf32>,
    %eq3A = arith.constant 0 : i32
    %eq3A_38 = arith.cmpi eq, %arg0, %eq3A : i32
    %eq3A_39 = arith.constant 0 : i32
    %eq3A_40 = arith.cmpi eq, %arg1, %eq3A_39 : i32
    %and3A_41 = arith.andi %eq3A_38, %eq3A_40 : i1
    %convert_element_type3A_42 = arith.extui %and3A_41 : i1 to i32
    %cond3A = arith.constant 0 : i32
    %cond3A_43 = arith.cmpi ne, %convert_element_type3A_42, %cond3A : i32
    scf.if %cond3A_43 {
      %get3A_44 = arith.constant 0 : index
      %get3A_45 = arith.constant 0 : index
      %get3A_46 = vector.load %arg5[%get3A_44, %get3A_45] : memref<32x8192xf32, #tpu.memory_space<vmem>>, vector<32x8192xf32>
      %reduce_sum3A = arith.constant dense<0.000000e+00> : vector<8192xf32>
      %reduce_sum3A_47 = vector.multi_reduction <add>, %get3A_46, %reduce_sum3A [0] : vector<32x8192xf32> to vector<8192xf32>
      %broadcast_in_dim3A = vector.shape_cast %reduce_sum3A_47 : vector<8192xf32> to vector<1x8192xf32>
      %swap3A_48 = arith.constant 0 : index
      %swap3A_49 = arith.constant 0 : index
      %swap3A_50 = vector.load %arg7[%swap3A_48, %swap3A_49] : memref<1x8192xf32, #tpu.memory_space<vmem>>, vector<1x8192xf32>
      tpu.vector_store %arg7[%swap3A_48, %swap3A_49], %broadcast_in_dim3A {strides = array<i32>} : memref<1x8192xf32, #tpu.memory_space<vmem>>, vector<1x8192xf32>,
    } else {
    }
    return
  }
  func.func @transform_0(%arg0: i32, %arg1: i32) -> (i32, i32) {
    %mul3A = arith.constant 1 : i32
    %mul3A_0 = arith.muli %arg0, %mul3A : i32
    %add3A = arith.addi %mul3A_0, %arg1 : i32
    %c0_i32 = arith.constant 0 : i32
    %c0_i32_1 = arith.constant 0 : i32
    return %add3A, %c0_i32 : i32, i32
  }
  func.func @transform_1(%arg0: i32, %arg1: i32) -> (i32, i32, i32) {
    %c0_i32 = arith.constant 0 : i32
    %c0_i32_0 = arith.constant 0 : i32
    %c0_i32_1 = arith.constant 0 : i32
    return %arg0, %c0_i32, %c0_i32_0 : i32, i32, i32
  }
  func.func @transform_2(%arg0: i32, %arg1: i32) -> (i32, i32, i32) {
    %c0_i32 = arith.constant 0 : i32
    %c0_i32_0 = arith.constant 0 : i32
    %c0_i32_1 = arith.constant 0 : i32
    return %arg0, %c0_i32, %c0_i32_0 : i32, i32, i32
  }
  func.func @transform_3(%arg0: i32, %arg1: i32) -> (i32, i32) {
    %c0_i32 = arith.constant 0 : i32
    %c0_i32_0 = arith.constant 0 : i32
    %c0_i32_1 = arith.constant 0 : i32
    return %c0_i32, %c0_i32_0 : i32, i32
  }
  func.func @transform_4(%arg0: i32, %arg1: i32) -> (i32, i32) {
    %mul3A = arith.constant 1 : i32
    %mul3A_0 = arith.muli %arg0, %mul3A : i32
    %add3A = arith.addi %mul3A_0, %arg1 : i32
    %c0_i32 = arith.constant 0 : i32
    %c0_i32_1 = arith.constant 0 : i32
    return %add3A, %c0_i32 : i32, i32
  }
  func.func @transform_5(%arg0: i32, %arg1: i32) -> (i32, i32) {
    %c0_i32 = arith.constant 0 : i32
    %c0_i32_0 = arith.constant 0 : i32
    %c0_i32_1 = arith.constant 0 : i32
    return %c0_i32, %c0_i32_0 : i32, i32
  }
}

</mosaic_0001>

<sc_bundles>
// kernel: kernel.10.cloned.1.call-start
scs
__scs_entry_jumppad:
0x0: {  	(pc) =	sbr.rel $0x88, $3  }
0x1: {  	(tag) =	ssettag $0x0;
	lr =	simm.s32 $0x1  }
0x2: {  	[smem:$0x3F9D] =	sst lr;
	_ =	strace $0xD0000000  }
0x3: {  	_ = 	snop  }
0x4: {  	_ = 	snop  }
0x5: {  	_ = 	snop  }
0x6: {  	_ = 	snop  }
0x7: {  	_ = 	snop  }
__scs_overlays_trampoline_lowered:
0x8: {  	[smem:$0x3FAC] =	sst s0  }
0x9: {  	[smem:$0x3FAD] =	sst s1  }
0xa: {  	[smem:$0x3FAE] =	sst s2  }
0xb: {  	[smem:$0x3FAF] =	sst s3  }
0xc: {  	[smem:$0x3FB0] =	sst s4  }
0xd: {  	[smem:$0x3FB1] =	sst s5  }
0xe: {  	[smem:$0x3FB2] =	sst s6  }
0xf: {  	[smem:$0x3FB3] =	sst s7  }
0x10: {  	[smem:$0x3FB4] =	sst s8  }
0x11: {  	[smem:$0x3FB5] =	sst s9;
	s0 =	simm.s32 @!p0 $0x0  }
0x12: {  	s1 =	sld [smem:$0x3F9B];
	s0 =	simm.s32 @p0 $0x1  }
0x13: {  	[smem:$0x3FB6] =	sst s0;
	s0 =	simm.s32 @!p1 $0x0  }
0x14: {  	s2 =	sld [smem:$0x3F9A];
	s0 =	simm.s32 @p1 $0x1  }
0x15: {  	[smem:$0x3FB7] =	sst s0;
	s0 =	simm.s32 @!p2 $0x0  }
0x16: {  	s3 =	sld [smem:$0x3FDB];
	s0 =	simm.s32 @p2 $0x1  }
0x17: {  	s4 =	simm.s32 $0x1BF5;
	[smem:$0x3FB9] =	sst s0  }
0x18: {  	s0 =	sld [smem:$0x3F9C];
	_ =	swait.ge [sflag:s4], $0x0  }
0x19: {  	s7 =	sld [smem:$0x3F9D]  }
0x1a: {  	s8 =	sadd.s32 $0xFFFFE003, lr  }
0x1b: {  	s9 =	sadd.s32 $0xFFFFFEF7, lr;
	s5 =	simm.s32 $0xFFFFFFFF;
	p2 =	slt.u32 s8, $0xFFFFF086  }
0x1c: {  	p1 =	slt.u32 s9, $0xF7A;
	s5 =	simm.s32 @!p2 $0x0  }
0x1d: {  	s5 =	simm.s32 @p1 $0x1;
	p0 =	seq.s32 s7, s2  }
0x1e: {  	s7 =	smul.u32 @!p0 $0xF7A, s2;
	p2 =	seq.s32 @!p0 s5, $0x0  }
0x1f: {  	s9 =	smul.u32 $0xF7A, s1;
	s8 =	simm.s32 @!p0 $0x1BF5;
	p2 =	por !p2, p0  }
0x20: {  	[sflag:s8] =	ssyncset.s32 @!p0 $0xFFFFF086;
	s6 =	sadd.s32 @!p0 s3, s7;
	s7 =	simm.s32 @!p0 $0x108  }
0x21: {  	s3 =	sadd.s32 s3, s9;
	s6 =	sadd.s32 @!p0 $0x88, s6;
	s7 =	simm.s32 @p2 $0x1082  }
0x22: {  	[simem:s7], [sflag:s8] =	dma.local @!p0 [hbm:s6], $0xF7A  }
0x23: {  	s9 =	sor.u32 $0xD0000000, s2;
	s6 =	simm.s32 $0x108;
	_ =	swait.ge @!p0 [sflag:s8], $0x0  }
0x24: {  	s3 =	sadd.s32 $0x88, s3;
	s6 =	simm.s32 @!p1 $0x1082;
	[sflag:s4] =	ssyncset.s32 $0xFFFFF086  }
0x25: {  	[simem:s6], [sflag:s4] =	dma.local [hbm:s3], $0xF7A  }
0x26: {  	[smem:$0x3F9D] =	sst s1;
	(tag) =	ssettag s2;
	_ =	strace s9  }
0x27: {  	s1 =	sld [smem:$0x3FAD]  }
0x28: {  	s2 =	sld [smem:$0x3FAE]  }
0x29: {  	s4 =	sld [smem:$0x3FB0]  }
0x2a: {  	p0 =	seq.s32 s5, $0x0;
	s5 =	sld [smem:$0x3FB1]  }
0x2b: {  	s6 =	sld [smem:$0x3FB2]  }
0x2c: {  	s7 =	sld [smem:$0x3FB3]  }
0x2d: {  	s3 =	simm.s32 $0x108;
	s8 =	sld [smem:$0x3FB4]  }
0x2e: {  	s3 =	simm.s32 @!p0 $0x1082;
	s9 =	sld [smem:$0x3FB5]  }
0x2f: {  	lr =	sadd.s32 s0, s3;
	s0 =	sld [smem:$0x3FAC]  }
0x30: {  	s3 =	sld [smem:$0x3FAF]  }
0x31: {  	[smem:$0x3FB8] =	sst s10  }
0x32: {  	s10 =	sld [smem:$0x3FB6];
	_ =	sdelay $0x3  }
0x33: {  	p0 =	seq.s32 s10, $0x1;
	s10 =	sld [smem:$0x3FB8];
	_ =	sdelay $0x3  }
0x34: {  	[smem:$0x3FB8] =	sst s10  }
0x35: {  	s10 =	sld [smem:$0x3FB7];
	_ =	sdelay $0x3  }
0x36: {  	p1 =	seq.s32 s10, $0x1;
	s10 =	sld [smem:$0x3FB8];
	_ =	sdelay $0x3  }
0x37: {  	[smem:$0x3FB8] =	sst s10  }
0x38: {  	s10 =	sld [smem:$0x3FB9]  }
0x39: {  	_ = 	snop;
	(pc) =	sbr.ind lr, $3  }
0x3a: {  	_ = 	snop  }
0x3b: {  	_ = 	snop  }
0x3c: {  	p2 =	seq.s32 s10, $0x1;
	s10 =	sld [smem:$0x3FB8]  }
0x3d: {  	_ =	shalt  }
0x3e: {  	_ =	shalt  }
0x3f: {  	_ =	shalt  }
0x40: {  	_ =	shalt  }
0x41: {  	_ =	shalt  }
0x42: {  	_ =	shalt  }
0x43: {  	_ =	shalt  }
0x44: {  	_ =	shalt  }
0x45: {  	_ =	shalt  }
0x46: {  	_ =	shalt  }
0x47: {  	_ =	shalt  }
0x48: {  	_ =	shalt  }
0x49: {  	_ =	shalt  }
0x4a: {  	_ =	shalt  }
0x4b: {  	_ =	shalt  }
0x4c: {  	_ =	shalt  }
0x4d: {  	_ =	shalt  }
0x4e: {  	_ =	shalt  }
0x4f: {  	_ =	shalt  }
0x50: {  	_ =	shalt  }
0x51: {  	_ =	shalt  }
0x52: {  	_ =	shalt  }
0x53: {  	_ =	shalt  }
0x54: {  	_ =	shalt  }
0x55: {  	_ =	shalt  }
0x56: {  	_ =	shalt  }
0x57: {  	_ =	shalt  }
0x58: {  	_ =	shalt  }
0x59: {  	_ =	shalt  }
0x5a: {  	_ =	shalt  }
0x5b: {  	_ =	shalt  }
0x5c: {  	_ =	shalt  }
0x5d: {  	_ =	shalt  }
0x5e: {  	_ =	shalt  }
0x5f: {  	_ =	shalt  }
0x60: {  	_ =	shalt  }
0x61: {  	_ =	shalt  }
0x62: {  	_ =	shalt  }
0x63: {  	_ =	shalt  }
0x64: {  	_ =	shalt  }
0x65: {  	_ =	shalt  }
0x66: {  	_ =	shalt  }
0x67: {  	_ =	shalt  }
0x68: {  	_ =	shalt  }
0x69: {  	_ =	shalt  }
0x6a: {  	_ =	shalt  }
0x6b: {  	_ =	shalt  }
0x6c: {  	_ =	shalt  }
0x6d: {  	_ =	shalt  }
0x6e: {  	_ =	shalt  }
0x6f: {  	_ =	shalt  }
0x70: {  	_ =	shalt  }
0x71: {  	_ =	shalt  }
0x72: {  	_ =	shalt  }
0x73: {  	_ =	shalt  }
0x74: {  	_ =	shalt  }
0x75: {  	_ =	shalt  }
0x76: {  	_ =	shalt  }
0x77: {  	_ =	shalt  }
0x78: {  	_ =	shalt  }
0x79: {  	_ =	shalt  }
0x7a: {  	_ =	shalt  }
0x7b: {  	_ =	shalt  }
0x7c: {  	_ =	shalt  }
0x7d: {  	_ =	shalt  }
0x7e: {  	_ =	shalt  }
0x7f: {  	_ =	shalt  }
0x80: {  	_ =	shalt  }
0x81: {  	_ =	shalt  }
0x82: {  	_ =	shalt  }
0x83: {  	_ =	shalt  }
0x84: {  	_ =	shalt  }
0x85: {  	_ =	shalt  }
0x86: {  	_ =	shalt  }
0x87: {  	_ =	shalt  }
.Lfunc_end0:
.L_simem_size_0:
called_computation.1_lowered:
.L_overlay_start_0:
0x88: {  	s2 =	sld [smem:$0x3FD9]  }
0x89: {  	s3 =	sld [smem:$0x3FFE];
	_ =	sdelay $0x1  }
0x8a: {  	s1 =	srdreg.scid  }
0x8b: {  	s0 =	sand.u32 $0x1, s1  }
0x8c: {  	s14 =	sshll.u32 s0, $0xA;
	s2 =	sadd.s32 s3, s2  }
0x8d: {  	s2 =	sadd.s32 s2, s14  }
0x8e: {  	[smem:$0x3FC4] =	sst s2  }
0x8f: {  	_ = 	snop  }
0x90: {  	s2 =	sld [smem:$0x3FD0];
	_ =	sdelay $0x2  }
0x91: {  	s15 =	simm.s32 $0xA;
	s4 =	simm.s32 $0x10  }
0x92: {  	[smem:s4], [sflag:s15] =	dma.local [hbm:s2], $0x1  }
0x93: {  	_ =	swait.eq [sflag:s15], $0x1  }
0x94: {  	s16 =	sld [smem:$0x10]  }
0x95: {  	s17 =	sld [smem:$0x11];
	[sflag:s15] =	ssyncset.done $0x0  }
0x96: {  	s5 =	sld [smem:$0x12];
	[sflag:s15] =	ssyncadd.s32 $0xFFFFFFFF  }
0x97: {  	s18 =	sld [smem:$0x13];
	(tm) =	ssettm $0x1  }
0x98: {  	s6 =	sld [smem:$0x3FFB];
	_ =	sdelay $0x3  }
0x99: {  	_ =	strace s6  }
0x9a: {  	s6 =	sld [smem:$0x3FFC];
	_ =	sdelay $0x3  }
0x9b: {  	_ =	strace s6  }
0x9c: {  	s6 =	sld [smem:$0x3FFD];
	_ =	sdelay $0x3  }
0x9d: {  	_ =	strace s6  }
0x9e: {  	_ =	strace $0x8FFFFFFF  }
0x9f: {  	s19 =	sld [smem:$0x3FDB];
	_ =	sdelay $0x1  }
0xa0: {  	s7 =	simm.s32 $_scs_section_size  }
0xa1: {  	s8 =	simm.s32 $_size__tile_overlayer_lowered;
	s9 =	simm.s32 $_tile_overlayer_lowered  }
0xa2: {  	s22 =	simm.s32 $0x1BFF;
	s21 =	sshll.u32 s9, $0x1;
	s6 =	sadd.s32 s7, s19  }
0xa3: {  	s10 =	simm.s32 $0x0;
	s20 =	sshll.u32 s8, $0x1;
	s8 =	sadd.s32 s21, s6  }
0xa4: {  	[timem:s10], [sflag:s22] =	dma.local [hbm:s8], s20  }
0xa5: {  	_ =	swait.ge [sflag:s22], s20  }
0xa6: {  	s7 =	ssub.s32 $0x0, s20;
	[sflag:s22] =	ssyncset.done $0x0  }
0xa7: {  	[sflag:s22] =	ssyncadd.s32 s7;
	_ =	sdelay $0x1  }
0xa8: {  	s23 =	simm.s32 $0x1B8B  }
0xa9: {  	_ =	swait.ge [sflag:s23], $0x1  }
0xaa: {  	[sflag:s23] =	ssyncset.done $0x0  }
0xab: {  	s25 =	simm.s32 $0x1B8E;
	s24 =	sld [smem:$0x3FFE];
	[sflag:s23] =	ssyncadd.s32 $0xFFFFFFFF  }
0xac: {  	s26 =	simm.s32 $execute0_lowered;
	[smem:$0x3FD2] =	sst s25  }
0xad: {  	s8 =	sshll.u32 s26, $0x1;
	_ =	strace $0x80000049;
	[dreg:$0x1] =	wrdreg $0xFFFFFFFF  }
0xae: {  	s28 =	simm.s32 $_size_execute0_lowered;
	s6 =	sadd.s32 s6, s8;
	[dreg:$0x0] =	wrdreg $0x0  }
0xaf: {  	s8 =	sshll.u32 s28, $0x1;
	[dreg:$0x2] =	wrdreg s6  }
0xb0: {  	[dreg:$0x3] =	wrdreg s8  }
0xb1: {  	[dreg:$0x4] =	wrdreg $0xC0  }
0xb2: {  	_ =	task [dreg:s10], $0x5FFFF  }
0xb3: {  	[dreg:$0x1] =	wrdreg $0xFFFFFFFF  }
0xb4: {  	[dreg:$0x0] =	wrdreg $0x60  }
0xb5: {  	[dreg:$0x2] =	wrdreg s24  }
0xb6: {  	[dreg:$0x3] =	wrdreg s18  }
0xb7: {  	[dreg:$0x4] =	wrdreg s16  }
0xb8: {  	[dreg:$0x5] =	wrdreg s17  }
0xb9: {  	[dreg:$0x6] =	wrdreg s5  }
0xba: {  	[dreg:$0x7] =	wrdreg $0x9  }
0xbb: {  	_ =	task.clear_ibuf [dreg:s10], $0x8FFFF;
	_ =	strace $0x90000049  }
0xbc: {  	s29 =	simm.s32 $0x9;
	_ =	strace $0x8000004B  }
0xbd: {  	_ =	swait.ge [sflag:s29], $0x1  }
0xbe: {  	[sflag:s29] =	ssyncadd.s32 $0xFFFFFFFF  }
0xbf: {  	_ =	strace $0x9000004B  }
0xc0: {  	_ =	sfence  }
0xc1: {  	s30 =	sld [smem:$0x0];
	_ =	sdelay $0x2  }
0xc2: {  	s31 =	sshll.u32 s1, $0xD;
	s1 =	sshrl.u32 s1, $0x2  }
0xc3: {  	s3 =	sand.u32 $0x4000, s31;
	s1 =	sadd.s32 s1, s30  }
0xc4: {  	s0 =	sor.u32 s3, s0;
	s1 =	sshll.u32 s1, $0x11  }
0xc5: {  	s0 =	sor.u32 s1, s0  }
0xc6: {  	s0 =	sadd.s32 $0x8F2B, s0  }
0xc7: {  	[sflag:s0] =	ssyncadd.remote.s32 $0x1  }
0xc8: {  	_ =	sfence.sel $0xFFFF  }
0xc9: {  	[dreg:$0x0] =	wrdreg $0xFFFFFFFF;
	(pc) =	sbr.abs _section_cstart, $3  }
0xca: {  	[dreg:$0x1] =	wrdreg $0xFFFFFFFF  }
0xcb: {  	_ =	task.clear_ibuf [dreg:s10], $0x2FFFF;
	_ =	strace $0x9FFFFFFF  }
0xcc: {  	(tm) =	ssettm $0x7FFFFFFF  }
0xcd: {  	_ =	shalt  }
tec
execute0_lowered:
.L_overlay_start_1:
0x0: {  	(tag) =	ssettag $0x1  }
0x1: {  	s0 =	rddreg [dreg:$0x0]  }
0x2: {  	s4 =	rddreg [dreg:$0x3]  }
0x3: {  	s5 =	rddreg [dreg:$0x4];
	s1 =	simm.s32 $0x0;
	s2 =	srdreg.scid  }
0x4: {  	s6 =	stileid.u32;
	[smem:$0x7FF] =	sst s1  }
0x5: {  	s3 =	sand.u32 $0x1, s2;
	s20 =	sshll.u32 s6, $0x1;
	s21 =	sadd.s32 $0x14000, s0  }
0x6: {  	s7 =	sadd.s32 $0x1C00, s0;
	s10 =	sadd.s32 $0x16400, s0;
	s2 =	sor.u32 s3, s20  }
0x7: {  	s11 =	sadd.s32 $0x26400, s0;
	s3 =	ssub.s32 $0x2, s3;
	s23 =	sshll.u32 s2, $0x8  }
0x8: {  	s8 =	sshrl.u32 s3, $0x1;
	s12 =	sshll.u32 s2, $0xB;
	s24 =	sadd.s32 s4, s23  }
0x9: {  	s9 =	smul.u32 $0x120, s2;
	s25 =	sadd.s32 s10, s12;
	[dreg:$0x8] =	wrdreg s24  }
0xa: {  	s3 =	ssub.s32 s3, s8;
	s8 =	sadd.s32 s5, s23;
	[dreg:$0x9] =	wrdreg s25  }
0xb: {  	s26 =	sshllo.u32 s2, $0x1;
	s22 =	sadd.s32 s21, s9;
	[dreg:$0xa] =	wrdreg s8  }
0xc: {  	s31 =	sshll.u32 s26, $0x7;
	s9 =	sadd.s32 s7, s9;
	[dreg:$0x6] =	wrdreg s22  }
0xd: {  	s13 =	sadd.s32 $0x28400, s0;
	s4 =	sadd.s32 s4, s31;
	[dreg:$0x7] =	wrdreg s9  }
0xe: {  	s8 =	sshll.u32 s2, $0x11;
	s16 =	sadd.s32 s5, s31;
	[dreg:$0x12] =	wrdreg s4  }
0xf: {  	s12 =	sadd.s32 $0x27400, s0;
	s15 =	sadd.s32 s11, s8;
	[dreg:$0x13] =	wrdreg s16  }
0x10: {  	s14 =	smul.u32 $0x90, s26;
	s28 =	sadd.s32 s8, s12;
	[dreg:$0xb] =	wrdreg s15  }
0x11: {  	s29 =	sadd.s32 s8, s13;
	[dreg:$0xc] =	wrdreg s28  }
0x12: {  	s6 =	sadd.s32 s21, s14;
	[dreg:$0xd] =	wrdreg s29  }
0x13: {  	s30 =	sshll.u32 s26, $0xA;
	s7 =	sadd.s32 s7, s14;
	[dreg:$0xe] =	wrdreg s6  }
0x14: {  	s4 =	sadd.s32 $0x2A400, s0;
	[dreg:$0xf] =	wrdreg s7;
	s6 =	sadd.s32 s10, s30  }
0x15: {  	s9 =	sadd.s32 $0x2D400, s0;
	s17 =	sadd.s32 s8, s4;
	[dreg:$0x10] =	wrdreg s6  }
0x16: {  	s22 =	sadd.s32 $0x2F400, s0;
	s20 =	sadd.s32 s8, s9;
	[dreg:$0x14] =	wrdreg s17  }
0x17: {  	s5 =	sshll.u32 s26, $0x10;
	s16 =	sadd.s32 s8, s22;
	[dreg:$0x17] =	wrdreg s20  }
0x18: {  	s28 =	sadd.s32 s11, s5;
	[dreg:$0x19] =	wrdreg s16  }
0x19: {  	s29 =	sadd.s32 s5, s12;
	[smem:$0x7EB] =	sst s28  }
0x1a: {  	s30 =	sadd.s32 s5, s13;
	[smem:$0x7EC] =	sst s29  }
0x1b: {  	s4 =	sadd.s32 s5, s4;
	[smem:$0x7ED] =	sst s30  }
0x1c: {  	s13 =	sadd.s32 s5, s9;
	[smem:$0x7EF] =	sst s4  }
0x1d: {  	s15 =	sadd.s32 $0x29400, s0;
	s22 =	sadd.s32 s5, s22;
	[smem:$0x7F2] =	sst s13  }
0x1e: {  	s7 =	sadd.s32 $0x2C400, s0;
	s14 =	sadd.s32 s8, s15;
	[smem:$0x7F4] =	sst s22  }
0x1f: {  	s10 =	sadd.s32 $0x2E400, s0;
	s19 =	sadd.s32 s8, s7;
	[dreg:$0x11] =	wrdreg s14  }
0x20: {  	s21 =	sadd.s32 s8, s10;
	[dreg:$0x16] =	wrdreg s19  }
0x21: {  	s31 =	sadd.s32 s5, s15;
	[dreg:$0x18] =	wrdreg s21  }
0x22: {  	s12 =	sadd.s32 s5, s7;
	[smem:$0x7EE] =	sst s31  }
0x23: {  	s15 =	sadd.s32 s5, s10;
	[smem:$0x7F1] =	sst s12  }
0x24: {  	s23 =	sadd.s32 $0x30400, s0;
	s6 =	sadd.s32 $0x2B400, s0;
	[smem:$0x7F3] =	sst s15  }
0x25: {  	s17 =	sadd.s32 $0x31400, s0;
	s18 =	sadd.s32 s8, s6;
	s14 =	rddreg [dreg:$0x2]  }
0x26: {  	s25 =	sadd.s32 $0x32400, s0;
	s24 =	sadd.s32 s8, s17;
	[dreg:$0x15] =	wrdreg s18  }
0x27: {  	s20 =	sadd.s32 $0x34400, s0;
	s19 =	sadd.s32 s8, s25;
	[dreg:$0x1b] =	wrdreg s24  }
0x28: {  	s2 =	sshll.u32 s2, $0xA;
	s26 =	sadd.s32 s8, s20;
	[dreg:$0x1c] =	wrdreg s19  }
0x29: {  	s2 =	sadd.s32 s2, s0;
	s11 =	sadd.s32 s5, s6;
	[dreg:$0x1e] =	wrdreg s26  }
0x2a: {  	s9 =	simm.s32 $0x1;
	s25 =	sadd.s32 s5, s25;
	[smem:$0x7F0] =	sst s11  }
0x2b: {  	s30 =	sadd.s32 $0x4400, s2;
	s28 =	sadd.s32 s5, s20;
	[smem:$0x7F7] =	sst s25  }
0x2c: {  	s22 =	simm.s32 $0x900;
	s18 =	sadd.s32 s8, s23;
	[smem:$0x7F9] =	sst s28  }
0x2d: {  	s16 =	simm.s32 $0x5100;
	s23 =	sadd.s32 s5, s23;
	[dreg:$0x1a] =	wrdreg s18  }
0x2e: {  	s19 =	sadd.s32 $0x33400, s0;
	s24 =	sadd.s32 s5, s17;
	[smem:$0x7F5] =	sst s23  }
0x2f: {  	s10 =	simm.s32 $0xD100;
	s21 =	sadd.s32 s8, s19;
	[smem:$0x7F6] =	sst s24  }
0x30: {  	s26 =	sadd.s32 s5, s19;
	[dreg:$0x1d] =	wrdreg s21;
	s21 =	sadd.s32 $0x35400, s0  }
0x31: {  	s4 =	simm.s32 $0x3;
	[smem:$0x7F8] =	sst s26;
	s8 =	sadd.s32 s8, s21  }
0x32: {  	s31 =	smax.u32 s3, $0x1;
	s29 =	sadd.s32 s5, s21;
	[dreg:$0x1f] =	wrdreg s8  }
0x33: {  	s20 =	simm.s32 $0x4;
	s0 =	sadd.s32 $0x4000, s0;
	[smem:$0x7FA] =	sst s29  }
0x34: {  	v3 =	vlaneseq.u32;
	s3 =	simm.s32 $0x2;
	_ =	strace $0x8000004A;
	[smem:$0x7FB] =	sst s0  }
0x35: {  	v0 =	vimm.f32 $1.000000000e+00;
	vm0 =	vmmov $0xffff;
	v2 =	vshrl.u32 v3, $0x3;
	s18 =	sadd.s32 $0x100, s14;
	s19 =	simm.s32 $0x3100;
	[smem:$0x7FC] =	sst s30  }
0x36: {  	v1 =	vand.u32 $0x7, v3;
	v3 =	vor.u32 $0x8, v3;
	v2 =	vmul.u32 $0x8, v2;
	s23 =	simm.s32 $0xD00;
	[smem:$0x7FD] =	sst s31;
	s0 =	simm.s32 $0x0  }
.LBB2_1:
0x37: {  	s5 =	sld [smem:$0x7FB];
	_ =	sdelay $0x2  }
0x38: {  	[tilespmem:s19], [sflag:$0x4] =	stream.linear.gather [hbm4b:s5+s1], $0x2000, $0x38;
	[tilespmem:$0x15100] =	vst v63  }
0x39: {  	_ =	swait.ge [sflag:s20], $0x2000  }
0x3a: {  	[sflag:s20] =	ssyncset.done $0x0  }
0x3b: {  	s29 =	rddreg [dreg:$0x6];
	[sflag:s20] =	ssyncadd.s32 $0xFFFFE000  }
0x3c: {  	[tilespmem:s1], [sflag:$0x4] =	stream.linear.gather [hbm4b:s29+s1], $0x480, $0x38;
	[tilespmem:$0x15100] =	vst v63  }
0x3d: {  	_ =	swait.ge [sflag:s20], $0x480  }
0x3e: {  	[sflag:s20] =	ssyncset.done $0x0  }
0x3f: {  	s6 =	simm.s32 $0x480;
	s30 =	rddreg [dreg:$0x7];
	[sflag:s20] =	ssyncadd.s32 $0xFFFFFB80  }
0x40: {  	[tilespmem:s6], [sflag:$0x4] =	stream.linear.gather [hbm4b:s30+s1], $0x480, $0x38;
	[tilespmem:$0x15100] =	vst v63  }
0x41: {  	_ =	swait.ge [sflag:s20], $0x480  }
0x42: {  	[sflag:s20] =	ssyncset.done $0x0  }
0x43: {  	[sflag:s20] =	ssyncadd.s32 $0xFFFFFB80  }
0x44: {  	s31 =	rddreg [dreg:$0x1]  }
0x45: {  	[tilespmem:s22], [sflag:$0x4] =	stream.linear.gather [hbm4b:s31+s1], $0x400, $0x38;
	[tilespmem:$0x15100] =	vst v63  }
0x46: {  	_ =	swait.ge [sflag:s20], $0x400  }
0x47: {  	[sflag:s20] =	ssyncset.done $0x0  }
0x48: {  	s5 =	simm.s32 $0x40;
	s6 =	simm.s32 $0x0;
	[sflag:s20] =	ssyncadd.s32 $0xFFFFFC00  }
.LBB2_2:
0x49: {  	p0 =	sne.s32 s5, $0x11C0;
	v4 =	vld [tilespmem:s6+$0x480];
	_ =	sdelay $0x4  }
0x4a: {  	vm1 =	vlt.s32 v4, $0x400  }
0x4b: {  	v5 =	vld [tilespmem:s6+$0x0]  }
.Ltmp0:
0x4c: {  	(pc) =	sbr.rel @p0 .LBB2_2-.Ltmp0, $2  }
0x4d: {  	_ =	sdelay $0x2  }
0x4e: {  	s6 =	sshra.s32 s5, $0x2;
	s5 =	sadd.s32 $0x40, s5;
	[tilespmem:v4+s22+$0x0] =	vst.idx.msk vm1, v5  }
0x4f: {  	v4 =	vld [tilespmem:s6+$0x480];
	_ =	sdelay $0x4  }
0x50: {  	vm1 =	vlt.s32 v4, $0x400  }
0x51: {  	v5 =	vld [tilespmem:s6+$0x0];
	_ =	sdelay $0x3  }
0x52: {  	[smem:$0x7EA] =	sst s0  }
0x53: {  	s5 =	simm.s32 $0x0;
	s30 =	rddreg [dreg:$0x8];
	[tilespmem:v4+s22+$0x0] =	vst.idx.msk vm1, v5  }
0x54: {  	[hbm4b:s30+s5] =	stream.linear.scatter [tilespmem:s22], [sflag:$0x4], $0x400, $0x38;
	[tilespmem:$0x15100] =	vst v63  }
0x55: {  	_ =	swait.ge [sflag:s20], $0x400  }
0x56: {  	[sflag:s20] =	ssyncset.done $0x0  }
0x57: {  	s31 =	rddreg [dreg:$0x9];
	[sflag:s20] =	ssyncadd.s32 $0xFFFFFC00  }
0x58: {  	[tilespmem:s23], [sflag:$0x4] =	stream.linear.gather [hbm4b:s31+s5], $0x2000, $0x38;
	[tilespmem:$0x15100] =	vst v63  }
0x59: {  	_ =	swait.ge [sflag:s20], $0x2000  }
0x5a: {  	[sflag:s20] =	ssyncset.done $0x0  }
0x5b: {  	s5 =	simm.s32 $0x0;
	[sflag:s20] =	ssyncadd.s32 $0xFFFFE000  }
0x5c: {  	s6 =	simm.s32 $0x40;
	v4 =	vld [tilespmem:s5+$0x900]  }
.LBB2_4:
0x5d: {  	p0 =	sne.s32 s6, $0xFC0;
	_ =	sdelay $0x6  }
0x5e: {  	v5 =	vld.idx.msk [tilespmem:v4+s23+$0x0], $0xffff;
	_ =	sdelay $0x3  }
.Ltmp1:
0x5f: {  	(pc) =	sbr.rel @p0 .LBB2_4-.Ltmp1, $4  }
0x60: {  	_ = 	snop  }
0x61: {  	[tilespmem:s5+$0x2D00] =	vst v5  }
0x62: {  	s5 =	sshra.s32 s6, $0x2;
	[tilespmem:v4+s19+$0x0] =	vst.idx.add.f32.msk $0xffff, v0  }
0x63: {  	s6 =	sadd.s32 $0x40, s6;
	v4 =	vld [tilespmem:s5+$0x900]  }
0x64: {  	_ =	sdelay $0x7  }
0x65: {  	v5 =	vld.idx.msk [tilespmem:v4+s23+$0x0], $0xffff;
	_ =	sdelay $0x4  }
0x66: {  	[tilespmem:s5+$0x2D00] =	vst v5  }
0x67: {  	s6 =	rddreg [dreg:$0xa];
	s0 =	simm.s32 $0x2D00;
	s5 =	simm.s32 $0x0;
	[tilespmem:v4+s19+$0x0] =	vst.idx.add.f32.msk $0xffff, v0  }
0x68: {  	[hbm4b:s6+s5] =	stream.linear.scatter [tilespmem:s0], [sflag:$0x4], $0x400, $0x38;
	[tilespmem:$0x15100] =	vst v63  }
0x69: {  	_ =	swait.ge [sflag:s20], $0x400  }
0x6a: {  	[sflag:s20] =	ssyncset.done $0x0  }
0x6b: {  	[sflag:s20] =	ssyncadd.s32 $0xFFFFFC00  }
0x6c: {  	v4 =	vld [tilespmem:$0x900];
	_ =	sdelay $0x4  }
0x6d: {  	v5 =	vshll.u32 v4, $0x2  }
0x6e: {  	v4 =	vand.u32 $0x7, v4;
	v5 =	vand.u32 $0xFFFFFFE0, v5  }
0x6f: {  	v4 =	vor.u32 v4, v5  }
0x70: {  	v5 =	vperm.xlane v4, v1;
	_ =	sdelay $0x1  }
0x71: {  	v5 =	vadd.s32 v2, v5;
	_ =	sdelay $0x1  }
0x72: {  	v4 =	vperm.xlane v4, v3;
	_ =	sdelay $0x1  }
0x73: {  	v4 =	vadd.s32 v2, v4  }
0x74: {  	[tilespmem:s16], [sflag:$0x1] =	stream.indirect_vreg.gather [hbm4b:s14+s5], $0x80, v5, vm0, $0xb8;
	[tilespmem:$0x15100] =	vst v63  }
0x75: {  	s21 =	simm.s32 $0x5900  }
0x76: {  	[tilespmem:s21], [sflag:$0x1] =	stream.indirect_vreg.gather [hbm4b:s18+s5], $0x80, v5, vm0, $0xb8;
	[tilespmem:$0x15100] =	vst v63  }
0x77: {  	s24 =	simm.s32 $0x6100  }
0x78: {  	[tilespmem:s24], [sflag:$0x1] =	stream.indirect_vreg.gather [hbm4b:s14+s5], $0x80, v4, vm0, $0xb8;
	[tilespmem:$0x15100] =	vst v63  }
0x79: {  	s25 =	simm.s32 $0x6900  }
0x7a: {  	[tilespmem:s25], [sflag:$0x1] =	stream.indirect_vreg.gather [hbm4b:s18+s5], $0x80, v4, vm0, $0xb8;
	[tilespmem:$0x15100] =	vst v63  }
0x7b: {  	v4 =	vld [tilespmem:$0x910];
	_ =	sdelay $0x4  }
0x7c: {  	v5 =	vshll.u32 v4, $0x2  }
0x7d: {  	v4 =	vand.u32 $0x7, v4;
	v5 =	vand.u32 $0xFFFFFFE0, v5  }
0x7e: {  	v4 =	vor.u32 v4, v5  }
0x7f: {  	v5 =	vperm.xlane v4, v1;
	_ =	sdelay $0x1  }
0x80: {  	v5 =	vadd.s32 v2, v5;
	_ =	sdelay $0x1  }
0x81: {  	v4 =	vperm.xlane v4, v3;
	_ =	sdelay $0x1  }
0x82: {  	s26 =	simm.s32 $0x7100;
	v4 =	vadd.s32 v2, v4  }
0x83: {  	[tilespmem:s26], [sflag:$0x1] =	stream.indirect_vreg.gather [hbm4b:s14+s5], $0x80, v5, vm0, $0xb8;
	[tilespmem:$0x15100] =	vst v63  }
0x84: {  	s28 =	simm.s32 $0x7900  }
0x85: {  	[tilespmem:s28], [sflag:$0x1] =	stream.indirect_vreg.gather [hbm4b:s18+s5], $0x80, v5, vm0, $0xb8;
	[tilespmem:$0x15100] =	vst v63  }
0x86: {  	s29 =	simm.s32 $0x8100  }
0x87: {  	[tilespmem:s29], [sflag:$0x1] =	stream.indirect_vreg.gather [hbm4b:s14+s5], $0x80, v4, vm0, $0xb8;
	[tilespmem:$0x15100] =	vst v63  }
0x88: {  	s30 =	simm.s32 $0x8900  }
0x89: {  	[tilespmem:s30], [sflag:$0x1] =	stream.indirect_vreg.gather [hbm4b:s18+s5], $0x80, v4, vm0, $0xb8;
	[tilespmem:$0x15100] =	vst v63  }
0x8a: {  	v4 =	vld [tilespmem:$0x920];
	_ =	sdelay $0x4  }
0x8b: {  	v5 =	vshll.u32 v4, $0x2  }
0x8c: {  	v4 =	vand.u32 $0x7, v4;
	v5 =	vand.u32 $0xFFFFFFE0, v5  }
0x8d: {  	v4 =	vor.u32 v4, v5  }
0x8e: {  	v5 =	vperm.xlane v4, v1;
	_ =	sdelay $0x1  }
0x8f: {  	v5 =	vadd.s32 v2, v5;
	_ =	sdelay $0x1  }
0x90: {  	v4 =	vperm.xlane v4, v3;
	_ =	sdelay $0x1  }
0x91: {  	s31 =	simm.s32 $0x9100;
	v4 =	vadd.s32 v2, v4  }
0x92: {  	[tilespmem:s31], [sflag:$0x1] =	stream.indirect_vreg.gather [hbm4b:s14+s5], $0x80, v5, vm0, $0xb8;
	[tilespmem:$0x15100] =	vst v63  }
0x93: {  	s2 =	simm.s32 $0x9900  }
0x94: {  	[tilespmem:s2], [sflag:$0x1] =	stream.indirect_vreg.gather [hbm4b:s18+s5], $0x80, v5, vm0, $0xb8;
	[tilespmem:$0x15100] =	vst v63  }
0x95: {  	s6 =	simm.s32 $0xA100  }
0x96: {  	[tilespmem:s6], [sflag:$0x1] =	stream.indirect_vreg.gather [hbm4b:s14+s5], $0x80, v4, vm0, $0xb8;
	[tilespmem:$0x15100] =	vst v63  }
0x97: {  	s7 =	simm.s32 $0xA900  }
0x98: {  	[tilespmem:s7], [sflag:$0x1] =	stream.indirect_vreg.gather [hbm4b:s18+s5], $0x80, v4, vm0, $0xb8;
	[tilespmem:$0x15100] =	vst v63  }
0x99: {  	v4 =	vld [tilespmem:$0x930];
	_ =	sdelay $0x4  }
0x9a: {  	v5 =	vshll.u32 v4, $0x2  }
0x9b: {  	v4 =	vand.u32 $0x7, v4;
	v5 =	vand.u32 $0xFFFFFFE0, v5  }
0x9c: {  	v4 =	vor.u32 v4, v5  }
0x9d: {  	v5 =	vperm.xlane v4, v1;
	_ =	sdelay $0x1  }
0x9e: {  	v5 =	vadd.s32 v2, v5;
	_ =	sdelay $0x1  }
0x9f: {  	v4 =	vperm.xlane v4, v3;
	_ =	sdelay $0x1  }
0xa0: {  	s11 =	simm.s32 $0xB100;
	v4 =	vadd.s32 v2, v4  }
0xa1: {  	[tilespmem:s11], [sflag:$0x1] =	stream.indirect_vreg.gather [hbm4b:s14+s5], $0x80, v5, vm0, $0xb8;
	[tilespmem:$0x15100] =	vst v63  }
0xa2: {  	s15 =	simm.s32 $0xB900  }
0xa3: {  	[tilespmem:s15], [sflag:$0x1] =	stream.indirect_vreg.gather [hbm4b:s18+s5], $0x80, v5, vm0, $0xb8;
	[tilespmem:$0x15100] =	vst v63  }
0xa4: {  	s17 =	simm.s32 $0xC100  }
0xa5: {  	[tilespmem:s17], [sflag:$0x1] =	stream.indirect_vreg.gather [hbm4b:s14+s5], $0x80, v4, vm0, $0xb8;
	[tilespmem:$0x15100] =	vst v63  }
0xa6: {  	s21 =	simm.s32 $0xC900  }
0xa7: {  	[tilespmem:s21], [sflag:$0x1] =	stream.indirect_vreg.gather [hbm4b:s18+s5], $0x80, v4, vm0, $0xb8;
	[tilespmem:$0x15100] =	vst v63  }
0xa8: {  	_ =	swait.ge [sflag:s9], $0x8000  }
0xa9: {  	[sflag:s9] =	ssyncset.done $0x0  }
0xaa: {  	s24 =	rddreg [dreg:$0xb];
	[sflag:s9] =	ssyncadd.s32 $0xFFFF8000  }
0xab: {  	[hbm4b:s24+s5] =	stream.linear.scatter [tilespmem:s16], [sflag:$0x2], $0x8000, $0x38;
	[tilespmem:$0x15100] =	vst v63  }
0xac: {  	v4 =	vld [tilespmem:$0x940];
	_ =	sdelay $0x4  }
0xad: {  	v5 =	vshll.u32 v4, $0x2  }
0xae: {  	v4 =	vand.u32 $0x7, v4;
	v5 =	vand.u32 $0xFFFFFFE0, v5  }
0xaf: {  	v4 =	vor.u32 v4, v5  }
0xb0: {  	v5 =	vperm.xlane v4, v1;
	_ =	sdelay $0x1  }
0xb1: {  	v5 =	vadd.s32 v2, v5;
	_ =	sdelay $0x1  }
0xb2: {  	v4 =	vperm.xlane v4, v3;
	_ =	sdelay $0x1  }
0xb3: {  	v4 =	vadd.s32 v2, v4  }
0xb4: {  	[tilespmem:s10], [sflag:$0x1] =	stream.indirect_vreg.gather [hbm4b:s14+s5], $0x80, v5, vm0, $0xb8;
	[tilespmem:$0x15100] =	vst v63  }
0xb5: {  	s25 =	simm.s32 $0xD900  }
0xb6: {  	[tilespmem:s25], [sflag:$0x1] =	stream.indirect_vreg.gather [hbm4b:s18+s5], $0x80, v5, vm0, $0xb8;
	[tilespmem:$0x15100] =	vst v63  }
0xb7: {  	s26 =	simm.s32 $0xE100  }
0xb8: {  	[tilespmem:s26], [sflag:$0x1] =	stream.indirect_vreg.gather [hbm4b:s14+s5], $0x80, v4, vm0, $0xb8;
	[tilespmem:$0x15100] =	vst v63  }
0xb9: {  	s28 =	simm.s32 $0xE900  }
0xba: {  	[tilespmem:s28], [sflag:$0x1] =	stream.indirect_vreg.gather [hbm4b:s18+s5], $0x80, v4, vm0, $0xb8;
	[tilespmem:$0x15100] =	vst v63  }
0xbb: {  	v4 =	vld [tilespmem:$0x950];
	_ =	sdelay $0x4  }
0xbc: {  	v5 =	vshll.u32 v4, $0x2  }
0xbd: {  	v4 =	vand.u32 $0x7, v4;
	v5 =	vand.u32 $0xFFFFFFE0, v5  }
0xbe: {  	v4 =	vor.u32 v4, v5  }
0xbf: {  	v5 =	vperm.xlane v4, v1;
	_ =	sdelay $0x1  }
0xc0: {  	v5 =	vadd.s32 v2, v5;
	_ =	sdelay $0x1  }
0xc1: {  	v4 =	vperm.xlane v4, v3;
	_ =	sdelay $0x1  }
0xc2: {  	s29 =	simm.s32 $0xF100;
	v4 =	vadd.s32 v2, v4  }
0xc3: {  	[tilespmem:s29], [sflag:$0x1] =	stream.indirect_vreg.gather [hbm4b:s14+s5], $0x80, v5, vm0, $0xb8;
	[tilespmem:$0x15100] =	vst v63  }
0xc4: {  	s31 =	simm.s32 $0xF900  }
0xc5: {  	[tilespmem:s31], [sflag:$0x1] =	stream.indirect_vreg.gather [hbm4b:s18+s5], $0x80, v5, vm0, $0xb8;
	[tilespmem:$0x15100] =	vst v63  }
0xc6: {  	s0 =	simm.s32 $0x10100  }
0xc7: {  	[tilespmem:s0], [sflag:$0x1] =	stream.indirect_vreg.gather [hbm4b:s14+s5], $0x80, v4, vm0, $0xb8;
	[tilespmem:$0x15100] =	vst v63  }
0xc8: {  	s2 =	simm.s32 $0x10900  }
0xc9: {  	[tilespmem:s2], [sflag:$0x1] =	stream.indirect_vreg.gather [hbm4b:s18+s5], $0x80, v4, vm0, $0xb8;
	[tilespmem:$0x15100] =	vst v63  }
0xca: {  	v4 =	vld [tilespmem:$0x960];
	_ =	sdelay $0x4  }
0xcb: {  	v5 =	vshll.u32 v4, $0x2  }
0xcc: {  	v4 =	vand.u32 $0x7, v4;
	v5 =	vand.u32 $0xFFFFFFE0, v5  }
0xcd: {  	v4 =	vor.u32 v4, v5  }
0xce: {  	v5 =	vperm.xlane v4, v1;
	_ =	sdelay $0x1  }
0xcf: {  	v5 =	vadd.s32 v2, v5;
	_ =	sdelay $0x1  }
0xd0: {  	v4 =	vperm.xlane v4, v3;
	_ =	sdelay $0x1  }
0xd1: {  	s7 =	simm.s32 $0x11100;
	v4 =	vadd.s32 v2, v4  }
0xd2: {  	[tilespmem:s7], [sflag:$0x1] =	stream.indirect_vreg.gather [hbm4b:s14+s5], $0x80, v5, vm0, $0xb8;
	[tilespmem:$0x15100] =	vst v63  }
0xd3: {  	s11 =	simm.s32 $0x11900  }
0xd4: {  	[tilespmem:s11], [sflag:$0x1] =	stream.indirect_vreg.gather [hbm4b:s18+s5], $0x80, v5, vm0, $0xb8;
	[tilespmem:$0x15100] =	vst v63  }
0xd5: {  	s15 =	simm.s32 $0x12100  }
0xd6: {  	[tilespmem:s15], [sflag:$0x1] =	stream.indirect_vreg.gather [hbm4b:s14+s5], $0x80, v4, vm0, $0xb8;
	[tilespmem:$0x15100] =	vst v63  }
0xd7: {  	s17 =	simm.s32 $0x12900  }
0xd8: {  	[tilespmem:s17], [sflag:$0x1] =	stream.indirect_vreg.gather [hbm4b:s18+s5], $0x80, v4, vm0, $0xb8;
	[tilespmem:$0x15100] =	vst v63  }
0xd9: {  	v4 =	vld [tilespmem:$0x970];
	_ =	sdelay $0x4  }
0xda: {  	v5 =	vshll.u32 v4, $0x2  }
0xdb: {  	v4 =	vand.u32 $0x7, v4;
	v5 =	vand.u32 $0xFFFFFFE0, v5  }
0xdc: {  	v4 =	vor.u32 v4, v5  }
0xdd: {  	v5 =	vperm.xlane v4, v1;
	_ =	sdelay $0x1  }
0xde: {  	v5 =	vadd.s32 v2, v5;
	_ =	sdelay $0x1  }
0xdf: {  	v4 =	vperm.xlane v4, v3;
	_ =	sdelay $0x1  }
0xe0: {  	s21 =	simm.s32 $0x13100;
	v4 =	vadd.s32 v2, v4  }
0xe1: {  	[tilespmem:s21], [sflag:$0x1] =	stream.indirect_vreg.gather [hbm4b:s14+s5], $0x80, v5, vm0, $0xb8;
	[tilespmem:$0x15100] =	vst v63  }
0xe2: {  	s24 =	simm.s32 $0x13900  }
0xe3: {  	[tilespmem:s24], [sflag:$0x1] =	stream.indirect_vreg.gather [hbm4b:s18+s5], $0x80, v5, vm0, $0xb8;
	[tilespmem:$0x15100] =	vst v63  }
0xe4: {  	s26 =	simm.s32 $0x14100  }
0xe5: {  	[tilespmem:s26], [sflag:$0x1] =	stream.indirect_vreg.gather [hbm4b:s14+s5], $0x80, v4, vm0, $0xb8;
	[tilespmem:$0x15100] =	vst v63  }
0xe6: {  	s29 =	simm.s32 $0x14900  }
0xe7: {  	[tilespmem:s29], [sflag:$0x1] =	stream.indirect_vreg.gather [hbm4b:s18+s5], $0x80, v4, vm0, $0xb8;
	[tilespmem:$0x15100] =	vst v63  }
0xe8: {  	_ =	swait.ge [sflag:s9], $0x8000  }
0xe9: {  	[sflag:s9] =	ssyncset.done $0x0  }
0xea: {  	s31 =	rddreg [dreg:$0xc];
	[sflag:s9] =	ssyncadd.s32 $0xFFFF8000  }
0xeb: {  	[hbm4b:s31+s5] =	stream.linear.scatter [tilespmem:s10], [sflag:$0x3], $0x8000, $0x38;
	[tilespmem:$0x15100] =	vst v63  }
0xec: {  	_ =	swait.ge [sflag:s3], $0x8000  }
0xed: {  	[sflag:s3] =	ssyncset.done $0x0  }
0xee: {  	[sflag:s3] =	ssyncadd.s32 $0xFFFF8000  }
0xef: {  	v4 =	vld [tilespmem:$0x980];
	_ =	sdelay $0x4  }
0xf0: {  	v5 =	vshll.u32 v4, $0x2  }
0xf1: {  	v4 =	vand.u32 $0x7, v4;
	v5 =	vand.u32 $0xFFFFFFE0, v5  }
0xf2: {  	v4 =	vor.u32 v4, v5  }
0xf3: {  	v5 =	vperm.xlane v4, v1;
	_ =	sdelay $0x1  }
0xf4: {  	v5 =	vadd.s32 v2, v5;
	_ =	sdelay $0x1  }
0xf5: {  	v4 =	vperm.xlane v4, v3;
	_ =	sdelay $0x1  }
0xf6: {  	v4 =	vadd.s32 v2, v4  }
0xf7: {  	[tilespmem:s16], [sflag:$0x1] =	stream.indirect_vreg.gather [hbm4b:s14+s5], $0x80, v5, vm0, $0xb8;
	[tilespmem:$0x15100] =	vst v63  }
0xf8: {  	s2 =	simm.s32 $0x5900  }
0xf9: {  	[tilespmem:s2], [sflag:$0x1] =	stream.indirect_vreg.gather [hbm4b:s18+s5], $0x80, v5, vm0, $0xb8;
	[tilespmem:$0x15100] =	vst v63  }
0xfa: {  	s7 =	simm.s32 $0x6100  }
0xfb: {  	[tilespmem:s7], [sflag:$0x1] =	stream.indirect_vreg.gather [hbm4b:s14+s5], $0x80, v4, vm0, $0xb8;
	[tilespmem:$0x15100] =	vst v63  }
0xfc: {  	s8 =	simm.s32 $0x6900  }
0xfd: {  	[tilespmem:s8], [sflag:$0x1] =	stream.indirect_vreg.gather [hbm4b:s18+s5], $0x80, v4, vm0, $0xb8;
	[tilespmem:$0x15100] =	vst v63  }
0xfe: {  	v4 =	vld [tilespmem:$0x990];
	_ =	sdelay $0x4  }
0xff: {  	v5 =	vshll.u32 v4, $0x2  }
0x100: {  	v4 =	vand.u32 $0x7, v4;
	v5 =	vand.u32 $0xFFFFFFE0, v5  }
0x101: {  	v4 =	vor.u32 v4, v5  }
0x102: {  	v5 =	vperm.xlane v4, v1;
	_ =	sdelay $0x1  }
0x103: {  	v5 =	vadd.s32 v2, v5;
	_ =	sdelay $0x1  }
0x104: {  	v4 =	vperm.xlane v4, v3;
	_ =	sdelay $0x1  }
0x105: {  	s8 =	simm.s32 $0x7100;
	v4 =	vadd.s32 v2, v4  }
0x106: {  	[tilespmem:s8], [sflag:$0x1] =	stream.indirect_vreg.gather [hbm4b:s14+s5], $0x80, v5, vm0, $0xb8;
	[tilespmem:$0x15100] =	vst v63  }
0x107: {  	s15 =	simm.s32 $0x7900  }
0x108: {  	[tilespmem:s15], [sflag:$0x1] =	stream.indirect_vreg.gather [hbm4b:s18+s5], $0x80, v5, vm0, $0xb8;
	[tilespmem:$0x15100] =	vst v63  }
0x109: {  	s17 =	simm.s32 $0x8100  }
0x10a: {  	[tilespmem:s17], [sflag:$0x1] =	stream.indirect_vreg.gather [hbm4b:s14+s5], $0x80, v4, vm0, $0xb8;
	[tilespmem:$0x15100] =	vst v63  }
0x10b: {  	s12 =	simm.s32 $0x8900  }
0x10c: {  	[tilespmem:s12], [sflag:$0x1] =	stream.indirect_vreg.gather [hbm4b:s18+s5], $0x80, v4, vm0, $0xb8;
	[tilespmem:$0x15100] =	vst v63  }
0x10d: {  	v4 =	vld [tilespmem:$0x9A0];
	_ =	sdelay $0x4  }
0x10e: {  	v5 =	vshll.u32 v4, $0x2  }
0x10f: {  	v4 =	vand.u32 $0x7, v4;
	v5 =	vand.u32 $0xFFFFFFE0, v5  }
0x110: {  	v4 =	vor.u32 v4, v5  }
0x111: {  	v5 =	vperm.xlane v4, v1;
	_ =	sdelay $0x1  }
0x112: {  	v5 =	vadd.s32 v2, v5;
	_ =	sdelay $0x1  }
0x113: {  	v4 =	vperm.xlane v4, v3;
	_ =	sdelay $0x1  }
0x114: {  	s24 =	simm.s32 $0x9100;
	v4 =	vadd.s32 v2, v4  }
0x115: {  	[tilespmem:s24], [sflag:$0x1] =	stream.indirect_vreg.gather [hbm4b:s14+s5], $0x80, v5, vm0, $0xb8;
	[tilespmem:$0x15100] =	vst v63  }
0x116: {  	s26 =	simm.s32 $0x9900  }
0x117: {  	[tilespmem:s26], [sflag:$0x1] =	stream.indirect_vreg.gather [hbm4b:s18+s5], $0x80, v5, vm0, $0xb8;
	[tilespmem:$0x15100] =	vst v63  }
0x118: {  	s29 =	simm.s32 $0xA100  }
0x119: {  	[tilespmem:s29], [sflag:$0x1] =	stream.indirect_vreg.gather [hbm4b:s14+s5], $0x80, v4, vm0, $0xb8;
	[tilespmem:$0x15100] =	vst v63  }
0x11a: {  	s13 =	simm.s32 $0xA900  }
0x11b: {  	[tilespmem:s13], [sflag:$0x1] =	stream.indirect_vreg.gather [hbm4b:s18+s5], $0x80, v4, vm0, $0xb8;
	[tilespmem:$0x15100] =	vst v63  }
0x11c: {  	v4 =	vld [tilespmem:$0x9B0];
	_ =	sdelay $0x4  }
0x11d: {  	v5 =	vshll.u32 v4, $0x2  }
0x11e: {  	v4 =	vand.u32 $0x7, v4;
	v5 =	vand.u32 $0xFFFFFFE0, v5  }
0x11f: {  	v4 =	vor.u32 v4, v5  }
0x120: {  	v5 =	vperm.xlane v4, v1;
	_ =	sdelay $0x1  }
0x121: {  	v5 =	vadd.s32 v2, v5;
	_ =	sdelay $0x1  }
0x122: {  	v4 =	vperm.xlane v4, v3;
	_ =	sdelay $0x1  }
0x123: {  	s31 =	simm.s32 $0xB100;
	v4 =	vadd.s32 v2, v4  }
0x124: {  	[tilespmem:s31], [sflag:$0x1] =	stream.indirect_vreg.gather [hbm4b:s14+s5], $0x80, v5, vm0, $0xb8;
	[tilespmem:$0x15100] =	vst v63  }
0x125: {  	s12 =	simm.s32 $0xB900  }
0x126: {  	[tilespmem:s12], [sflag:$0x1] =	stream.indirect_vreg.gather [hbm4b:s18+s5], $0x80, v5, vm0, $0xb8;
	[tilespmem:$0x15100] =	vst v63  }
0x127: {  	s13 =	simm.s32 $0xC100  }
0x128: {  	[tilespmem:s13], [sflag:$0x1] =	stream.indirect_vreg.gather [hbm4b:s14+s5], $0x80, v4, vm0, $0xb8;
	[tilespmem:$0x15100] =	vst v63  }
0x129: {  	s11 =	simm.s32 $0xC900  }
0x12a: {  	[tilespmem:s11], [sflag:$0x1] =	stream.indirect_vreg.gather [hbm4b:s18+s5], $0x80, v4, vm0, $0xb8;
	[tilespmem:$0x15100] =	vst v63  }
0x12b: {  	_ =	swait.ge [sflag:s9], $0x8000  }
0x12c: {  	[sflag:s9] =	ssyncset.done $0x0  }
0x12d: {  	s0 =	rddreg [dreg:$0xd];
	[sflag:s9] =	ssyncadd.s32 $0xFFFF8000  }
0x12e: {  	[hbm4b:s0+s5] =	stream.linear.scatter [tilespmem:s16], [sflag:$0x2], $0x8000, $0x38;
	[tilespmem:$0x15100] =	vst v63  }
0x12f: {  	_ =	swait.ge [sflag:s4], $0x8000  }
0x130: {  	[sflag:s4] =	ssyncset.done $0x0  }
0x131: {  	[sflag:s4] =	ssyncadd.s32 $0xFFFF8000  }
0x132: {  	v4 =	vld [tilespmem:$0x9C0];
	_ =	sdelay $0x4  }
0x133: {  	v5 =	vshll.u32 v4, $0x2  }
0x134: {  	v4 =	vand.u32 $0x7, v4;
	v5 =	vand.u32 $0xFFFFFFE0, v5  }
0x135: {  	v4 =	vor.u32 v4, v5  }
0x136: {  	v5 =	vperm.xlane v4, v1;
	_ =	sdelay $0x1  }
0x137: {  	v5 =	vadd.s32 v2, v5;
	_ =	sdelay $0x1  }
0x138: {  	v4 =	vperm.xlane v4, v3;
	_ =	sdelay $0x1  }
0x139: {  	v4 =	vadd.s32 v2, v4  }
0x13a: {  	[tilespmem:s10], [sflag:$0x1] =	stream.indirect_vreg.gather [hbm4b:s14+s5], $0x80, v5, vm0, $0xb8;
	[tilespmem:$0x15100] =	vst v63  }
0x13b: {  	s0 =	simm.s32 $0xD900  }
0x13c: {  	[tilespmem:s0], [sflag:$0x1] =	stream.indirect_vreg.gather [hbm4b:s18+s5], $0x80, v5, vm0, $0xb8;
	[tilespmem:$0x15100] =	vst v63  }
0x13d: {  	s6 =	simm.s32 $0xE100  }
0x13e: {  	[tilespmem:s6], [sflag:$0x1] =	stream.indirect_vreg.gather [hbm4b:s14+s5], $0x80, v4, vm0, $0xb8;
	[tilespmem:$0x15100] =	vst v63  }
0x13f: {  	s30 =	simm.s32 $0xE900  }
0x140: {  	[tilespmem:s30], [sflag:$0x1] =	stream.indirect_vreg.gather [hbm4b:s18+s5], $0x80, v4, vm0, $0xb8;
	[tilespmem:$0x15100] =	vst v63  }
0x141: {  	v4 =	vld [tilespmem:$0x9D0];
	_ =	sdelay $0x4  }
0x142: {  	v5 =	vshll.u32 v4, $0x2  }
0x143: {  	v4 =	vand.u32 $0x7, v4;
	v5 =	vand.u32 $0xFFFFFFE0, v5  }
0x144: {  	v4 =	vor.u32 v4, v5  }
0x145: {  	v5 =	vperm.xlane v4, v1;
	_ =	sdelay $0x1  }
0x146: {  	v5 =	vadd.s32 v2, v5;
	_ =	sdelay $0x1  }
0x147: {  	v4 =	vperm.xlane v4, v3;
	_ =	sdelay $0x1  }
0x148: {  	s30 =	simm.s32 $0xF100;
	v4 =	vadd.s32 v2, v4  }
0x149: {  	[tilespmem:s30], [sflag:$0x1] =	stream.indirect_vreg.gather [hbm4b:s14+s5], $0x80, v5, vm0, $0xb8;
	[tilespmem:$0x15100] =	vst v63  }
0x14a: {  	s6 =	simm.s32 $0xF900  }
0x14b: {  	[tilespmem:s6], [sflag:$0x1] =	stream.indirect_vreg.gather [hbm4b:s18+s5], $0x80, v5, vm0, $0xb8;
	[tilespmem:$0x15100] =	vst v63  }
0x14c: {  	s6 =	simm.s32 $0x10100  }
0x14d: {  	[tilespmem:s6], [sflag:$0x1] =	stream.indirect_vreg.gather [hbm4b:s14+s5], $0x80, v4, vm0, $0xb8;
	[tilespmem:$0x15100] =	vst v63  }
0x14e: {  	s25 =	simm.s32 $0x10900  }
0x14f: {  	[tilespmem:s25], [sflag:$0x1] =	stream.indirect_vreg.gather [hbm4b:s18+s5], $0x80, v4, vm0, $0xb8;
	[tilespmem:$0x15100] =	vst v63  }
0x150: {  	v4 =	vld [tilespmem:$0x9E0];
	_ =	sdelay $0x4  }
0x151: {  	v5 =	vshll.u32 v4, $0x2  }
0x152: {  	v4 =	vand.u32 $0x7, v4;
	v5 =	vand.u32 $0xFFFFFFE0, v5  }
0x153: {  	v4 =	vor.u32 v4, v5  }
0x154: {  	v5 =	vperm.xlane v4, v1;
	_ =	sdelay $0x1  }
0x155: {  	v5 =	vadd.s32 v2, v5;
	_ =	sdelay $0x1  }
0x156: {  	v4 =	vperm.xlane v4, v3;
	_ =	sdelay $0x1  }
0x157: {  	s25 =	simm.s32 $0x11100;
	v4 =	vadd.s32 v2, v4  }
0x158: {  	[tilespmem:s25], [sflag:$0x1] =	stream.indirect_vreg.gather [hbm4b:s14+s5], $0x80, v5, vm0, $0xb8;
	[tilespmem:$0x15100] =	vst v63  }
0x159: {  	s6 =	simm.s32 $0x11900  }
0x15a: {  	[tilespmem:s6], [sflag:$0x1] =	stream.indirect_vreg.gather [hbm4b:s18+s5], $0x80, v5, vm0, $0xb8;
	[tilespmem:$0x15100] =	vst v63  }
0x15b: {  	s6 =	simm.s32 $0x12100  }
0x15c: {  	[tilespmem:s6], [sflag:$0x1] =	stream.indirect_vreg.gather [hbm4b:s14+s5], $0x80, v4, vm0, $0xb8;
	[tilespmem:$0x15100] =	vst v63  }
0x15d: {  	s28 =	simm.s32 $0x12900  }
0x15e: {  	[tilespmem:s28], [sflag:$0x1] =	stream.indirect_vreg.gather [hbm4b:s18+s5], $0x80, v4, vm0, $0xb8;
	[tilespmem:$0x15100] =	vst v63  }
0x15f: {  	v4 =	vld [tilespmem:$0x9F0];
	_ =	sdelay $0x4  }
0x160: {  	v5 =	vshll.u32 v4, $0x2  }
0x161: {  	v4 =	vand.u32 $0x7, v4;
	v5 =	vand.u32 $0xFFFFFFE0, v5  }
0x162: {  	v4 =	vor.u32 v4, v5  }
0x163: {  	v5 =	vperm.xlane v4, v1;
	_ =	sdelay $0x1  }
0x164: {  	v5 =	vadd.s32 v2, v5;
	_ =	sdelay $0x1  }
0x165: {  	v4 =	vperm.xlane v4, v3;
	_ =	sdelay $0x1  }
0x166: {  	s28 =	simm.s32 $0x13100;
	v4 =	vadd.s32 v2, v4  }
0x167: {  	[tilespmem:s28], [sflag:$0x1] =	stream.indirect_vreg.gather [hbm4b:s14+s5], $0x80, v5, vm0, $0xb8;
	[tilespmem:$0x15100] =	vst v63  }
0x168: {  	s6 =	simm.s32 $0x13900  }
0x169: {  	[tilespmem:s6], [sflag:$0x1] =	stream.indirect_vreg.gather [hbm4b:s18+s5], $0x80, v5, vm0, $0xb8;
	[tilespmem:$0x15100] =	vst v63  }
0x16a: {  	s6 =	simm.s32 $0x14100  }
0x16b: {  	[tilespmem:s6], [sflag:$0x1] =	stream.indirect_vreg.gather [hbm4b:s14+s5], $0x80, v4, vm0, $0xb8;
	[tilespmem:$0x15100] =	vst v63  }
0x16c: {  	s21 =	simm.s32 $0x14900  }
0x16d: {  	[tilespmem:s21], [sflag:$0x1] =	stream.indirect_vreg.gather [hbm4b:s18+s5], $0x80, v4, vm0, $0xb8;
	[tilespmem:$0x15100] =	vst v63  }
0x16e: {  	_ =	swait.ge [sflag:s9], $0x8000  }
0x16f: {  	[sflag:s9] =	ssyncset.done $0x0  }
0x170: {  	s6 =	rddreg [dreg:$0x11];
	[sflag:s9] =	ssyncadd.s32 $0xFFFF8000  }
0x171: {  	[hbm4b:s6+s5] =	stream.linear.scatter [tilespmem:s10], [sflag:$0x3], $0x8000, $0x38;
	[tilespmem:$0x15100] =	vst v63  }
0x172: {  	_ =	swait.ge [sflag:s3], $0x8000  }
0x173: {  	[sflag:s3] =	ssyncset.done $0x0  }
0x174: {  	[sflag:s3] =	ssyncadd.s32 $0xFFFF8000  }
0x175: {  	v4 =	vld [tilespmem:$0xA00];
	_ =	sdelay $0x4  }
0x176: {  	v5 =	vshll.u32 v4, $0x2  }
0x177: {  	v4 =	vand.u32 $0x7, v4;
	v5 =	vand.u32 $0xFFFFFFE0, v5  }
0x178: {  	v4 =	vor.u32 v4, v5  }
0x179: {  	v5 =	vperm.xlane v4, v1;
	_ =	sdelay $0x1  }
0x17a: {  	v5 =	vadd.s32 v2, v5;
	_ =	sdelay $0x1  }
0x17b: {  	v4 =	vperm.xlane v4, v3;
	_ =	sdelay $0x1  }
0x17c: {  	v4 =	vadd.s32 v2, v4  }
0x17d: {  	[tilespmem:s16], [sflag:$0x1] =	stream.indirect_vreg.gather [hbm4b:s14+s5], $0x80, v5, vm0, $0xb8;
	[tilespmem:$0x15100] =	vst v63  }
0x17e: {  	_ = 	snop  }
0x17f: {  	[tilespmem:s2], [sflag:$0x1] =	stream.indirect_vreg.gather [hbm4b:s18+s5], $0x80, v5, vm0, $0xb8;
	[tilespmem:$0x15100] =	vst v63  }
0x180: {  	_ = 	snop  }
0x181: {  	[tilespmem:s7], [sflag:$0x1] =	stream.indirect_vreg.gather [hbm4b:s14+s5], $0x80, v4, vm0, $0xb8;
	[tilespmem:$0x15100] =	vst v63  }
0x182: {  	s6 =	simm.s32 $0x6900  }
0x183: {  	[tilespmem:s6], [sflag:$0x1] =	stream.indirect_vreg.gather [hbm4b:s18+s5], $0x80, v4, vm0, $0xb8;
	[tilespmem:$0x15100] =	vst v63  }
0x184: {  	v4 =	vld [tilespmem:$0xA10];
	_ =	sdelay $0x4  }
0x185: {  	v5 =	vshll.u32 v4, $0x2  }
0x186: {  	v4 =	vand.u32 $0x7, v4;
	v5 =	vand.u32 $0xFFFFFFE0, v5  }
0x187: {  	v4 =	vor.u32 v4, v5  }
0x188: {  	v5 =	vperm.xlane v4, v1;
	_ =	sdelay $0x1  }
0x189: {  	v5 =	vadd.s32 v2, v5;
	_ =	sdelay $0x1  }
0x18a: {  	v4 =	vperm.xlane v4, v3;
	_ =	sdelay $0x1  }
0x18b: {  	v4 =	vadd.s32 v2, v4  }
0x18c: {  	[tilespmem:s8], [sflag:$0x1] =	stream.indirect_vreg.gather [hbm4b:s14+s5], $0x80, v5, vm0, $0xb8;
	[tilespmem:$0x15100] =	vst v63  }
0x18d: {  	_ = 	snop  }
0x18e: {  	[tilespmem:s15], [sflag:$0x1] =	stream.indirect_vreg.gather [hbm4b:s18+s5], $0x80, v5, vm0, $0xb8;
	[tilespmem:$0x15100] =	vst v63  }
0x18f: {  	_ = 	snop  }
0x190: {  	[tilespmem:s17], [sflag:$0x1] =	stream.indirect_vreg.gather [hbm4b:s14+s5], $0x80, v4, vm0, $0xb8;
	[tilespmem:$0x15100] =	vst v63  }
0x191: {  	s6 =	simm.s32 $0x8900  }
0x192: {  	[tilespmem:s6], [sflag:$0x1] =	stream.indirect_vreg.gather [hbm4b:s18+s5], $0x80, v4, vm0, $0xb8;
	[tilespmem:$0x15100] =	vst v63  }
0x193: {  	v4 =	vld [tilespmem:$0xA20];
	_ =	sdelay $0x4  }
0x194: {  	v5 =	vshll.u32 v4, $0x2  }
0x195: {  	v4 =	vand.u32 $0x7, v4;
	v5 =	vand.u32 $0xFFFFFFE0, v5  }
0x196: {  	v4 =	vor.u32 v4, v5  }
0x197: {  	v5 =	vperm.xlane v4, v1;
	_ =	sdelay $0x1  }
0x198: {  	v5 =	vadd.s32 v2, v5;
	_ =	sdelay $0x1  }
0x199: {  	v4 =	vperm.xlane v4, v3;
	_ =	sdelay $0x1  }
0x19a: {  	v4 =	vadd.s32 v2, v4  }
0x19b: {  	[tilespmem:s24], [sflag:$0x1] =	stream.indirect_vreg.gather [hbm4b:s14+s5], $0x80, v5, vm0, $0xb8;
	[tilespmem:$0x15100] =	vst v63  }
0x19c: {  	_ = 	snop  }
0x19d: {  	[tilespmem:s26], [sflag:$0x1] =	stream.indirect_vreg.gather [hbm4b:s18+s5], $0x80, v5, vm0, $0xb8;
	[tilespmem:$0x15100] =	vst v63  }
0x19e: {  	_ = 	snop  }
0x19f: {  	[tilespmem:s29], [sflag:$0x1] =	stream.indirect_vreg.gather [hbm4b:s14+s5], $0x80, v4, vm0, $0xb8;
	[tilespmem:$0x15100] =	vst v63  }
0x1a0: {  	s6 =	simm.s32 $0xA900  }
0x1a1: {  	[tilespmem:s6], [sflag:$0x1] =	stream.indirect_vreg.gather [hbm4b:s18+s5], $0x80, v4, vm0, $0xb8;
	[tilespmem:$0x15100] =	vst v63  }
0x1a2: {  	v4 =	vld [tilespmem:$0xA30];
	_ =	sdelay $0x4  }
0x1a3: {  	v5 =	vshll.u32 v4, $0x2  }
0x1a4: {  	v4 =	vand.u32 $0x7, v4;
	v5 =	vand.u32 $0xFFFFFFE0, v5  }
0x1a5: {  	v4 =	vor.u32 v4, v5  }
0x1a6: {  	v5 =	vperm.xlane v4, v1;
	_ =	sdelay $0x1  }
0x1a7: {  	v5 =	vadd.s32 v2, v5;
	_ =	sdelay $0x1  }
0x1a8: {  	v4 =	vperm.xlane v4, v3;
	_ =	sdelay $0x1  }
0x1a9: {  	v4 =	vadd.s32 v2, v4  }
0x1aa: {  	[tilespmem:s31], [sflag:$0x1] =	stream.indirect_vreg.gather [hbm4b:s14+s5], $0x80, v5, vm0, $0xb8;
	[tilespmem:$0x15100] =	vst v63  }
0x1ab: {  	_ = 	snop  }
0x1ac: {  	[tilespmem:s12], [sflag:$0x1] =	stream.indirect_vreg.gather [hbm4b:s18+s5], $0x80, v5, vm0, $0xb8;
	[tilespmem:$0x15100] =	vst v63  }
0x1ad: {  	_ = 	snop  }
0x1ae: {  	[tilespmem:s13], [sflag:$0x1] =	stream.indirect_vreg.gather [hbm4b:s14+s5], $0x80, v4, vm0, $0xb8;
	[tilespmem:$0x15100] =	vst v63  }
0x1af: {  	_ = 	snop  }
0x1b0: {  	[tilespmem:s11], [sflag:$0x1] =	stream.indirect_vreg.gather [hbm4b:s18+s5], $0x80, v4, vm0, $0xb8;
	[tilespmem:$0x15100] =	vst v63  }
0x1b1: {  	_ =	swait.ge [sflag:s9], $0x8000  }
0x1b2: {  	[sflag:s9] =	ssyncset.done $0x0  }
0x1b3: {  	s6 =	rddreg [dreg:$0x14];
	[sflag:s9] =	ssyncadd.s32 $0xFFFF8000  }
0x1b4: {  	[hbm4b:s6+s5] =	stream.linear.scatter [tilespmem:s16], [sflag:$0x2], $0x8000, $0x38;
	[tilespmem:$0x15100] =	vst v63  }
0x1b5: {  	_ =	swait.ge [sflag:s4], $0x8000  }
0x1b6: {  	[sflag:s4] =	ssyncset.done $0x0  }
0x1b7: {  	[sflag:s4] =	ssyncadd.s32 $0xFFFF8000  }
0x1b8: {  	v4 =	vld [tilespmem:$0xA40];
	_ =	sdelay $0x4  }
0x1b9: {  	v5 =	vshll.u32 v4, $0x2  }
0x1ba: {  	v4 =	vand.u32 $0x7, v4;
	v5 =	vand.u32 $0xFFFFFFE0, v5  }
0x1bb: {  	v4 =	vor.u32 v4, v5  }
0x1bc: {  	v5 =	vperm.xlane v4, v1;
	_ =	sdelay $0x1  }
0x1bd: {  	v5 =	vadd.s32 v2, v5;
	_ =	sdelay $0x1  }
0x1be: {  	v4 =	vperm.xlane v4, v3;
	_ =	sdelay $0x1  }
0x1bf: {  	v4 =	vadd.s32 v2, v4  }
0x1c0: {  	[tilespmem:s10], [sflag:$0x1] =	stream.indirect_vreg.gather [hbm4b:s14+s5], $0x80, v5, vm0, $0xb8;
	[tilespmem:$0x15100] =	vst v63  }
0x1c1: {  	_ = 	snop  }
0x1c2: {  	[tilespmem:s0], [sflag:$0x1] =	stream.indirect_vreg.gather [hbm4b:s18+s5], $0x80, v5, vm0, $0xb8;
	[tilespmem:$0x15100] =	vst v63  }
0x1c3: {  	s6 =	simm.s32 $0xE100  }
0x1c4: {  	[tilespmem:s6], [sflag:$0x1] =	stream.indirect_vreg.gather [hbm4b:s14+s5], $0x80, v4, vm0, $0xb8;
	[tilespmem:$0x15100] =	vst v63  }
0x1c5: {  	s6 =	simm.s32 $0xE900  }
0x1c6: {  	[tilespmem:s6], [sflag:$0x1] =	stream.indirect_vreg.gather [hbm4b:s18+s5], $0x80, v4, vm0, $0xb8;
	[tilespmem:$0x15100] =	vst v63  }
0x1c7: {  	v4 =	vld [tilespmem:$0xA50];
	_ =	sdelay $0x4  }
0x1c8: {  	v5 =	vshll.u32 v4, $0x2  }
0x1c9: {  	v4 =	vand.u32 $0x7, v4;
	v5 =	vand.u32 $0xFFFFFFE0, v5  }
0x1ca: {  	v4 =	vor.u32 v4, v5  }
0x1cb: {  	v5 =	vperm.xlane v4, v1;
	_ =	sdelay $0x1  }
0x1cc: {  	v5 =	vadd.s32 v2, v5;
	_ =	sdelay $0x1  }
0x1cd: {  	v4 =	vperm.xlane v4, v3;
	_ =	sdelay $0x1  }
0x1ce: {  	s30 =	simm.s32 $0xF100;
	v4 =	vadd.s32 v2, v4  }
0x1cf: {  	[tilespmem:s30], [sflag:$0x1] =	stream.indirect_vreg.gather [hbm4b:s14+s5], $0x80, v5, vm0, $0xb8;
	[tilespmem:$0x15100] =	vst v63  }
0x1d0: {  	s30 =	simm.s32 $0xF900  }
0x1d1: {  	[tilespmem:s30], [sflag:$0x1] =	stream.indirect_vreg.gather [hbm4b:s18+s5], $0x80, v5, vm0, $0xb8;
	[tilespmem:$0x15100] =	vst v63  }
0x1d2: {  	s30 =	simm.s32 $0x10100  }
0x1d3: {  	[tilespmem:s30], [sflag:$0x1] =	stream.indirect_vreg.gather [hbm4b:s14+s5], $0x80, v4, vm0, $0xb8;
	[tilespmem:$0x15100] =	vst v63  }
0x1d4: {  	s6 =	simm.s32 $0x10900  }
0x1d5: {  	[tilespmem:s6], [sflag:$0x1] =	stream.indirect_vreg.gather [hbm4b:s18+s5], $0x80, v4, vm0, $0xb8;
	[tilespmem:$0x15100] =	vst v63  }
0x1d6: {  	v4 =	vld [tilespmem:$0xA60];
	_ =	sdelay $0x4  }
0x1d7: {  	v5 =	vshll.u32 v4, $0x2  }
0x1d8: {  	v4 =	vand.u32 $0x7, v4;
	v5 =	vand.u32 $0xFFFFFFE0, v5  }
0x1d9: {  	v4 =	vor.u32 v4, v5  }
0x1da: {  	v5 =	vperm.xlane v4, v1;
	_ =	sdelay $0x1  }
0x1db: {  	v5 =	vadd.s32 v2, v5;
	_ =	sdelay $0x1  }
0x1dc: {  	v4 =	vperm.xlane v4, v3;
	_ =	sdelay $0x1  }
0x1dd: {  	s25 =	simm.s32 $0x11100;
	v4 =	vadd.s32 v2, v4  }
0x1de: {  	[tilespmem:s25], [sflag:$0x1] =	stream.indirect_vreg.gather [hbm4b:s14+s5], $0x80, v5, vm0, $0xb8;
	[tilespmem:$0x15100] =	vst v63  }
0x1df: {  	s6 =	simm.s32 $0x11900  }
0x1e0: {  	[tilespmem:s6], [sflag:$0x1] =	stream.indirect_vreg.gather [hbm4b:s18+s5], $0x80, v5, vm0, $0xb8;
	[tilespmem:$0x15100] =	vst v63  }
0x1e1: {  	s6 =	simm.s32 $0x12100  }
0x1e2: {  	[tilespmem:s6], [sflag:$0x1] =	stream.indirect_vreg.gather [hbm4b:s14+s5], $0x80, v4, vm0, $0xb8;
	[tilespmem:$0x15100] =	vst v63  }
0x1e3: {  	s6 =	simm.s32 $0x12900  }
0x1e4: {  	[tilespmem:s6], [sflag:$0x1] =	stream.indirect_vreg.gather [hbm4b:s18+s5], $0x80, v4, vm0, $0xb8;
	[tilespmem:$0x15100] =	vst v63  }
0x1e5: {  	v4 =	vld [tilespmem:$0xA70];
	_ =	sdelay $0x4  }
0x1e6: {  	v5 =	vshll.u32 v4, $0x2  }
0x1e7: {  	v4 =	vand.u32 $0x7, v4;
	v5 =	vand.u32 $0xFFFFFFE0, v5  }
0x1e8: {  	v4 =	vor.u32 v4, v5  }
0x1e9: {  	v5 =	vperm.xlane v4, v1;
	_ =	sdelay $0x1  }
0x1ea: {  	v5 =	vadd.s32 v2, v5;
	_ =	sdelay $0x1  }
0x1eb: {  	v4 =	vperm.xlane v4, v3;
	_ =	sdelay $0x1  }
0x1ec: {  	s28 =	simm.s32 $0x13100;
	v4 =	vadd.s32 v2, v4  }
0x1ed: {  	[tilespmem:s28], [sflag:$0x1] =	stream.indirect_vreg.gather [hbm4b:s14+s5], $0x80, v5, vm0, $0xb8;
	[tilespmem:$0x15100] =	vst v63  }
0x1ee: {  	s6 =	simm.s32 $0x13900  }
0x1ef: {  	[tilespmem:s6], [sflag:$0x1] =	stream.indirect_vreg.gather [hbm4b:s18+s5], $0x80, v5, vm0, $0xb8;
	[tilespmem:$0x15100] =	vst v63  }
0x1f0: {  	s6 =	simm.s32 $0x14100  }
0x1f1: {  	[tilespmem:s6], [sflag:$0x1] =	stream.indirect_vreg.gather [hbm4b:s14+s5], $0x80, v4, vm0, $0xb8;
	[tilespmem:$0x15100] =	vst v63  }
0x1f2: {  	s21 =	simm.s32 $0x14900  }
0x1f3: {  	[tilespmem:s21], [sflag:$0x1] =	stream.indirect_vreg.gather [hbm4b:s18+s5], $0x80, v4, vm0, $0xb8;
	[tilespmem:$0x15100] =	vst v63  }
0x1f4: {  	_ =	swait.ge [sflag:s9], $0x8000  }
0x1f5: {  	[sflag:s9] =	ssyncset.done $0x0  }
0x1f6: {  	s6 =	rddreg [dreg:$0x15];
	[sflag:s9] =	ssyncadd.s32 $0xFFFF8000  }
0x1f7: {  	[hbm4b:s6+s5] =	stream.linear.scatter [tilespmem:s10], [sflag:$0x3], $0x8000, $0x38;
	[tilespmem:$0x15100] =	vst v63  }
0x1f8: {  	_ =	swait.ge [sflag:s3], $0x8000  }
0x1f9: {  	[sflag:s3] =	ssyncset.done $0x0  }
0x1fa: {  	[sflag:s3] =	ssyncadd.s32 $0xFFFF8000  }
0x1fb: {  	v4 =	vld [tilespmem:$0xA80];
	_ =	sdelay $0x4  }
0x1fc: {  	v5 =	vshll.u32 v4, $0x2  }
0x1fd: {  	v4 =	vand.u32 $0x7, v4;
	v5 =	vand.u32 $0xFFFFFFE0, v5  }
0x1fe: {  	v4 =	vor.u32 v4, v5  }
0x1ff: {  	v5 =	vperm.xlane v4, v1;
	_ =	sdelay $0x1  }
0x200: {  	v5 =	vadd.s32 v2, v5;
	_ =	sdelay $0x1  }
0x201: {  	v4 =	vperm.xlane v4, v3;
	_ =	sdelay $0x1  }
0x202: {  	v4 =	vadd.s32 v2, v4  }
0x203: {  	[tilespmem:s16], [sflag:$0x1] =	stream.indirect_vreg.gather [hbm4b:s14+s5], $0x80, v5, vm0, $0xb8;
	[tilespmem:$0x15100] =	vst v63  }
0x204: {  	s2 =	simm.s32 $0x5900  }
0x205: {  	[tilespmem:s2], [sflag:$0x1] =	stream.indirect_vreg.gather [hbm4b:s18+s5], $0x80, v5, vm0, $0xb8;
	[tilespmem:$0x15100] =	vst v63  }
0x206: {  	s7 =	simm.s32 $0x6100  }
0x207: {  	[tilespmem:s7], [sflag:$0x1] =	stream.indirect_vreg.gather [hbm4b:s14+s5], $0x80, v4, vm0, $0xb8;
	[tilespmem:$0x15100] =	vst v63  }
0x208: {  	s6 =	simm.s32 $0x6900  }
0x209: {  	[tilespmem:s6], [sflag:$0x1] =	stream.indirect_vreg.gather [hbm4b:s18+s5], $0x80, v4, vm0, $0xb8;
	[tilespmem:$0x15100] =	vst v63  }
0x20a: {  	v4 =	vld [tilespmem:$0xA90];
	_ =	sdelay $0x4  }
0x20b: {  	v5 =	vshll.u32 v4, $0x2  }
0x20c: {  	v4 =	vand.u32 $0x7, v4;
	v5 =	vand.u32 $0xFFFFFFE0, v5  }
0x20d: {  	v4 =	vor.u32 v4, v5  }
0x20e: {  	v5 =	vperm.xlane v4, v1;
	_ =	sdelay $0x1  }
0x20f: {  	v5 =	vadd.s32 v2, v5;
	_ =	sdelay $0x1  }
0x210: {  	v4 =	vperm.xlane v4, v3;
	_ =	sdelay $0x1  }
0x211: {  	s8 =	simm.s32 $0x7100;
	v4 =	vadd.s32 v2, v4  }
0x212: {  	[tilespmem:s8], [sflag:$0x1] =	stream.indirect_vreg.gather [hbm4b:s14+s5], $0x80, v5, vm0, $0xb8;
	[tilespmem:$0x15100] =	vst v63  }
0x213: {  	s15 =	simm.s32 $0x7900  }
0x214: {  	[tilespmem:s15], [sflag:$0x1] =	stream.indirect_vreg.gather [hbm4b:s18+s5], $0x80, v5, vm0, $0xb8;
	[tilespmem:$0x15100] =	vst v63  }
0x215: {  	s17 =	simm.s32 $0x8100  }
0x216: {  	[tilespmem:s17], [sflag:$0x1] =	stream.indirect_vreg.gather [hbm4b:s14+s5], $0x80, v4, vm0, $0xb8;
	[tilespmem:$0x15100] =	vst v63  }
0x217: {  	s6 =	simm.s32 $0x8900  }
0x218: {  	[tilespmem:s6], [sflag:$0x1] =	stream.indirect_vreg.gather [hbm4b:s18+s5], $0x80, v4, vm0, $0xb8;
	[tilespmem:$0x15100] =	vst v63  }
0x219: {  	v4 =	vld [tilespmem:$0xAA0];
	_ =	sdelay $0x4  }
0x21a: {  	v5 =	vshll.u32 v4, $0x2  }
0x21b: {  	v4 =	vand.u32 $0x7, v4;
	v5 =	vand.u32 $0xFFFFFFE0, v5  }
0x21c: {  	v4 =	vor.u32 v4, v5  }
0x21d: {  	v5 =	vperm.xlane v4, v1;
	_ =	sdelay $0x1  }
0x21e: {  	v5 =	vadd.s32 v2, v5;
	_ =	sdelay $0x1  }
0x21f: {  	v4 =	vperm.xlane v4, v3;
	_ =	sdelay $0x1  }
0x220: {  	s24 =	simm.s32 $0x9100;
	v4 =	vadd.s32 v2, v4  }
0x221: {  	[tilespmem:s24], [sflag:$0x1] =	stream.indirect_vreg.gather [hbm4b:s14+s5], $0x80, v5, vm0, $0xb8;
	[tilespmem:$0x15100] =	vst v63  }
0x222: {  	s26 =	simm.s32 $0x9900  }
0x223: {  	[tilespmem:s26], [sflag:$0x1] =	stream.indirect_vreg.gather [hbm4b:s18+s5], $0x80, v5, vm0, $0xb8;
	[tilespmem:$0x15100] =	vst v63  }
0x224: {  	s29 =	simm.s32 $0xA100  }
0x225: {  	[tilespmem:s29], [sflag:$0x1] =	stream.indirect_vreg.gather [hbm4b:s14+s5], $0x80, v4, vm0, $0xb8;
	[tilespmem:$0x15100] =	vst v63  }
0x226: {  	s6 =	simm.s32 $0xA900  }
0x227: {  	[tilespmem:s6], [sflag:$0x1] =	stream.indirect_vreg.gather [hbm4b:s18+s5], $0x80, v4, vm0, $0xb8;
	[tilespmem:$0x15100] =	vst v63  }
0x228: {  	v4 =	vld [tilespmem:$0xAB0];
	_ =	sdelay $0x4  }
0x229: {  	v5 =	vshll.u32 v4, $0x2  }
0x22a: {  	v4 =	vand.u32 $0x7, v4;
	v5 =	vand.u32 $0xFFFFFFE0, v5  }
0x22b: {  	v4 =	vor.u32 v4, v5  }
0x22c: {  	v5 =	vperm.xlane v4, v1;
	_ =	sdelay $0x1  }
0x22d: {  	v5 =	vadd.s32 v2, v5;
	_ =	sdelay $0x1  }
0x22e: {  	v4 =	vperm.xlane v4, v3;
	_ =	sdelay $0x1  }
0x22f: {  	s31 =	simm.s32 $0xB100;
	v4 =	vadd.s32 v2, v4  }
0x230: {  	[tilespmem:s31], [sflag:$0x1] =	stream.indirect_vreg.gather [hbm4b:s14+s5], $0x80, v5, vm0, $0xb8;
	[tilespmem:$0x15100] =	vst v63  }
0x231: {  	s12 =	simm.s32 $0xB900  }
0x232: {  	[tilespmem:s12], [sflag:$0x1] =	stream.indirect_vreg.gather [hbm4b:s18+s5], $0x80, v5, vm0, $0xb8;
	[tilespmem:$0x15100] =	vst v63  }
0x233: {  	s13 =	simm.s32 $0xC100  }
0x234: {  	[tilespmem:s13], [sflag:$0x1] =	stream.indirect_vreg.gather [hbm4b:s14+s5], $0x80, v4, vm0, $0xb8;
	[tilespmem:$0x15100] =	vst v63  }
0x235: {  	s11 =	simm.s32 $0xC900  }
0x236: {  	[tilespmem:s11], [sflag:$0x1] =	stream.indirect_vreg.gather [hbm4b:s18+s5], $0x80, v4, vm0, $0xb8;
	[tilespmem:$0x15100] =	vst v63  }
0x237: {  	_ =	swait.ge [sflag:s9], $0x8000  }
0x238: {  	[sflag:s9] =	ssyncset.done $0x0  }
0x239: {  	s6 =	rddreg [dreg:$0x16];
	[sflag:s9] =	ssyncadd.s32 $0xFFFF8000  }
0x23a: {  	[hbm4b:s6+s5] =	stream.linear.scatter [tilespmem:s16], [sflag:$0x2], $0x8000, $0x38;
	[tilespmem:$0x15100] =	vst v63  }
0x23b: {  	_ =	swait.ge [sflag:s4], $0x8000  }
0x23c: {  	[sflag:s4] =	ssyncset.done $0x0  }
0x23d: {  	[sflag:s4] =	ssyncadd.s32 $0xFFFF8000  }
0x23e: {  	v4 =	vld [tilespmem:$0xAC0];
	_ =	sdelay $0x4  }
0x23f: {  	v5 =	vshll.u32 v4, $0x2  }
0x240: {  	v4 =	vand.u32 $0x7, v4;
	v5 =	vand.u32 $0xFFFFFFE0, v5  }
0x241: {  	v4 =	vor.u32 v4, v5  }
0x242: {  	v5 =	vperm.xlane v4, v1;
	_ =	sdelay $0x1  }
0x243: {  	v5 =	vadd.s32 v2, v5;
	_ =	sdelay $0x1  }
0x244: {  	v4 =	vperm.xlane v4, v3;
	_ =	sdelay $0x1  }
0x245: {  	v4 =	vadd.s32 v2, v4  }
0x246: {  	[tilespmem:s10], [sflag:$0x1] =	stream.indirect_vreg.gather [hbm4b:s14+s5], $0x80, v5, vm0, $0xb8;
	[tilespmem:$0x15100] =	vst v63  }
0x247: {  	s6 =	simm.s32 $0xD900  }
0x248: {  	[tilespmem:s6], [sflag:$0x1] =	stream.indirect_vreg.gather [hbm4b:s18+s5], $0x80, v5, vm0, $0xb8;
	[tilespmem:$0x15100] =	vst v63  }
0x249: {  	s6 =	simm.s32 $0xE100  }
0x24a: {  	[tilespmem:s6], [sflag:$0x1] =	stream.indirect_vreg.gather [hbm4b:s14+s5], $0x80, v4, vm0, $0xb8;
	[tilespmem:$0x15100] =	vst v63  }
0x24b: {  	s6 =	simm.s32 $0xE900  }
0x24c: {  	[tilespmem:s6], [sflag:$0x1] =	stream.indirect_vreg.gather [hbm4b:s18+s5], $0x80, v4, vm0, $0xb8;
	[tilespmem:$0x15100] =	vst v63  }
0x24d: {  	v4 =	vld [tilespmem:$0xAD0];
	_ =	sdelay $0x4  }
0x24e: {  	v5 =	vshll.u32 v4, $0x2  }
0x24f: {  	v4 =	vand.u32 $0x7, v4;
	v5 =	vand.u32 $0xFFFFFFE0, v5  }
0x250: {  	v4 =	vor.u32 v4, v5  }
0x251: {  	v5 =	vperm.xlane v4, v1;
	_ =	sdelay $0x1  }
0x252: {  	v5 =	vadd.s32 v2, v5;
	_ =	sdelay $0x1  }
0x253: {  	v4 =	vperm.xlane v4, v3;
	_ =	sdelay $0x1  }
0x254: {  	s0 =	simm.s32 $0xF100;
	v4 =	vadd.s32 v2, v4  }
0x255: {  	[tilespmem:s0], [sflag:$0x1] =	stream.indirect_vreg.gather [hbm4b:s14+s5], $0x80, v5, vm0, $0xb8;
	[tilespmem:$0x15100] =	vst v63  }
0x256: {  	s6 =	simm.s32 $0xF900  }
0x257: {  	[tilespmem:s6], [sflag:$0x1] =	stream.indirect_vreg.gather [hbm4b:s18+s5], $0x80, v5, vm0, $0xb8;
	[tilespmem:$0x15100] =	vst v63  }
0x258: {  	s30 =	simm.s32 $0x10100  }
0x259: {  	[tilespmem:s30], [sflag:$0x1] =	stream.indirect_vreg.gather [hbm4b:s14+s5], $0x80, v4, vm0, $0xb8;
	[tilespmem:$0x15100] =	vst v63  }
0x25a: {  	s6 =	simm.s32 $0x10900  }
0x25b: {  	[tilespmem:s6], [sflag:$0x1] =	stream.indirect_vreg.gather [hbm4b:s18+s5], $0x80, v4, vm0, $0xb8;
	[tilespmem:$0x15100] =	vst v63  }
0x25c: {  	v4 =	vld [tilespmem:$0xAE0];
	_ =	sdelay $0x4  }
0x25d: {  	v5 =	vshll.u32 v4, $0x2  }
0x25e: {  	v4 =	vand.u32 $0x7, v4;
	v5 =	vand.u32 $0xFFFFFFE0, v5  }
0x25f: {  	v4 =	vor.u32 v4, v5  }
0x260: {  	v5 =	vperm.xlane v4, v1;
	_ =	sdelay $0x1  }
0x261: {  	v5 =	vadd.s32 v2, v5;
	_ =	sdelay $0x1  }
0x262: {  	v4 =	vperm.xlane v4, v3;
	_ =	sdelay $0x1  }
0x263: {  	s25 =	simm.s32 $0x11100;
	v4 =	vadd.s32 v2, v4  }
0x264: {  	[tilespmem:s25], [sflag:$0x1] =	stream.indirect_vreg.gather [hbm4b:s14+s5], $0x80, v5, vm0, $0xb8;
	[tilespmem:$0x15100] =	vst v63  }
0x265: {  	s6 =	simm.s32 $0x11900  }
0x266: {  	[tilespmem:s6], [sflag:$0x1] =	stream.indirect_vreg.gather [hbm4b:s18+s5], $0x80, v5, vm0, $0xb8;
	[tilespmem:$0x15100] =	vst v63  }
0x267: {  	s6 =	simm.s32 $0x12100  }
0x268: {  	[tilespmem:s6], [sflag:$0x1] =	stream.indirect_vreg.gather [hbm4b:s14+s5], $0x80, v4, vm0, $0xb8;
	[tilespmem:$0x15100] =	vst v63  }
0x269: {  	s6 =	simm.s32 $0x12900  }
0x26a: {  	[tilespmem:s6], [sflag:$0x1] =	stream.indirect_vreg.gather [hbm4b:s18+s5], $0x80, v4, vm0, $0xb8;
	[tilespmem:$0x15100] =	vst v63  }
0x26b: {  	v4 =	vld [tilespmem:$0xAF0];
	_ =	sdelay $0x4  }
0x26c: {  	v5 =	vshll.u32 v4, $0x2  }
0x26d: {  	v4 =	vand.u32 $0x7, v4;
	v5 =	vand.u32 $0xFFFFFFE0, v5  }
0x26e: {  	v4 =	vor.u32 v4, v5  }
0x26f: {  	v5 =	vperm.xlane v4, v1;
	_ =	sdelay $0x1  }
0x270: {  	v5 =	vadd.s32 v2, v5;
	_ =	sdelay $0x1  }
0x271: {  	v4 =	vperm.xlane v4, v3;
	_ =	sdelay $0x1  }
0x272: {  	s28 =	simm.s32 $0x13100;
	v4 =	vadd.s32 v2, v4  }
0x273: {  	[tilespmem:s28], [sflag:$0x1] =	stream.indirect_vreg.gather [hbm4b:s14+s5], $0x80, v5, vm0, $0xb8;
	[tilespmem:$0x15100] =	vst v63  }
0x274: {  	s6 =	simm.s32 $0x13900  }
0x275: {  	[tilespmem:s6], [sflag:$0x1] =	stream.indirect_vreg.gather [hbm4b:s18+s5], $0x80, v5, vm0, $0xb8;
	[tilespmem:$0x15100] =	vst v63  }
0x276: {  	s6 =	simm.s32 $0x14100  }
0x277: {  	[tilespmem:s6], [sflag:$0x1] =	stream.indirect_vreg.gather [hbm4b:s14+s5], $0x80, v4, vm0, $0xb8;
	[tilespmem:$0x15100] =	vst v63  }
0x278: {  	s21 =	simm.s32 $0x14900  }
0x279: {  	[tilespmem:s21], [sflag:$0x1] =	stream.indirect_vreg.gather [hbm4b:s18+s5], $0x80, v4, vm0, $0xb8;
	[tilespmem:$0x15100] =	vst v63  }
0x27a: {  	_ =	swait.ge [sflag:s9], $0x8000  }
0x27b: {  	[sflag:s9] =	ssyncset.done $0x0  }
0x27c: {  	s6 =	rddreg [dreg:$0x17];
	[sflag:s9] =	ssyncadd.s32 $0xFFFF8000  }
0x27d: {  	[hbm4b:s6+s5] =	stream.linear.scatter [tilespmem:s10], [sflag:$0x3], $0x8000, $0x38;
	[tilespmem:$0x15100] =	vst v63  }
0x27e: {  	_ =	swait.ge [sflag:s3], $0x8000  }
0x27f: {  	[sflag:s3] =	ssyncset.done $0x0  }
0x280: {  	[sflag:s3] =	ssyncadd.s32 $0xFFFF8000  }
0x281: {  	v4 =	vld [tilespmem:$0xB00];
	_ =	sdelay $0x4  }
0x282: {  	v5 =	vshll.u32 v4, $0x2  }
0x283: {  	v4 =	vand.u32 $0x7, v4;
	v5 =	vand.u32 $0xFFFFFFE0, v5  }
0x284: {  	v4 =	vor.u32 v4, v5  }
0x285: {  	v5 =	vperm.xlane v4, v1;
	_ =	sdelay $0x1  }
0x286: {  	v5 =	vadd.s32 v2, v5;
	_ =	sdelay $0x1  }
0x287: {  	v4 =	vperm.xlane v4, v3;
	_ =	sdelay $0x1  }
0x288: {  	v4 =	vadd.s32 v2, v4  }
0x289: {  	[tilespmem:s16], [sflag:$0x1] =	stream.indirect_vreg.gather [hbm4b:s14+s5], $0x80, v5, vm0, $0xb8;
	[tilespmem:$0x15100] =	vst v63  }
0x28a: {  	s2 =	simm.s32 $0x5900  }
0x28b: {  	[tilespmem:s2], [sflag:$0x1] =	stream.indirect_vreg.gather [hbm4b:s18+s5], $0x80, v5, vm0, $0xb8;
	[tilespmem:$0x15100] =	vst v63  }
0x28c: {  	s7 =	simm.s32 $0x6100  }
0x28d: {  	[tilespmem:s7], [sflag:$0x1] =	stream.indirect_vreg.gather [hbm4b:s14+s5], $0x80, v4, vm0, $0xb8;
	[tilespmem:$0x15100] =	vst v63  }
0x28e: {  	s6 =	simm.s32 $0x6900  }
0x28f: {  	[tilespmem:s6], [sflag:$0x1] =	stream.indirect_vreg.gather [hbm4b:s18+s5], $0x80, v4, vm0, $0xb8;
	[tilespmem:$0x15100] =	vst v63  }
0x290: {  	v4 =	vld [tilespmem:$0xB10];
	_ =	sdelay $0x4  }
0x291: {  	v5 =	vshll.u32 v4, $0x2  }
0x292: {  	v4 =	vand.u32 $0x7, v4;
	v5 =	vand.u32 $0xFFFFFFE0, v5  }
0x293: {  	v4 =	vor.u32 v4, v5  }
0x294: {  	v5 =	vperm.xlane v4, v1;
	_ =	sdelay $0x1  }
0x295: {  	v5 =	vadd.s32 v2, v5;
	_ =	sdelay $0x1  }
0x296: {  	v4 =	vperm.xlane v4, v3;
	_ =	sdelay $0x1  }
0x297: {  	s8 =	simm.s32 $0x7100;
	v4 =	vadd.s32 v2, v4  }
0x298: {  	[tilespmem:s8], [sflag:$0x1] =	stream.indirect_vreg.gather [hbm4b:s14+s5], $0x80, v5, vm0, $0xb8;
	[tilespmem:$0x15100] =	vst v63  }
0x299: {  	s15 =	simm.s32 $0x7900  }
0x29a: {  	[tilespmem:s15], [sflag:$0x1] =	stream.indirect_vreg.gather [hbm4b:s18+s5], $0x80, v5, vm0, $0xb8;
	[tilespmem:$0x15100] =	vst v63  }
0x29b: {  	s17 =	simm.s32 $0x8100  }
0x29c: {  	[tilespmem:s17], [sflag:$0x1] =	stream.indirect_vreg.gather [hbm4b:s14+s5], $0x80, v4, vm0, $0xb8;
	[tilespmem:$0x15100] =	vst v63  }
0x29d: {  	s6 =	simm.s32 $0x8900  }
0x29e: {  	[tilespmem:s6], [sflag:$0x1] =	stream.indirect_vreg.gather [hbm4b:s18+s5], $0x80, v4, vm0, $0xb8;
	[tilespmem:$0x15100] =	vst v63  }
0x29f: {  	v4 =	vld [tilespmem:$0xB20];
	_ =	sdelay $0x4  }
0x2a0: {  	v5 =	vshll.u32 v4, $0x2  }
0x2a1: {  	v4 =	vand.u32 $0x7, v4;
	v5 =	vand.u32 $0xFFFFFFE0, v5  }
0x2a2: {  	v4 =	vor.u32 v4, v5  }
0x2a3: {  	v5 =	vperm.xlane v4, v1;
	_ =	sdelay $0x1  }
0x2a4: {  	v5 =	vadd.s32 v2, v5;
	_ =	sdelay $0x1  }
0x2a5: {  	v4 =	vperm.xlane v4, v3;
	_ =	sdelay $0x1  }
0x2a6: {  	s24 =	simm.s32 $0x9100;
	v4 =	vadd.s32 v2, v4  }
0x2a7: {  	[tilespmem:s24], [sflag:$0x1] =	stream.indirect_vreg.gather [hbm4b:s14+s5], $0x80, v5, vm0, $0xb8;
	[tilespmem:$0x15100] =	vst v63  }
0x2a8: {  	s26 =	simm.s32 $0x9900  }
0x2a9: {  	[tilespmem:s26], [sflag:$0x1] =	stream.indirect_vreg.gather [hbm4b:s18+s5], $0x80, v5, vm0, $0xb8;
	[tilespmem:$0x15100] =	vst v63  }
0x2aa: {  	s29 =	simm.s32 $0xA100  }
0x2ab: {  	[tilespmem:s29], [sflag:$0x1] =	stream.indirect_vreg.gather [hbm4b:s14+s5], $0x80, v4, vm0, $0xb8;
	[tilespmem:$0x15100] =	vst v63  }
0x2ac: {  	s6 =	simm.s32 $0xA900  }
0x2ad: {  	[tilespmem:s6], [sflag:$0x1] =	stream.indirect_vreg.gather [hbm4b:s18+s5], $0x80, v4, vm0, $0xb8;
	[tilespmem:$0x15100] =	vst v63  }
0x2ae: {  	v4 =	vld [tilespmem:$0xB30];
	_ =	sdelay $0x4  }
0x2af: {  	v5 =	vshll.u32 v4, $0x2  }
0x2b0: {  	v4 =	vand.u32 $0x7, v4;
	v5 =	vand.u32 $0xFFFFFFE0, v5  }
0x2b1: {  	v4 =	vor.u32 v4, v5  }
0x2b2: {  	v5 =	vperm.xlane v4, v1;
	_ =	sdelay $0x1  }
0x2b3: {  	v5 =	vadd.s32 v2, v5;
	_ =	sdelay $0x1  }
0x2b4: {  	v4 =	vperm.xlane v4, v3;
	_ =	sdelay $0x1  }
0x2b5: {  	s31 =	simm.s32 $0xB100;
	v4 =	vadd.s32 v2, v4  }
0x2b6: {  	[tilespmem:s31], [sflag:$0x1] =	stream.indirect_vreg.gather [hbm4b:s14+s5], $0x80, v5, vm0, $0xb8;
	[tilespmem:$0x15100] =	vst v63  }
0x2b7: {  	s12 =	simm.s32 $0xB900  }
0x2b8: {  	[tilespmem:s12], [sflag:$0x1] =	stream.indirect_vreg.gather [hbm4b:s18+s5], $0x80, v5, vm0, $0xb8;
	[tilespmem:$0x15100] =	vst v63  }
0x2b9: {  	s13 =	simm.s32 $0xC100  }
0x2ba: {  	[tilespmem:s13], [sflag:$0x1] =	stream.indirect_vreg.gather [hbm4b:s14+s5], $0x80, v4, vm0, $0xb8;
	[tilespmem:$0x15100] =	vst v63  }
0x2bb: {  	s11 =	simm.s32 $0xC900  }
0x2bc: {  	[tilespmem:s11], [sflag:$0x1] =	stream.indirect_vreg.gather [hbm4b:s18+s5], $0x80, v4, vm0, $0xb8;
	[tilespmem:$0x15100] =	vst v63  }
0x2bd: {  	_ =	swait.ge [sflag:s9], $0x8000  }
0x2be: {  	[sflag:s9] =	ssyncset.done $0x0  }
0x2bf: {  	s6 =	rddreg [dreg:$0x18];
	[sflag:s9] =	ssyncadd.s32 $0xFFFF8000  }
0x2c0: {  	[hbm4b:s6+s5] =	stream.linear.scatter [tilespmem:s16], [sflag:$0x2], $0x8000, $0x38;
	[tilespmem:$0x15100] =	vst v63  }
0x2c1: {  	_ =	swait.ge [sflag:s4], $0x8000  }
0x2c2: {  	[sflag:s4] =	ssyncset.done $0x0  }
0x2c3: {  	[sflag:s4] =	ssyncadd.s32 $0xFFFF8000  }
0x2c4: {  	v4 =	vld [tilespmem:$0xB40];
	_ =	sdelay $0x4  }
0x2c5: {  	v5 =	vshll.u32 v4, $0x2  }
0x2c6: {  	v4 =	vand.u32 $0x7, v4;
	v5 =	vand.u32 $0xFFFFFFE0, v5  }
0x2c7: {  	v4 =	vor.u32 v4, v5  }
0x2c8: {  	v5 =	vperm.xlane v4, v1;
	_ =	sdelay $0x1  }
0x2c9: {  	v5 =	vadd.s32 v2, v5;
	_ =	sdelay $0x1  }
0x2ca: {  	v4 =	vperm.xlane v4, v3;
	_ =	sdelay $0x1  }
0x2cb: {  	v4 =	vadd.s32 v2, v4  }
0x2cc: {  	[tilespmem:s10], [sflag:$0x1] =	stream.indirect_vreg.gather [hbm4b:s14+s5], $0x80, v5, vm0, $0xb8;
	[tilespmem:$0x15100] =	vst v63  }
0x2cd: {  	s6 =	simm.s32 $0xD900  }
0x2ce: {  	[tilespmem:s6], [sflag:$0x1] =	stream.indirect_vreg.gather [hbm4b:s18+s5], $0x80, v5, vm0, $0xb8;
	[tilespmem:$0x15100] =	vst v63  }
0x2cf: {  	s6 =	simm.s32 $0xE100  }
0x2d0: {  	[tilespmem:s6], [sflag:$0x1] =	stream.indirect_vreg.gather [hbm4b:s14+s5], $0x80, v4, vm0, $0xb8;
	[tilespmem:$0x15100] =	vst v63  }
0x2d1: {  	s6 =	simm.s32 $0xE900  }
0x2d2: {  	[tilespmem:s6], [sflag:$0x1] =	stream.indirect_vreg.gather [hbm4b:s18+s5], $0x80, v4, vm0, $0xb8;
	[tilespmem:$0x15100] =	vst v63  }
0x2d3: {  	v4 =	vld [tilespmem:$0xB50];
	_ =	sdelay $0x4  }
0x2d4: {  	v5 =	vshll.u32 v4, $0x2  }
0x2d5: {  	v4 =	vand.u32 $0x7, v4;
	v5 =	vand.u32 $0xFFFFFFE0, v5  }
0x2d6: {  	v4 =	vor.u32 v4, v5  }
0x2d7: {  	v5 =	vperm.xlane v4, v1;
	_ =	sdelay $0x1  }
0x2d8: {  	v5 =	vadd.s32 v2, v5;
	_ =	sdelay $0x1  }
0x2d9: {  	v4 =	vperm.xlane v4, v3;
	_ =	sdelay $0x1  }
0x2da: {  	s0 =	simm.s32 $0xF100;
	v4 =	vadd.s32 v2, v4  }
0x2db: {  	[tilespmem:s0], [sflag:$0x1] =	stream.indirect_vreg.gather [hbm4b:s14+s5], $0x80, v5, vm0, $0xb8;
	[tilespmem:$0x15100] =	vst v63  }
0x2dc: {  	s6 =	simm.s32 $0xF900  }
0x2dd: {  	[tilespmem:s6], [sflag:$0x1] =	stream.indirect_vreg.gather [hbm4b:s18+s5], $0x80, v5, vm0, $0xb8;
	[tilespmem:$0x15100] =	vst v63  }
0x2de: {  	s30 =	simm.s32 $0x10100  }
0x2df: {  	[tilespmem:s30], [sflag:$0x1] =	stream.indirect_vreg.gather [hbm4b:s14+s5], $0x80, v4, vm0, $0xb8;
	[tilespmem:$0x15100] =	vst v63  }
0x2e0: {  	s6 =	simm.s32 $0x10900  }
0x2e1: {  	[tilespmem:s6], [sflag:$0x1] =	stream.indirect_vreg.gather [hbm4b:s18+s5], $0x80, v4, vm0, $0xb8;
	[tilespmem:$0x15100] =	vst v63  }
0x2e2: {  	v4 =	vld [tilespmem:$0xB60];
	_ =	sdelay $0x4  }
0x2e3: {  	v5 =	vshll.u32 v4, $0x2  }
0x2e4: {  	v4 =	vand.u32 $0x7, v4;
	v5 =	vand.u32 $0xFFFFFFE0, v5  }
0x2e5: {  	v4 =	vor.u32 v4, v5  }
0x2e6: {  	v5 =	vperm.xlane v4, v1;
	_ =	sdelay $0x1  }
0x2e7: {  	v5 =	vadd.s32 v2, v5;
	_ =	sdelay $0x1  }
0x2e8: {  	v4 =	vperm.xlane v4, v3;
	_ =	sdelay $0x1  }
0x2e9: {  	s25 =	simm.s32 $0x11100;
	v4 =	vadd.s32 v2, v4  }
0x2ea: {  	[tilespmem:s25], [sflag:$0x1] =	stream.indirect_vreg.gather [hbm4b:s14+s5], $0x80, v5, vm0, $0xb8;
	[tilespmem:$0x15100] =	vst v63  }
0x2eb: {  	s6 =	simm.s32 $0x11900  }
0x2ec: {  	[tilespmem:s6], [sflag:$0x1] =	stream.indirect_vreg.gather [hbm4b:s18+s5], $0x80, v5, vm0, $0xb8;
	[tilespmem:$0x15100] =	vst v63  }
0x2ed: {  	s6 =	simm.s32 $0x12100  }
0x2ee: {  	[tilespmem:s6], [sflag:$0x1] =	stream.indirect_vreg.gather [hbm4b:s14+s5], $0x80, v4, vm0, $0xb8;
	[tilespmem:$0x15100] =	vst v63  }
0x2ef: {  	s6 =	simm.s32 $0x12900  }
0x2f0: {  	[tilespmem:s6], [sflag:$0x1] =	stream.indirect_vreg.gather [hbm4b:s18+s5], $0x80, v4, vm0, $0xb8;
	[tilespmem:$0x15100] =	vst v63  }
0x2f1: {  	v4 =	vld [tilespmem:$0xB70];
	_ =	sdelay $0x4  }
0x2f2: {  	v5 =	vshll.u32 v4, $0x2  }
0x2f3: {  	v4 =	vand.u32 $0x7, v4;
	v5 =	vand.u32 $0xFFFFFFE0, v5  }
0x2f4: {  	v4 =	vor.u32 v4, v5  }
0x2f5: {  	v5 =	vperm.xlane v4, v1;
	_ =	sdelay $0x1  }
0x2f6: {  	v5 =	vadd.s32 v2, v5;
	_ =	sdelay $0x1  }
0x2f7: {  	v4 =	vperm.xlane v4, v3;
	_ =	sdelay $0x1  }
0x2f8: {  	s28 =	simm.s32 $0x13100;
	v4 =	vadd.s32 v2, v4  }
0x2f9: {  	[tilespmem:s28], [sflag:$0x1] =	stream.indirect_vreg.gather [hbm4b:s14+s5], $0x80, v5, vm0, $0xb8;
	[tilespmem:$0x15100] =	vst v63  }
0x2fa: {  	s6 =	simm.s32 $0x13900  }
0x2fb: {  	[tilespmem:s6], [sflag:$0x1] =	stream.indirect_vreg.gather [hbm4b:s18+s5], $0x80, v5, vm0, $0xb8;
	[tilespmem:$0x15100] =	vst v63  }
0x2fc: {  	s6 =	simm.s32 $0x14100  }
0x2fd: {  	[tilespmem:s6], [sflag:$0x1] =	stream.indirect_vreg.gather [hbm4b:s14+s5], $0x80, v4, vm0, $0xb8;
	[tilespmem:$0x15100] =	vst v63  }
0x2fe: {  	s21 =	simm.s32 $0x14900  }
0x2ff: {  	[tilespmem:s21], [sflag:$0x1] =	stream.indirect_vreg.gather [hbm4b:s18+s5], $0x80, v4, vm0, $0xb8;
	[tilespmem:$0x15100] =	vst v63  }
0x300: {  	_ =	swait.ge [sflag:s9], $0x8000  }
0x301: {  	[sflag:s9] =	ssyncset.done $0x0  }
0x302: {  	s6 =	rddreg [dreg:$0x19];
	[sflag:s9] =	ssyncadd.s32 $0xFFFF8000  }
0x303: {  	[hbm4b:s6+s5] =	stream.linear.scatter [tilespmem:s10], [sflag:$0x3], $0x8000, $0x38;
	[tilespmem:$0x15100] =	vst v63  }
0x304: {  	_ =	swait.ge [sflag:s3], $0x8000  }
0x305: {  	[sflag:s3] =	ssyncset.done $0x0  }
0x306: {  	[sflag:s3] =	ssyncadd.s32 $0xFFFF8000  }
0x307: {  	v4 =	vld [tilespmem:$0xB80];
	_ =	sdelay $0x4  }
0x308: {  	v5 =	vshll.u32 v4, $0x2  }
0x309: {  	v4 =	vand.u32 $0x7, v4;
	v5 =	vand.u32 $0xFFFFFFE0, v5  }
0x30a: {  	v4 =	vor.u32 v4, v5  }
0x30b: {  	v5 =	vperm.xlane v4, v1;
	_ =	sdelay $0x1  }
0x30c: {  	v5 =	vadd.s32 v2, v5;
	_ =	sdelay $0x1  }
0x30d: {  	v4 =	vperm.xlane v4, v3;
	_ =	sdelay $0x1  }
0x30e: {  	v4 =	vadd.s32 v2, v4  }
0x30f: {  	[tilespmem:s16], [sflag:$0x1] =	stream.indirect_vreg.gather [hbm4b:s14+s5], $0x80, v5, vm0, $0xb8;
	[tilespmem:$0x15100] =	vst v63  }
0x310: {  	s2 =	simm.s32 $0x5900  }
0x311: {  	[tilespmem:s2], [sflag:$0x1] =	stream.indirect_vreg.gather [hbm4b:s18+s5], $0x80, v5, vm0, $0xb8;
	[tilespmem:$0x15100] =	vst v63  }
0x312: {  	s7 =	simm.s32 $0x6100  }
0x313: {  	[tilespmem:s7], [sflag:$0x1] =	stream.indirect_vreg.gather [hbm4b:s14+s5], $0x80, v4, vm0, $0xb8;
	[tilespmem:$0x15100] =	vst v63  }
0x314: {  	s6 =	simm.s32 $0x6900  }
0x315: {  	[tilespmem:s6], [sflag:$0x1] =	stream.indirect_vreg.gather [hbm4b:s18+s5], $0x80, v4, vm0, $0xb8;
	[tilespmem:$0x15100] =	vst v63  }
0x316: {  	v4 =	vld [tilespmem:$0xB90];
	_ =	sdelay $0x4  }
0x317: {  	v5 =	vshll.u32 v4, $0x2  }
0x318: {  	v4 =	vand.u32 $0x7, v4;
	v5 =	vand.u32 $0xFFFFFFE0, v5  }
0x319: {  	v4 =	vor.u32 v4, v5  }
0x31a: {  	v5 =	vperm.xlane v4, v1;
	_ =	sdelay $0x1  }
0x31b: {  	v5 =	vadd.s32 v2, v5;
	_ =	sdelay $0x1  }
0x31c: {  	v4 =	vperm.xlane v4, v3;
	_ =	sdelay $0x1  }
0x31d: {  	s8 =	simm.s32 $0x7100;
	v4 =	vadd.s32 v2, v4  }
0x31e: {  	[tilespmem:s8], [sflag:$0x1] =	stream.indirect_vreg.gather [hbm4b:s14+s5], $0x80, v5, vm0, $0xb8;
	[tilespmem:$0x15100] =	vst v63  }
0x31f: {  	s15 =	simm.s32 $0x7900  }
0x320: {  	[tilespmem:s15], [sflag:$0x1] =	stream.indirect_vreg.gather [hbm4b:s18+s5], $0x80, v5, vm0, $0xb8;
	[tilespmem:$0x15100] =	vst v63  }
0x321: {  	s17 =	simm.s32 $0x8100  }
0x322: {  	[tilespmem:s17], [sflag:$0x1] =	stream.indirect_vreg.gather [hbm4b:s14+s5], $0x80, v4, vm0, $0xb8;
	[tilespmem:$0x15100] =	vst v63  }
0x323: {  	s6 =	simm.s32 $0x8900  }
0x324: {  	[tilespmem:s6], [sflag:$0x1] =	stream.indirect_vreg.gather [hbm4b:s18+s5], $0x80, v4, vm0, $0xb8;
	[tilespmem:$0x15100] =	vst v63  }
0x325: {  	v4 =	vld [tilespmem:$0xBA0];
	_ =	sdelay $0x4  }
0x326: {  	v5 =	vshll.u32 v4, $0x2  }
0x327: {  	v4 =	vand.u32 $0x7, v4;
	v5 =	vand.u32 $0xFFFFFFE0, v5  }
0x328: {  	v4 =	vor.u32 v4, v5  }
0x329: {  	v5 =	vperm.xlane v4, v1;
	_ =	sdelay $0x1  }
0x32a: {  	v5 =	vadd.s32 v2, v5;
	_ =	sdelay $0x1  }
0x32b: {  	v4 =	vperm.xlane v4, v3;
	_ =	sdelay $0x1  }
0x32c: {  	s24 =	simm.s32 $0x9100;
	v4 =	vadd.s32 v2, v4  }
0x32d: {  	[tilespmem:s24], [sflag:$0x1] =	stream.indirect_vreg.gather [hbm4b:s14+s5], $0x80, v5, vm0, $0xb8;
	[tilespmem:$0x15100] =	vst v63  }
0x32e: {  	s26 =	simm.s32 $0x9900  }
0x32f: {  	[tilespmem:s26], [sflag:$0x1] =	stream.indirect_vreg.gather [hbm4b:s18+s5], $0x80, v5, vm0, $0xb8;
	[tilespmem:$0x15100] =	vst v63  }
0x330: {  	s29 =	simm.s32 $0xA100  }
0x331: {  	[tilespmem:s29], [sflag:$0x1] =	stream.indirect_vreg.gather [hbm4b:s14+s5], $0x80, v4, vm0, $0xb8;
	[tilespmem:$0x15100] =	vst v63  }
0x332: {  	s6 =	simm.s32 $0xA900  }
0x333: {  	[tilespmem:s6], [sflag:$0x1] =	stream.indirect_vreg.gather [hbm4b:s18+s5], $0x80, v4, vm0, $0xb8;
	[tilespmem:$0x15100] =	vst v63  }
0x334: {  	v4 =	vld [tilespmem:$0xBB0];
	_ =	sdelay $0x4  }
0x335: {  	v5 =	vshll.u32 v4, $0x2  }
0x336: {  	v4 =	vand.u32 $0x7, v4;
	v5 =	vand.u32 $0xFFFFFFE0, v5  }
0x337: {  	v4 =	vor.u32 v4, v5  }
0x338: {  	v5 =	vperm.xlane v4, v1;
	_ =	sdelay $0x1  }
0x339: {  	v5 =	vadd.s32 v2, v5;
	_ =	sdelay $0x1  }
0x33a: {  	v4 =	vperm.xlane v4, v3;
	_ =	sdelay $0x1  }
0x33b: {  	s31 =	simm.s32 $0xB100;
	v4 =	vadd.s32 v2, v4  }
0x33c: {  	[tilespmem:s31], [sflag:$0x1] =	stream.indirect_vreg.gather [hbm4b:s14+s5], $0x80, v5, vm0, $0xb8;
	[tilespmem:$0x15100] =	vst v63  }
0x33d: {  	s12 =	simm.s32 $0xB900  }
0x33e: {  	[tilespmem:s12], [sflag:$0x1] =	stream.indirect_vreg.gather [hbm4b:s18+s5], $0x80, v5, vm0, $0xb8;
	[tilespmem:$0x15100] =	vst v63  }
0x33f: {  	s13 =	simm.s32 $0xC100  }
0x340: {  	[tilespmem:s13], [sflag:$0x1] =	stream.indirect_vreg.gather [hbm4b:s14+s5], $0x80, v4, vm0, $0xb8;
	[tilespmem:$0x15100] =	vst v63  }
0x341: {  	s11 =	simm.s32 $0xC900  }
0x342: {  	[tilespmem:s11], [sflag:$0x1] =	stream.indirect_vreg.gather [hbm4b:s18+s5], $0x80, v4, vm0, $0xb8;
	[tilespmem:$0x15100] =	vst v63  }
0x343: {  	_ =	swait.ge [sflag:s9], $0x8000  }
0x344: {  	[sflag:s9] =	ssyncset.done $0x0  }
0x345: {  	s6 =	rddreg [dreg:$0x1a];
	[sflag:s9] =	ssyncadd.s32 $0xFFFF8000  }
0x346: {  	[hbm4b:s6+s5] =	stream.linear.scatter [tilespmem:s16], [sflag:$0x2], $0x8000, $0x38;
	[tilespmem:$0x15100] =	vst v63  }
0x347: {  	_ =	swait.ge [sflag:s4], $0x8000  }
0x348: {  	[sflag:s4] =	ssyncset.done $0x0  }
0x349: {  	[sflag:s4] =	ssyncadd.s32 $0xFFFF8000  }
0x34a: {  	v4 =	vld [tilespmem:$0xBC0];
	_ =	sdelay $0x4  }
0x34b: {  	v5 =	vshll.u32 v4, $0x2  }
0x34c: {  	v4 =	vand.u32 $0x7, v4;
	v5 =	vand.u32 $0xFFFFFFE0, v5  }
0x34d: {  	v4 =	vor.u32 v4, v5  }
0x34e: {  	v5 =	vperm.xlane v4, v1;
	_ =	sdelay $0x1  }
0x34f: {  	v5 =	vadd.s32 v2, v5;
	_ =	sdelay $0x1  }
0x350: {  	v4 =	vperm.xlane v4, v3;
	_ =	sdelay $0x1  }
0x351: {  	v4 =	vadd.s32 v2, v4  }
0x352: {  	[tilespmem:s10], [sflag:$0x1] =	stream.indirect_vreg.gather [hbm4b:s14+s5], $0x80, v5, vm0, $0xb8;
	[tilespmem:$0x15100] =	vst v63  }
0x353: {  	s6 =	simm.s32 $0xD900  }
0x354: {  	[tilespmem:s6], [sflag:$0x1] =	stream.indirect_vreg.gather [hbm4b:s18+s5], $0x80, v5, vm0, $0xb8;
	[tilespmem:$0x15100] =	vst v63  }
0x355: {  	s6 =	simm.s32 $0xE100  }
0x356: {  	[tilespmem:s6], [sflag:$0x1] =	stream.indirect_vreg.gather [hbm4b:s14+s5], $0x80, v4, vm0, $0xb8;
	[tilespmem:$0x15100] =	vst v63  }
0x357: {  	s6 =	simm.s32 $0xE900  }
0x358: {  	[tilespmem:s6], [sflag:$0x1] =	stream.indirect_vreg.gather [hbm4b:s18+s5], $0x80, v4, vm0, $0xb8;
	[tilespmem:$0x15100] =	vst v63  }
0x359: {  	v4 =	vld [tilespmem:$0xBD0];
	_ =	sdelay $0x4  }
0x35a: {  	v5 =	vshll.u32 v4, $0x2  }
0x35b: {  	v4 =	vand.u32 $0x7, v4;
	v5 =	vand.u32 $0xFFFFFFE0, v5  }
0x35c: {  	v4 =	vor.u32 v4, v5  }
0x35d: {  	v5 =	vperm.xlane v4, v1;
	_ =	sdelay $0x1  }
0x35e: {  	v5 =	vadd.s32 v2, v5;
	_ =	sdelay $0x1  }
0x35f: {  	v4 =	vperm.xlane v4, v3;
	_ =	sdelay $0x1  }
0x360: {  	s0 =	simm.s32 $0xF100;
	v4 =	vadd.s32 v2, v4  }
0x361: {  	[tilespmem:s0], [sflag:$0x1] =	stream.indirect_vreg.gather [hbm4b:s14+s5], $0x80, v5, vm0, $0xb8;
	[tilespmem:$0x15100] =	vst v63  }
0x362: {  	s6 =	simm.s32 $0xF900  }
0x363: {  	[tilespmem:s6], [sflag:$0x1] =	stream.indirect_vreg.gather [hbm4b:s18+s5], $0x80, v5, vm0, $0xb8;
	[tilespmem:$0x15100] =	vst v63  }
0x364: {  	s30 =	simm.s32 $0x10100  }
0x365: {  	[tilespmem:s30], [sflag:$0x1] =	stream.indirect_vreg.gather [hbm4b:s14+s5], $0x80, v4, vm0, $0xb8;
	[tilespmem:$0x15100] =	vst v63  }
0x366: {  	s6 =	simm.s32 $0x10900  }
0x367: {  	[tilespmem:s6], [sflag:$0x1] =	stream.indirect_vreg.gather [hbm4b:s18+s5], $0x80, v4, vm0, $0xb8;
	[tilespmem:$0x15100] =	vst v63  }
0x368: {  	v4 =	vld [tilespmem:$0xBE0];
	_ =	sdelay $0x4  }
0x369: {  	v5 =	vshll.u32 v4, $0x2  }
0x36a: {  	v4 =	vand.u32 $0x7, v4;
	v5 =	vand.u32 $0xFFFFFFE0, v5  }
0x36b: {  	v4 =	vor.u32 v4, v5  }
0x36c: {  	v5 =	vperm.xlane v4, v1;
	_ =	sdelay $0x1  }
0x36d: {  	v5 =	vadd.s32 v2, v5;
	_ =	sdelay $0x1  }
0x36e: {  	v4 =	vperm.xlane v4, v3;
	_ =	sdelay $0x1  }
0x36f: {  	s25 =	simm.s32 $0x11100;
	v4 =	vadd.s32 v2, v4  }
0x370: {  	[tilespmem:s25], [sflag:$0x1] =	stream.indirect_vreg.gather [hbm4b:s14+s5], $0x80, v5, vm0, $0xb8;
	[tilespmem:$0x15100] =	vst v63  }
0x371: {  	s25 =	simm.s32 $0x11900  }
0x372: {  	[tilespmem:s25], [sflag:$0x1] =	stream.indirect_vreg.gather [hbm4b:s18+s5], $0x80, v5, vm0, $0xb8;
	[tilespmem:$0x15100] =	vst v63  }
0x373: {  	s25 =	simm.s32 $0x12100  }
0x374: {  	[tilespmem:s25], [sflag:$0x1] =	stream.indirect_vreg.gather [hbm4b:s14+s5], $0x80, v4, vm0, $0xb8;
	[tilespmem:$0x15100] =	vst v63  }
0x375: {  	s25 =	simm.s32 $0x12900  }
0x376: {  	[tilespmem:s25], [sflag:$0x1] =	stream.indirect_vreg.gather [hbm4b:s18+s5], $0x80, v4, vm0, $0xb8;
	[tilespmem:$0x15100] =	vst v63  }
0x377: {  	v4 =	vld [tilespmem:$0xBF0];
	_ =	sdelay $0x4  }
0x378: {  	v5 =	vshll.u32 v4, $0x2  }
0x379: {  	v4 =	vand.u32 $0x7, v4;
	v5 =	vand.u32 $0xFFFFFFE0, v5  }
0x37a: {  	v4 =	vor.u32 v4, v5  }
0x37b: {  	v5 =	vperm.xlane v4, v1;
	_ =	sdelay $0x1  }
0x37c: {  	v5 =	vadd.s32 v2, v5;
	_ =	sdelay $0x1  }
0x37d: {  	v4 =	vperm.xlane v4, v3;
	_ =	sdelay $0x1  }
0x37e: {  	s28 =	simm.s32 $0x13100;
	v4 =	vadd.s32 v2, v4  }
0x37f: {  	[tilespmem:s28], [sflag:$0x1] =	stream.indirect_vreg.gather [hbm4b:s14+s5], $0x80, v5, vm0, $0xb8;
	[tilespmem:$0x15100] =	vst v63  }
0x380: {  	s25 =	simm.s32 $0x13900  }
0x381: {  	[tilespmem:s25], [sflag:$0x1] =	stream.indirect_vreg.gather [hbm4b:s18+s5], $0x80, v5, vm0, $0xb8;
	[tilespmem:$0x15100] =	vst v63  }
0x382: {  	s28 =	simm.s32 $0x14100  }
0x383: {  	[tilespmem:s28], [sflag:$0x1] =	stream.indirect_vreg.gather [hbm4b:s14+s5], $0x80, v4, vm0, $0xb8;
	[tilespmem:$0x15100] =	vst v63  }
0x384: {  	s21 =	simm.s32 $0x14900  }
0x385: {  	[tilespmem:s21], [sflag:$0x1] =	stream.indirect_vreg.gather [hbm4b:s18+s5], $0x80, v4, vm0, $0xb8;
	[tilespmem:$0x15100] =	vst v63  }
0x386: {  	_ =	swait.ge [sflag:s9], $0x8000  }
0x387: {  	[sflag:s9] =	ssyncset.done $0x0  }
0x388: {  	s21 =	rddreg [dreg:$0x1b];
	[sflag:s9] =	ssyncadd.s32 $0xFFFF8000  }
0x389: {  	[hbm4b:s21+s5] =	stream.linear.scatter [tilespmem:s10], [sflag:$0x3], $0x8000, $0x38;
	[tilespmem:$0x15100] =	vst v63  }
0x38a: {  	_ =	swait.ge [sflag:s3], $0x8000  }
0x38b: {  	[sflag:s3] =	ssyncset.done $0x0  }
0x38c: {  	[sflag:s3] =	ssyncadd.s32 $0xFFFF8000  }
0x38d: {  	v4 =	vld [tilespmem:$0xC00];
	_ =	sdelay $0x4  }
0x38e: {  	v5 =	vshll.u32 v4, $0x2  }
0x38f: {  	v4 =	vand.u32 $0x7, v4;
	v5 =	vand.u32 $0xFFFFFFE0, v5  }
0x390: {  	v4 =	vor.u32 v4, v5  }
0x391: {  	v5 =	vperm.xlane v4, v1;
	_ =	sdelay $0x1  }
0x392: {  	v5 =	vadd.s32 v2, v5;
	_ =	sdelay $0x1  }
0x393: {  	v4 =	vperm.xlane v4, v3;
	_ =	sdelay $0x1  }
0x394: {  	v4 =	vadd.s32 v2, v4  }
0x395: {  	[tilespmem:s16], [sflag:$0x1] =	stream.indirect_vreg.gather [hbm4b:s14+s5], $0x80, v5, vm0, $0xb8;
	[tilespmem:$0x15100] =	vst v63  }
0x396: {  	s2 =	simm.s32 $0x5900  }
0x397: {  	[tilespmem:s2], [sflag:$0x1] =	stream.indirect_vreg.gather [hbm4b:s18+s5], $0x80, v5, vm0, $0xb8;
	[tilespmem:$0x15100] =	vst v63  }
0x398: {  	s7 =	simm.s32 $0x6100  }
0x399: {  	[tilespmem:s7], [sflag:$0x1] =	stream.indirect_vreg.gather [hbm4b:s14+s5], $0x80, v4, vm0, $0xb8;
	[tilespmem:$0x15100] =	vst v63  }
0x39a: {  	s25 =	simm.s32 $0x6900  }
0x39b: {  	[tilespmem:s25], [sflag:$0x1] =	stream.indirect_vreg.gather [hbm4b:s18+s5], $0x80, v4, vm0, $0xb8;
	[tilespmem:$0x15100] =	vst v63  }
0x39c: {  	v4 =	vld [tilespmem:$0xC10];
	_ =	sdelay $0x4  }
0x39d: {  	v5 =	vshll.u32 v4, $0x2  }
0x39e: {  	v4 =	vand.u32 $0x7, v4;
	v5 =	vand.u32 $0xFFFFFFE0, v5  }
0x39f: {  	v4 =	vor.u32 v4, v5  }
0x3a0: {  	v5 =	vperm.xlane v4, v1;
	_ =	sdelay $0x1  }
0x3a1: {  	v5 =	vadd.s32 v2, v5;
	_ =	sdelay $0x1  }
0x3a2: {  	v4 =	vperm.xlane v4, v3;
	_ =	sdelay $0x1  }
0x3a3: {  	s8 =	simm.s32 $0x7100;
	v4 =	vadd.s32 v2, v4  }
0x3a4: {  	[tilespmem:s8], [sflag:$0x1] =	stream.indirect_vreg.gather [hbm4b:s14+s5], $0x80, v5, vm0, $0xb8;
	[tilespmem:$0x15100] =	vst v63  }
0x3a5: {  	s15 =	simm.s32 $0x7900  }
0x3a6: {  	[tilespmem:s15], [sflag:$0x1] =	stream.indirect_vreg.gather [hbm4b:s18+s5], $0x80, v5, vm0, $0xb8;
	[tilespmem:$0x15100] =	vst v63  }
0x3a7: {  	s17 =	simm.s32 $0x8100  }
0x3a8: {  	[tilespmem:s17], [sflag:$0x1] =	stream.indirect_vreg.gather [hbm4b:s14+s5], $0x80, v4, vm0, $0xb8;
	[tilespmem:$0x15100] =	vst v63  }
0x3a9: {  	s28 =	simm.s32 $0x8900  }
0x3aa: {  	[tilespmem:s28], [sflag:$0x1] =	stream.indirect_vreg.gather [hbm4b:s18+s5], $0x80, v4, vm0, $0xb8;
	[tilespmem:$0x15100] =	vst v63  }
0x3ab: {  	v4 =	vld [tilespmem:$0xC20];
	_ =	sdelay $0x4  }
0x3ac: {  	v5 =	vshll.u32 v4, $0x2  }
0x3ad: {  	v4 =	vand.u32 $0x7, v4;
	v5 =	vand.u32 $0xFFFFFFE0, v5  }
0x3ae: {  	v4 =	vor.u32 v4, v5  }
0x3af: {  	v5 =	vperm.xlane v4, v1;
	_ =	sdelay $0x1  }
0x3b0: {  	v5 =	vadd.s32 v2, v5;
	_ =	sdelay $0x1  }
0x3b1: {  	v4 =	vperm.xlane v4, v3;
	_ =	sdelay $0x1  }
0x3b2: {  	s24 =	simm.s32 $0x9100;
	v4 =	vadd.s32 v2, v4  }
0x3b3: {  	[tilespmem:s24], [sflag:$0x1] =	stream.indirect_vreg.gather [hbm4b:s14+s5], $0x80, v5, vm0, $0xb8;
	[tilespmem:$0x15100] =	vst v63  }
0x3b4: {  	s26 =	simm.s32 $0x9900  }
0x3b5: {  	[tilespmem:s26], [sflag:$0x1] =	stream.indirect_vreg.gather [hbm4b:s18+s5], $0x80, v5, vm0, $0xb8;
	[tilespmem:$0x15100] =	vst v63  }
0x3b6: {  	s29 =	simm.s32 $0xA100  }
0x3b7: {  	[tilespmem:s29], [sflag:$0x1] =	stream.indirect_vreg.gather [hbm4b:s14+s5], $0x80, v4, vm0, $0xb8;
	[tilespmem:$0x15100] =	vst v63  }
0x3b8: {  	s29 =	simm.s32 $0xA900  }
0x3b9: {  	[tilespmem:s29], [sflag:$0x1] =	stream.indirect_vreg.gather [hbm4b:s18+s5], $0x80, v4, vm0, $0xb8;
	[tilespmem:$0x15100] =	vst v63  }
0x3ba: {  	v4 =	vld [tilespmem:$0xC30];
	_ =	sdelay $0x4  }
0x3bb: {  	v5 =	vshll.u32 v4, $0x2  }
0x3bc: {  	v4 =	vand.u32 $0x7, v4;
	v5 =	vand.u32 $0xFFFFFFE0, v5  }
0x3bd: {  	v4 =	vor.u32 v4, v5  }
0x3be: {  	v5 =	vperm.xlane v4, v1;
	_ =	sdelay $0x1  }
0x3bf: {  	v5 =	vadd.s32 v2, v5;
	_ =	sdelay $0x1  }
0x3c0: {  	v4 =	vperm.xlane v4, v3;
	_ =	sdelay $0x1  }
0x3c1: {  	s31 =	simm.s32 $0xB100;
	v4 =	vadd.s32 v2, v4  }
0x3c2: {  	[tilespmem:s31], [sflag:$0x1] =	stream.indirect_vreg.gather [hbm4b:s14+s5], $0x80, v5, vm0, $0xb8;
	[tilespmem:$0x15100] =	vst v63  }
0x3c3: {  	s12 =	simm.s32 $0xB900  }
0x3c4: {  	[tilespmem:s12], [sflag:$0x1] =	stream.indirect_vreg.gather [hbm4b:s18+s5], $0x80, v5, vm0, $0xb8;
	[tilespmem:$0x15100] =	vst v63  }
0x3c5: {  	s13 =	simm.s32 $0xC100  }
0x3c6: {  	[tilespmem:s13], [sflag:$0x1] =	stream.indirect_vreg.gather [hbm4b:s14+s5], $0x80, v4, vm0, $0xb8;
	[tilespmem:$0x15100] =	vst v63  }
0x3c7: {  	s11 =	simm.s32 $0xC900  }
0x3c8: {  	[tilespmem:s11], [sflag:$0x1] =	stream.indirect_vreg.gather [hbm4b:s18+s5], $0x80, v4, vm0, $0xb8;
	[tilespmem:$0x15100] =	vst v63  }
0x3c9: {  	_ =	swait.ge [sflag:s9], $0x8000  }
0x3ca: {  	[sflag:s9] =	ssyncset.done $0x0  }
0x3cb: {  	s11 =	rddreg [dreg:$0x1c];
	[sflag:s9] =	ssyncadd.s32 $0xFFFF8000  }
0x3cc: {  	[hbm4b:s11+s5] =	stream.linear.scatter [tilespmem:s16], [sflag:$0x2], $0x8000, $0x38;
	[tilespmem:$0x15100] =	vst v63  }
0x3cd: {  	_ =	swait.ge [sflag:s4], $0x8000  }
0x3ce: {  	[sflag:s4] =	ssyncset.done $0x0  }
0x3cf: {  	[sflag:s4] =	ssyncadd.s32 $0xFFFF8000  }
0x3d0: {  	v4 =	vld [tilespmem:$0xC40];
	_ =	sdelay $0x4  }
0x3d1: {  	v5 =	vshll.u32 v4, $0x2  }
0x3d2: {  	v4 =	vand.u32 $0x7, v4;
	v5 =	vand.u32 $0xFFFFFFE0, v5  }
0x3d3: {  	v4 =	vor.u32 v4, v5  }
0x3d4: {  	v5 =	vperm.xlane v4, v1;
	_ =	sdelay $0x1  }
0x3d5: {  	v5 =	vadd.s32 v2, v5;
	_ =	sdelay $0x1  }
0x3d6: {  	v4 =	vperm.xlane v4, v3;
	_ =	sdelay $0x1  }
0x3d7: {  	v4 =	vadd.s32 v2, v4  }
0x3d8: {  	[tilespmem:s10], [sflag:$0x1] =	stream.indirect_vreg.gather [hbm4b:s14+s5], $0x80, v5, vm0, $0xb8;
	[tilespmem:$0x15100] =	vst v63  }
0x3d9: {  	s25 =	simm.s32 $0xD900  }
0x3da: {  	[tilespmem:s25], [sflag:$0x1] =	stream.indirect_vreg.gather [hbm4b:s18+s5], $0x80, v5, vm0, $0xb8;
	[tilespmem:$0x15100] =	vst v63  }
0x3db: {  	s28 =	simm.s32 $0xE100  }
0x3dc: {  	[tilespmem:s28], [sflag:$0x1] =	stream.indirect_vreg.gather [hbm4b:s14+s5], $0x80, v4, vm0, $0xb8;
	[tilespmem:$0x15100] =	vst v63  }
0x3dd: {  	s11 =	simm.s32 $0xE900  }
0x3de: {  	[tilespmem:s11], [sflag:$0x1] =	stream.indirect_vreg.gather [hbm4b:s18+s5], $0x80, v4, vm0, $0xb8;
	[tilespmem:$0x15100] =	vst v63  }
0x3df: {  	v4 =	vld [tilespmem:$0xC50];
	_ =	sdelay $0x4  }
0x3e0: {  	v5 =	vshll.u32 v4, $0x2  }
0x3e1: {  	v4 =	vand.u32 $0x7, v4;
	v5 =	vand.u32 $0xFFFFFFE0, v5  }
0x3e2: {  	v4 =	vor.u32 v4, v5  }
0x3e3: {  	v5 =	vperm.xlane v4, v1;
	_ =	sdelay $0x1  }
0x3e4: {  	v5 =	vadd.s32 v2, v5;
	_ =	sdelay $0x1  }
0x3e5: {  	v4 =	vperm.xlane v4, v3;
	_ =	sdelay $0x1  }
0x3e6: {  	s0 =	simm.s32 $0xF100;
	v4 =	vadd.s32 v2, v4  }
0x3e7: {  	[tilespmem:s0], [sflag:$0x1] =	stream.indirect_vreg.gather [hbm4b:s14+s5], $0x80, v5, vm0, $0xb8;
	[tilespmem:$0x15100] =	vst v63  }
0x3e8: {  	s28 =	simm.s32 $0xF900  }
0x3e9: {  	[tilespmem:s28], [sflag:$0x1] =	stream.indirect_vreg.gather [hbm4b:s18+s5], $0x80, v5, vm0, $0xb8;
	[tilespmem:$0x15100] =	vst v63  }
0x3ea: {  	s30 =	simm.s32 $0x10100  }
0x3eb: {  	[tilespmem:s30], [sflag:$0x1] =	stream.indirect_vreg.gather [hbm4b:s14+s5], $0x80, v4, vm0, $0xb8;
	[tilespmem:$0x15100] =	vst v63  }
0x3ec: {  	s30 =	simm.s32 $0x10900  }
0x3ed: {  	[tilespmem:s30], [sflag:$0x1] =	stream.indirect_vreg.gather [hbm4b:s18+s5], $0x80, v4, vm0, $0xb8;
	[tilespmem:$0x15100] =	vst v63  }
0x3ee: {  	v4 =	vld [tilespmem:$0xC60];
	_ =	sdelay $0x4  }
0x3ef: {  	v5 =	vshll.u32 v4, $0x2  }
0x3f0: {  	v4 =	vand.u32 $0x7, v4;
	v5 =	vand.u32 $0xFFFFFFE0, v5  }
0x3f1: {  	v4 =	vor.u32 v4, v5  }
0x3f2: {  	v5 =	vperm.xlane v4, v1;
	_ =	sdelay $0x1  }
0x3f3: {  	v5 =	vadd.s32 v2, v5;
	_ =	sdelay $0x1  }
0x3f4: {  	v4 =	vperm.xlane v4, v3;
	_ =	sdelay $0x1  }
0x3f5: {  	s30 =	simm.s32 $0x11100;
	v4 =	vadd.s32 v2, v4  }
0x3f6: {  	[tilespmem:s30], [sflag:$0x1] =	stream.indirect_vreg.gather [hbm4b:s14+s5], $0x80, v5, vm0, $0xb8;
	[tilespmem:$0x15100] =	vst v63  }
0x3f7: {  	s6 =	simm.s32 $0x11900  }
0x3f8: {  	[tilespmem:s6], [sflag:$0x1] =	stream.indirect_vreg.gather [hbm4b:s18+s5], $0x80, v5, vm0, $0xb8;
	[tilespmem:$0x15100] =	vst v63  }
0x3f9: {  	s6 =	simm.s32 $0x12100  }
0x3fa: {  	[tilespmem:s6], [sflag:$0x1] =	stream.indirect_vreg.gather [hbm4b:s14+s5], $0x80, v4, vm0, $0xb8;
	[tilespmem:$0x15100] =	vst v63  }
0x3fb: {  	s6 =	simm.s32 $0x12900  }
0x3fc: {  	[tilespmem:s6], [sflag:$0x1] =	stream.indirect_vreg.gather [hbm4b:s18+s5], $0x80, v4, vm0, $0xb8;
	[tilespmem:$0x15100] =	vst v63  }
0x3fd: {  	v4 =	vld [tilespmem:$0xC70];
	_ =	sdelay $0x4  }
0x3fe: {  	v5 =	vshll.u32 v4, $0x2  }
0x3ff: {  	v4 =	vand.u32 $0x7, v4;
	v5 =	vand.u32 $0xFFFFFFE0, v5  }
0x400: {  	v4 =	vor.u32 v4, v5  }
0x401: {  	v5 =	vperm.xlane v4, v1;
	_ =	sdelay $0x1  }
0x402: {  	v5 =	vadd.s32 v2, v5;
	_ =	sdelay $0x1  }
0x403: {  	v4 =	vperm.xlane v4, v3;
	_ =	sdelay $0x1  }
0x404: {  	s6 =	simm.s32 $0x13100;
	v4 =	vadd.s32 v2, v4  }
0x405: {  	[tilespmem:s6], [sflag:$0x1] =	stream.indirect_vreg.gather [hbm4b:s14+s5], $0x80, v5, vm0, $0xb8;
	[tilespmem:$0x15100] =	vst v63  }
0x406: {  	s6 =	simm.s32 $0x13900  }
0x407: {  	[tilespmem:s6], [sflag:$0x1] =	stream.indirect_vreg.gather [hbm4b:s18+s5], $0x80, v5, vm0, $0xb8;
	[tilespmem:$0x15100] =	vst v63  }
0x408: {  	s6 =	simm.s32 $0x14100  }
0x409: {  	[tilespmem:s6], [sflag:$0x1] =	stream.indirect_vreg.gather [hbm4b:s14+s5], $0x80, v4, vm0, $0xb8;
	[tilespmem:$0x15100] =	vst v63  }
0x40a: {  	s6 =	simm.s32 $0x14900  }
0x40b: {  	[tilespmem:s6], [sflag:$0x1] =	stream.indirect_vreg.gather [hbm4b:s18+s5], $0x80, v4, vm0, $0xb8;
	[tilespmem:$0x15100] =	vst v63  }
0x40c: {  	_ =	swait.ge [sflag:s9], $0x8000  }
0x40d: {  	[sflag:s9] =	ssyncset.done $0x0  }
0x40e: {  	s6 =	rddreg [dreg:$0x1d];
	[sflag:s9] =	ssyncadd.s32 $0xFFFF8000  }
0x40f: {  	[hbm4b:s6+s5] =	stream.linear.scatter [tilespmem:s10], [sflag:$0x3], $0x8000, $0x38;
	[tilespmem:$0x15100] =	vst v63  }
0x410: {  	_ =	swait.ge [sflag:s3], $0x8000  }
0x411: {  	[sflag:s3] =	ssyncset.done $0x0  }
0x412: {  	[sflag:s3] =	ssyncadd.s32 $0xFFFF8000  }
0x413: {  	v4 =	vld [tilespmem:$0xC80];
	_ =	sdelay $0x4  }
0x414: {  	v5 =	vshll.u32 v4, $0x2  }
0x415: {  	v4 =	vand.u32 $0x7, v4;
	v5 =	vand.u32 $0xFFFFFFE0, v5  }
0x416: {  	v4 =	vor.u32 v4, v5  }
0x417: {  	v5 =	vperm.xlane v4, v1;
	_ =	sdelay $0x1  }
0x418: {  	v5 =	vadd.s32 v2, v5;
	_ =	sdelay $0x1  }
0x419: {  	v4 =	vperm.xlane v4, v3;
	_ =	sdelay $0x1  }
0x41a: {  	v4 =	vadd.s32 v2, v4  }
0x41b: {  	[tilespmem:s16], [sflag:$0x1] =	stream.indirect_vreg.gather [hbm4b:s14+s5], $0x80, v5, vm0, $0xb8;
	[tilespmem:$0x15100] =	vst v63  }
0x41c: {  	s21 =	simm.s32 $0x5900  }
0x41d: {  	[tilespmem:s21], [sflag:$0x1] =	stream.indirect_vreg.gather [hbm4b:s18+s5], $0x80, v5, vm0, $0xb8;
	[tilespmem:$0x15100] =	vst v63  }
0x41e: {  	s2 =	simm.s32 $0x6100  }
0x41f: {  	[tilespmem:s2], [sflag:$0x1] =	stream.indirect_vreg.gather [hbm4b:s14+s5], $0x80, v4, vm0, $0xb8;
	[tilespmem:$0x15100] =	vst v63  }
0x420: {  	s6 =	simm.s32 $0x6900  }
0x421: {  	[tilespmem:s6], [sflag:$0x1] =	stream.indirect_vreg.gather [hbm4b:s18+s5], $0x80, v4, vm0, $0xb8;
	[tilespmem:$0x15100] =	vst v63  }
0x422: {  	v4 =	vld [tilespmem:$0xC90];
	_ =	sdelay $0x4  }
0x423: {  	v5 =	vshll.u32 v4, $0x2  }
0x424: {  	v4 =	vand.u32 $0x7, v4;
	v5 =	vand.u32 $0xFFFFFFE0, v5  }
0x425: {  	v4 =	vor.u32 v4, v5  }
0x426: {  	v5 =	vperm.xlane v4, v1;
	_ =	sdelay $0x1  }
0x427: {  	v5 =	vadd.s32 v2, v5;
	_ =	sdelay $0x1  }
0x428: {  	v4 =	vperm.xlane v4, v3;
	_ =	sdelay $0x1  }
0x429: {  	s7 =	simm.s32 $0x7100;
	v4 =	vadd.s32 v2, v4  }
0x42a: {  	[tilespmem:s7], [sflag:$0x1] =	stream.indirect_vreg.gather [hbm4b:s14+s5], $0x80, v5, vm0, $0xb8;
	[tilespmem:$0x15100] =	vst v63  }
0x42b: {  	s8 =	simm.s32 $0x7900  }
0x42c: {  	[tilespmem:s8], [sflag:$0x1] =	stream.indirect_vreg.gather [hbm4b:s18+s5], $0x80, v5, vm0, $0xb8;
	[tilespmem:$0x15100] =	vst v63  }
0x42d: {  	s15 =	simm.s32 $0x8100  }
0x42e: {  	[tilespmem:s15], [sflag:$0x1] =	stream.indirect_vreg.gather [hbm4b:s14+s5], $0x80, v4, vm0, $0xb8;
	[tilespmem:$0x15100] =	vst v63  }
0x42f: {  	s21 =	simm.s32 $0x8900  }
0x430: {  	[tilespmem:s21], [sflag:$0x1] =	stream.indirect_vreg.gather [hbm4b:s18+s5], $0x80, v4, vm0, $0xb8;
	[tilespmem:$0x15100] =	vst v63  }
0x431: {  	v4 =	vld [tilespmem:$0xCA0];
	_ =	sdelay $0x4  }
0x432: {  	v5 =	vshll.u32 v4, $0x2  }
0x433: {  	v4 =	vand.u32 $0x7, v4;
	v5 =	vand.u32 $0xFFFFFFE0, v5  }
0x434: {  	v4 =	vor.u32 v4, v5  }
0x435: {  	v5 =	vperm.xlane v4, v1;
	_ =	sdelay $0x1  }
0x436: {  	v5 =	vadd.s32 v2, v5;
	_ =	sdelay $0x1  }
0x437: {  	v4 =	vperm.xlane v4, v3;
	_ =	sdelay $0x1  }
0x438: {  	s17 =	simm.s32 $0x9100;
	v4 =	vadd.s32 v2, v4  }
0x439: {  	[tilespmem:s17], [sflag:$0x1] =	stream.indirect_vreg.gather [hbm4b:s14+s5], $0x80, v5, vm0, $0xb8;
	[tilespmem:$0x15100] =	vst v63  }
0x43a: {  	s24 =	simm.s32 $0x9900  }
0x43b: {  	[tilespmem:s24], [sflag:$0x1] =	stream.indirect_vreg.gather [hbm4b:s18+s5], $0x80, v5, vm0, $0xb8;
	[tilespmem:$0x15100] =	vst v63  }
0x43c: {  	s26 =	simm.s32 $0xA100  }
0x43d: {  	[tilespmem:s26], [sflag:$0x1] =	stream.indirect_vreg.gather [hbm4b:s14+s5], $0x80, v4, vm0, $0xb8;
	[tilespmem:$0x15100] =	vst v63  }
0x43e: {  	s26 =	simm.s32 $0xA900  }
0x43f: {  	[tilespmem:s26], [sflag:$0x1] =	stream.indirect_vreg.gather [hbm4b:s18+s5], $0x80, v4, vm0, $0xb8;
	[tilespmem:$0x15100] =	vst v63  }
0x440: {  	v4 =	vld [tilespmem:$0xCB0];
	_ =	sdelay $0x4  }
0x441: {  	v5 =	vshll.u32 v4, $0x2  }
0x442: {  	v4 =	vand.u32 $0x7, v4;
	v5 =	vand.u32 $0xFFFFFFE0, v5  }
0x443: {  	v4 =	vor.u32 v4, v5  }
0x444: {  	v5 =	vperm.xlane v4, v1;
	_ =	sdelay $0x1  }
0x445: {  	v5 =	vadd.s32 v2, v5;
	_ =	sdelay $0x1  }
0x446: {  	v4 =	vperm.xlane v4, v3;
	_ =	sdelay $0x1  }
0x447: {  	s29 =	simm.s32 $0xB100;
	v4 =	vadd.s32 v2, v4  }
0x448: {  	[tilespmem:s29], [sflag:$0x1] =	stream.indirect_vreg.gather [hbm4b:s14+s5], $0x80, v5, vm0, $0xb8;
	[tilespmem:$0x15100] =	vst v63  }
0x449: {  	s31 =	simm.s32 $0xB900  }
0x44a: {  	[tilespmem:s31], [sflag:$0x1] =	stream.indirect_vreg.gather [hbm4b:s18+s5], $0x80, v5, vm0, $0xb8;
	[tilespmem:$0x15100] =	vst v63  }
0x44b: {  	s12 =	simm.s32 $0xC100  }
0x44c: {  	[tilespmem:s12], [sflag:$0x1] =	stream.indirect_vreg.gather [hbm4b:s14+s5], $0x80, v4, vm0, $0xb8;
	[tilespmem:$0x15100] =	vst v63  }
0x44d: {  	s13 =	simm.s32 $0xC900  }
0x44e: {  	[tilespmem:s13], [sflag:$0x1] =	stream.indirect_vreg.gather [hbm4b:s18+s5], $0x80, v4, vm0, $0xb8;
	[tilespmem:$0x15100] =	vst v63  }
0x44f: {  	_ =	swait.ge [sflag:s9], $0x8000  }
0x450: {  	[sflag:s9] =	ssyncset.done $0x0  }
0x451: {  	s2 =	rddreg [dreg:$0x1e];
	[sflag:s9] =	ssyncadd.s32 $0xFFFF8000  }
0x452: {  	[hbm4b:s2+s5] =	stream.linear.scatter [tilespmem:s16], [sflag:$0x2], $0x8000, $0x38;
	[tilespmem:$0x15100] =	vst v63  }
0x453: {  	_ =	swait.ge [sflag:s4], $0x8000  }
0x454: {  	[sflag:s4] =	ssyncset.done $0x0  }
0x455: {  	[sflag:s4] =	ssyncadd.s32 $0xFFFF8000  }
0x456: {  	v4 =	vld [tilespmem:$0xCC0];
	_ =	sdelay $0x4  }
0x457: {  	v5 =	vshll.u32 v4, $0x2  }
0x458: {  	v4 =	vand.u32 $0x7, v4;
	v5 =	vand.u32 $0xFFFFFFE0, v5  }
0x459: {  	v4 =	vor.u32 v4, v5  }
0x45a: {  	v5 =	vperm.xlane v4, v1;
	_ =	sdelay $0x1  }
0x45b: {  	v5 =	vadd.s32 v2, v5;
	_ =	sdelay $0x1  }
0x45c: {  	v4 =	vperm.xlane v4, v3;
	_ =	sdelay $0x1  }
0x45d: {  	v4 =	vadd.s32 v2, v4  }
0x45e: {  	[tilespmem:s10], [sflag:$0x1] =	stream.indirect_vreg.gather [hbm4b:s14+s5], $0x80, v5, vm0, $0xb8;
	[tilespmem:$0x15100] =	vst v63  }
0x45f: {  	s25 =	simm.s32 $0xD900  }
0x460: {  	[tilespmem:s25], [sflag:$0x1] =	stream.indirect_vreg.gather [hbm4b:s18+s5], $0x80, v5, vm0, $0xb8;
	[tilespmem:$0x15100] =	vst v63  }
0x461: {  	s7 =	simm.s32 $0xE100  }
0x462: {  	[tilespmem:s7], [sflag:$0x1] =	stream.indirect_vreg.gather [hbm4b:s14+s5], $0x80, v4, vm0, $0xb8;
	[tilespmem:$0x15100] =	vst v63  }
0x463: {  	s8 =	simm.s32 $0xE900  }
0x464: {  	[tilespmem:s8], [sflag:$0x1] =	stream.indirect_vreg.gather [hbm4b:s18+s5], $0x80, v4, vm0, $0xb8;
	[tilespmem:$0x15100] =	vst v63  }
0x465: {  	v4 =	vld [tilespmem:$0xCD0];
	_ =	sdelay $0x4  }
0x466: {  	v5 =	vshll.u32 v4, $0x2  }
0x467: {  	v4 =	vand.u32 $0x7, v4;
	v5 =	vand.u32 $0xFFFFFFE0, v5  }
0x468: {  	v4 =	vor.u32 v4, v5  }
0x469: {  	v5 =	vperm.xlane v4, v1;
	_ =	sdelay $0x1  }
0x46a: {  	v5 =	vadd.s32 v2, v5;
	_ =	sdelay $0x1  }
0x46b: {  	v4 =	vperm.xlane v4, v3;
	_ =	sdelay $0x1  }
0x46c: {  	s11 =	simm.s32 $0xF100;
	v4 =	vadd.s32 v2, v4  }
0x46d: {  	[tilespmem:s11], [sflag:$0x1] =	stream.indirect_vreg.gather [hbm4b:s14+s5], $0x80, v5, vm0, $0xb8;
	[tilespmem:$0x15100] =	vst v63  }
0x46e: {  	s28 =	simm.s32 $0xF900  }
0x46f: {  	[tilespmem:s28], [sflag:$0x1] =	stream.indirect_vreg.gather [hbm4b:s18+s5], $0x80, v5, vm0, $0xb8;
	[tilespmem:$0x15100] =	vst v63  }
0x470: {  	s0 =	simm.s32 $0x10100  }
0x471: {  	[tilespmem:s0], [sflag:$0x1] =	stream.indirect_vreg.gather [hbm4b:s14+s5], $0x80, v4, vm0, $0xb8;
	[tilespmem:$0x15100] =	vst v63  }
0x472: {  	s11 =	simm.s32 $0x10900  }
0x473: {  	[tilespmem:s11], [sflag:$0x1] =	stream.indirect_vreg.gather [hbm4b:s18+s5], $0x80, v4, vm0, $0xb8;
	[tilespmem:$0x15100] =	vst v63  }
0x474: {  	v4 =	vld [tilespmem:$0xCE0];
	_ =	sdelay $0x4  }
0x475: {  	v5 =	vshll.u32 v4, $0x2  }
0x476: {  	v4 =	vand.u32 $0x7, v4;
	v5 =	vand.u32 $0xFFFFFFE0, v5  }
0x477: {  	v4 =	vor.u32 v4, v5  }
0x478: {  	v5 =	vperm.xlane v4, v1;
	_ =	sdelay $0x1  }
0x479: {  	v5 =	vadd.s32 v2, v5;
	_ =	sdelay $0x1  }
0x47a: {  	v4 =	vperm.xlane v4, v3;
	_ =	sdelay $0x1  }
0x47b: {  	s30 =	simm.s32 $0x11100;
	v4 =	vadd.s32 v2, v4  }
0x47c: {  	[tilespmem:s30], [sflag:$0x1] =	stream.indirect_vreg.gather [hbm4b:s14+s5], $0x80, v5, vm0, $0xb8;
	[tilespmem:$0x15100] =	vst v63  }
0x47d: {  	s12 =	simm.s32 $0x11900  }
0x47e: {  	[tilespmem:s12], [sflag:$0x1] =	stream.indirect_vreg.gather [hbm4b:s18+s5], $0x80, v5, vm0, $0xb8;
	[tilespmem:$0x15100] =	vst v63  }
0x47f: {  	s13 =	simm.s32 $0x12100  }
0x480: {  	[tilespmem:s13], [sflag:$0x1] =	stream.indirect_vreg.gather [hbm4b:s14+s5], $0x80, v4, vm0, $0xb8;
	[tilespmem:$0x15100] =	vst v63  }
0x481: {  	s15 =	simm.s32 $0x12900  }
0x482: {  	[tilespmem:s15], [sflag:$0x1] =	stream.indirect_vreg.gather [hbm4b:s18+s5], $0x80, v4, vm0, $0xb8;
	[tilespmem:$0x15100] =	vst v63  }
0x483: {  	v4 =	vld [tilespmem:$0xCF0];
	_ =	sdelay $0x4  }
0x484: {  	v5 =	vshll.u32 v4, $0x2  }
0x485: {  	v4 =	vand.u32 $0x7, v4;
	v5 =	vand.u32 $0xFFFFFFE0, v5  }
0x486: {  	v4 =	vor.u32 v4, v5  }
0x487: {  	v5 =	vperm.xlane v4, v1;
	_ =	sdelay $0x1  }
0x488: {  	v5 =	vadd.s32 v2, v5;
	_ =	sdelay $0x1  }
0x489: {  	v4 =	vperm.xlane v4, v3;
	_ =	sdelay $0x1  }
0x48a: {  	s17 =	simm.s32 $0x13100;
	v4 =	vadd.s32 v2, v4  }
0x48b: {  	[tilespmem:s17], [sflag:$0x1] =	stream.indirect_vreg.gather [hbm4b:s14+s5], $0x80, v5, vm0, $0xb8;
	[tilespmem:$0x15100] =	vst v63  }
0x48c: {  	s21 =	simm.s32 $0x13900  }
0x48d: {  	[tilespmem:s21], [sflag:$0x1] =	stream.indirect_vreg.gather [hbm4b:s18+s5], $0x80, v5, vm0, $0xb8;
	[tilespmem:$0x15100] =	vst v63  }
0x48e: {  	s24 =	simm.s32 $0x14100  }
0x48f: {  	[tilespmem:s24], [sflag:$0x1] =	stream.indirect_vreg.gather [hbm4b:s14+s5], $0x80, v4, vm0, $0xb8;
	[tilespmem:$0x15100] =	vst v63  }
0x490: {  	s25 =	simm.s32 $0x14900  }
0x491: {  	[tilespmem:s25], [sflag:$0x1] =	stream.indirect_vreg.gather [hbm4b:s18+s5], $0x80, v4, vm0, $0xb8;
	[tilespmem:$0x15100] =	vst v63  }
0x492: {  	_ =	swait.ge [sflag:s9], $0x8000  }
0x493: {  	[sflag:s9] =	ssyncset.done $0x0  }
0x494: {  	s26 =	rddreg [dreg:$0x1f];
	[sflag:s9] =	ssyncadd.s32 $0xFFFF8000  }
0x495: {  	[hbm4b:s26+s5] =	stream.linear.scatter [tilespmem:s10], [sflag:$0x3], $0x8000, $0x38;
	[tilespmem:$0x15100] =	vst v63  }
0x496: {  	_ =	swait.ge [sflag:s3], $0x8000  }
0x497: {  	[sflag:s3] =	ssyncset.done $0x0  }
0x498: {  	[sflag:s3] =	ssyncadd.s32 $0xFFFF8000  }
0x499: {  	_ =	swait.ge [sflag:s4], $0x8000  }
0x49a: {  	[sflag:s4] =	ssyncset.done $0x0  }
0x49b: {  	s28 =	rddreg [dreg:$0xe];
	[sflag:s4] =	ssyncadd.s32 $0xFFFF8000  }
0x49c: {  	[tilespmem:s5], [sflag:$0x4] =	stream.linear.gather [hbm4b:s28+s5], $0x480, $0x38;
	[tilespmem:$0x15100] =	vst v63  }
0x49d: {  	_ =	swait.ge [sflag:s20], $0x480  }
0x49e: {  	[sflag:s20] =	ssyncset.done $0x0  }
0x49f: {  	s30 =	simm.s32 $0x480;
	s29 =	rddreg [dreg:$0xf];
	[sflag:s20] =	ssyncadd.s32 $0xFFFFFB80  }
0x4a0: {  	[tilespmem:s30], [sflag:$0x4] =	stream.linear.gather [hbm4b:s29+s5], $0x480, $0x38;
	[tilespmem:$0x15100] =	vst v63  }
0x4a1: {  	_ =	swait.ge [sflag:s20], $0x480  }
0x4a2: {  	[sflag:s20] =	ssyncset.done $0x0  }
0x4a3: {  	[sflag:s20] =	ssyncadd.s32 $0xFFFFFB80  }
0x4a4: {  	s31 =	rddreg [dreg:$0x1]  }
0x4a5: {  	[tilespmem:s22], [sflag:$0x4] =	stream.linear.gather [hbm4b:s31+s5], $0x400, $0x38;
	[tilespmem:$0x15100] =	vst v63  }
0x4a6: {  	_ =	swait.ge [sflag:s20], $0x400  }
0x4a7: {  	[sflag:s20] =	ssyncset.done $0x0  }
0x4a8: {  	s6 =	simm.s32 $0x0;
	s5 =	simm.s32 $0x40;
	[sflag:s20] =	ssyncadd.s32 $0xFFFFFC00  }
.LBB2_6:
0x4a9: {  	p0 =	sne.s32 s5, $0x11C0;
	v4 =	vld [tilespmem:s6+$0x480];
	_ =	sdelay $0x4  }
0x4aa: {  	vm1 =	vlt.s32 v4, $0x400  }
0x4ab: {  	v5 =	vld [tilespmem:s6+$0x0]  }
.Ltmp2:
0x4ac: {  	(pc) =	sbr.rel @p0 .LBB2_6-.Ltmp2, $2  }
0x4ad: {  	_ =	sdelay $0x2  }
0x4ae: {  	s6 =	sshra.s32 s5, $0x2;
	s5 =	sadd.s32 $0x40, s5;
	[tilespmem:v4+s22+$0x0] =	vst.idx.msk vm1, v5  }
0x4af: {  	v4 =	vld [tilespmem:s6+$0x480];
	_ =	sdelay $0x4  }
0x4b0: {  	vm1 =	vlt.s32 v4, $0x400  }
0x4b1: {  	v5 =	vld [tilespmem:s6+$0x0];
	_ =	sdelay $0x4  }
0x4b2: {  	s5 =	simm.s32 $0x0;
	s30 =	rddreg [dreg:$0x12];
	[tilespmem:v4+s22+$0x0] =	vst.idx.msk vm1, v5  }
0x4b3: {  	[hbm4b:s30+s5] =	stream.linear.scatter [tilespmem:s22], [sflag:$0x4], $0x400, $0x38;
	[tilespmem:$0x15100] =	vst v63  }
0x4b4: {  	_ =	swait.ge [sflag:s20], $0x400  }
0x4b5: {  	[sflag:s20] =	ssyncset.done $0x0  }
0x4b6: {  	s31 =	rddreg [dreg:$0x10];
	[sflag:s20] =	ssyncadd.s32 $0xFFFFFC00  }
0x4b7: {  	[tilespmem:s23], [sflag:$0x4] =	stream.linear.gather [hbm4b:s31+s5], $0x2000, $0x38;
	[tilespmem:$0x15100] =	vst v63  }
0x4b8: {  	_ =	swait.ge [sflag:s20], $0x2000  }
0x4b9: {  	[sflag:s20] =	ssyncset.done $0x0  }
0x4ba: {  	s5 =	simm.s32 $0x0;
	[sflag:s20] =	ssyncadd.s32 $0xFFFFE000  }
0x4bb: {  	s6 =	simm.s32 $0x40;
	v4 =	vld [tilespmem:s5+$0x900]  }
.LBB2_8:
0x4bc: {  	p0 =	sne.s32 s6, $0xFC0;
	_ =	sdelay $0x6  }
0x4bd: {  	v5 =	vld.idx.msk [tilespmem:v4+s23+$0x0], $0xffff;
	_ =	sdelay $0x3  }
.Ltmp3:
0x4be: {  	(pc) =	sbr.rel @p0 .LBB2_8-.Ltmp3, $4  }
0x4bf: {  	_ = 	snop  }
0x4c0: {  	[tilespmem:s5+$0x2D00] =	vst v5  }
0x4c1: {  	s5 =	sshra.s32 s6, $0x2;
	[tilespmem:v4+s19+$0x0] =	vst.idx.add.f32.msk $0xffff, v0  }
0x4c2: {  	s6 =	sadd.s32 $0x40, s6;
	v4 =	vld [tilespmem:s5+$0x900]  }
0x4c3: {  	_ =	sdelay $0x7  }
0x4c4: {  	v5 =	vld.idx.msk [tilespmem:v4+s23+$0x0], $0xffff;
	_ =	sdelay $0x4  }
0x4c5: {  	[tilespmem:s5+$0x2D00] =	vst v5  }
0x4c6: {  	s2 =	rddreg [dreg:$0x13];
	s0 =	simm.s32 $0x2D00;
	[tilespmem:v4+s19+$0x0] =	vst.idx.add.f32.msk $0xffff, v0  }
0x4c7: {  	[hbm4b:s2+s1] =	stream.linear.scatter [tilespmem:s0], [sflag:$0x4], $0x400, $0x38;
	[tilespmem:$0x15100] =	vst v63  }
0x4c8: {  	_ =	swait.ge [sflag:s20], $0x400  }
0x4c9: {  	[sflag:s20] =	ssyncset.done $0x0  }
0x4ca: {  	[sflag:s20] =	ssyncadd.s32 $0xFFFFFC00  }
0x4cb: {  	v4 =	vld [tilespmem:$0x900];
	_ =	sdelay $0x4  }
0x4cc: {  	v5 =	vshll.u32 v4, $0x2  }
0x4cd: {  	v4 =	vand.u32 $0x7, v4;
	v5 =	vand.u32 $0xFFFFFFE0, v5  }
0x4ce: {  	v4 =	vor.u32 v4, v5  }
0x4cf: {  	v5 =	vperm.xlane v4, v1;
	_ =	sdelay $0x1  }
0x4d0: {  	v5 =	vadd.s32 v2, v5;
	_ =	sdelay $0x1  }
0x4d1: {  	v4 =	vperm.xlane v4, v3;
	_ =	sdelay $0x1  }
0x4d2: {  	v4 =	vadd.s32 v2, v4  }
0x4d3: {  	[tilespmem:s16], [sflag:$0x1] =	stream.indirect_vreg.gather [hbm4b:s14+s1], $0x80, v5, vm0, $0xb8;
	[tilespmem:$0x15100] =	vst v63  }
0x4d4: {  	s5 =	simm.s32 $0x5900  }
0x4d5: {  	[tilespmem:s5], [sflag:$0x1] =	stream.indirect_vreg.gather [hbm4b:s18+s1], $0x80, v5, vm0, $0xb8;
	[tilespmem:$0x15100] =	vst v63  }
0x4d6: {  	s6 =	simm.s32 $0x6100  }
0x4d7: {  	[tilespmem:s6], [sflag:$0x1] =	stream.indirect_vreg.gather [hbm4b:s14+s1], $0x80, v4, vm0, $0xb8;
	[tilespmem:$0x15100] =	vst v63  }
0x4d8: {  	s7 =	simm.s32 $0x6900  }
0x4d9: {  	[tilespmem:s7], [sflag:$0x1] =	stream.indirect_vreg.gather [hbm4b:s18+s1], $0x80, v4, vm0, $0xb8;
	[tilespmem:$0x15100] =	vst v63  }
0x4da: {  	v4 =	vld [tilespmem:$0x910];
	_ =	sdelay $0x4  }
0x4db: {  	v5 =	vshll.u32 v4, $0x2  }
0x4dc: {  	v4 =	vand.u32 $0x7, v4;
	v5 =	vand.u32 $0xFFFFFFE0, v5  }
0x4dd: {  	v4 =	vor.u32 v4, v5  }
0x4de: {  	v5 =	vperm.xlane v4, v1;
	_ =	sdelay $0x1  }
0x4df: {  	v5 =	vadd.s32 v2, v5;
	_ =	sdelay $0x1  }
0x4e0: {  	v4 =	vperm.xlane v4, v3;
	_ =	sdelay $0x1  }
0x4e1: {  	s8 =	simm.s32 $0x7100;
	v4 =	vadd.s32 v2, v4  }
0x4e2: {  	[tilespmem:s8], [sflag:$0x1] =	stream.indirect_vreg.gather [hbm4b:s14+s1], $0x80, v5, vm0, $0xb8;
	[tilespmem:$0x15100] =	vst v63  }
0x4e3: {  	s11 =	simm.s32 $0x7900  }
0x4e4: {  	[tilespmem:s11], [sflag:$0x1] =	stream.indirect_vreg.gather [hbm4b:s18+s1], $0x80, v5, vm0, $0xb8;
	[tilespmem:$0x15100] =	vst v63  }
0x4e5: {  	s12 =	simm.s32 $0x8100  }
0x4e6: {  	[tilespmem:s12], [sflag:$0x1] =	stream.indirect_vreg.gather [hbm4b:s14+s1], $0x80, v4, vm0, $0xb8;
	[tilespmem:$0x15100] =	vst v63  }
0x4e7: {  	s13 =	simm.s32 $0x8900  }
0x4e8: {  	[tilespmem:s13], [sflag:$0x1] =	stream.indirect_vreg.gather [hbm4b:s18+s1], $0x80, v4, vm0, $0xb8;
	[tilespmem:$0x15100] =	vst v63  }
0x4e9: {  	v4 =	vld [tilespmem:$0x920];
	_ =	sdelay $0x4  }
0x4ea: {  	v5 =	vshll.u32 v4, $0x2  }
0x4eb: {  	v4 =	vand.u32 $0x7, v4;
	v5 =	vand.u32 $0xFFFFFFE0, v5  }
0x4ec: {  	v4 =	vor.u32 v4, v5  }
0x4ed: {  	v5 =	vperm.xlane v4, v1;
	_ =	sdelay $0x1  }
0x4ee: {  	v5 =	vadd.s32 v2, v5;
	_ =	sdelay $0x1  }
0x4ef: {  	v4 =	vperm.xlane v4, v3;
	_ =	sdelay $0x1  }
0x4f0: {  	s15 =	simm.s32 $0x9100;
	v4 =	vadd.s32 v2, v4  }
0x4f1: {  	[tilespmem:s15], [sflag:$0x1] =	stream.indirect_vreg.gather [hbm4b:s14+s1], $0x80, v5, vm0, $0xb8;
	[tilespmem:$0x15100] =	vst v63  }
0x4f2: {  	s17 =	simm.s32 $0x9900  }
0x4f3: {  	[tilespmem:s17], [sflag:$0x1] =	stream.indirect_vreg.gather [hbm4b:s18+s1], $0x80, v5, vm0, $0xb8;
	[tilespmem:$0x15100] =	vst v63  }
0x4f4: {  	s20 =	simm.s32 $0xA100  }
0x4f5: {  	[tilespmem:s20], [sflag:$0x1] =	stream.indirect_vreg.gather [hbm4b:s14+s1], $0x80, v4, vm0, $0xb8;
	[tilespmem:$0x15100] =	vst v63  }
0x4f6: {  	s21 =	simm.s32 $0xA900  }
0x4f7: {  	[tilespmem:s21], [sflag:$0x1] =	stream.indirect_vreg.gather [hbm4b:s18+s1], $0x80, v4, vm0, $0xb8;
	[tilespmem:$0x15100] =	vst v63  }
0x4f8: {  	v4 =	vld [tilespmem:$0x930];
	_ =	sdelay $0x4  }
0x4f9: {  	v5 =	vshll.u32 v4, $0x2  }
0x4fa: {  	v4 =	vand.u32 $0x7, v4;
	v5 =	vand.u32 $0xFFFFFFE0, v5  }
0x4fb: {  	v4 =	vor.u32 v4, v5  }
0x4fc: {  	v5 =	vperm.xlane v4, v1;
	_ =	sdelay $0x1  }
0x4fd: {  	v5 =	vadd.s32 v2, v5;
	_ =	sdelay $0x1  }
0x4fe: {  	v4 =	vperm.xlane v4, v3;
	_ =	sdelay $0x1  }
0x4ff: {  	s24 =	simm.s32 $0xB100;
	v4 =	vadd.s32 v2, v4  }
0x500: {  	[tilespmem:s24], [sflag:$0x1] =	stream.indirect_vreg.gather [hbm4b:s14+s1], $0x80, v5, vm0, $0xb8;
	[tilespmem:$0x15100] =	vst v63  }
0x501: {  	s25 =	simm.s32 $0xB900  }
0x502: {  	[tilespmem:s25], [sflag:$0x1] =	stream.indirect_vreg.gather [hbm4b:s18+s1], $0x80, v5, vm0, $0xb8;
	[tilespmem:$0x15100] =	vst v63  }
0x503: {  	s26 =	simm.s32 $0xC100  }
0x504: {  	[tilespmem:s26], [sflag:$0x1] =	stream.indirect_vreg.gather [hbm4b:s14+s1], $0x80, v4, vm0, $0xb8;
	[tilespmem:$0x15100] =	vst v63  }
0x505: {  	s28 =	simm.s32 $0xC900  }
0x506: {  	[tilespmem:s28], [sflag:$0x1] =	stream.indirect_vreg.gather [hbm4b:s18+s1], $0x80, v4, vm0, $0xb8;
	[tilespmem:$0x15100] =	vst v63  }
0x507: {  	_ =	swait.ge [sflag:s9], $0x8000  }
0x508: {  	s29 =	sld [smem:$0x7EB]  }
0x509: {  	[sflag:s9] =	ssyncset.done $0x0  }
0x50a: {  	[sflag:s9] =	ssyncadd.s32 $0xFFFF8000  }
0x50b: {  	[hbm4b:s29+s1] =	stream.linear.scatter [tilespmem:s16], [sflag:$0x2], $0x8000, $0x38;
	[tilespmem:$0x15100] =	vst v63  }
0x50c: {  	v4 =	vld [tilespmem:$0x940];
	_ =	sdelay $0x4  }
0x50d: {  	v5 =	vshll.u32 v4, $0x2  }
0x50e: {  	v4 =	vand.u32 $0x7, v4;
	v5 =	vand.u32 $0xFFFFFFE0, v5  }
0x50f: {  	v4 =	vor.u32 v4, v5  }
0x510: {  	v5 =	vperm.xlane v4, v1;
	_ =	sdelay $0x1  }
0x511: {  	v5 =	vadd.s32 v2, v5;
	_ =	sdelay $0x1  }
0x512: {  	v4 =	vperm.xlane v4, v3;
	_ =	sdelay $0x1  }
0x513: {  	v4 =	vadd.s32 v2, v4  }
0x514: {  	[tilespmem:s10], [sflag:$0x1] =	stream.indirect_vreg.gather [hbm4b:s14+s1], $0x80, v5, vm0, $0xb8;
	[tilespmem:$0x15100] =	vst v63  }
0x515: {  	s30 =	simm.s32 $0xD900  }
0x516: {  	[tilespmem:s30], [sflag:$0x1] =	stream.indirect_vreg.gather [hbm4b:s18+s1], $0x80, v5, vm0, $0xb8;
	[tilespmem:$0x15100] =	vst v63  }
0x517: {  	s31 =	simm.s32 $0xE100  }
0x518: {  	[tilespmem:s31], [sflag:$0x1] =	stream.indirect_vreg.gather [hbm4b:s14+s1], $0x80, v4, vm0, $0xb8;
	[tilespmem:$0x15100] =	vst v63  }
0x519: {  	s5 =	simm.s32 $0xE900  }
0x51a: {  	[tilespmem:s5], [sflag:$0x1] =	stream.indirect_vreg.gather [hbm4b:s18+s1], $0x80, v4, vm0, $0xb8;
	[tilespmem:$0x15100] =	vst v63  }
0x51b: {  	v4 =	vld [tilespmem:$0x950];
	_ =	sdelay $0x4  }
0x51c: {  	v5 =	vshll.u32 v4, $0x2  }
0x51d: {  	v4 =	vand.u32 $0x7, v4;
	v5 =	vand.u32 $0xFFFFFFE0, v5  }
0x51e: {  	v4 =	vor.u32 v4, v5  }
0x51f: {  	v5 =	vperm.xlane v4, v1;
	_ =	sdelay $0x1  }
0x520: {  	v5 =	vadd.s32 v2, v5;
	_ =	sdelay $0x1  }
0x521: {  	v4 =	vperm.xlane v4, v3;
	_ =	sdelay $0x1  }
0x522: {  	s7 =	simm.s32 $0xF100;
	v4 =	vadd.s32 v2, v4  }
0x523: {  	[tilespmem:s7], [sflag:$0x1] =	stream.indirect_vreg.gather [hbm4b:s14+s1], $0x80, v5, vm0, $0xb8;
	[tilespmem:$0x15100] =	vst v63  }
0x524: {  	s8 =	simm.s32 $0xF900  }
0x525: {  	[tilespmem:s8], [sflag:$0x1] =	stream.indirect_vreg.gather [hbm4b:s18+s1], $0x80, v5, vm0, $0xb8;
	[tilespmem:$0x15100] =	vst v63  }
0x526: {  	s13 =	simm.s32 $0x10100  }
0x527: {  	[tilespmem:s13], [sflag:$0x1] =	stream.indirect_vreg.gather [hbm4b:s14+s1], $0x80, v4, vm0, $0xb8;
	[tilespmem:$0x15100] =	vst v63  }
0x528: {  	s15 =	simm.s32 $0x10900  }
0x529: {  	[tilespmem:s15], [sflag:$0x1] =	stream.indirect_vreg.gather [hbm4b:s18+s1], $0x80, v4, vm0, $0xb8;
	[tilespmem:$0x15100] =	vst v63  }
0x52a: {  	v4 =	vld [tilespmem:$0x960];
	_ =	sdelay $0x4  }
0x52b: {  	v5 =	vshll.u32 v4, $0x2  }
0x52c: {  	v4 =	vand.u32 $0x7, v4;
	v5 =	vand.u32 $0xFFFFFFE0, v5  }
0x52d: {  	v4 =	vor.u32 v4, v5  }
0x52e: {  	v5 =	vperm.xlane v4, v1;
	_ =	sdelay $0x1  }
0x52f: {  	v5 =	vadd.s32 v2, v5;
	_ =	sdelay $0x1  }
0x530: {  	v4 =	vperm.xlane v4, v3;
	_ =	sdelay $0x1  }
0x531: {  	s17 =	simm.s32 $0x11100;
	v4 =	vadd.s32 v2, v4  }
0x532: {  	[tilespmem:s17], [sflag:$0x1] =	stream.indirect_vreg.gather [hbm4b:s14+s1], $0x80, v5, vm0, $0xb8;
	[tilespmem:$0x15100] =	vst v63  }
0x533: {  	s20 =	simm.s32 $0x11900  }
0x534: {  	[tilespmem:s20], [sflag:$0x1] =	stream.indirect_vreg.gather [hbm4b:s18+s1], $0x80, v5, vm0, $0xb8;
	[tilespmem:$0x15100] =	vst v63  }
0x535: {  	s21 =	simm.s32 $0x12100  }
0x536: {  	[tilespmem:s21], [sflag:$0x1] =	stream.indirect_vreg.gather [hbm4b:s14+s1], $0x80, v4, vm0, $0xb8;
	[tilespmem:$0x15100] =	vst v63  }
0x537: {  	s25 =	simm.s32 $0x12900  }
0x538: {  	[tilespmem:s25], [sflag:$0x1] =	stream.indirect_vreg.gather [hbm4b:s18+s1], $0x80, v4, vm0, $0xb8;
	[tilespmem:$0x15100] =	vst v63  }
0x539: {  	v4 =	vld [tilespmem:$0x970];
	_ =	sdelay $0x4  }
0x53a: {  	v5 =	vshll.u32 v4, $0x2  }
0x53b: {  	v4 =	vand.u32 $0x7, v4;
	v5 =	vand.u32 $0xFFFFFFE0, v5  }
0x53c: {  	v4 =	vor.u32 v4, v5  }
0x53d: {  	v5 =	vperm.xlane v4, v1;
	_ =	sdelay $0x1  }
0x53e: {  	v5 =	vadd.s32 v2, v5;
	_ =	sdelay $0x1  }
0x53f: {  	v4 =	vperm.xlane v4, v3;
	_ =	sdelay $0x1  }
0x540: {  	s28 =	simm.s32 $0x13100;
	v4 =	vadd.s32 v2, v4  }
0x541: {  	[tilespmem:s28], [sflag:$0x1] =	stream.indirect_vreg.gather [hbm4b:s14+s1], $0x80, v5, vm0, $0xb8;
	[tilespmem:$0x15100] =	vst v63  }
0x542: {  	s30 =	simm.s32 $0x13900  }
0x543: {  	[tilespmem:s30], [sflag:$0x1] =	stream.indirect_vreg.gather [hbm4b:s18+s1], $0x80, v5, vm0, $0xb8;
	[tilespmem:$0x15100] =	vst v63  }
0x544: {  	s0 =	simm.s32 $0x14100  }
0x545: {  	[tilespmem:s0], [sflag:$0x1] =	stream.indirect_vreg.gather [hbm4b:s14+s1], $0x80, v4, vm0, $0xb8;
	[tilespmem:$0x15100] =	vst v63  }
0x546: {  	s7 =	simm.s32 $0x14900  }
0x547: {  	[tilespmem:s7], [sflag:$0x1] =	stream.indirect_vreg.gather [hbm4b:s18+s1], $0x80, v4, vm0, $0xb8;
	[tilespmem:$0x15100] =	vst v63  }
0x548: {  	_ =	swait.ge [sflag:s9], $0x8000  }
0x549: {  	s8 =	sld [smem:$0x7EC]  }
0x54a: {  	[sflag:s9] =	ssyncset.done $0x0  }
0x54b: {  	[sflag:s9] =	ssyncadd.s32 $0xFFFF8000  }
0x54c: {  	[hbm4b:s8+s1] =	stream.linear.scatter [tilespmem:s10], [sflag:$0x3], $0x8000, $0x38;
	[tilespmem:$0x15100] =	vst v63  }
0x54d: {  	_ =	swait.ge [sflag:s3], $0x8000  }
0x54e: {  	[sflag:s3] =	ssyncset.done $0x0  }
0x54f: {  	[sflag:s3] =	ssyncadd.s32 $0xFFFF8000  }
0x550: {  	v4 =	vld [tilespmem:$0x980];
	_ =	sdelay $0x4  }
0x551: {  	v5 =	vshll.u32 v4, $0x2  }
0x552: {  	v4 =	vand.u32 $0x7, v4;
	v5 =	vand.u32 $0xFFFFFFE0, v5  }
0x553: {  	v4 =	vor.u32 v4, v5  }
0x554: {  	v5 =	vperm.xlane v4, v1;
	_ =	sdelay $0x1  }
0x555: {  	v5 =	vadd.s32 v2, v5;
	_ =	sdelay $0x1  }
0x556: {  	v4 =	vperm.xlane v4, v3;
	_ =	sdelay $0x1  }
0x557: {  	v4 =	vadd.s32 v2, v4  }
0x558: {  	[tilespmem:s16], [sflag:$0x1] =	stream.indirect_vreg.gather [hbm4b:s14+s1], $0x80, v5, vm0, $0xb8;
	[tilespmem:$0x15100] =	vst v63  }
0x559: {  	s2 =	simm.s32 $0x5900  }
0x55a: {  	[tilespmem:s2], [sflag:$0x1] =	stream.indirect_vreg.gather [hbm4b:s18+s1], $0x80, v5, vm0, $0xb8;
	[tilespmem:$0x15100] =	vst v63  }
0x55b: {  	s21 =	simm.s32 $0x6100  }
0x55c: {  	[tilespmem:s21], [sflag:$0x1] =	stream.indirect_vreg.gather [hbm4b:s14+s1], $0x80, v4, vm0, $0xb8;
	[tilespmem:$0x15100] =	vst v63  }
0x55d: {  	s6 =	simm.s32 $0x6900  }
0x55e: {  	[tilespmem:s6], [sflag:$0x1] =	stream.indirect_vreg.gather [hbm4b:s18+s1], $0x80, v4, vm0, $0xb8;
	[tilespmem:$0x15100] =	vst v63  }
0x55f: {  	v4 =	vld [tilespmem:$0x990];
	_ =	sdelay $0x4  }
0x560: {  	v5 =	vshll.u32 v4, $0x2  }
0x561: {  	v4 =	vand.u32 $0x7, v4;
	v5 =	vand.u32 $0xFFFFFFE0, v5  }
0x562: {  	v4 =	vor.u32 v4, v5  }
0x563: {  	v5 =	vperm.xlane v4, v1;
	_ =	sdelay $0x1  }
0x564: {  	v5 =	vadd.s32 v2, v5;
	_ =	sdelay $0x1  }
0x565: {  	v4 =	vperm.xlane v4, v3;
	_ =	sdelay $0x1  }
0x566: {  	s6 =	simm.s32 $0x7100;
	v4 =	vadd.s32 v2, v4  }
0x567: {  	[tilespmem:s6], [sflag:$0x1] =	stream.indirect_vreg.gather [hbm4b:s14+s1], $0x80, v5, vm0, $0xb8;
	[tilespmem:$0x15100] =	vst v63  }
0x568: {  	s7 =	simm.s32 $0x7900  }
0x569: {  	[tilespmem:s7], [sflag:$0x1] =	stream.indirect_vreg.gather [hbm4b:s18+s1], $0x80, v5, vm0, $0xb8;
	[tilespmem:$0x15100] =	vst v63  }
0x56a: {  	s8 =	simm.s32 $0x8100  }
0x56b: {  	[tilespmem:s8], [sflag:$0x1] =	stream.indirect_vreg.gather [hbm4b:s14+s1], $0x80, v4, vm0, $0xb8;
	[tilespmem:$0x15100] =	vst v63  }
0x56c: {  	s11 =	simm.s32 $0x8900  }
0x56d: {  	[tilespmem:s11], [sflag:$0x1] =	stream.indirect_vreg.gather [hbm4b:s18+s1], $0x80, v4, vm0, $0xb8;
	[tilespmem:$0x15100] =	vst v63  }
0x56e: {  	v4 =	vld [tilespmem:$0x9A0];
	_ =	sdelay $0x4  }
0x56f: {  	v5 =	vshll.u32 v4, $0x2  }
0x570: {  	v4 =	vand.u32 $0x7, v4;
	v5 =	vand.u32 $0xFFFFFFE0, v5  }
0x571: {  	v4 =	vor.u32 v4, v5  }
0x572: {  	v5 =	vperm.xlane v4, v1;
	_ =	sdelay $0x1  }
0x573: {  	v5 =	vadd.s32 v2, v5;
	_ =	sdelay $0x1  }
0x574: {  	v4 =	vperm.xlane v4, v3;
	_ =	sdelay $0x1  }
0x575: {  	s25 =	simm.s32 $0x9100;
	v4 =	vadd.s32 v2, v4  }
0x576: {  	[tilespmem:s25], [sflag:$0x1] =	stream.indirect_vreg.gather [hbm4b:s14+s1], $0x80, v5, vm0, $0xb8;
	[tilespmem:$0x15100] =	vst v63  }
0x577: {  	s28 =	simm.s32 $0x9900  }
0x578: {  	[tilespmem:s28], [sflag:$0x1] =	stream.indirect_vreg.gather [hbm4b:s18+s1], $0x80, v5, vm0, $0xb8;
	[tilespmem:$0x15100] =	vst v63  }
0x579: {  	s30 =	simm.s32 $0xA100  }
0x57a: {  	[tilespmem:s30], [sflag:$0x1] =	stream.indirect_vreg.gather [hbm4b:s14+s1], $0x80, v4, vm0, $0xb8;
	[tilespmem:$0x15100] =	vst v63  }
0x57b: {  	s12 =	simm.s32 $0xA900  }
0x57c: {  	[tilespmem:s12], [sflag:$0x1] =	stream.indirect_vreg.gather [hbm4b:s18+s1], $0x80, v4, vm0, $0xb8;
	[tilespmem:$0x15100] =	vst v63  }
0x57d: {  	v4 =	vld [tilespmem:$0x9B0];
	_ =	sdelay $0x4  }
0x57e: {  	v5 =	vshll.u32 v4, $0x2  }
0x57f: {  	v4 =	vand.u32 $0x7, v4;
	v5 =	vand.u32 $0xFFFFFFE0, v5  }
0x580: {  	v4 =	vor.u32 v4, v5  }
0x581: {  	v5 =	vperm.xlane v4, v1;
	_ =	sdelay $0x1  }
0x582: {  	v5 =	vadd.s32 v2, v5;
	_ =	sdelay $0x1  }
0x583: {  	v4 =	vperm.xlane v4, v3;
	_ =	sdelay $0x1  }
0x584: {  	s11 =	simm.s32 $0xB100;
	v4 =	vadd.s32 v2, v4  }
0x585: {  	[tilespmem:s11], [sflag:$0x1] =	stream.indirect_vreg.gather [hbm4b:s14+s1], $0x80, v5, vm0, $0xb8;
	[tilespmem:$0x15100] =	vst v63  }
0x586: {  	s16 =	simm.s32 $0xB900  }
0x587: {  	[tilespmem:s16], [sflag:$0x1] =	stream.indirect_vreg.gather [hbm4b:s18+s1], $0x80, v5, vm0, $0xb8;
	[tilespmem:$0x15100] =	vst v63  }
0x588: {  	s0 =	simm.s32 $0xC100  }
0x589: {  	[tilespmem:s0], [sflag:$0x1] =	stream.indirect_vreg.gather [hbm4b:s14+s1], $0x80, v4, vm0, $0xb8;
	[tilespmem:$0x15100] =	vst v63  }
0x58a: {  	s2 =	simm.s32 $0xC900  }
0x58b: {  	[tilespmem:s2], [sflag:$0x1] =	stream.indirect_vreg.gather [hbm4b:s18+s1], $0x80, v4, vm0, $0xb8;
	[tilespmem:$0x15100] =	vst v63  }
0x58c: {  	_ =	swait.ge [sflag:s9], $0x8000  }
0x58d: {  	s13 =	sld [smem:$0x7ED]  }
0x58e: {  	[sflag:s9] =	ssyncset.done $0x0  }
0x58f: {  	s10 =	simm.s32 $0x5100;
	[sflag:s9] =	ssyncadd.s32 $0xFFFF8000  }
0x590: {  	[hbm4b:s13+s1] =	stream.linear.scatter [tilespmem:s10], [sflag:$0x2], $0x8000, $0x38;
	[tilespmem:$0x15100] =	vst v63  }
0x591: {  	_ =	swait.ge [sflag:s4], $0x8000  }
0x592: {  	[sflag:s4] =	ssyncset.done $0x0  }
0x593: {  	[sflag:s4] =	ssyncadd.s32 $0xFFFF8000  }
0x594: {  	v4 =	vld [tilespmem:$0x9C0];
	_ =	sdelay $0x4  }
0x595: {  	v5 =	vshll.u32 v4, $0x2  }
0x596: {  	v4 =	vand.u32 $0x7, v4;
	v5 =	vand.u32 $0xFFFFFFE0, v5  }
0x597: {  	v4 =	vor.u32 v4, v5  }
0x598: {  	v5 =	vperm.xlane v4, v1;
	_ =	sdelay $0x1  }
0x599: {  	v5 =	vadd.s32 v2, v5;
	_ =	sdelay $0x1  }
0x59a: {  	v4 =	vperm.xlane v4, v3;
	_ =	sdelay $0x1  }
0x59b: {  	s20 =	simm.s32 $0xD100;
	v4 =	vadd.s32 v2, v4  }
0x59c: {  	[tilespmem:s20], [sflag:$0x1] =	stream.indirect_vreg.gather [hbm4b:s14+s1], $0x80, v5, vm0, $0xb8;
	[tilespmem:$0x15100] =	vst v63  }
0x59d: {  	s12 =	simm.s32 $0xD900  }
0x59e: {  	[tilespmem:s12], [sflag:$0x1] =	stream.indirect_vreg.gather [hbm4b:s18+s1], $0x80, v5, vm0, $0xb8;
	[tilespmem:$0x15100] =	vst v63  }
0x59f: {  	s13 =	simm.s32 $0xE100  }
0x5a0: {  	[tilespmem:s13], [sflag:$0x1] =	stream.indirect_vreg.gather [hbm4b:s14+s1], $0x80, v4, vm0, $0xb8;
	[tilespmem:$0x15100] =	vst v63  }
0x5a1: {  	s31 =	simm.s32 $0xE900  }
0x5a2: {  	[tilespmem:s31], [sflag:$0x1] =	stream.indirect_vreg.gather [hbm4b:s18+s1], $0x80, v4, vm0, $0xb8;
	[tilespmem:$0x15100] =	vst v63  }
0x5a3: {  	v4 =	vld [tilespmem:$0x9D0];
	_ =	sdelay $0x4  }
0x5a4: {  	v5 =	vshll.u32 v4, $0x2  }
0x5a5: {  	v4 =	vand.u32 $0x7, v4;
	v5 =	vand.u32 $0xFFFFFFE0, v5  }
0x5a6: {  	v4 =	vor.u32 v4, v5  }
0x5a7: {  	v5 =	vperm.xlane v4, v1;
	_ =	sdelay $0x1  }
0x5a8: {  	v5 =	vadd.s32 v2, v5;
	_ =	sdelay $0x1  }
0x5a9: {  	v4 =	vperm.xlane v4, v3;
	_ =	sdelay $0x1  }
0x5aa: {  	s26 =	simm.s32 $0xF100;
	v4 =	vadd.s32 v2, v4  }
0x5ab: {  	[tilespmem:s26], [sflag:$0x1] =	stream.indirect_vreg.gather [hbm4b:s14+s1], $0x80, v5, vm0, $0xb8;
	[tilespmem:$0x15100] =	vst v63  }
0x5ac: {  	s29 =	simm.s32 $0xF900  }
0x5ad: {  	[tilespmem:s29], [sflag:$0x1] =	stream.indirect_vreg.gather [hbm4b:s18+s1], $0x80, v5, vm0, $0xb8;
	[tilespmem:$0x15100] =	vst v63  }
0x5ae: {  	s31 =	simm.s32 $0x10100  }
0x5af: {  	[tilespmem:s31], [sflag:$0x1] =	stream.indirect_vreg.gather [hbm4b:s14+s1], $0x80, v4, vm0, $0xb8;
	[tilespmem:$0x15100] =	vst v63  }
0x5b0: {  	s24 =	simm.s32 $0x10900  }
0x5b1: {  	[tilespmem:s24], [sflag:$0x1] =	stream.indirect_vreg.gather [hbm4b:s18+s1], $0x80, v4, vm0, $0xb8;
	[tilespmem:$0x15100] =	vst v63  }
0x5b2: {  	v4 =	vld [tilespmem:$0x9E0];
	_ =	sdelay $0x4  }
0x5b3: {  	v5 =	vshll.u32 v4, $0x2  }
0x5b4: {  	v4 =	vand.u32 $0x7, v4;
	v5 =	vand.u32 $0xFFFFFFE0, v5  }
0x5b5: {  	v4 =	vor.u32 v4, v5  }
0x5b6: {  	v5 =	vperm.xlane v4, v1;
	_ =	sdelay $0x1  }
0x5b7: {  	v5 =	vadd.s32 v2, v5;
	_ =	sdelay $0x1  }
0x5b8: {  	v4 =	vperm.xlane v4, v3;
	_ =	sdelay $0x1  }
0x5b9: {  	s24 =	simm.s32 $0x11100;
	v4 =	vadd.s32 v2, v4  }
0x5ba: {  	[tilespmem:s24], [sflag:$0x1] =	stream.indirect_vreg.gather [hbm4b:s14+s1], $0x80, v5, vm0, $0xb8;
	[tilespmem:$0x15100] =	vst v63  }
0x5bb: {  	s5 =	simm.s32 $0x11900  }
0x5bc: {  	[tilespmem:s5], [sflag:$0x1] =	stream.indirect_vreg.gather [hbm4b:s18+s1], $0x80, v5, vm0, $0xb8;
	[tilespmem:$0x15100] =	vst v63  }
0x5bd: {  	s5 =	simm.s32 $0x12100  }
0x5be: {  	[tilespmem:s5], [sflag:$0x1] =	stream.indirect_vreg.gather [hbm4b:s14+s1], $0x80, v4, vm0, $0xb8;
	[tilespmem:$0x15100] =	vst v63  }
0x5bf: {  	s17 =	simm.s32 $0x12900  }
0x5c0: {  	[tilespmem:s17], [sflag:$0x1] =	stream.indirect_vreg.gather [hbm4b:s18+s1], $0x80, v4, vm0, $0xb8;
	[tilespmem:$0x15100] =	vst v63  }
0x5c1: {  	v4 =	vld [tilespmem:$0x9F0];
	_ =	sdelay $0x4  }
0x5c2: {  	v5 =	vshll.u32 v4, $0x2  }
0x5c3: {  	v4 =	vand.u32 $0x7, v4;
	v5 =	vand.u32 $0xFFFFFFE0, v5  }
0x5c4: {  	v4 =	vor.u32 v4, v5  }
0x5c5: {  	v5 =	vperm.xlane v4, v1;
	_ =	sdelay $0x1  }
0x5c6: {  	v5 =	vadd.s32 v2, v5;
	_ =	sdelay $0x1  }
0x5c7: {  	v4 =	vperm.xlane v4, v3;
	_ =	sdelay $0x1  }
0x5c8: {  	s17 =	simm.s32 $0x13100;
	v4 =	vadd.s32 v2, v4  }
0x5c9: {  	[tilespmem:s17], [sflag:$0x1] =	stream.indirect_vreg.gather [hbm4b:s14+s1], $0x80, v5, vm0, $0xb8;
	[tilespmem:$0x15100] =	vst v63  }
0x5ca: {  	s5 =	simm.s32 $0x13900  }
0x5cb: {  	[tilespmem:s5], [sflag:$0x1] =	stream.indirect_vreg.gather [hbm4b:s18+s1], $0x80, v5, vm0, $0xb8;
	[tilespmem:$0x15100] =	vst v63  }
0x5cc: {  	s5 =	simm.s32 $0x14100  }
0x5cd: {  	[tilespmem:s5], [sflag:$0x1] =	stream.indirect_vreg.gather [hbm4b:s14+s1], $0x80, v4, vm0, $0xb8;
	[tilespmem:$0x15100] =	vst v63  }
0x5ce: {  	s15 =	simm.s32 $0x14900  }
0x5cf: {  	[tilespmem:s15], [sflag:$0x1] =	stream.indirect_vreg.gather [hbm4b:s18+s1], $0x80, v4, vm0, $0xb8;
	[tilespmem:$0x15100] =	vst v63  }
0x5d0: {  	_ =	swait.ge [sflag:s9], $0x8000  }
0x5d1: {  	s5 =	sld [smem:$0x7EE]  }
0x5d2: {  	[sflag:s9] =	ssyncset.done $0x0  }
0x5d3: {  	[sflag:s9] =	ssyncadd.s32 $0xFFFF8000  }
0x5d4: {  	[hbm4b:s5+s1] =	stream.linear.scatter [tilespmem:s20], [sflag:$0x3], $0x8000, $0x38;
	[tilespmem:$0x15100] =	vst v63  }
0x5d5: {  	_ =	swait.ge [sflag:s3], $0x8000  }
0x5d6: {  	[sflag:s3] =	ssyncset.done $0x0  }
0x5d7: {  	[sflag:s3] =	ssyncadd.s32 $0xFFFF8000  }
0x5d8: {  	v4 =	vld [tilespmem:$0xA00];
	_ =	sdelay $0x4  }
0x5d9: {  	v5 =	vshll.u32 v4, $0x2  }
0x5da: {  	v4 =	vand.u32 $0x7, v4;
	v5 =	vand.u32 $0xFFFFFFE0, v5  }
0x5db: {  	v4 =	vor.u32 v4, v5  }
0x5dc: {  	v5 =	vperm.xlane v4, v1;
	_ =	sdelay $0x1  }
0x5dd: {  	v5 =	vadd.s32 v2, v5;
	_ =	sdelay $0x1  }
0x5de: {  	v4 =	vperm.xlane v4, v3;
	_ =	sdelay $0x1  }
0x5df: {  	v4 =	vadd.s32 v2, v4  }
0x5e0: {  	[tilespmem:s10], [sflag:$0x1] =	stream.indirect_vreg.gather [hbm4b:s14+s1], $0x80, v5, vm0, $0xb8;
	[tilespmem:$0x15100] =	vst v63  }
0x5e1: {  	s5 =	simm.s32 $0x5900  }
0x5e2: {  	[tilespmem:s5], [sflag:$0x1] =	stream.indirect_vreg.gather [hbm4b:s18+s1], $0x80, v5, vm0, $0xb8;
	[tilespmem:$0x15100] =	vst v63  }
0x5e3: {  	_ = 	snop  }
0x5e4: {  	[tilespmem:s21], [sflag:$0x1] =	stream.indirect_vreg.gather [hbm4b:s14+s1], $0x80, v4, vm0, $0xb8;
	[tilespmem:$0x15100] =	vst v63  }
0x5e5: {  	s5 =	simm.s32 $0x6900  }
0x5e6: {  	[tilespmem:s5], [sflag:$0x1] =	stream.indirect_vreg.gather [hbm4b:s18+s1], $0x80, v4, vm0, $0xb8;
	[tilespmem:$0x15100] =	vst v63  }
0x5e7: {  	v4 =	vld [tilespmem:$0xA10];
	_ =	sdelay $0x4  }
0x5e8: {  	v5 =	vshll.u32 v4, $0x2  }
0x5e9: {  	v4 =	vand.u32 $0x7, v4;
	v5 =	vand.u32 $0xFFFFFFE0, v5  }
0x5ea: {  	v4 =	vor.u32 v4, v5  }
0x5eb: {  	v5 =	vperm.xlane v4, v1;
	_ =	sdelay $0x1  }
0x5ec: {  	v5 =	vadd.s32 v2, v5;
	_ =	sdelay $0x1  }
0x5ed: {  	v4 =	vperm.xlane v4, v3;
	_ =	sdelay $0x1  }
0x5ee: {  	v4 =	vadd.s32 v2, v4  }
0x5ef: {  	[tilespmem:s6], [sflag:$0x1] =	stream.indirect_vreg.gather [hbm4b:s14+s1], $0x80, v5, vm0, $0xb8;
	[tilespmem:$0x15100] =	vst v63  }
0x5f0: {  	_ = 	snop  }
0x5f1: {  	[tilespmem:s7], [sflag:$0x1] =	stream.indirect_vreg.gather [hbm4b:s18+s1], $0x80, v5, vm0, $0xb8;
	[tilespmem:$0x15100] =	vst v63  }
0x5f2: {  	_ = 	snop  }
0x5f3: {  	[tilespmem:s8], [sflag:$0x1] =	stream.indirect_vreg.gather [hbm4b:s14+s1], $0x80, v4, vm0, $0xb8;
	[tilespmem:$0x15100] =	vst v63  }
0x5f4: {  	s5 =	simm.s32 $0x8900  }
0x5f5: {  	[tilespmem:s5], [sflag:$0x1] =	stream.indirect_vreg.gather [hbm4b:s18+s1], $0x80, v4, vm0, $0xb8;
	[tilespmem:$0x15100] =	vst v63  }
0x5f6: {  	v4 =	vld [tilespmem:$0xA20];
	_ =	sdelay $0x4  }
0x5f7: {  	v5 =	vshll.u32 v4, $0x2  }
0x5f8: {  	v4 =	vand.u32 $0x7, v4;
	v5 =	vand.u32 $0xFFFFFFE0, v5  }
0x5f9: {  	v4 =	vor.u32 v4, v5  }
0x5fa: {  	v5 =	vperm.xlane v4, v1;
	_ =	sdelay $0x1  }
0x5fb: {  	v5 =	vadd.s32 v2, v5;
	_ =	sdelay $0x1  }
0x5fc: {  	v4 =	vperm.xlane v4, v3;
	_ =	sdelay $0x1  }
0x5fd: {  	v4 =	vadd.s32 v2, v4  }
0x5fe: {  	[tilespmem:s25], [sflag:$0x1] =	stream.indirect_vreg.gather [hbm4b:s14+s1], $0x80, v5, vm0, $0xb8;
	[tilespmem:$0x15100] =	vst v63  }
0x5ff: {  	_ = 	snop  }
0x600: {  	[tilespmem:s28], [sflag:$0x1] =	stream.indirect_vreg.gather [hbm4b:s18+s1], $0x80, v5, vm0, $0xb8;
	[tilespmem:$0x15100] =	vst v63  }
0x601: {  	_ = 	snop  }
0x602: {  	[tilespmem:s30], [sflag:$0x1] =	stream.indirect_vreg.gather [hbm4b:s14+s1], $0x80, v4, vm0, $0xb8;
	[tilespmem:$0x15100] =	vst v63  }
0x603: {  	s5 =	simm.s32 $0xA900  }
0x604: {  	[tilespmem:s5], [sflag:$0x1] =	stream.indirect_vreg.gather [hbm4b:s18+s1], $0x80, v4, vm0, $0xb8;
	[tilespmem:$0x15100] =	vst v63  }
0x605: {  	v4 =	vld [tilespmem:$0xA30];
	_ =	sdelay $0x4  }
0x606: {  	v5 =	vshll.u32 v4, $0x2  }
0x607: {  	v4 =	vand.u32 $0x7, v4;
	v5 =	vand.u32 $0xFFFFFFE0, v5  }
0x608: {  	v4 =	vor.u32 v4, v5  }
0x609: {  	v5 =	vperm.xlane v4, v1;
	_ =	sdelay $0x1  }
0x60a: {  	v5 =	vadd.s32 v2, v5;
	_ =	sdelay $0x1  }
0x60b: {  	v4 =	vperm.xlane v4, v3;
	_ =	sdelay $0x1  }
0x60c: {  	v4 =	vadd.s32 v2, v4  }
0x60d: {  	[tilespmem:s11], [sflag:$0x1] =	stream.indirect_vreg.gather [hbm4b:s14+s1], $0x80, v5, vm0, $0xb8;
	[tilespmem:$0x15100] =	vst v63  }
0x60e: {  	_ = 	snop  }
0x60f: {  	[tilespmem:s16], [sflag:$0x1] =	stream.indirect_vreg.gather [hbm4b:s18+s1], $0x80, v5, vm0, $0xb8;
	[tilespmem:$0x15100] =	vst v63  }
0x610: {  	_ = 	snop  }
0x611: {  	[tilespmem:s0], [sflag:$0x1] =	stream.indirect_vreg.gather [hbm4b:s14+s1], $0x80, v4, vm0, $0xb8;
	[tilespmem:$0x15100] =	vst v63  }
0x612: {  	_ = 	snop  }
0x613: {  	[tilespmem:s2], [sflag:$0x1] =	stream.indirect_vreg.gather [hbm4b:s18+s1], $0x80, v4, vm0, $0xb8;
	[tilespmem:$0x15100] =	vst v63  }
0x614: {  	_ =	swait.ge [sflag:s9], $0x8000  }
0x615: {  	s2 =	sld [smem:$0x7EF]  }
0x616: {  	[sflag:s9] =	ssyncset.done $0x0  }
0x617: {  	s16 =	simm.s32 $0x5100;
	[sflag:s9] =	ssyncadd.s32 $0xFFFF8000  }
0x618: {  	[hbm4b:s2+s1] =	stream.linear.scatter [tilespmem:s16], [sflag:$0x2], $0x8000, $0x38;
	[tilespmem:$0x15100] =	vst v63  }
0x619: {  	_ =	swait.ge [sflag:s4], $0x8000  }
0x61a: {  	[sflag:s4] =	ssyncset.done $0x0  }
0x61b: {  	[sflag:s4] =	ssyncadd.s32 $0xFFFF8000  }
0x61c: {  	v4 =	vld [tilespmem:$0xA40];
	_ =	sdelay $0x4  }
0x61d: {  	v5 =	vshll.u32 v4, $0x2  }
0x61e: {  	v4 =	vand.u32 $0x7, v4;
	v5 =	vand.u32 $0xFFFFFFE0, v5  }
0x61f: {  	v4 =	vor.u32 v4, v5  }
0x620: {  	v5 =	vperm.xlane v4, v1;
	_ =	sdelay $0x1  }
0x621: {  	v5 =	vadd.s32 v2, v5;
	_ =	sdelay $0x1  }
0x622: {  	v4 =	vperm.xlane v4, v3;
	_ =	sdelay $0x1  }
0x623: {  	s10 =	simm.s32 $0xD100;
	v4 =	vadd.s32 v2, v4  }
0x624: {  	[tilespmem:s10], [sflag:$0x1] =	stream.indirect_vreg.gather [hbm4b:s14+s1], $0x80, v5, vm0, $0xb8;
	[tilespmem:$0x15100] =	vst v63  }
0x625: {  	_ = 	snop  }
0x626: {  	[tilespmem:s12], [sflag:$0x1] =	stream.indirect_vreg.gather [hbm4b:s18+s1], $0x80, v5, vm0, $0xb8;
	[tilespmem:$0x15100] =	vst v63  }
0x627: {  	_ = 	snop  }
0x628: {  	[tilespmem:s13], [sflag:$0x1] =	stream.indirect_vreg.gather [hbm4b:s14+s1], $0x80, v4, vm0, $0xb8;
	[tilespmem:$0x15100] =	vst v63  }
0x629: {  	s13 =	simm.s32 $0xE900  }
0x62a: {  	[tilespmem:s13], [sflag:$0x1] =	stream.indirect_vreg.gather [hbm4b:s18+s1], $0x80, v4, vm0, $0xb8;
	[tilespmem:$0x15100] =	vst v63  }
0x62b: {  	v4 =	vld [tilespmem:$0xA50];
	_ =	sdelay $0x4  }
0x62c: {  	v5 =	vshll.u32 v4, $0x2  }
0x62d: {  	v4 =	vand.u32 $0x7, v4;
	v5 =	vand.u32 $0xFFFFFFE0, v5  }
0x62e: {  	v4 =	vor.u32 v4, v5  }
0x62f: {  	v5 =	vperm.xlane v4, v1;
	_ =	sdelay $0x1  }
0x630: {  	v5 =	vadd.s32 v2, v5;
	_ =	sdelay $0x1  }
0x631: {  	v4 =	vperm.xlane v4, v3;
	_ =	sdelay $0x1  }
0x632: {  	s26 =	simm.s32 $0xF100;
	v4 =	vadd.s32 v2, v4  }
0x633: {  	[tilespmem:s26], [sflag:$0x1] =	stream.indirect_vreg.gather [hbm4b:s14+s1], $0x80, v5, vm0, $0xb8;
	[tilespmem:$0x15100] =	vst v63  }
0x634: {  	s29 =	simm.s32 $0xF900  }
0x635: {  	[tilespmem:s29], [sflag:$0x1] =	stream.indirect_vreg.gather [hbm4b:s18+s1], $0x80, v5, vm0, $0xb8;
	[tilespmem:$0x15100] =	vst v63  }
0x636: {  	s31 =	simm.s32 $0x10100  }
0x637: {  	[tilespmem:s31], [sflag:$0x1] =	stream.indirect_vreg.gather [hbm4b:s14+s1], $0x80, v4, vm0, $0xb8;
	[tilespmem:$0x15100] =	vst v63  }
0x638: {  	s31 =	simm.s32 $0x10900  }
0x639: {  	[tilespmem:s31], [sflag:$0x1] =	stream.indirect_vreg.gather [hbm4b:s18+s1], $0x80, v4, vm0, $0xb8;
	[tilespmem:$0x15100] =	vst v63  }
0x63a: {  	v4 =	vld [tilespmem:$0xA60];
	_ =	sdelay $0x4  }
0x63b: {  	v5 =	vshll.u32 v4, $0x2  }
0x63c: {  	v4 =	vand.u32 $0x7, v4;
	v5 =	vand.u32 $0xFFFFFFE0, v5  }
0x63d: {  	v4 =	vor.u32 v4, v5  }
0x63e: {  	v5 =	vperm.xlane v4, v1;
	_ =	sdelay $0x1  }
0x63f: {  	v5 =	vadd.s32 v2, v5;
	_ =	sdelay $0x1  }
0x640: {  	v4 =	vperm.xlane v4, v3;
	_ =	sdelay $0x1  }
0x641: {  	s24 =	simm.s32 $0x11100;
	v4 =	vadd.s32 v2, v4  }
0x642: {  	[tilespmem:s24], [sflag:$0x1] =	stream.indirect_vreg.gather [hbm4b:s14+s1], $0x80, v5, vm0, $0xb8;
	[tilespmem:$0x15100] =	vst v63  }
0x643: {  	s29 =	simm.s32 $0x11900  }
0x644: {  	[tilespmem:s29], [sflag:$0x1] =	stream.indirect_vreg.gather [hbm4b:s18+s1], $0x80, v5, vm0, $0xb8;
	[tilespmem:$0x15100] =	vst v63  }
0x645: {  	s31 =	simm.s32 $0x12100  }
0x646: {  	[tilespmem:s31], [sflag:$0x1] =	stream.indirect_vreg.gather [hbm4b:s14+s1], $0x80, v4, vm0, $0xb8;
	[tilespmem:$0x15100] =	vst v63  }
0x647: {  	s5 =	simm.s32 $0x12900  }
0x648: {  	[tilespmem:s5], [sflag:$0x1] =	stream.indirect_vreg.gather [hbm4b:s18+s1], $0x80, v4, vm0, $0xb8;
	[tilespmem:$0x15100] =	vst v63  }
0x649: {  	v4 =	vld [tilespmem:$0xA70];
	_ =	sdelay $0x4  }
0x64a: {  	v5 =	vshll.u32 v4, $0x2  }
0x64b: {  	v4 =	vand.u32 $0x7, v4;
	v5 =	vand.u32 $0xFFFFFFE0, v5  }
0x64c: {  	v4 =	vor.u32 v4, v5  }
0x64d: {  	v5 =	vperm.xlane v4, v1;
	_ =	sdelay $0x1  }
0x64e: {  	v5 =	vadd.s32 v2, v5;
	_ =	sdelay $0x1  }
0x64f: {  	v4 =	vperm.xlane v4, v3;
	_ =	sdelay $0x1  }
0x650: {  	s17 =	simm.s32 $0x13100;
	v4 =	vadd.s32 v2, v4  }
0x651: {  	[tilespmem:s17], [sflag:$0x1] =	stream.indirect_vreg.gather [hbm4b:s14+s1], $0x80, v5, vm0, $0xb8;
	[tilespmem:$0x15100] =	vst v63  }
0x652: {  	s5 =	simm.s32 $0x13900  }
0x653: {  	[tilespmem:s5], [sflag:$0x1] =	stream.indirect_vreg.gather [hbm4b:s18+s1], $0x80, v5, vm0, $0xb8;
	[tilespmem:$0x15100] =	vst v63  }
0x654: {  	s5 =	simm.s32 $0x14100  }
0x655: {  	[tilespmem:s5], [sflag:$0x1] =	stream.indirect_vreg.gather [hbm4b:s14+s1], $0x80, v4, vm0, $0xb8;
	[tilespmem:$0x15100] =	vst v63  }
0x656: {  	s15 =	simm.s32 $0x14900  }
0x657: {  	[tilespmem:s15], [sflag:$0x1] =	stream.indirect_vreg.gather [hbm4b:s18+s1], $0x80, v4, vm0, $0xb8;
	[tilespmem:$0x15100] =	vst v63  }
0x658: {  	_ =	swait.ge [sflag:s9], $0x8000  }
0x659: {  	s5 =	sld [smem:$0x7F0]  }
0x65a: {  	[sflag:s9] =	ssyncset.done $0x0  }
0x65b: {  	[sflag:s9] =	ssyncadd.s32 $0xFFFF8000  }
0x65c: {  	[hbm4b:s5+s1] =	stream.linear.scatter [tilespmem:s10], [sflag:$0x3], $0x8000, $0x38;
	[tilespmem:$0x15100] =	vst v63  }
0x65d: {  	_ =	swait.ge [sflag:s3], $0x8000  }
0x65e: {  	[sflag:s3] =	ssyncset.done $0x0  }
0x65f: {  	[sflag:s3] =	ssyncadd.s32 $0xFFFF8000  }
0x660: {  	v4 =	vld [tilespmem:$0xA80];
	_ =	sdelay $0x4  }
0x661: {  	v5 =	vshll.u32 v4, $0x2  }
0x662: {  	v4 =	vand.u32 $0x7, v4;
	v5 =	vand.u32 $0xFFFFFFE0, v5  }
0x663: {  	v4 =	vor.u32 v4, v5  }
0x664: {  	v5 =	vperm.xlane v4, v1;
	_ =	sdelay $0x1  }
0x665: {  	v5 =	vadd.s32 v2, v5;
	_ =	sdelay $0x1  }
0x666: {  	v4 =	vperm.xlane v4, v3;
	_ =	sdelay $0x1  }
0x667: {  	v4 =	vadd.s32 v2, v4  }
0x668: {  	[tilespmem:s16], [sflag:$0x1] =	stream.indirect_vreg.gather [hbm4b:s14+s1], $0x80, v5, vm0, $0xb8;
	[tilespmem:$0x15100] =	vst v63  }
0x669: {  	s5 =	simm.s32 $0x5900  }
0x66a: {  	[tilespmem:s5], [sflag:$0x1] =	stream.indirect_vreg.gather [hbm4b:s18+s1], $0x80, v5, vm0, $0xb8;
	[tilespmem:$0x15100] =	vst v63  }
0x66b: {  	s21 =	simm.s32 $0x6100  }
0x66c: {  	[tilespmem:s21], [sflag:$0x1] =	stream.indirect_vreg.gather [hbm4b:s14+s1], $0x80, v4, vm0, $0xb8;
	[tilespmem:$0x15100] =	vst v63  }
0x66d: {  	s5 =	simm.s32 $0x6900  }
0x66e: {  	[tilespmem:s5], [sflag:$0x1] =	stream.indirect_vreg.gather [hbm4b:s18+s1], $0x80, v4, vm0, $0xb8;
	[tilespmem:$0x15100] =	vst v63  }
0x66f: {  	v4 =	vld [tilespmem:$0xA90];
	_ =	sdelay $0x4  }
0x670: {  	v5 =	vshll.u32 v4, $0x2  }
0x671: {  	v4 =	vand.u32 $0x7, v4;
	v5 =	vand.u32 $0xFFFFFFE0, v5  }
0x672: {  	v4 =	vor.u32 v4, v5  }
0x673: {  	v5 =	vperm.xlane v4, v1;
	_ =	sdelay $0x1  }
0x674: {  	v5 =	vadd.s32 v2, v5;
	_ =	sdelay $0x1  }
0x675: {  	v4 =	vperm.xlane v4, v3;
	_ =	sdelay $0x1  }
0x676: {  	s6 =	simm.s32 $0x7100;
	v4 =	vadd.s32 v2, v4  }
0x677: {  	[tilespmem:s6], [sflag:$0x1] =	stream.indirect_vreg.gather [hbm4b:s14+s1], $0x80, v5, vm0, $0xb8;
	[tilespmem:$0x15100] =	vst v63  }
0x678: {  	s7 =	simm.s32 $0x7900  }
0x679: {  	[tilespmem:s7], [sflag:$0x1] =	stream.indirect_vreg.gather [hbm4b:s18+s1], $0x80, v5, vm0, $0xb8;
	[tilespmem:$0x15100] =	vst v63  }
0x67a: {  	s8 =	simm.s32 $0x8100  }
0x67b: {  	[tilespmem:s8], [sflag:$0x1] =	stream.indirect_vreg.gather [hbm4b:s14+s1], $0x80, v4, vm0, $0xb8;
	[tilespmem:$0x15100] =	vst v63  }
0x67c: {  	s6 =	simm.s32 $0x8900  }
0x67d: {  	[tilespmem:s6], [sflag:$0x1] =	stream.indirect_vreg.gather [hbm4b:s18+s1], $0x80, v4, vm0, $0xb8;
	[tilespmem:$0x15100] =	vst v63  }
0x67e: {  	v4 =	vld [tilespmem:$0xAA0];
	_ =	sdelay $0x4  }
0x67f: {  	v5 =	vshll.u32 v4, $0x2  }
0x680: {  	v4 =	vand.u32 $0x7, v4;
	v5 =	vand.u32 $0xFFFFFFE0, v5  }
0x681: {  	v4 =	vor.u32 v4, v5  }
0x682: {  	v5 =	vperm.xlane v4, v1;
	_ =	sdelay $0x1  }
0x683: {  	v5 =	vadd.s32 v2, v5;
	_ =	sdelay $0x1  }
0x684: {  	v4 =	vperm.xlane v4, v3;
	_ =	sdelay $0x1  }
0x685: {  	s25 =	simm.s32 $0x9100;
	v4 =	vadd.s32 v2, v4  }
0x686: {  	[tilespmem:s25], [sflag:$0x1] =	stream.indirect_vreg.gather [hbm4b:s14+s1], $0x80, v5, vm0, $0xb8;
	[tilespmem:$0x15100] =	vst v63  }
0x687: {  	s28 =	simm.s32 $0x9900  }
0x688: {  	[tilespmem:s28], [sflag:$0x1] =	stream.indirect_vreg.gather [hbm4b:s18+s1], $0x80, v5, vm0, $0xb8;
	[tilespmem:$0x15100] =	vst v63  }
0x689: {  	s30 =	simm.s32 $0xA100  }
0x68a: {  	[tilespmem:s30], [sflag:$0x1] =	stream.indirect_vreg.gather [hbm4b:s14+s1], $0x80, v4, vm0, $0xb8;
	[tilespmem:$0x15100] =	vst v63  }
0x68b: {  	s25 =	simm.s32 $0xA900  }
0x68c: {  	[tilespmem:s25], [sflag:$0x1] =	stream.indirect_vreg.gather [hbm4b:s18+s1], $0x80, v4, vm0, $0xb8;
	[tilespmem:$0x15100] =	vst v63  }
0x68d: {  	v4 =	vld [tilespmem:$0xAB0];
	_ =	sdelay $0x4  }
0x68e: {  	v5 =	vshll.u32 v4, $0x2  }
0x68f: {  	v4 =	vand.u32 $0x7, v4;
	v5 =	vand.u32 $0xFFFFFFE0, v5  }
0x690: {  	v4 =	vor.u32 v4, v5  }
0x691: {  	v5 =	vperm.xlane v4, v1;
	_ =	sdelay $0x1  }
0x692: {  	v5 =	vadd.s32 v2, v5;
	_ =	sdelay $0x1  }
0x693: {  	v4 =	vperm.xlane v4, v3;
	_ =	sdelay $0x1  }
0x694: {  	s11 =	simm.s32 $0xB100;
	v4 =	vadd.s32 v2, v4  }
0x695: {  	[tilespmem:s11], [sflag:$0x1] =	stream.indirect_vreg.gather [hbm4b:s14+s1], $0x80, v5, vm0, $0xb8;
	[tilespmem:$0x15100] =	vst v63  }
0x696: {  	s11 =	simm.s32 $0xB900  }
0x697: {  	[tilespmem:s11], [sflag:$0x1] =	stream.indirect_vreg.gather [hbm4b:s18+s1], $0x80, v5, vm0, $0xb8;
	[tilespmem:$0x15100] =	vst v63  }
0x698: {  	s25 =	simm.s32 $0xC100  }
0x699: {  	[tilespmem:s25], [sflag:$0x1] =	stream.indirect_vreg.gather [hbm4b:s14+s1], $0x80, v4, vm0, $0xb8;
	[tilespmem:$0x15100] =	vst v63  }
0x69a: {  	s5 =	simm.s32 $0xC900  }
0x69b: {  	[tilespmem:s5], [sflag:$0x1] =	stream.indirect_vreg.gather [hbm4b:s18+s1], $0x80, v4, vm0, $0xb8;
	[tilespmem:$0x15100] =	vst v63  }
0x69c: {  	_ =	swait.ge [sflag:s9], $0x8000  }
0x69d: {  	s5 =	sld [smem:$0x7F1]  }
0x69e: {  	[sflag:s9] =	ssyncset.done $0x0  }
0x69f: {  	[sflag:s9] =	ssyncadd.s32 $0xFFFF8000  }
0x6a0: {  	[hbm4b:s5+s1] =	stream.linear.scatter [tilespmem:s16], [sflag:$0x2], $0x8000, $0x38;
	[tilespmem:$0x15100] =	vst v63  }
0x6a1: {  	_ =	swait.ge [sflag:s4], $0x8000  }
0x6a2: {  	[sflag:s4] =	ssyncset.done $0x0  }
0x6a3: {  	[sflag:s4] =	ssyncadd.s32 $0xFFFF8000  }
0x6a4: {  	v4 =	vld [tilespmem:$0xAC0];
	_ =	sdelay $0x4  }
0x6a5: {  	v5 =	vshll.u32 v4, $0x2  }
0x6a6: {  	v4 =	vand.u32 $0x7, v4;
	v5 =	vand.u32 $0xFFFFFFE0, v5  }
0x6a7: {  	v4 =	vor.u32 v4, v5  }
0x6a8: {  	v5 =	vperm.xlane v4, v1;
	_ =	sdelay $0x1  }
0x6a9: {  	v5 =	vadd.s32 v2, v5;
	_ =	sdelay $0x1  }
0x6aa: {  	v4 =	vperm.xlane v4, v3;
	_ =	sdelay $0x1  }
0x6ab: {  	v4 =	vadd.s32 v2, v4  }
0x6ac: {  	[tilespmem:s10], [sflag:$0x1] =	stream.indirect_vreg.gather [hbm4b:s14+s1], $0x80, v5, vm0, $0xb8;
	[tilespmem:$0x15100] =	vst v63  }
0x6ad: {  	s0 =	simm.s32 $0xD900  }
0x6ae: {  	[tilespmem:s0], [sflag:$0x1] =	stream.indirect_vreg.gather [hbm4b:s18+s1], $0x80, v5, vm0, $0xb8;
	[tilespmem:$0x15100] =	vst v63  }
0x6af: {  	s2 =	simm.s32 $0xE100  }
0x6b0: {  	[tilespmem:s2], [sflag:$0x1] =	stream.indirect_vreg.gather [hbm4b:s14+s1], $0x80, v4, vm0, $0xb8;
	[tilespmem:$0x15100] =	vst v63  }
0x6b1: {  	s5 =	simm.s32 $0xE900  }
0x6b2: {  	[tilespmem:s5], [sflag:$0x1] =	stream.indirect_vreg.gather [hbm4b:s18+s1], $0x80, v4, vm0, $0xb8;
	[tilespmem:$0x15100] =	vst v63  }
0x6b3: {  	v4 =	vld [tilespmem:$0xAD0];
	_ =	sdelay $0x4  }
0x6b4: {  	v5 =	vshll.u32 v4, $0x2  }
0x6b5: {  	v4 =	vand.u32 $0x7, v4;
	v5 =	vand.u32 $0xFFFFFFE0, v5  }
0x6b6: {  	v4 =	vor.u32 v4, v5  }
0x6b7: {  	v5 =	vperm.xlane v4, v1;
	_ =	sdelay $0x1  }
0x6b8: {  	v5 =	vadd.s32 v2, v5;
	_ =	sdelay $0x1  }
0x6b9: {  	v4 =	vperm.xlane v4, v3;
	_ =	sdelay $0x1  }
0x6ba: {  	s12 =	simm.s32 $0xF100;
	v4 =	vadd.s32 v2, v4  }
0x6bb: {  	[tilespmem:s12], [sflag:$0x1] =	stream.indirect_vreg.gather [hbm4b:s14+s1], $0x80, v5, vm0, $0xb8;
	[tilespmem:$0x15100] =	vst v63  }
0x6bc: {  	s13 =	simm.s32 $0xF900  }
0x6bd: {  	[tilespmem:s13], [sflag:$0x1] =	stream.indirect_vreg.gather [hbm4b:s18+s1], $0x80, v5, vm0, $0xb8;
	[tilespmem:$0x15100] =	vst v63  }
0x6be: {  	s26 =	simm.s32 $0x10100  }
0x6bf: {  	[tilespmem:s26], [sflag:$0x1] =	stream.indirect_vreg.gather [hbm4b:s14+s1], $0x80, v4, vm0, $0xb8;
	[tilespmem:$0x15100] =	vst v63  }
0x6c0: {  	s5 =	simm.s32 $0x10900  }
0x6c1: {  	[tilespmem:s5], [sflag:$0x1] =	stream.indirect_vreg.gather [hbm4b:s18+s1], $0x80, v4, vm0, $0xb8;
	[tilespmem:$0x15100] =	vst v63  }
0x6c2: {  	v4 =	vld [tilespmem:$0xAE0];
	_ =	sdelay $0x4  }
0x6c3: {  	v5 =	vshll.u32 v4, $0x2  }
0x6c4: {  	v4 =	vand.u32 $0x7, v4;
	v5 =	vand.u32 $0xFFFFFFE0, v5  }
0x6c5: {  	v4 =	vor.u32 v4, v5  }
0x6c6: {  	v5 =	vperm.xlane v4, v1;
	_ =	sdelay $0x1  }
0x6c7: {  	v5 =	vadd.s32 v2, v5;
	_ =	sdelay $0x1  }
0x6c8: {  	v4 =	vperm.xlane v4, v3;
	_ =	sdelay $0x1  }
0x6c9: {  	s24 =	simm.s32 $0x11100;
	v4 =	vadd.s32 v2, v4  }
0x6ca: {  	[tilespmem:s24], [sflag:$0x1] =	stream.indirect_vreg.gather [hbm4b:s14+s1], $0x80, v5, vm0, $0xb8;
	[tilespmem:$0x15100] =	vst v63  }
0x6cb: {  	s29 =	simm.s32 $0x11900  }
0x6cc: {  	[tilespmem:s29], [sflag:$0x1] =	stream.indirect_vreg.gather [hbm4b:s18+s1], $0x80, v5, vm0, $0xb8;
	[tilespmem:$0x15100] =	vst v63  }
0x6cd: {  	s31 =	simm.s32 $0x12100  }
0x6ce: {  	[tilespmem:s31], [sflag:$0x1] =	stream.indirect_vreg.gather [hbm4b:s14+s1], $0x80, v4, vm0, $0xb8;
	[tilespmem:$0x15100] =	vst v63  }
0x6cf: {  	s5 =	simm.s32 $0x12900  }
0x6d0: {  	[tilespmem:s5], [sflag:$0x1] =	stream.indirect_vreg.gather [hbm4b:s18+s1], $0x80, v4, vm0, $0xb8;
	[tilespmem:$0x15100] =	vst v63  }
0x6d1: {  	v4 =	vld [tilespmem:$0xAF0];
	_ =	sdelay $0x4  }
0x6d2: {  	v5 =	vshll.u32 v4, $0x2  }
0x6d3: {  	v4 =	vand.u32 $0x7, v4;
	v5 =	vand.u32 $0xFFFFFFE0, v5  }
0x6d4: {  	v4 =	vor.u32 v4, v5  }
0x6d5: {  	v5 =	vperm.xlane v4, v1;
	_ =	sdelay $0x1  }
0x6d6: {  	v5 =	vadd.s32 v2, v5;
	_ =	sdelay $0x1  }
0x6d7: {  	v4 =	vperm.xlane v4, v3;
	_ =	sdelay $0x1  }
0x6d8: {  	s17 =	simm.s32 $0x13100;
	v4 =	vadd.s32 v2, v4  }
0x6d9: {  	[tilespmem:s17], [sflag:$0x1] =	stream.indirect_vreg.gather [hbm4b:s14+s1], $0x80, v5, vm0, $0xb8;
	[tilespmem:$0x15100] =	vst v63  }
0x6da: {  	s5 =	simm.s32 $0x13900  }
0x6db: {  	[tilespmem:s5], [sflag:$0x1] =	stream.indirect_vreg.gather [hbm4b:s18+s1], $0x80, v5, vm0, $0xb8;
	[tilespmem:$0x15100] =	vst v63  }
0x6dc: {  	s5 =	simm.s32 $0x14100  }
0x6dd: {  	[tilespmem:s5], [sflag:$0x1] =	stream.indirect_vreg.gather [hbm4b:s14+s1], $0x80, v4, vm0, $0xb8;
	[tilespmem:$0x15100] =	vst v63  }
0x6de: {  	s15 =	simm.s32 $0x14900  }
0x6df: {  	[tilespmem:s15], [sflag:$0x1] =	stream.indirect_vreg.gather [hbm4b:s18+s1], $0x80, v4, vm0, $0xb8;
	[tilespmem:$0x15100] =	vst v63  }
0x6e0: {  	_ =	swait.ge [sflag:s9], $0x8000  }
0x6e1: {  	s5 =	sld [smem:$0x7F2]  }
0x6e2: {  	[sflag:s9] =	ssyncset.done $0x0  }
0x6e3: {  	[sflag:s9] =	ssyncadd.s32 $0xFFFF8000  }
0x6e4: {  	[hbm4b:s5+s1] =	stream.linear.scatter [tilespmem:s10], [sflag:$0x3], $0x8000, $0x38;
	[tilespmem:$0x15100] =	vst v63  }
0x6e5: {  	_ =	swait.ge [sflag:s3], $0x8000  }
0x6e6: {  	[sflag:s3] =	ssyncset.done $0x0  }
0x6e7: {  	[sflag:s3] =	ssyncadd.s32 $0xFFFF8000  }
0x6e8: {  	v4 =	vld [tilespmem:$0xB00];
	_ =	sdelay $0x4  }
0x6e9: {  	v5 =	vshll.u32 v4, $0x2  }
0x6ea: {  	v4 =	vand.u32 $0x7, v4;
	v5 =	vand.u32 $0xFFFFFFE0, v5  }
0x6eb: {  	v4 =	vor.u32 v4, v5  }
0x6ec: {  	v5 =	vperm.xlane v4, v1;
	_ =	sdelay $0x1  }
0x6ed: {  	v5 =	vadd.s32 v2, v5;
	_ =	sdelay $0x1  }
0x6ee: {  	v4 =	vperm.xlane v4, v3;
	_ =	sdelay $0x1  }
0x6ef: {  	v4 =	vadd.s32 v2, v4  }
0x6f0: {  	[tilespmem:s16], [sflag:$0x1] =	stream.indirect_vreg.gather [hbm4b:s14+s1], $0x80, v5, vm0, $0xb8;
	[tilespmem:$0x15100] =	vst v63  }
0x6f1: {  	s5 =	simm.s32 $0x5900  }
0x6f2: {  	[tilespmem:s5], [sflag:$0x1] =	stream.indirect_vreg.gather [hbm4b:s18+s1], $0x80, v5, vm0, $0xb8;
	[tilespmem:$0x15100] =	vst v63  }
0x6f3: {  	s21 =	simm.s32 $0x6100  }
0x6f4: {  	[tilespmem:s21], [sflag:$0x1] =	stream.indirect_vreg.gather [hbm4b:s14+s1], $0x80, v4, vm0, $0xb8;
	[tilespmem:$0x15100] =	vst v63  }
0x6f5: {  	s5 =	simm.s32 $0x6900  }
0x6f6: {  	[tilespmem:s5], [sflag:$0x1] =	stream.indirect_vreg.gather [hbm4b:s18+s1], $0x80, v4, vm0, $0xb8;
	[tilespmem:$0x15100] =	vst v63  }
0x6f7: {  	v4 =	vld [tilespmem:$0xB10];
	_ =	sdelay $0x4  }
0x6f8: {  	v5 =	vshll.u32 v4, $0x2  }
0x6f9: {  	v4 =	vand.u32 $0x7, v4;
	v5 =	vand.u32 $0xFFFFFFE0, v5  }
0x6fa: {  	v4 =	vor.u32 v4, v5  }
0x6fb: {  	v5 =	vperm.xlane v4, v1;
	_ =	sdelay $0x1  }
0x6fc: {  	v5 =	vadd.s32 v2, v5;
	_ =	sdelay $0x1  }
0x6fd: {  	v4 =	vperm.xlane v4, v3;
	_ =	sdelay $0x1  }
0x6fe: {  	s5 =	simm.s32 $0x7100;
	v4 =	vadd.s32 v2, v4  }
0x6ff: {  	[tilespmem:s5], [sflag:$0x1] =	stream.indirect_vreg.gather [hbm4b:s14+s1], $0x80, v5, vm0, $0xb8;
	[tilespmem:$0x15100] =	vst v63  }
0x700: {  	s7 =	simm.s32 $0x7900  }
0x701: {  	[tilespmem:s7], [sflag:$0x1] =	stream.indirect_vreg.gather [hbm4b:s18+s1], $0x80, v5, vm0, $0xb8;
	[tilespmem:$0x15100] =	vst v63  }
0x702: {  	s8 =	simm.s32 $0x8100  }
0x703: {  	[tilespmem:s8], [sflag:$0x1] =	stream.indirect_vreg.gather [hbm4b:s14+s1], $0x80, v4, vm0, $0xb8;
	[tilespmem:$0x15100] =	vst v63  }
0x704: {  	s7 =	simm.s32 $0x8900  }
0x705: {  	[tilespmem:s7], [sflag:$0x1] =	stream.indirect_vreg.gather [hbm4b:s18+s1], $0x80, v4, vm0, $0xb8;
	[tilespmem:$0x15100] =	vst v63  }
0x706: {  	v4 =	vld [tilespmem:$0xB20];
	_ =	sdelay $0x4  }
0x707: {  	v5 =	vshll.u32 v4, $0x2  }
0x708: {  	v4 =	vand.u32 $0x7, v4;
	v5 =	vand.u32 $0xFFFFFFE0, v5  }
0x709: {  	v4 =	vor.u32 v4, v5  }
0x70a: {  	v5 =	vperm.xlane v4, v1;
	_ =	sdelay $0x1  }
0x70b: {  	v5 =	vadd.s32 v2, v5;
	_ =	sdelay $0x1  }
0x70c: {  	v4 =	vperm.xlane v4, v3;
	_ =	sdelay $0x1  }
0x70d: {  	s6 =	simm.s32 $0x9100;
	v4 =	vadd.s32 v2, v4  }
0x70e: {  	[tilespmem:s6], [sflag:$0x1] =	stream.indirect_vreg.gather [hbm4b:s14+s1], $0x80, v5, vm0, $0xb8;
	[tilespmem:$0x15100] =	vst v63  }
0x70f: {  	s28 =	simm.s32 $0x9900  }
0x710: {  	[tilespmem:s28], [sflag:$0x1] =	stream.indirect_vreg.gather [hbm4b:s18+s1], $0x80, v5, vm0, $0xb8;
	[tilespmem:$0x15100] =	vst v63  }
0x711: {  	s30 =	simm.s32 $0xA100  }
0x712: {  	[tilespmem:s30], [sflag:$0x1] =	stream.indirect_vreg.gather [hbm4b:s14+s1], $0x80, v4, vm0, $0xb8;
	[tilespmem:$0x15100] =	vst v63  }
0x713: {  	s6 =	simm.s32 $0xA900  }
0x714: {  	[tilespmem:s6], [sflag:$0x1] =	stream.indirect_vreg.gather [hbm4b:s18+s1], $0x80, v4, vm0, $0xb8;
	[tilespmem:$0x15100] =	vst v63  }
0x715: {  	v4 =	vld [tilespmem:$0xB30];
	_ =	sdelay $0x4  }
0x716: {  	v5 =	vshll.u32 v4, $0x2  }
0x717: {  	v4 =	vand.u32 $0x7, v4;
	v5 =	vand.u32 $0xFFFFFFE0, v5  }
0x718: {  	v4 =	vor.u32 v4, v5  }
0x719: {  	v5 =	vperm.xlane v4, v1;
	_ =	sdelay $0x1  }
0x71a: {  	v5 =	vadd.s32 v2, v5;
	_ =	sdelay $0x1  }
0x71b: {  	v4 =	vperm.xlane v4, v3;
	_ =	sdelay $0x1  }
0x71c: {  	s6 =	simm.s32 $0xB100;
	v4 =	vadd.s32 v2, v4  }
0x71d: {  	[tilespmem:s6], [sflag:$0x1] =	stream.indirect_vreg.gather [hbm4b:s14+s1], $0x80, v5, vm0, $0xb8;
	[tilespmem:$0x15100] =	vst v63  }
0x71e: {  	s11 =	simm.s32 $0xB900  }
0x71f: {  	[tilespmem:s11], [sflag:$0x1] =	stream.indirect_vreg.gather [hbm4b:s18+s1], $0x80, v5, vm0, $0xb8;
	[tilespmem:$0x15100] =	vst v63  }
0x720: {  	s25 =	simm.s32 $0xC100  }
0x721: {  	[tilespmem:s25], [sflag:$0x1] =	stream.indirect_vreg.gather [hbm4b:s14+s1], $0x80, v4, vm0, $0xb8;
	[tilespmem:$0x15100] =	vst v63  }
0x722: {  	s25 =	simm.s32 $0xC900  }
0x723: {  	[tilespmem:s25], [sflag:$0x1] =	stream.indirect_vreg.gather [hbm4b:s18+s1], $0x80, v4, vm0, $0xb8;
	[tilespmem:$0x15100] =	vst v63  }
0x724: {  	_ =	swait.ge [sflag:s9], $0x8000  }
0x725: {  	s5 =	sld [smem:$0x7F3]  }
0x726: {  	[sflag:s9] =	ssyncset.done $0x0  }
0x727: {  	[sflag:s9] =	ssyncadd.s32 $0xFFFF8000  }
0x728: {  	[hbm4b:s5+s1] =	stream.linear.scatter [tilespmem:s16], [sflag:$0x2], $0x8000, $0x38;
	[tilespmem:$0x15100] =	vst v63  }
0x729: {  	_ =	swait.ge [sflag:s4], $0x8000  }
0x72a: {  	[sflag:s4] =	ssyncset.done $0x0  }
0x72b: {  	[sflag:s4] =	ssyncadd.s32 $0xFFFF8000  }
0x72c: {  	v4 =	vld [tilespmem:$0xB40];
	_ =	sdelay $0x4  }
0x72d: {  	v5 =	vshll.u32 v4, $0x2  }
0x72e: {  	v4 =	vand.u32 $0x7, v4;
	v5 =	vand.u32 $0xFFFFFFE0, v5  }
0x72f: {  	v4 =	vor.u32 v4, v5  }
0x730: {  	v5 =	vperm.xlane v4, v1;
	_ =	sdelay $0x1  }
0x731: {  	v5 =	vadd.s32 v2, v5;
	_ =	sdelay $0x1  }
0x732: {  	v4 =	vperm.xlane v4, v3;
	_ =	sdelay $0x1  }
0x733: {  	v4 =	vadd.s32 v2, v4  }
0x734: {  	[tilespmem:s10], [sflag:$0x1] =	stream.indirect_vreg.gather [hbm4b:s14+s1], $0x80, v5, vm0, $0xb8;
	[tilespmem:$0x15100] =	vst v63  }
0x735: {  	s0 =	simm.s32 $0xD900  }
0x736: {  	[tilespmem:s0], [sflag:$0x1] =	stream.indirect_vreg.gather [hbm4b:s18+s1], $0x80, v5, vm0, $0xb8;
	[tilespmem:$0x15100] =	vst v63  }
0x737: {  	s2 =	simm.s32 $0xE100  }
0x738: {  	[tilespmem:s2], [sflag:$0x1] =	stream.indirect_vreg.gather [hbm4b:s14+s1], $0x80, v4, vm0, $0xb8;
	[tilespmem:$0x15100] =	vst v63  }
0x739: {  	s5 =	simm.s32 $0xE900  }
0x73a: {  	[tilespmem:s5], [sflag:$0x1] =	stream.indirect_vreg.gather [hbm4b:s18+s1], $0x80, v4, vm0, $0xb8;
	[tilespmem:$0x15100] =	vst v63  }
0x73b: {  	v4 =	vld [tilespmem:$0xB50];
	_ =	sdelay $0x4  }
0x73c: {  	v5 =	vshll.u32 v4, $0x2  }
0x73d: {  	v4 =	vand.u32 $0x7, v4;
	v5 =	vand.u32 $0xFFFFFFE0, v5  }
0x73e: {  	v4 =	vor.u32 v4, v5  }
0x73f: {  	v5 =	vperm.xlane v4, v1;
	_ =	sdelay $0x1  }
0x740: {  	v5 =	vadd.s32 v2, v5;
	_ =	sdelay $0x1  }
0x741: {  	v4 =	vperm.xlane v4, v3;
	_ =	sdelay $0x1  }
0x742: {  	s12 =	simm.s32 $0xF100;
	v4 =	vadd.s32 v2, v4  }
0x743: {  	[tilespmem:s12], [sflag:$0x1] =	stream.indirect_vreg.gather [hbm4b:s14+s1], $0x80, v5, vm0, $0xb8;
	[tilespmem:$0x15100] =	vst v63  }
0x744: {  	s13 =	simm.s32 $0xF900  }
0x745: {  	[tilespmem:s13], [sflag:$0x1] =	stream.indirect_vreg.gather [hbm4b:s18+s1], $0x80, v5, vm0, $0xb8;
	[tilespmem:$0x15100] =	vst v63  }
0x746: {  	s26 =	simm.s32 $0x10100  }
0x747: {  	[tilespmem:s26], [sflag:$0x1] =	stream.indirect_vreg.gather [hbm4b:s14+s1], $0x80, v4, vm0, $0xb8;
	[tilespmem:$0x15100] =	vst v63  }
0x748: {  	s5 =	simm.s32 $0x10900  }
0x749: {  	[tilespmem:s5], [sflag:$0x1] =	stream.indirect_vreg.gather [hbm4b:s18+s1], $0x80, v4, vm0, $0xb8;
	[tilespmem:$0x15100] =	vst v63  }
0x74a: {  	v4 =	vld [tilespmem:$0xB60];
	_ =	sdelay $0x4  }
0x74b: {  	v5 =	vshll.u32 v4, $0x2  }
0x74c: {  	v4 =	vand.u32 $0x7, v4;
	v5 =	vand.u32 $0xFFFFFFE0, v5  }
0x74d: {  	v4 =	vor.u32 v4, v5  }
0x74e: {  	v5 =	vperm.xlane v4, v1;
	_ =	sdelay $0x1  }
0x74f: {  	v5 =	vadd.s32 v2, v5;
	_ =	sdelay $0x1  }
0x750: {  	v4 =	vperm.xlane v4, v3;
	_ =	sdelay $0x1  }
0x751: {  	s24 =	simm.s32 $0x11100;
	v4 =	vadd.s32 v2, v4  }
0x752: {  	[tilespmem:s24], [sflag:$0x1] =	stream.indirect_vreg.gather [hbm4b:s14+s1], $0x80, v5, vm0, $0xb8;
	[tilespmem:$0x15100] =	vst v63  }
0x753: {  	s29 =	simm.s32 $0x11900  }
0x754: {  	[tilespmem:s29], [sflag:$0x1] =	stream.indirect_vreg.gather [hbm4b:s18+s1], $0x80, v5, vm0, $0xb8;
	[tilespmem:$0x15100] =	vst v63  }
0x755: {  	s31 =	simm.s32 $0x12100  }
0x756: {  	[tilespmem:s31], [sflag:$0x1] =	stream.indirect_vreg.gather [hbm4b:s14+s1], $0x80, v4, vm0, $0xb8;
	[tilespmem:$0x15100] =	vst v63  }
0x757: {  	s5 =	simm.s32 $0x12900  }
0x758: {  	[tilespmem:s5], [sflag:$0x1] =	stream.indirect_vreg.gather [hbm4b:s18+s1], $0x80, v4, vm0, $0xb8;
	[tilespmem:$0x15100] =	vst v63  }
0x759: {  	v4 =	vld [tilespmem:$0xB70];
	_ =	sdelay $0x4  }
0x75a: {  	v5 =	vshll.u32 v4, $0x2  }
0x75b: {  	v4 =	vand.u32 $0x7, v4;
	v5 =	vand.u32 $0xFFFFFFE0, v5  }
0x75c: {  	v4 =	vor.u32 v4, v5  }
0x75d: {  	v5 =	vperm.xlane v4, v1;
	_ =	sdelay $0x1  }
0x75e: {  	v5 =	vadd.s32 v2, v5;
	_ =	sdelay $0x1  }
0x75f: {  	v4 =	vperm.xlane v4, v3;
	_ =	sdelay $0x1  }
0x760: {  	s17 =	simm.s32 $0x13100;
	v4 =	vadd.s32 v2, v4  }
0x761: {  	[tilespmem:s17], [sflag:$0x1] =	stream.indirect_vreg.gather [hbm4b:s14+s1], $0x80, v5, vm0, $0xb8;
	[tilespmem:$0x15100] =	vst v63  }
0x762: {  	s5 =	simm.s32 $0x13900  }
0x763: {  	[tilespmem:s5], [sflag:$0x1] =	stream.indirect_vreg.gather [hbm4b:s18+s1], $0x80, v5, vm0, $0xb8;
	[tilespmem:$0x15100] =	vst v63  }
0x764: {  	s5 =	simm.s32 $0x14100  }
0x765: {  	[tilespmem:s5], [sflag:$0x1] =	stream.indirect_vreg.gather [hbm4b:s14+s1], $0x80, v4, vm0, $0xb8;
	[tilespmem:$0x15100] =	vst v63  }
0x766: {  	s15 =	simm.s32 $0x14900  }
0x767: {  	[tilespmem:s15], [sflag:$0x1] =	stream.indirect_vreg.gather [hbm4b:s18+s1], $0x80, v4, vm0, $0xb8;
	[tilespmem:$0x15100] =	vst v63  }
0x768: {  	_ =	swait.ge [sflag:s9], $0x8000  }
0x769: {  	s5 =	sld [smem:$0x7F4]  }
0x76a: {  	[sflag:s9] =	ssyncset.done $0x0  }
0x76b: {  	[sflag:s9] =	ssyncadd.s32 $0xFFFF8000  }
0x76c: {  	[hbm4b:s5+s1] =	stream.linear.scatter [tilespmem:s10], [sflag:$0x3], $0x8000, $0x38;
	[tilespmem:$0x15100] =	vst v63  }
0x76d: {  	_ =	swait.ge [sflag:s3], $0x8000  }
0x76e: {  	[sflag:s3] =	ssyncset.done $0x0  }
0x76f: {  	[sflag:s3] =	ssyncadd.s32 $0xFFFF8000  }
0x770: {  	v4 =	vld [tilespmem:$0xB80];
	_ =	sdelay $0x4  }
0x771: {  	v5 =	vshll.u32 v4, $0x2  }
0x772: {  	v4 =	vand.u32 $0x7, v4;
	v5 =	vand.u32 $0xFFFFFFE0, v5  }
0x773: {  	v4 =	vor.u32 v4, v5  }
0x774: {  	v5 =	vperm.xlane v4, v1;
	_ =	sdelay $0x1  }
0x775: {  	v5 =	vadd.s32 v2, v5;
	_ =	sdelay $0x1  }
0x776: {  	v4 =	vperm.xlane v4, v3;
	_ =	sdelay $0x1  }
0x777: {  	v4 =	vadd.s32 v2, v4  }
0x778: {  	[tilespmem:s16], [sflag:$0x1] =	stream.indirect_vreg.gather [hbm4b:s14+s1], $0x80, v5, vm0, $0xb8;
	[tilespmem:$0x15100] =	vst v63  }
0x779: {  	s5 =	simm.s32 $0x5900  }
0x77a: {  	[tilespmem:s5], [sflag:$0x1] =	stream.indirect_vreg.gather [hbm4b:s18+s1], $0x80, v5, vm0, $0xb8;
	[tilespmem:$0x15100] =	vst v63  }
0x77b: {  	s21 =	simm.s32 $0x6100  }
0x77c: {  	[tilespmem:s21], [sflag:$0x1] =	stream.indirect_vreg.gather [hbm4b:s14+s1], $0x80, v4, vm0, $0xb8;
	[tilespmem:$0x15100] =	vst v63  }
0x77d: {  	s5 =	simm.s32 $0x6900  }
0x77e: {  	[tilespmem:s5], [sflag:$0x1] =	stream.indirect_vreg.gather [hbm4b:s18+s1], $0x80, v4, vm0, $0xb8;
	[tilespmem:$0x15100] =	vst v63  }
0x77f: {  	v4 =	vld [tilespmem:$0xB90];
	_ =	sdelay $0x4  }
0x780: {  	v5 =	vshll.u32 v4, $0x2  }
0x781: {  	v4 =	vand.u32 $0x7, v4;
	v5 =	vand.u32 $0xFFFFFFE0, v5  }
0x782: {  	v4 =	vor.u32 v4, v5  }
0x783: {  	v5 =	vperm.xlane v4, v1;
	_ =	sdelay $0x1  }
0x784: {  	v5 =	vadd.s32 v2, v5;
	_ =	sdelay $0x1  }
0x785: {  	v4 =	vperm.xlane v4, v3;
	_ =	sdelay $0x1  }
0x786: {  	s5 =	simm.s32 $0x7100;
	v4 =	vadd.s32 v2, v4  }
0x787: {  	[tilespmem:s5], [sflag:$0x1] =	stream.indirect_vreg.gather [hbm4b:s14+s1], $0x80, v5, vm0, $0xb8;
	[tilespmem:$0x15100] =	vst v63  }
0x788: {  	s5 =	simm.s32 $0x7900  }
0x789: {  	[tilespmem:s5], [sflag:$0x1] =	stream.indirect_vreg.gather [hbm4b:s18+s1], $0x80, v5, vm0, $0xb8;
	[tilespmem:$0x15100] =	vst v63  }
0x78a: {  	s8 =	simm.s32 $0x8100  }
0x78b: {  	[tilespmem:s8], [sflag:$0x1] =	stream.indirect_vreg.gather [hbm4b:s14+s1], $0x80, v4, vm0, $0xb8;
	[tilespmem:$0x15100] =	vst v63  }
0x78c: {  	s8 =	simm.s32 $0x8900  }
0x78d: {  	[tilespmem:s8], [sflag:$0x1] =	stream.indirect_vreg.gather [hbm4b:s18+s1], $0x80, v4, vm0, $0xb8;
	[tilespmem:$0x15100] =	vst v63  }
0x78e: {  	v4 =	vld [tilespmem:$0xBA0];
	_ =	sdelay $0x4  }
0x78f: {  	v5 =	vshll.u32 v4, $0x2  }
0x790: {  	v4 =	vand.u32 $0x7, v4;
	v5 =	vand.u32 $0xFFFFFFE0, v5  }
0x791: {  	v4 =	vor.u32 v4, v5  }
0x792: {  	v5 =	vperm.xlane v4, v1;
	_ =	sdelay $0x1  }
0x793: {  	v5 =	vadd.s32 v2, v5;
	_ =	sdelay $0x1  }
0x794: {  	v4 =	vperm.xlane v4, v3;
	_ =	sdelay $0x1  }
0x795: {  	s7 =	simm.s32 $0x9100;
	v4 =	vadd.s32 v2, v4  }
0x796: {  	[tilespmem:s7], [sflag:$0x1] =	stream.indirect_vreg.gather [hbm4b:s14+s1], $0x80, v5, vm0, $0xb8;
	[tilespmem:$0x15100] =	vst v63  }
0x797: {  	s28 =	simm.s32 $0x9900  }
0x798: {  	[tilespmem:s28], [sflag:$0x1] =	stream.indirect_vreg.gather [hbm4b:s18+s1], $0x80, v5, vm0, $0xb8;
	[tilespmem:$0x15100] =	vst v63  }
0x799: {  	s30 =	simm.s32 $0xA100  }
0x79a: {  	[tilespmem:s30], [sflag:$0x1] =	stream.indirect_vreg.gather [hbm4b:s14+s1], $0x80, v4, vm0, $0xb8;
	[tilespmem:$0x15100] =	vst v63  }
0x79b: {  	s28 =	simm.s32 $0xA900  }
0x79c: {  	[tilespmem:s28], [sflag:$0x1] =	stream.indirect_vreg.gather [hbm4b:s18+s1], $0x80, v4, vm0, $0xb8;
	[tilespmem:$0x15100] =	vst v63  }
0x79d: {  	v4 =	vld [tilespmem:$0xBB0];
	_ =	sdelay $0x4  }
0x79e: {  	v5 =	vshll.u32 v4, $0x2  }
0x79f: {  	v4 =	vand.u32 $0x7, v4;
	v5 =	vand.u32 $0xFFFFFFE0, v5  }
0x7a0: {  	v4 =	vor.u32 v4, v5  }
0x7a1: {  	v5 =	vperm.xlane v4, v1;
	_ =	sdelay $0x1  }
0x7a2: {  	v5 =	vadd.s32 v2, v5;
	_ =	sdelay $0x1  }
0x7a3: {  	v4 =	vperm.xlane v4, v3;
	_ =	sdelay $0x1  }
0x7a4: {  	s30 =	simm.s32 $0xB100;
	v4 =	vadd.s32 v2, v4  }
0x7a5: {  	[tilespmem:s30], [sflag:$0x1] =	stream.indirect_vreg.gather [hbm4b:s14+s1], $0x80, v5, vm0, $0xb8;
	[tilespmem:$0x15100] =	vst v63  }
0x7a6: {  	s6 =	simm.s32 $0xB900  }
0x7a7: {  	[tilespmem:s6], [sflag:$0x1] =	stream.indirect_vreg.gather [hbm4b:s18+s1], $0x80, v5, vm0, $0xb8;
	[tilespmem:$0x15100] =	vst v63  }
0x7a8: {  	s11 =	simm.s32 $0xC100  }
0x7a9: {  	[tilespmem:s11], [sflag:$0x1] =	stream.indirect_vreg.gather [hbm4b:s14+s1], $0x80, v4, vm0, $0xb8;
	[tilespmem:$0x15100] =	vst v63  }
0x7aa: {  	s25 =	simm.s32 $0xC900  }
0x7ab: {  	[tilespmem:s25], [sflag:$0x1] =	stream.indirect_vreg.gather [hbm4b:s18+s1], $0x80, v4, vm0, $0xb8;
	[tilespmem:$0x15100] =	vst v63  }
0x7ac: {  	_ =	swait.ge [sflag:s9], $0x8000  }
0x7ad: {  	s7 =	sld [smem:$0x7F5]  }
0x7ae: {  	[sflag:s9] =	ssyncset.done $0x0  }
0x7af: {  	[sflag:s9] =	ssyncadd.s32 $0xFFFF8000  }
0x7b0: {  	[hbm4b:s7+s1] =	stream.linear.scatter [tilespmem:s16], [sflag:$0x2], $0x8000, $0x38;
	[tilespmem:$0x15100] =	vst v63  }
0x7b1: {  	_ =	swait.ge [sflag:s4], $0x8000  }
0x7b2: {  	[sflag:s4] =	ssyncset.done $0x0  }
0x7b3: {  	[sflag:s4] =	ssyncadd.s32 $0xFFFF8000  }
0x7b4: {  	v4 =	vld [tilespmem:$0xBC0];
	_ =	sdelay $0x4  }
0x7b5: {  	v5 =	vshll.u32 v4, $0x2  }
0x7b6: {  	v4 =	vand.u32 $0x7, v4;
	v5 =	vand.u32 $0xFFFFFFE0, v5  }
0x7b7: {  	v4 =	vor.u32 v4, v5  }
0x7b8: {  	v5 =	vperm.xlane v4, v1;
	_ =	sdelay $0x1  }
0x7b9: {  	v5 =	vadd.s32 v2, v5;
	_ =	sdelay $0x1  }
0x7ba: {  	v4 =	vperm.xlane v4, v3;
	_ =	sdelay $0x1  }
0x7bb: {  	v4 =	vadd.s32 v2, v4  }
0x7bc: {  	[tilespmem:s10], [sflag:$0x1] =	stream.indirect_vreg.gather [hbm4b:s14+s1], $0x80, v5, vm0, $0xb8;
	[tilespmem:$0x15100] =	vst v63  }
0x7bd: {  	s0 =	simm.s32 $0xD900  }
0x7be: {  	[tilespmem:s0], [sflag:$0x1] =	stream.indirect_vreg.gather [hbm4b:s18+s1], $0x80, v5, vm0, $0xb8;
	[tilespmem:$0x15100] =	vst v63  }
0x7bf: {  	s2 =	simm.s32 $0xE100  }
0x7c0: {  	[tilespmem:s2], [sflag:$0x1] =	stream.indirect_vreg.gather [hbm4b:s14+s1], $0x80, v4, vm0, $0xb8;
	[tilespmem:$0x15100] =	vst v63  }
0x7c1: {  	s11 =	simm.s32 $0xE900  }
0x7c2: {  	[tilespmem:s11], [sflag:$0x1] =	stream.indirect_vreg.gather [hbm4b:s18+s1], $0x80, v4, vm0, $0xb8;
	[tilespmem:$0x15100] =	vst v63  }
0x7c3: {  	v4 =	vld [tilespmem:$0xBD0];
	_ =	sdelay $0x4  }
0x7c4: {  	v5 =	vshll.u32 v4, $0x2  }
0x7c5: {  	v4 =	vand.u32 $0x7, v4;
	v5 =	vand.u32 $0xFFFFFFE0, v5  }
0x7c6: {  	v4 =	vor.u32 v4, v5  }
0x7c7: {  	v5 =	vperm.xlane v4, v1;
	_ =	sdelay $0x1  }
0x7c8: {  	v5 =	vadd.s32 v2, v5;
	_ =	sdelay $0x1  }
0x7c9: {  	v4 =	vperm.xlane v4, v3;
	_ =	sdelay $0x1  }
0x7ca: {  	s12 =	simm.s32 $0xF100;
	v4 =	vadd.s32 v2, v4  }
0x7cb: {  	[tilespmem:s12], [sflag:$0x1] =	stream.indirect_vreg.gather [hbm4b:s14+s1], $0x80, v5, vm0, $0xb8;
	[tilespmem:$0x15100] =	vst v63  }
0x7cc: {  	s13 =	simm.s32 $0xF900  }
0x7cd: {  	[tilespmem:s13], [sflag:$0x1] =	stream.indirect_vreg.gather [hbm4b:s18+s1], $0x80, v5, vm0, $0xb8;
	[tilespmem:$0x15100] =	vst v63  }
0x7ce: {  	s26 =	simm.s32 $0x10100  }
0x7cf: {  	[tilespmem:s26], [sflag:$0x1] =	stream.indirect_vreg.gather [hbm4b:s14+s1], $0x80, v4, vm0, $0xb8;
	[tilespmem:$0x15100] =	vst v63  }
0x7d0: {  	s12 =	simm.s32 $0x10900  }
0x7d1: {  	[tilespmem:s12], [sflag:$0x1] =	stream.indirect_vreg.gather [hbm4b:s18+s1], $0x80, v4, vm0, $0xb8;
	[tilespmem:$0x15100] =	vst v63  }
0x7d2: {  	v4 =	vld [tilespmem:$0xBE0];
	_ =	sdelay $0x4  }
0x7d3: {  	v5 =	vshll.u32 v4, $0x2  }
0x7d4: {  	v4 =	vand.u32 $0x7, v4;
	v5 =	vand.u32 $0xFFFFFFE0, v5  }
0x7d5: {  	v4 =	vor.u32 v4, v5  }
0x7d6: {  	v5 =	vperm.xlane v4, v1;
	_ =	sdelay $0x1  }
0x7d7: {  	v5 =	vadd.s32 v2, v5;
	_ =	sdelay $0x1  }
0x7d8: {  	v4 =	vperm.xlane v4, v3;
	_ =	sdelay $0x1  }
0x7d9: {  	s24 =	simm.s32 $0x11100;
	v4 =	vadd.s32 v2, v4  }
0x7da: {  	[tilespmem:s24], [sflag:$0x1] =	stream.indirect_vreg.gather [hbm4b:s14+s1], $0x80, v5, vm0, $0xb8;
	[tilespmem:$0x15100] =	vst v63  }
0x7db: {  	s29 =	simm.s32 $0x11900  }
0x7dc: {  	[tilespmem:s29], [sflag:$0x1] =	stream.indirect_vreg.gather [hbm4b:s18+s1], $0x80, v5, vm0, $0xb8;
	[tilespmem:$0x15100] =	vst v63  }
0x7dd: {  	s31 =	simm.s32 $0x12100  }
0x7de: {  	[tilespmem:s31], [sflag:$0x1] =	stream.indirect_vreg.gather [hbm4b:s14+s1], $0x80, v4, vm0, $0xb8;
	[tilespmem:$0x15100] =	vst v63  }
0x7df: {  	s13 =	simm.s32 $0x12900  }
0x7e0: {  	[tilespmem:s13], [sflag:$0x1] =	stream.indirect_vreg.gather [hbm4b:s18+s1], $0x80, v4, vm0, $0xb8;
	[tilespmem:$0x15100] =	vst v63  }
0x7e1: {  	v4 =	vld [tilespmem:$0xBF0];
	_ =	sdelay $0x4  }
0x7e2: {  	v5 =	vshll.u32 v4, $0x2  }
0x7e3: {  	v4 =	vand.u32 $0x7, v4;
	v5 =	vand.u32 $0xFFFFFFE0, v5  }
0x7e4: {  	v4 =	vor.u32 v4, v5  }
0x7e5: {  	v5 =	vperm.xlane v4, v1;
	_ =	sdelay $0x1  }
0x7e6: {  	v5 =	vadd.s32 v2, v5;
	_ =	sdelay $0x1  }
0x7e7: {  	v4 =	vperm.xlane v4, v3;
	_ =	sdelay $0x1  }
0x7e8: {  	s17 =	simm.s32 $0x13100;
	v4 =	vadd.s32 v2, v4  }
0x7e9: {  	[tilespmem:s17], [sflag:$0x1] =	stream.indirect_vreg.gather [hbm4b:s14+s1], $0x80, v5, vm0, $0xb8;
	[tilespmem:$0x15100] =	vst v63  }
0x7ea: {  	s17 =	simm.s32 $0x13900  }
0x7eb: {  	[tilespmem:s17], [sflag:$0x1] =	stream.indirect_vreg.gather [hbm4b:s18+s1], $0x80, v5, vm0, $0xb8;
	[tilespmem:$0x15100] =	vst v63  }
0x7ec: {  	s24 =	simm.s32 $0x14100  }
0x7ed: {  	[tilespmem:s24], [sflag:$0x1] =	stream.indirect_vreg.gather [hbm4b:s14+s1], $0x80, v4, vm0, $0xb8;
	[tilespmem:$0x15100] =	vst v63  }
0x7ee: {  	s15 =	simm.s32 $0x14900  }
0x7ef: {  	[tilespmem:s15], [sflag:$0x1] =	stream.indirect_vreg.gather [hbm4b:s18+s1], $0x80, v4, vm0, $0xb8;
	[tilespmem:$0x15100] =	vst v63  }
0x7f0: {  	_ =	swait.ge [sflag:s9], $0x8000  }
0x7f1: {  	s29 =	sld [smem:$0x7F6]  }
0x7f2: {  	[sflag:s9] =	ssyncset.done $0x0  }
0x7f3: {  	[sflag:s9] =	ssyncadd.s32 $0xFFFF8000  }
0x7f4: {  	[hbm4b:s29+s1] =	stream.linear.scatter [tilespmem:s10], [sflag:$0x3], $0x8000, $0x38;
	[tilespmem:$0x15100] =	vst v63  }
0x7f5: {  	_ =	swait.ge [sflag:s3], $0x8000  }
0x7f6: {  	[sflag:s3] =	ssyncset.done $0x0  }
0x7f7: {  	[sflag:s3] =	ssyncadd.s32 $0xFFFF8000  }
0x7f8: {  	v4 =	vld [tilespmem:$0xC00];
	_ =	sdelay $0x4  }
0x7f9: {  	v5 =	vshll.u32 v4, $0x2  }
0x7fa: {  	v4 =	vand.u32 $0x7, v4;
	v5 =	vand.u32 $0xFFFFFFE0, v5  }
0x7fb: {  	v4 =	vor.u32 v4, v5  }
0x7fc: {  	v5 =	vperm.xlane v4, v1;
	_ =	sdelay $0x1  }
0x7fd: {  	v5 =	vadd.s32 v2, v5;
	_ =	sdelay $0x1  }
0x7fe: {  	v4 =	vperm.xlane v4, v3;
	_ =	sdelay $0x1  }
0x7ff: {  	v4 =	vadd.s32 v2, v4  }
0x800: {  	[tilespmem:s16], [sflag:$0x1] =	stream.indirect_vreg.gather [hbm4b:s14+s1], $0x80, v5, vm0, $0xb8;
	[tilespmem:$0x15100] =	vst v63  }
0x801: {  	s31 =	simm.s32 $0x5900  }
0x802: {  	[tilespmem:s31], [sflag:$0x1] =	stream.indirect_vreg.gather [hbm4b:s18+s1], $0x80, v5, vm0, $0xb8;
	[tilespmem:$0x15100] =	vst v63  }
0x803: {  	s21 =	simm.s32 $0x6100  }
0x804: {  	[tilespmem:s21], [sflag:$0x1] =	stream.indirect_vreg.gather [hbm4b:s14+s1], $0x80, v4, vm0, $0xb8;
	[tilespmem:$0x15100] =	vst v63  }
0x805: {  	s6 =	simm.s32 $0x6900  }
0x806: {  	[tilespmem:s6], [sflag:$0x1] =	stream.indirect_vreg.gather [hbm4b:s18+s1], $0x80, v4, vm0, $0xb8;
	[tilespmem:$0x15100] =	vst v63  }
0x807: {  	v4 =	vld [tilespmem:$0xC10];
	_ =	sdelay $0x4  }
0x808: {  	v5 =	vshll.u32 v4, $0x2  }
0x809: {  	v4 =	vand.u32 $0x7, v4;
	v5 =	vand.u32 $0xFFFFFFE0, v5  }
0x80a: {  	v4 =	vor.u32 v4, v5  }
0x80b: {  	v5 =	vperm.xlane v4, v1;
	_ =	sdelay $0x1  }
0x80c: {  	v5 =	vadd.s32 v2, v5;
	_ =	sdelay $0x1  }
0x80d: {  	v4 =	vperm.xlane v4, v3;
	_ =	sdelay $0x1  }
0x80e: {  	s7 =	simm.s32 $0x7100;
	v4 =	vadd.s32 v2, v4  }
0x80f: {  	[tilespmem:s7], [sflag:$0x1] =	stream.indirect_vreg.gather [hbm4b:s14+s1], $0x80, v5, vm0, $0xb8;
	[tilespmem:$0x15100] =	vst v63  }
0x810: {  	s11 =	simm.s32 $0x7900  }
0x811: {  	[tilespmem:s11], [sflag:$0x1] =	stream.indirect_vreg.gather [hbm4b:s18+s1], $0x80, v5, vm0, $0xb8;
	[tilespmem:$0x15100] =	vst v63  }
0x812: {  	s12 =	simm.s32 $0x8100  }
0x813: {  	[tilespmem:s12], [sflag:$0x1] =	stream.indirect_vreg.gather [hbm4b:s14+s1], $0x80, v4, vm0, $0xb8;
	[tilespmem:$0x15100] =	vst v63  }
0x814: {  	s13 =	simm.s32 $0x8900  }
0x815: {  	[tilespmem:s13], [sflag:$0x1] =	stream.indirect_vreg.gather [hbm4b:s18+s1], $0x80, v4, vm0, $0xb8;
	[tilespmem:$0x15100] =	vst v63  }
0x816: {  	v4 =	vld [tilespmem:$0xC20];
	_ =	sdelay $0x4  }
0x817: {  	v5 =	vshll.u32 v4, $0x2  }
0x818: {  	v4 =	vand.u32 $0x7, v4;
	v5 =	vand.u32 $0xFFFFFFE0, v5  }
0x819: {  	v4 =	vor.u32 v4, v5  }
0x81a: {  	v5 =	vperm.xlane v4, v1;
	_ =	sdelay $0x1  }
0x81b: {  	v5 =	vadd.s32 v2, v5;
	_ =	sdelay $0x1  }
0x81c: {  	v4 =	vperm.xlane v4, v3;
	_ =	sdelay $0x1  }
0x81d: {  	s8 =	simm.s32 $0x9100;
	v4 =	vadd.s32 v2, v4  }
0x81e: {  	[tilespmem:s8], [sflag:$0x1] =	stream.indirect_vreg.gather [hbm4b:s14+s1], $0x80, v5, vm0, $0xb8;
	[tilespmem:$0x15100] =	vst v63  }
0x81f: {  	s17 =	simm.s32 $0x9900  }
0x820: {  	[tilespmem:s17], [sflag:$0x1] =	stream.indirect_vreg.gather [hbm4b:s18+s1], $0x80, v5, vm0, $0xb8;
	[tilespmem:$0x15100] =	vst v63  }
0x821: {  	s21 =	simm.s32 $0xA100  }
0x822: {  	[tilespmem:s21], [sflag:$0x1] =	stream.indirect_vreg.gather [hbm4b:s14+s1], $0x80, v4, vm0, $0xb8;
	[tilespmem:$0x15100] =	vst v63  }
0x823: {  	s24 =	simm.s32 $0xA900  }
0x824: {  	[tilespmem:s24], [sflag:$0x1] =	stream.indirect_vreg.gather [hbm4b:s18+s1], $0x80, v4, vm0, $0xb8;
	[tilespmem:$0x15100] =	vst v63  }
0x825: {  	v4 =	vld [tilespmem:$0xC30];
	_ =	sdelay $0x4  }
0x826: {  	v5 =	vshll.u32 v4, $0x2  }
0x827: {  	v4 =	vand.u32 $0x7, v4;
	v5 =	vand.u32 $0xFFFFFFE0, v5  }
0x828: {  	v4 =	vor.u32 v4, v5  }
0x829: {  	v5 =	vperm.xlane v4, v1;
	_ =	sdelay $0x1  }
0x82a: {  	v5 =	vadd.s32 v2, v5;
	_ =	sdelay $0x1  }
0x82b: {  	v4 =	vperm.xlane v4, v3;
	_ =	sdelay $0x1  }
0x82c: {  	s29 =	simm.s32 $0xB100;
	v4 =	vadd.s32 v2, v4  }
0x82d: {  	[tilespmem:s29], [sflag:$0x1] =	stream.indirect_vreg.gather [hbm4b:s14+s1], $0x80, v5, vm0, $0xb8;
	[tilespmem:$0x15100] =	vst v63  }
0x82e: {  	s28 =	simm.s32 $0xB900  }
0x82f: {  	[tilespmem:s28], [sflag:$0x1] =	stream.indirect_vreg.gather [hbm4b:s18+s1], $0x80, v5, vm0, $0xb8;
	[tilespmem:$0x15100] =	vst v63  }
0x830: {  	s30 =	simm.s32 $0xC100  }
0x831: {  	[tilespmem:s30], [sflag:$0x1] =	stream.indirect_vreg.gather [hbm4b:s14+s1], $0x80, v4, vm0, $0xb8;
	[tilespmem:$0x15100] =	vst v63  }
0x832: {  	s30 =	simm.s32 $0xC900  }
0x833: {  	[tilespmem:s30], [sflag:$0x1] =	stream.indirect_vreg.gather [hbm4b:s18+s1], $0x80, v4, vm0, $0xb8;
	[tilespmem:$0x15100] =	vst v63  }
0x834: {  	_ =	swait.ge [sflag:s9], $0x8000  }
0x835: {  	s31 =	sld [smem:$0x7F7]  }
0x836: {  	[sflag:s9] =	ssyncset.done $0x0  }
0x837: {  	[sflag:s9] =	ssyncadd.s32 $0xFFFF8000  }
0x838: {  	[hbm4b:s31+s1] =	stream.linear.scatter [tilespmem:s16], [sflag:$0x2], $0x8000, $0x38;
	[tilespmem:$0x15100] =	vst v63  }
0x839: {  	_ =	swait.ge [sflag:s4], $0x8000  }
0x83a: {  	[sflag:s4] =	ssyncset.done $0x0  }
0x83b: {  	[sflag:s4] =	ssyncadd.s32 $0xFFFF8000  }
0x83c: {  	v4 =	vld [tilespmem:$0xC40];
	_ =	sdelay $0x4  }
0x83d: {  	v5 =	vshll.u32 v4, $0x2  }
0x83e: {  	v4 =	vand.u32 $0x7, v4;
	v5 =	vand.u32 $0xFFFFFFE0, v5  }
0x83f: {  	v4 =	vor.u32 v4, v5  }
0x840: {  	v5 =	vperm.xlane v4, v1;
	_ =	sdelay $0x1  }
0x841: {  	v5 =	vadd.s32 v2, v5;
	_ =	sdelay $0x1  }
0x842: {  	v4 =	vperm.xlane v4, v3;
	_ =	sdelay $0x1  }
0x843: {  	v4 =	vadd.s32 v2, v4  }
0x844: {  	[tilespmem:s10], [sflag:$0x1] =	stream.indirect_vreg.gather [hbm4b:s14+s1], $0x80, v5, vm0, $0xb8;
	[tilespmem:$0x15100] =	vst v63  }
0x845: {  	s0 =	simm.s32 $0xD900  }
0x846: {  	[tilespmem:s0], [sflag:$0x1] =	stream.indirect_vreg.gather [hbm4b:s18+s1], $0x80, v5, vm0, $0xb8;
	[tilespmem:$0x15100] =	vst v63  }
0x847: {  	s2 =	simm.s32 $0xE100  }
0x848: {  	[tilespmem:s2], [sflag:$0x1] =	stream.indirect_vreg.gather [hbm4b:s14+s1], $0x80, v4, vm0, $0xb8;
	[tilespmem:$0x15100] =	vst v63  }
0x849: {  	s5 =	simm.s32 $0xE900  }
0x84a: {  	[tilespmem:s5], [sflag:$0x1] =	stream.indirect_vreg.gather [hbm4b:s18+s1], $0x80, v4, vm0, $0xb8;
	[tilespmem:$0x15100] =	vst v63  }
0x84b: {  	v4 =	vld [tilespmem:$0xC50];
	_ =	sdelay $0x4  }
0x84c: {  	v5 =	vshll.u32 v4, $0x2  }
0x84d: {  	v4 =	vand.u32 $0x7, v4;
	v5 =	vand.u32 $0xFFFFFFE0, v5  }
0x84e: {  	v4 =	vor.u32 v4, v5  }
0x84f: {  	v5 =	vperm.xlane v4, v1;
	_ =	sdelay $0x1  }
0x850: {  	v5 =	vadd.s32 v2, v5;
	_ =	sdelay $0x1  }
0x851: {  	v4 =	vperm.xlane v4, v3;
	_ =	sdelay $0x1  }
0x852: {  	s25 =	simm.s32 $0xF100;
	v4 =	vadd.s32 v2, v4  }
0x853: {  	[tilespmem:s25], [sflag:$0x1] =	stream.indirect_vreg.gather [hbm4b:s14+s1], $0x80, v5, vm0, $0xb8;
	[tilespmem:$0x15100] =	vst v63  }
0x854: {  	s29 =	simm.s32 $0xF900  }
0x855: {  	[tilespmem:s29], [sflag:$0x1] =	stream.indirect_vreg.gather [hbm4b:s18+s1], $0x80, v5, vm0, $0xb8;
	[tilespmem:$0x15100] =	vst v63  }
0x856: {  	s26 =	simm.s32 $0x10100  }
0x857: {  	[tilespmem:s26], [sflag:$0x1] =	stream.indirect_vreg.gather [hbm4b:s14+s1], $0x80, v4, vm0, $0xb8;
	[tilespmem:$0x15100] =	vst v63  }
0x858: {  	s31 =	simm.s32 $0x10900  }
0x859: {  	[tilespmem:s31], [sflag:$0x1] =	stream.indirect_vreg.gather [hbm4b:s18+s1], $0x80, v4, vm0, $0xb8;
	[tilespmem:$0x15100] =	vst v63  }
0x85a: {  	v4 =	vld [tilespmem:$0xC60];
	_ =	sdelay $0x4  }
0x85b: {  	v5 =	vshll.u32 v4, $0x2  }
0x85c: {  	v4 =	vand.u32 $0x7, v4;
	v5 =	vand.u32 $0xFFFFFFE0, v5  }
0x85d: {  	v4 =	vor.u32 v4, v5  }
0x85e: {  	v5 =	vperm.xlane v4, v1;
	_ =	sdelay $0x1  }
0x85f: {  	v5 =	vadd.s32 v2, v5;
	_ =	sdelay $0x1  }
0x860: {  	v4 =	vperm.xlane v4, v3;
	_ =	sdelay $0x1  }
0x861: {  	s29 =	simm.s32 $0x11100;
	v4 =	vadd.s32 v2, v4  }
0x862: {  	[tilespmem:s29], [sflag:$0x1] =	stream.indirect_vreg.gather [hbm4b:s14+s1], $0x80, v5, vm0, $0xb8;
	[tilespmem:$0x15100] =	vst v63  }
0x863: {  	s31 =	simm.s32 $0x11900  }
0x864: {  	[tilespmem:s31], [sflag:$0x1] =	stream.indirect_vreg.gather [hbm4b:s18+s1], $0x80, v5, vm0, $0xb8;
	[tilespmem:$0x15100] =	vst v63  }
0x865: {  	s5 =	simm.s32 $0x12100  }
0x866: {  	[tilespmem:s5], [sflag:$0x1] =	stream.indirect_vreg.gather [hbm4b:s14+s1], $0x80, v4, vm0, $0xb8;
	[tilespmem:$0x15100] =	vst v63  }
0x867: {  	s5 =	simm.s32 $0x12900  }
0x868: {  	[tilespmem:s5], [sflag:$0x1] =	stream.indirect_vreg.gather [hbm4b:s18+s1], $0x80, v4, vm0, $0xb8;
	[tilespmem:$0x15100] =	vst v63  }
0x869: {  	v4 =	vld [tilespmem:$0xC70];
	_ =	sdelay $0x4  }
0x86a: {  	v5 =	vshll.u32 v4, $0x2  }
0x86b: {  	v4 =	vand.u32 $0x7, v4;
	v5 =	vand.u32 $0xFFFFFFE0, v5  }
0x86c: {  	v4 =	vor.u32 v4, v5  }
0x86d: {  	v5 =	vperm.xlane v4, v1;
	_ =	sdelay $0x1  }
0x86e: {  	v5 =	vadd.s32 v2, v5;
	_ =	sdelay $0x1  }
0x86f: {  	v4 =	vperm.xlane v4, v3;
	_ =	sdelay $0x1  }
0x870: {  	s5 =	simm.s32 $0x13100;
	v4 =	vadd.s32 v2, v4  }
0x871: {  	[tilespmem:s5], [sflag:$0x1] =	stream.indirect_vreg.gather [hbm4b:s14+s1], $0x80, v5, vm0, $0xb8;
	[tilespmem:$0x15100] =	vst v63  }
0x872: {  	s5 =	simm.s32 $0x13900  }
0x873: {  	[tilespmem:s5], [sflag:$0x1] =	stream.indirect_vreg.gather [hbm4b:s18+s1], $0x80, v5, vm0, $0xb8;
	[tilespmem:$0x15100] =	vst v63  }
0x874: {  	s5 =	simm.s32 $0x14100  }
0x875: {  	[tilespmem:s5], [sflag:$0x1] =	stream.indirect_vreg.gather [hbm4b:s14+s1], $0x80, v4, vm0, $0xb8;
	[tilespmem:$0x15100] =	vst v63  }
0x876: {  	s5 =	simm.s32 $0x14900  }
0x877: {  	[tilespmem:s5], [sflag:$0x1] =	stream.indirect_vreg.gather [hbm4b:s18+s1], $0x80, v4, vm0, $0xb8;
	[tilespmem:$0x15100] =	vst v63  }
0x878: {  	_ =	swait.ge [sflag:s9], $0x8000  }
0x879: {  	s5 =	sld [smem:$0x7F8]  }
0x87a: {  	[sflag:s9] =	ssyncset.done $0x0  }
0x87b: {  	[sflag:s9] =	ssyncadd.s32 $0xFFFF8000  }
0x87c: {  	[hbm4b:s5+s1] =	stream.linear.scatter [tilespmem:s10], [sflag:$0x3], $0x8000, $0x38;
	[tilespmem:$0x15100] =	vst v63  }
0x87d: {  	_ =	swait.ge [sflag:s3], $0x8000  }
0x87e: {  	[sflag:s3] =	ssyncset.done $0x0  }
0x87f: {  	[sflag:s3] =	ssyncadd.s32 $0xFFFF8000  }
0x880: {  	v4 =	vld [tilespmem:$0xC80];
	_ =	sdelay $0x4  }
0x881: {  	v5 =	vshll.u32 v4, $0x2  }
0x882: {  	v4 =	vand.u32 $0x7, v4;
	v5 =	vand.u32 $0xFFFFFFE0, v5  }
0x883: {  	v4 =	vor.u32 v4, v5  }
0x884: {  	v5 =	vperm.xlane v4, v1;
	_ =	sdelay $0x1  }
0x885: {  	v5 =	vadd.s32 v2, v5;
	_ =	sdelay $0x1  }
0x886: {  	v4 =	vperm.xlane v4, v3;
	_ =	sdelay $0x1  }
0x887: {  	v4 =	vadd.s32 v2, v4  }
0x888: {  	[tilespmem:s16], [sflag:$0x1] =	stream.indirect_vreg.gather [hbm4b:s14+s1], $0x80, v5, vm0, $0xb8;
	[tilespmem:$0x15100] =	vst v63  }
0x889: {  	s5 =	simm.s32 $0x5900  }
0x88a: {  	[tilespmem:s5], [sflag:$0x1] =	stream.indirect_vreg.gather [hbm4b:s18+s1], $0x80, v5, vm0, $0xb8;
	[tilespmem:$0x15100] =	vst v63  }
0x88b: {  	s15 =	simm.s32 $0x6100  }
0x88c: {  	[tilespmem:s15], [sflag:$0x1] =	stream.indirect_vreg.gather [hbm4b:s14+s1], $0x80, v4, vm0, $0xb8;
	[tilespmem:$0x15100] =	vst v63  }
0x88d: {  	s15 =	simm.s32 $0x6900  }
0x88e: {  	[tilespmem:s15], [sflag:$0x1] =	stream.indirect_vreg.gather [hbm4b:s18+s1], $0x80, v4, vm0, $0xb8;
	[tilespmem:$0x15100] =	vst v63  }
0x88f: {  	v4 =	vld [tilespmem:$0xC90];
	_ =	sdelay $0x4  }
0x890: {  	v5 =	vshll.u32 v4, $0x2  }
0x891: {  	v4 =	vand.u32 $0x7, v4;
	v5 =	vand.u32 $0xFFFFFFE0, v5  }
0x892: {  	v4 =	vor.u32 v4, v5  }
0x893: {  	v5 =	vperm.xlane v4, v1;
	_ =	sdelay $0x1  }
0x894: {  	v5 =	vadd.s32 v2, v5;
	_ =	sdelay $0x1  }
0x895: {  	v4 =	vperm.xlane v4, v3;
	_ =	sdelay $0x1  }
0x896: {  	s6 =	simm.s32 $0x7100;
	v4 =	vadd.s32 v2, v4  }
0x897: {  	[tilespmem:s6], [sflag:$0x1] =	stream.indirect_vreg.gather [hbm4b:s14+s1], $0x80, v5, vm0, $0xb8;
	[tilespmem:$0x15100] =	vst v63  }
0x898: {  	s7 =	simm.s32 $0x7900  }
0x899: {  	[tilespmem:s7], [sflag:$0x1] =	stream.indirect_vreg.gather [hbm4b:s18+s1], $0x80, v5, vm0, $0xb8;
	[tilespmem:$0x15100] =	vst v63  }
0x89a: {  	s11 =	simm.s32 $0x8100  }
0x89b: {  	[tilespmem:s11], [sflag:$0x1] =	stream.indirect_vreg.gather [hbm4b:s14+s1], $0x80, v4, vm0, $0xb8;
	[tilespmem:$0x15100] =	vst v63  }
0x89c: {  	s7 =	simm.s32 $0x8900  }
0x89d: {  	[tilespmem:s7], [sflag:$0x1] =	stream.indirect_vreg.gather [hbm4b:s18+s1], $0x80, v4, vm0, $0xb8;
	[tilespmem:$0x15100] =	vst v63  }
0x89e: {  	v4 =	vld [tilespmem:$0xCA0];
	_ =	sdelay $0x4  }
0x89f: {  	v5 =	vshll.u32 v4, $0x2  }
0x8a0: {  	v4 =	vand.u32 $0x7, v4;
	v5 =	vand.u32 $0xFFFFFFE0, v5  }
0x8a1: {  	v4 =	vor.u32 v4, v5  }
0x8a2: {  	v5 =	vperm.xlane v4, v1;
	_ =	sdelay $0x1  }
0x8a3: {  	v5 =	vadd.s32 v2, v5;
	_ =	sdelay $0x1  }
0x8a4: {  	v4 =	vperm.xlane v4, v3;
	_ =	sdelay $0x1  }
0x8a5: {  	s8 =	simm.s32 $0x9100;
	v4 =	vadd.s32 v2, v4  }
0x8a6: {  	[tilespmem:s8], [sflag:$0x1] =	stream.indirect_vreg.gather [hbm4b:s14+s1], $0x80, v5, vm0, $0xb8;
	[tilespmem:$0x15100] =	vst v63  }
0x8a7: {  	s13 =	simm.s32 $0x9900  }
0x8a8: {  	[tilespmem:s13], [sflag:$0x1] =	stream.indirect_vreg.gather [hbm4b:s18+s1], $0x80, v5, vm0, $0xb8;
	[tilespmem:$0x15100] =	vst v63  }
0x8a9: {  	s17 =	simm.s32 $0xA100  }
0x8aa: {  	[tilespmem:s17], [sflag:$0x1] =	stream.indirect_vreg.gather [hbm4b:s14+s1], $0x80, v4, vm0, $0xb8;
	[tilespmem:$0x15100] =	vst v63  }
0x8ab: {  	s8 =	simm.s32 $0xA900  }
0x8ac: {  	[tilespmem:s8], [sflag:$0x1] =	stream.indirect_vreg.gather [hbm4b:s18+s1], $0x80, v4, vm0, $0xb8;
	[tilespmem:$0x15100] =	vst v63  }
0x8ad: {  	v4 =	vld [tilespmem:$0xCB0];
	_ =	sdelay $0x4  }
0x8ae: {  	v5 =	vshll.u32 v4, $0x2  }
0x8af: {  	v4 =	vand.u32 $0x7, v4;
	v5 =	vand.u32 $0xFFFFFFE0, v5  }
0x8b0: {  	v4 =	vor.u32 v4, v5  }
0x8b1: {  	v5 =	vperm.xlane v4, v1;
	_ =	sdelay $0x1  }
0x8b2: {  	v5 =	vadd.s32 v2, v5;
	_ =	sdelay $0x1  }
0x8b3: {  	v4 =	vperm.xlane v4, v3;
	_ =	sdelay $0x1  }
0x8b4: {  	s24 =	simm.s32 $0xB100;
	v4 =	vadd.s32 v2, v4  }
0x8b5: {  	[tilespmem:s24], [sflag:$0x1] =	stream.indirect_vreg.gather [hbm4b:s14+s1], $0x80, v5, vm0, $0xb8;
	[tilespmem:$0x15100] =	vst v63  }
0x8b6: {  	s12 =	simm.s32 $0xB900  }
0x8b7: {  	[tilespmem:s12], [sflag:$0x1] =	stream.indirect_vreg.gather [hbm4b:s18+s1], $0x80, v5, vm0, $0xb8;
	[tilespmem:$0x15100] =	vst v63  }
0x8b8: {  	s28 =	simm.s32 $0xC100  }
0x8b9: {  	[tilespmem:s28], [sflag:$0x1] =	stream.indirect_vreg.gather [hbm4b:s14+s1], $0x80, v4, vm0, $0xb8;
	[tilespmem:$0x15100] =	vst v63  }
0x8ba: {  	s30 =	simm.s32 $0xC900  }
0x8bb: {  	[tilespmem:s30], [sflag:$0x1] =	stream.indirect_vreg.gather [hbm4b:s18+s1], $0x80, v4, vm0, $0xb8;
	[tilespmem:$0x15100] =	vst v63  }
0x8bc: {  	_ =	swait.ge [sflag:s9], $0x8000  }
0x8bd: {  	s11 =	sld [smem:$0x7F9]  }
0x8be: {  	[sflag:s9] =	ssyncset.done $0x0  }
0x8bf: {  	[sflag:s9] =	ssyncadd.s32 $0xFFFF8000  }
0x8c0: {  	[hbm4b:s11+s1] =	stream.linear.scatter [tilespmem:s16], [sflag:$0x2], $0x8000, $0x38;
	[tilespmem:$0x15100] =	vst v63  }
0x8c1: {  	_ =	swait.ge [sflag:s4], $0x8000  }
0x8c2: {  	[sflag:s4] =	ssyncset.done $0x0  }
0x8c3: {  	[sflag:s4] =	ssyncadd.s32 $0xFFFF8000  }
0x8c4: {  	v4 =	vld [tilespmem:$0xCC0];
	_ =	sdelay $0x4  }
0x8c5: {  	v5 =	vshll.u32 v4, $0x2  }
0x8c6: {  	v4 =	vand.u32 $0x7, v4;
	v5 =	vand.u32 $0xFFFFFFE0, v5  }
0x8c7: {  	v4 =	vor.u32 v4, v5  }
0x8c8: {  	v5 =	vperm.xlane v4, v1;
	_ =	sdelay $0x1  }
0x8c9: {  	v5 =	vadd.s32 v2, v5;
	_ =	sdelay $0x1  }
0x8ca: {  	v4 =	vperm.xlane v4, v3;
	_ =	sdelay $0x1  }
0x8cb: {  	v4 =	vadd.s32 v2, v4  }
0x8cc: {  	[tilespmem:s10], [sflag:$0x1] =	stream.indirect_vreg.gather [hbm4b:s14+s1], $0x80, v5, vm0, $0xb8;
	[tilespmem:$0x15100] =	vst v63  }
0x8cd: {  	s21 =	simm.s32 $0xD900  }
0x8ce: {  	[tilespmem:s21], [sflag:$0x1] =	stream.indirect_vreg.gather [hbm4b:s18+s1], $0x80, v5, vm0, $0xb8;
	[tilespmem:$0x15100] =	vst v63  }
0x8cf: {  	s0 =	simm.s32 $0xE100  }
0x8d0: {  	[tilespmem:s0], [sflag:$0x1] =	stream.indirect_vreg.gather [hbm4b:s14+s1], $0x80, v4, vm0, $0xb8;
	[tilespmem:$0x15100] =	vst v63  }
0x8d1: {  	s12 =	simm.s32 $0xE900  }
0x8d2: {  	[tilespmem:s12], [sflag:$0x1] =	stream.indirect_vreg.gather [hbm4b:s18+s1], $0x80, v4, vm0, $0xb8;
	[tilespmem:$0x15100] =	vst v63  }
0x8d3: {  	v4 =	vld [tilespmem:$0xCD0];
	_ =	sdelay $0x4  }
0x8d4: {  	v5 =	vshll.u32 v4, $0x2  }
0x8d5: {  	v4 =	vand.u32 $0x7, v4;
	v5 =	vand.u32 $0xFFFFFFE0, v5  }
0x8d6: {  	v4 =	vor.u32 v4, v5  }
0x8d7: {  	v5 =	vperm.xlane v4, v1;
	_ =	sdelay $0x1  }
0x8d8: {  	v5 =	vadd.s32 v2, v5;
	_ =	sdelay $0x1  }
0x8d9: {  	v4 =	vperm.xlane v4, v3;
	_ =	sdelay $0x1  }
0x8da: {  	s2 =	simm.s32 $0xF100;
	v4 =	vadd.s32 v2, v4  }
0x8db: {  	[tilespmem:s2], [sflag:$0x1] =	stream.indirect_vreg.gather [hbm4b:s14+s1], $0x80, v5, vm0, $0xb8;
	[tilespmem:$0x15100] =	vst v63  }
0x8dc: {  	s25 =	simm.s32 $0xF900  }
0x8dd: {  	[tilespmem:s25], [sflag:$0x1] =	stream.indirect_vreg.gather [hbm4b:s18+s1], $0x80, v5, vm0, $0xb8;
	[tilespmem:$0x15100] =	vst v63  }
0x8de: {  	s26 =	simm.s32 $0x10100  }
0x8df: {  	[tilespmem:s26], [sflag:$0x1] =	stream.indirect_vreg.gather [hbm4b:s14+s1], $0x80, v4, vm0, $0xb8;
	[tilespmem:$0x15100] =	vst v63  }
0x8e0: {  	s13 =	simm.s32 $0x10900  }
0x8e1: {  	[tilespmem:s13], [sflag:$0x1] =	stream.indirect_vreg.gather [hbm4b:s18+s1], $0x80, v4, vm0, $0xb8;
	[tilespmem:$0x15100] =	vst v63  }
0x8e2: {  	v4 =	vld [tilespmem:$0xCE0];
	_ =	sdelay $0x4  }
0x8e3: {  	v5 =	vshll.u32 v4, $0x2  }
0x8e4: {  	v4 =	vand.u32 $0x7, v4;
	v5 =	vand.u32 $0xFFFFFFE0, v5  }
0x8e5: {  	v4 =	vor.u32 v4, v5  }
0x8e6: {  	v5 =	vperm.xlane v4, v1;
	_ =	sdelay $0x1  }
0x8e7: {  	v5 =	vadd.s32 v2, v5;
	_ =	sdelay $0x1  }
0x8e8: {  	v4 =	vperm.xlane v4, v3;
	_ =	sdelay $0x1  }
0x8e9: {  	s29 =	simm.s32 $0x11100;
	v4 =	vadd.s32 v2, v4  }
0x8ea: {  	[tilespmem:s29], [sflag:$0x1] =	stream.indirect_vreg.gather [hbm4b:s14+s1], $0x80, v5, vm0, $0xb8;
	[tilespmem:$0x15100] =	vst v63  }
0x8eb: {  	s31 =	simm.s32 $0x11900  }
0x8ec: {  	[tilespmem:s31], [sflag:$0x1] =	stream.indirect_vreg.gather [hbm4b:s18+s1], $0x80, v5, vm0, $0xb8;
	[tilespmem:$0x15100] =	vst v63  }
0x8ed: {  	s15 =	simm.s32 $0x12100  }
0x8ee: {  	[tilespmem:s15], [sflag:$0x1] =	stream.indirect_vreg.gather [hbm4b:s14+s1], $0x80, v4, vm0, $0xb8;
	[tilespmem:$0x15100] =	vst v63  }
0x8ef: {  	s17 =	simm.s32 $0x12900  }
0x8f0: {  	[tilespmem:s17], [sflag:$0x1] =	stream.indirect_vreg.gather [hbm4b:s18+s1], $0x80, v4, vm0, $0xb8;
	[tilespmem:$0x15100] =	vst v63  }
0x8f1: {  	v4 =	vld [tilespmem:$0xCF0];
	_ =	sdelay $0x4  }
0x8f2: {  	v5 =	vshll.u32 v4, $0x2  }
0x8f3: {  	v4 =	vand.u32 $0x7, v4;
	v5 =	vand.u32 $0xFFFFFFE0, v5  }
0x8f4: {  	v4 =	vor.u32 v4, v5  }
0x8f5: {  	v5 =	vperm.xlane v4, v1;
	_ =	sdelay $0x1  }
0x8f6: {  	v5 =	vadd.s32 v2, v5;
	_ =	sdelay $0x1  }
0x8f7: {  	v4 =	vperm.xlane v4, v3;
	_ =	sdelay $0x1  }
0x8f8: {  	s21 =	simm.s32 $0x13100;
	v4 =	vadd.s32 v2, v4  }
0x8f9: {  	[tilespmem:s21], [sflag:$0x1] =	stream.indirect_vreg.gather [hbm4b:s14+s1], $0x80, v5, vm0, $0xb8;
	[tilespmem:$0x15100] =	vst v63  }
0x8fa: {  	s24 =	simm.s32 $0x13900  }
0x8fb: {  	[tilespmem:s24], [sflag:$0x1] =	stream.indirect_vreg.gather [hbm4b:s18+s1], $0x80, v5, vm0, $0xb8;
	[tilespmem:$0x15100] =	vst v63  }
0x8fc: {  	s25 =	simm.s32 $0x14100  }
0x8fd: {  	[tilespmem:s25], [sflag:$0x1] =	stream.indirect_vreg.gather [hbm4b:s14+s1], $0x80, v4, vm0, $0xb8;
	[tilespmem:$0x15100] =	vst v63  }
0x8fe: {  	s26 =	simm.s32 $0x14900  }
0x8ff: {  	[tilespmem:s26], [sflag:$0x1] =	stream.indirect_vreg.gather [hbm4b:s18+s1], $0x80, v4, vm0, $0xb8;
	[tilespmem:$0x15100] =	vst v63  }
0x900: {  	_ =	swait.ge [sflag:s9], $0x8000  }
0x901: {  	s28 =	sld [smem:$0x7FA]  }
0x902: {  	[sflag:s9] =	ssyncset.done $0x0  }
0x903: {  	[sflag:s9] =	ssyncadd.s32 $0xFFFF8000  }
0x904: {  	[hbm4b:s28+s1] =	stream.linear.scatter [tilespmem:s10], [sflag:$0x3], $0x8000, $0x38;
	[tilespmem:$0x15100] =	vst v63  }
0x905: {  	_ =	swait.ge [sflag:s3], $0x8000  }
0x906: {  	[sflag:s3] =	ssyncset.done $0x0  }
0x907: {  	[sflag:s3] =	ssyncadd.s32 $0xFFFF8000  }
0x908: {  	_ =	swait.ge [sflag:s4], $0x8000  }
0x909: {  	s29 =	sld [smem:$0x7FC]  }
0x90a: {  	[sflag:s4] =	ssyncset.done $0x0  }
0x90b: {  	s20 =	simm.s32 $0x4;
	[sflag:s4] =	ssyncadd.s32 $0xFFFF8000  }
0x90c: {  	[hbm4b:s29+s1] =	stream.linear.scatter [tilespmem:s19], [sflag:$0x4], $0x2000, $0x38;
	[tilespmem:$0x15100] =	vst v63  }
0x90d: {  	_ =	swait.ge [sflag:s20], $0x2000  }
0x90e: {  	s30 =	sld [smem:$0x7EA]  }
0x90f: {  	s31 =	sld [smem:$0x7FD];
	_ =	sdelay $0x1  }
0x910: {  	s0 =	sadd.s32 $0x1, s30  }
0x911: {  	p0 =	sne.s32 s0, s31  }
.Ltmp4:
0x912: {  	_ = 	snop;
	(pc) =	sbr.rel @p0 .LBB2_1-.Ltmp4, $3  }
0x913: {  	_ =	sdelay $0x1  }
0x914: {  	[sflag:s20] =	ssyncset.done $0x0  }
0x915: {  	[sflag:s20] =	ssyncadd.s32 $0xFFFFE000  }
0x916: {  	_ =	sfence.sel $0x180000  }
0x917: {  	[bflag:$0x0] =	sbarrier.arrive $0xFFFF  }
0x918: {  	_ =	strace $0x9000004A  }
0x919: {  	s0 =	stileid.u32;
	[bflag:$0x2] =	sbarrier.arrive $0xFFFF  }
0x91a: {  	p0 =	sne.s32 s0, $0x0;
	s0 =	rddreg [dreg:$0x5]  }
0x91b: {  	s0 =	sadd.s32 @!p0 $0x100000, s0  }
0x91c: {  	[sflag:s0] =	ssyncadd.tile.s32 @!p0 $0x1;
	_ =	shalt  }
.Lfunc_end2:
_tile_overlayer_lowered:
.L_overlay_start_2:
0x91d: {  	(tag) =	ssettag $0x2  }
0x91e: {  	s0 =	rddreg [dreg:$0x0];
	s2 =	stileid.u32  }
0x91f: {  	s1 =	rddreg [dreg:$0x1];
	p0 =	sne.s32 s2, $0x0  }
0x920: {  	s3 =	rddreg [dreg:$0x2];
	[bflag:$0x3] =	sbarrier.arrive $0xFFFF;
	s2 =	simm.s32 @!p0 $0x1C04  }
0x921: {  	[timem:s3], [sflag:s2] =	dma.local @!p0 [hbm:s0], s1  }
0x922: {  	s0 =	simm.s32 @!p0 $0x4  }
0x923: {  	_ =	swait.ge @!p0 [sflag:s0], s1  }
0x924: {  	s1 =	ssub.s32 @!p0 $0x0, s1;
	[sflag:s0] =	ssyncset.done @!p0 $0x0  }
0x925: {  	[sflag:s0] =	ssyncadd.s32 @!p0 s1  }
0x926: {  	[bflag:$0x3] =	sbarrier.arrive $0xFFFF  }
0x927: {  	_ =	shalt  }

// kernel: kernel.7.cloned.1.call-start
scs
__scs_entry_jumppad:
0x0: {  	(pc) =	sbr.rel $0x88, $3  }
0x1: {  	(tag) =	ssettag $0x0;
	lr =	simm.s32 $0x1  }
0x2: {  	[smem:$0x3F9D] =	sst lr;
	_ =	strace $0xD0000000  }
0x3: {  	_ = 	snop  }
0x4: {  	_ = 	snop  }
0x5: {  	_ = 	snop  }
0x6: {  	_ = 	snop  }
0x7: {  	_ = 	snop  }
__scs_overlays_trampoline_lowered:
0x8: {  	[smem:$0x3FAC] =	sst s0  }
0x9: {  	[smem:$0x3FAD] =	sst s1  }
0xa: {  	[smem:$0x3FAE] =	sst s2  }
0xb: {  	[smem:$0x3FAF] =	sst s3  }
0xc: {  	[smem:$0x3FB0] =	sst s4  }
0xd: {  	[smem:$0x3FB1] =	sst s5  }
0xe: {  	[smem:$0x3FB2] =	sst s6  }
0xf: {  	[smem:$0x3FB3] =	sst s7  }
0x10: {  	[smem:$0x3FB4] =	sst s8  }
0x11: {  	[smem:$0x3FB5] =	sst s9;
	s0 =	simm.s32 @!p0 $0x0  }
0x12: {  	s1 =	sld [smem:$0x3F9B];
	s0 =	simm.s32 @p0 $0x1  }
0x13: {  	[smem:$0x3FB6] =	sst s0;
	s0 =	simm.s32 @!p1 $0x0  }
0x14: {  	s2 =	sld [smem:$0x3F9A];
	s0 =	simm.s32 @p1 $0x1  }
0x15: {  	[smem:$0x3FB7] =	sst s0;
	s0 =	simm.s32 @!p2 $0x0  }
0x16: {  	s3 =	sld [smem:$0x3FDB];
	s0 =	simm.s32 @p2 $0x1  }
0x17: {  	s4 =	simm.s32 $0x1BF5;
	[smem:$0x3FB9] =	sst s0  }
0x18: {  	s0 =	sld [smem:$0x3F9C];
	_ =	swait.ge [sflag:s4], $0x0  }
0x19: {  	s7 =	sld [smem:$0x3F9D]  }
0x1a: {  	s8 =	sadd.s32 $0xFFFFE003, lr  }
0x1b: {  	s9 =	sadd.s32 $0xFFFFFEF7, lr;
	s5 =	simm.s32 $0xFFFFFFFF;
	p2 =	slt.u32 s8, $0xFFFFF086  }
0x1c: {  	p1 =	slt.u32 s9, $0xF7A;
	s5 =	simm.s32 @!p2 $0x0  }
0x1d: {  	s5 =	simm.s32 @p1 $0x1;
	p0 =	seq.s32 s7, s2  }
0x1e: {  	s7 =	smul.u32 @!p0 $0xF7A, s2;
	p2 =	seq.s32 @!p0 s5, $0x0  }
0x1f: {  	s9 =	smul.u32 $0xF7A, s1;
	s8 =	simm.s32 @!p0 $0x1BF5;
	p2 =	por !p2, p0  }
0x20: {  	[sflag:s8] =	ssyncset.s32 @!p0 $0xFFFFF086;
	s6 =	sadd.s32 @!p0 s3, s7;
	s7 =	simm.s32 @!p0 $0x108  }
0x21: {  	s3 =	sadd.s32 s3, s9;
	s6 =	sadd.s32 @!p0 $0x88, s6;
	s7 =	simm.s32 @p2 $0x1082  }
0x22: {  	[simem:s7], [sflag:s8] =	dma.local @!p0 [hbm:s6], $0xF7A  }
0x23: {  	s9 =	sor.u32 $0xD0000000, s2;
	s6 =	simm.s32 $0x108;
	_ =	swait.ge @!p0 [sflag:s8], $0x0  }
0x24: {  	s3 =	sadd.s32 $0x88, s3;
	s6 =	simm.s32 @!p1 $0x1082;
	[sflag:s4] =	ssyncset.s32 $0xFFFFF086  }
0x25: {  	[simem:s6], [sflag:s4] =	dma.local [hbm:s3], $0xF7A  }
0x26: {  	[smem:$0x3F9D] =	sst s1;
	(tag) =	ssettag s2;
	_ =	strace s9  }
0x27: {  	s1 =	sld [smem:$0x3FAD]  }
0x28: {  	s2 =	sld [smem:$0x3FAE]  }
0x29: {  	s4 =	sld [smem:$0x3FB0]  }
0x2a: {  	p0 =	seq.s32 s5, $0x0;
	s5 =	sld [smem:$0x3FB1]  }
0x2b: {  	s6 =	sld [smem:$0x3FB2]  }
0x2c: {  	s7 =	sld [smem:$0x3FB3]  }
0x2d: {  	s3 =	simm.s32 $0x108;
	s8 =	sld [smem:$0x3FB4]  }
0x2e: {  	s3 =	simm.s32 @!p0 $0x1082;
	s9 =	sld [smem:$0x3FB5]  }
0x2f: {  	lr =	sadd.s32 s0, s3;
	s0 =	sld [smem:$0x3FAC]  }
0x30: {  	s3 =	sld [smem:$0x3FAF]  }
0x31: {  	[smem:$0x3FB8] =	sst s10  }
0x32: {  	s10 =	sld [smem:$0x3FB6];
	_ =	sdelay $0x3  }
0x33: {  	p0 =	seq.s32 s10, $0x1;
	s10 =	sld [smem:$0x3FB8];
	_ =	sdelay $0x3  }
0x34: {  	[smem:$0x3FB8] =	sst s10  }
0x35: {  	s10 =	sld [smem:$0x3FB7];
	_ =	sdelay $0x3  }
0x36: {  	p1 =	seq.s32 s10, $0x1;
	s10 =	sld [smem:$0x3FB8];
	_ =	sdelay $0x3  }
0x37: {  	[smem:$0x3FB8] =	sst s10  }
0x38: {  	s10 =	sld [smem:$0x3FB9]  }
0x39: {  	_ = 	snop;
	(pc) =	sbr.ind lr, $3  }
0x3a: {  	_ = 	snop  }
0x3b: {  	_ = 	snop  }
0x3c: {  	p2 =	seq.s32 s10, $0x1;
	s10 =	sld [smem:$0x3FB8]  }
0x3d: {  	_ =	shalt  }
0x3e: {  	_ =	shalt  }
0x3f: {  	_ =	shalt  }
0x40: {  	_ =	shalt  }
0x41: {  	_ =	shalt  }
0x42: {  	_ =	shalt  }
0x43: {  	_ =	shalt  }
0x44: {  	_ =	shalt  }
0x45: {  	_ =	shalt  }
0x46: {  	_ =	shalt  }
0x47: {  	_ =	shalt  }
0x48: {  	_ =	shalt  }
0x49: {  	_ =	shalt  }
0x4a: {  	_ =	shalt  }
0x4b: {  	_ =	shalt  }
0x4c: {  	_ =	shalt  }
0x4d: {  	_ =	shalt  }
0x4e: {  	_ =	shalt  }
0x4f: {  	_ =	shalt  }
0x50: {  	_ =	shalt  }
0x51: {  	_ =	shalt  }
0x52: {  	_ =	shalt  }
0x53: {  	_ =	shalt  }
0x54: {  	_ =	shalt  }
0x55: {  	_ =	shalt  }
0x56: {  	_ =	shalt  }
0x57: {  	_ =	shalt  }
0x58: {  	_ =	shalt  }
0x59: {  	_ =	shalt  }
0x5a: {  	_ =	shalt  }
0x5b: {  	_ =	shalt  }
0x5c: {  	_ =	shalt  }
0x5d: {  	_ =	shalt  }
0x5e: {  	_ =	shalt  }
0x5f: {  	_ =	shalt  }
0x60: {  	_ =	shalt  }
0x61: {  	_ =	shalt  }
0x62: {  	_ =	shalt  }
0x63: {  	_ =	shalt  }
0x64: {  	_ =	shalt  }
0x65: {  	_ =	shalt  }
0x66: {  	_ =	shalt  }
0x67: {  	_ =	shalt  }
0x68: {  	_ =	shalt  }
0x69: {  	_ =	shalt  }
0x6a: {  	_ =	shalt  }
0x6b: {  	_ =	shalt  }
0x6c: {  	_ =	shalt  }
0x6d: {  	_ =	shalt  }
0x6e: {  	_ =	shalt  }
0x6f: {  	_ =	shalt  }
0x70: {  	_ =	shalt  }
0x71: {  	_ =	shalt  }
0x72: {  	_ =	shalt  }
0x73: {  	_ =	shalt  }
0x74: {  	_ =	shalt  }
0x75: {  	_ =	shalt  }
0x76: {  	_ =	shalt  }
0x77: {  	_ =	shalt  }
0x78: {  	_ =	shalt  }
0x79: {  	_ =	shalt  }
0x7a: {  	_ =	shalt  }
0x7b: {  	_ =	shalt  }
0x7c: {  	_ =	shalt  }
0x7d: {  	_ =	shalt  }
0x7e: {  	_ =	shalt  }
0x7f: {  	_ =	shalt  }
0x80: {  	_ =	shalt  }
0x81: {  	_ =	shalt  }
0x82: {  	_ =	shalt  }
0x83: {  	_ =	shalt  }
0x84: {  	_ =	shalt  }
0x85: {  	_ =	shalt  }
0x86: {  	_ =	shalt  }
0x87: {  	_ =	shalt  }
.Lfunc_end0:
.L_simem_size_0:
called_computation_lowered:
.L_overlay_start_0:
0x88: {  	s2 =	sld [smem:$0x3FD9]  }
0x89: {  	s3 =	sld [smem:$0x3FFE];
	_ =	sdelay $0x1  }
0x8a: {  	s1 =	srdreg.scid  }
0x8b: {  	s0 =	sand.u32 $0x1, s1  }
0x8c: {  	s14 =	sshll.u32 s0, $0xA;
	s2 =	sadd.s32 s3, s2  }
0x8d: {  	s2 =	sadd.s32 s2, s14  }
0x8e: {  	[smem:$0x3FC4] =	sst s2  }
0x8f: {  	_ = 	snop  }
0x90: {  	s2 =	sld [smem:$0x3FD0];
	_ =	sdelay $0x2  }
0x91: {  	s15 =	simm.s32 $0xA;
	s4 =	simm.s32 $0x10  }
0x92: {  	[smem:s4], [sflag:s15] =	dma.local [hbm:s2], $0x1  }
0x93: {  	_ =	swait.eq [sflag:s15], $0x1  }
0x94: {  	[sflag:s15] =	ssyncset.done $0x0  }
0x95: {  	[sflag:s15] =	ssyncadd.s32 $0xFFFFFFFF  }
0x96: {  	s16 =	sld [smem:$0x13];
	(tm) =	ssettm $0x1  }
0x97: {  	s17 =	sld [smem:$0x3FFB];
	_ =	sdelay $0x3  }
0x98: {  	_ =	strace s17  }
0x99: {  	s3 =	sld [smem:$0x3FFC];
	_ =	sdelay $0x3  }
0x9a: {  	_ =	strace s3  }
0x9b: {  	s3 =	sld [smem:$0x3FFD];
	_ =	sdelay $0x3  }
0x9c: {  	_ =	strace s3  }
0x9d: {  	_ =	strace $0x8FFFFFFF  }
0x9e: {  	s18 =	sld [smem:$0x3FDB];
	_ =	sdelay $0x1  }
0x9f: {  	s19 =	simm.s32 $_scs_section_size  }
0xa0: {  	s5 =	simm.s32 $_size__tile_overlayer_lowered;
	s6 =	simm.s32 $_tile_overlayer_lowered  }
0xa1: {  	s22 =	simm.s32 $0x1BFF;
	s21 =	sshll.u32 s6, $0x1;
	s3 =	sadd.s32 s19, s18  }
0xa2: {  	s7 =	simm.s32 $0x0;
	s20 =	sshll.u32 s5, $0x1;
	s5 =	sadd.s32 s21, s3  }
0xa3: {  	[timem:s7], [sflag:s22] =	dma.local [hbm:s5], s20  }
0xa4: {  	_ =	swait.ge [sflag:s22], s20  }
0xa5: {  	s4 =	ssub.s32 $0x0, s20;
	[sflag:s22] =	ssyncset.done $0x0  }
0xa6: {  	[sflag:s22] =	ssyncadd.s32 s4;
	_ =	sdelay $0x1  }
0xa7: {  	s23 =	simm.s32 $0x1B8B  }
0xa8: {  	_ =	swait.ge [sflag:s23], $0x1  }
0xa9: {  	[sflag:s23] =	ssyncset.done $0x0  }
0xaa: {  	s25 =	simm.s32 $0x1B8E;
	s24 =	sld [smem:$0x3FFE];
	[sflag:s23] =	ssyncadd.s32 $0xFFFFFFFF  }
0xab: {  	s26 =	simm.s32 $execute0_lowered;
	[smem:$0x3FD2] =	sst s25  }
0xac: {  	s5 =	sshll.u32 s26, $0x1;
	_ =	strace $0x80000046;
	[dreg:$0x1] =	wrdreg $0xFFFFFFFF  }
0xad: {  	s28 =	simm.s32 $_size_execute0_lowered;
	s3 =	sadd.s32 s3, s5;
	[dreg:$0x0] =	wrdreg $0x0  }
0xae: {  	s5 =	sshll.u32 s28, $0x1;
	[dreg:$0x2] =	wrdreg s3  }
0xaf: {  	[dreg:$0x3] =	wrdreg s5  }
0xb0: {  	[dreg:$0x4] =	wrdreg $0xC0  }
0xb1: {  	_ =	task [dreg:s7], $0x5FFFF  }
0xb2: {  	[dreg:$0x1] =	wrdreg $0xFFFFFFFF  }
0xb3: {  	[dreg:$0x0] =	wrdreg $0x60  }
0xb4: {  	[dreg:$0x2] =	wrdreg s24  }
0xb5: {  	[dreg:$0x3] =	wrdreg s16  }
0xb6: {  	[dreg:$0x4] =	wrdreg $0x9  }
0xb7: {  	_ =	task.clear_ibuf [dreg:s7], $0x5FFFF;
	_ =	strace $0x90000046  }
0xb8: {  	s29 =	simm.s32 $0x9;
	_ =	strace $0x80000048  }
0xb9: {  	_ =	swait.ge [sflag:s29], $0x1  }
0xba: {  	[sflag:s29] =	ssyncadd.s32 $0xFFFFFFFF  }
0xbb: {  	_ =	strace $0x90000048  }
0xbc: {  	_ =	sfence  }
0xbd: {  	s30 =	sld [smem:$0x0];
	_ =	sdelay $0x2  }
0xbe: {  	s31 =	sshll.u32 s1, $0xD;
	s1 =	sshrl.u32 s1, $0x2  }
0xbf: {  	s3 =	sand.u32 $0x4000, s31;
	s1 =	sadd.s32 s1, s30  }
0xc0: {  	s0 =	sor.u32 s3, s0;
	s1 =	sshll.u32 s1, $0x11  }
0xc1: {  	s0 =	sor.u32 s1, s0  }
0xc2: {  	s0 =	sadd.s32 $0x8F2B, s0  }
0xc3: {  	[sflag:s0] =	ssyncadd.remote.s32 $0x1  }
0xc4: {  	_ =	sfence.sel $0xFFFF  }
0xc5: {  	[dreg:$0x0] =	wrdreg $0xFFFFFFFF;
	(pc) =	sbr.abs _section_cstart, $3  }
0xc6: {  	[dreg:$0x1] =	wrdreg $0xFFFFFFFF  }
0xc7: {  	_ =	task.clear_ibuf [dreg:s7], $0x2FFFF;
	_ =	strace $0x9FFFFFFF  }
0xc8: {  	(tm) =	ssettm $0x7FFFFFFF  }
0xc9: {  	_ =	shalt  }
tec
execute0_lowered:
.L_overlay_start_1:
0x0: {  	(tag) =	ssettag $0x1  }
0x1: {  	s3 =	rddreg [dreg:$0x0]  }
0x2: {  	s8 =	rddreg [dreg:$0x1]  }
0x3: {  	s0 =	rddreg [dreg:$0x2];
	s1 =	simm.s32 $0x0;
	s2 =	srdreg.scid  }
0x4: {  	s15 =	simm.s32 $0x2500;
	s16 =	simm.s32 $0x0;
	[smem:$0x7FF] =	sst s1  }
0x5: {  	s4 =	sand.u32 $0x1, s2;
	s7 =	sadd.s32 $0x1C00, s3;
	s2 =	stileid.u32  }
0x6: {  	s9 =	sadd.s32 $0x11C00, s3;
	s5 =	ssub.s32 $0x2, s4;
	s10 =	sshll.u32 s2, $0x1  }
0x7: {  	s11 =	sadd.s32 $0x14000, s3;
	s6 =	sshrl.u32 s5, $0x1;
	s29 =	sor.u32 s4, s10  }
0x8: {  	_ =	strace $0x80000047;
	s12 =	ssub.s32 s5, s6;
	s30 =	sshll.u32 s29, $0xB  }
0x9: {  	s4 =	sshll.u32 s29, $0x2;
	s31 =	smul.u32 $0x120, s29;
	s10 =	sshllo.u32 s29, $0x1  }
0xa: {  	s3 =	sadd.s32 s7, s30;
	s4 =	sadd.s32 s8, s4;
	s13 =	sshll.u32 s10, $0xA  }
0xb: {  	s14 =	smul.u32 $0x90, s10;
	s10 =	sshll.u32 s10, $0x1;
	s5 =	sadd.s32 s9, s31  }
0xc: {  	s6 =	sadd.s32 s11, s31;
	s7 =	sadd.s32 s7, s13;
	s8 =	sadd.s32 s8, s10  }
0xd: {  	v0 =	vimm.s32 $0x80000000;
	v1 =	vimm.s32 $0x7FFFFFFF;
	s13 =	simm.s32 $0x2000;
	s9 =	sadd.s32 s9, s14;
	s10 =	sadd.s32 s11, s14  }
0xe: {  	vm0 =	vmxor vm0, vm0;
	v2 =	vlaneseq.u32;
	v3 =	vimm.s32 $0x0;
	s11 =	smax.u32 s12, $0x1;
	s12 =	simm.s32 $0x1;
	s14 =	simm.s32 $0x2080  }
.LBB2_1:
0xf: {  	[tilespmem:s1], [sflag:$0x1] =	stream.linear.gather [hbm4b:s3+s1], $0x2000, $0x38;
	[tilespmem:$0x2980] =	vst v63  }
0x10: {  	_ =	swait.ge [sflag:s12], $0x2000  }
0x11: {  	[sflag:s12] =	ssyncset.done $0x0  }
0x12: {  	[sflag:s12] =	ssyncadd.s32 $0xFFFFE000  }
0x13: {  	[tilespmem:s13], [sflag:$0x1] =	stream.linear.gather [hbm4b:s4+s1], $0x10, $0x38;
	[tilespmem:$0x2980] =	vst v63  }
0x14: {  	_ =	swait.ge [sflag:s12], $0x10  }
0x15: {  	[sflag:s12] =	ssyncset.done $0x0  }
0x16: {  	[sflag:s12] =	ssyncadd.s32 $0xFFFFFFF0  }
0x17: {  	s17 =	simm.s32 $0x0;
	v4 =	vld [tilespmem:$0x2000]  }
.LBB2_2:
0x18: {  	p0 =	sne.s32 s17, $0x11C0  }
.Ltmp0:
0x19: {  	_ = 	snop;
	(pc) =	sbr.rel @p0 .LBB2_2-.Ltmp0, $4  }
0x1a: {  	_ = 	snop  }
0x1b: {  	s18 =	sshra.s32 s17, $0x2  }
0x1c: {  	[tilespmem:s18+$0x2080] =	vst v0  }
0x1d: {  	s17 =	sadd.s32 $0x40, s17;
	[tilespmem:s18+$0x2500] =	vst v1  }
0x1e: {  	s18 =	simm.s32 $0x0  }
0x1f: {  	v5 =	vld [tilespmem:s18+$0x0];
	_ =	sdelay $0x3  }
0x20: {  	p0 =	por $0x1, $0x1;
	vm1 =	vmmov vm0  }
0x21: {  	vm1 =	vmneg @p0 vm1;
	vm2 =	vge.s32 v5, v4  }
0x22: {  	vm1 =	vmand vm1, vm2  }
0x23: {  	v6 =	vsel vm1, $0x1, v3  }
0x24: {  	(xrf0) =	vadd.scan.msk.s32 $0xffff, v6;
	_ =	sdelay $0x4  }
0x25: {  	v6 =	vmov s18  }
0x26: {  	v6 =	vadd.s32 $0xFFFFFFFF, v6;
	v7, _, _ =	vpop (xrf0)  }
0x27: {  	v6 =	vbroadcast v6, $0x0;
	v8 =	vxor.u32 $0x80000000, v7  }
0x28: {  	(xrf0) =	vmax.scan.msk.u32 $0xffff, v8  }
0x29: {  	v6 =	vadd.s32 v7, v6;
	_ =	sdelay $0x4  }
0x2a: {  	[tilespmem:v6+s14+$0x0] =	vst.idx.msk vm1, v5;
	v5, _, _ =	vpop (xrf0)  }
0x2b: {  	(v2sf) =	vpush v5, $0xF;
	_ =	sdelay $0xb  }
0x2c: {  	v7 =	vor.u32 s18, v2  }
0x2d: {  	s17 =	simm.s32 $0x10;
	[tilespmem:v6+s15+$0x0] =	vst.idx.msk vm1, v7  }
0x2e: {  	s19 =	simm.s32 $0x20;
	s20 =	simm.s32 $0x10;
	v5 =	vld [tilespmem:s17+$0x0]  }
.LBB2_4:
0x2f: {  	p0 =	sne.s32 s19, $0x1FF0;
	s21 =	spop (v2sf)  }
0x30: {  	s18 =	sadd.s32 s21, s18  }
0x31: {  	s18 =	sadd.s32 $0x80000000, s18  }
0x32: {  	vm2 =	vmmov vm0;
	p1 =	slt.s32 s18, $0x470;
	v6 =	vmov s18  }
0x33: {  	vm1 =	vge.s32 v5, v4;
	vm2 =	vmneg @p1 vm2;
	v6 =	vadd.s32 $0xFFFFFFFF, v6  }
0x34: {  	vm1 =	vmand vm2, vm1;
	v6 =	vbroadcast v6, $0x0  }
0x35: {  	v7 =	vsel vm1, $0x1, v3  }
0x36: {  	(xrf0) =	vadd.scan.msk.s32 $0xffff, v7;
	_ =	sdelay $0x5  }
0x37: {  	v7, _, _ =	vpop (xrf0)  }
0x38: {  	v6 =	vadd.s32 v7, v6;
	v7 =	vxor.u32 $0x80000000, v7  }
0x39: {  	(xrf0) =	vmax.scan.msk.u32 $0xffff, v7;
	_ =	sdelay $0x3  }
0x3a: {  	v7 =	vor.u32 s17, v2;
	s17 =	smov.u32 s19;
	[tilespmem:v6+s14+$0x0] =	vst.idx.msk vm1, v5  }
0x3b: {  	[tilespmem:v6+s15+$0x0] =	vst.idx.msk vm1, v7  }
0x3c: {  	v5, _, _ =	vpop (xrf0)  }
0x3d: {  	(v2sf) =	vpush v5, $0xF;
	_ =	sdelay $0x9  }
.Ltmp1:
0x3e: {  	(pc) =	sbr.rel @p0 .LBB2_4-.Ltmp1, $3  }
0x3f: {  	_ =	sdelay $0x1  }
0x40: {  	s20 =	sadd.s32 $0x10, s20  }
0x41: {  	s19 =	sadd.s32 $0x10, s19;
	v5 =	vld [tilespmem:s20+$0x0]  }
0x42: {  	s19 =	spop (v2sf)  }
0x43: {  	s18 =	sadd.s32 s19, s18  }
0x44: {  	s18 =	sadd.s32 $0x80000000, s18  }
0x45: {  	vm1 =	vmmov vm0;
	p0 =	slt.s32 s18, $0x470  }
0x46: {  	vm2 =	vge.s32 v5, v4;
	vm1 =	vmneg @p0 vm1  }
0x47: {  	vm1 =	vmand vm1, vm2  }
0x48: {  	v4 =	vsel vm1, $0x1, v3  }
0x49: {  	(xrf0) =	vadd.scan.msk.s32 $0xffff, v4;
	_ =	sdelay $0x5  }
0x4a: {  	v4, _, _ =	vpop (xrf0)  }
0x4b: {  	v6 =	vxor.u32 $0x80000000, v4  }
0x4c: {  	(xrf0) =	vmax.scan.msk.u32 $0xffff, v6;
	_ =	sdelay $0x5  }
0x4d: {  	v6, _, _ =	vpop (xrf0)  }
0x4e: {  	(v2sf) =	vpush v6, $0xF;
	_ =	sdelay $0x2  }
0x4f: {  	v6 =	vmov s18  }
0x50: {  	v6 =	vadd.s32 $0xFFFFFFFF, v6  }
0x51: {  	v6 =	vbroadcast v6, $0x0;
	_ =	sdelay $0x1  }
0x52: {  	v4 =	vadd.s32 v4, v6;
	_ =	sdelay $0x4  }
0x53: {  	v6 =	vor.u32 s17, v2;
	[tilespmem:v4+s14+$0x0] =	vst.idx.msk vm1, v5  }
0x54: {  	s17 =	simm.s32 $0x0;
	[tilespmem:v4+s15+$0x0] =	vst.idx.msk vm1, v6  }
0x55: {  	[hbm4b:s5+s17] =	stream.linear.scatter [tilespmem:s14], [sflag:$0x1], $0x480, $0x38;
	[tilespmem:$0x2980] =	vst v63  }
0x56: {  	s31 =	spop (v2sf)  }
0x57: {  	_ =	swait.ge [sflag:s12], $0x480  }
0x58: {  	[sflag:s12] =	ssyncset.done $0x0  }
0x59: {  	[sflag:s12] =	ssyncadd.s32 $0xFFFFFB80  }
0x5a: {  	[hbm4b:s6+s17] =	stream.linear.scatter [tilespmem:s15], [sflag:$0x1], $0x480, $0x38;
	[tilespmem:$0x2980] =	vst v63  }
0x5b: {  	_ =	swait.ge [sflag:s12], $0x480  }
0x5c: {  	[sflag:s12] =	ssyncset.done $0x0  }
0x5d: {  	[sflag:s12] =	ssyncadd.s32 $0xFFFFFB80  }
0x5e: {  	[tilespmem:s17], [sflag:$0x1] =	stream.linear.gather [hbm4b:s7+s17], $0x2000, $0x38;
	[tilespmem:$0x2980] =	vst v63  }
0x5f: {  	_ =	swait.ge [sflag:s12], $0x2000  }
0x60: {  	[sflag:s12] =	ssyncset.done $0x0  }
0x61: {  	[sflag:s12] =	ssyncadd.s32 $0xFFFFE000  }
0x62: {  	[tilespmem:s13], [sflag:$0x1] =	stream.linear.gather [hbm4b:s8+s17], $0x10, $0x38;
	[tilespmem:$0x2980] =	vst v63  }
0x63: {  	_ =	swait.ge [sflag:s12], $0x10  }
0x64: {  	[sflag:s12] =	ssyncset.done $0x0  }
0x65: {  	[sflag:s12] =	ssyncadd.s32 $0xFFFFFFF0  }
0x66: {  	s19 =	simm.s32 $0x0;
	s18 =	simm.s32 $0x40;
	v4 =	vld [tilespmem:$0x2000]  }
.LBB2_6:
0x67: {  	p0 =	sne.s32 s18, $0x11C0;
	[tilespmem:s19+$0x2080] =	vst v0;
	s20 =	smov.u32 s18;
	s18 =	sadd.s32 $0x40, s18  }
.Ltmp2:
0x68: {  	[tilespmem:s19+$0x2500] =	vst v1;
	(pc) =	sbr.rel @p0 .LBB2_6-.Ltmp2, $2  }
0x69: {  	_ =	sdelay $0x2  }
0x6a: {  	s19 =	sshra.s32 s20, $0x2  }
0x6b: {  	[tilespmem:s19+$0x2080] =	vst v0  }
0x6c: {  	[tilespmem:s19+$0x2500] =	vst v1  }
0x6d: {  	v5 =	vld [tilespmem:s17+$0x0];
	_ =	sdelay $0x3  }
0x6e: {  	p0 =	por $0x1, $0x1;
	vm1 =	vmmov vm0  }
0x6f: {  	vm1 =	vmneg @p0 vm1;
	vm2 =	vge.s32 v5, v4  }
0x70: {  	vm1 =	vmand vm1, vm2  }
0x71: {  	v6 =	vsel vm1, $0x1, v3  }
0x72: {  	(xrf0) =	vadd.scan.msk.s32 $0xffff, v6;
	_ =	sdelay $0x4  }
0x73: {  	v6 =	vmov s17  }
0x74: {  	v6 =	vadd.s32 $0xFFFFFFFF, v6;
	v7, _, _ =	vpop (xrf0)  }
0x75: {  	v6 =	vbroadcast v6, $0x0;
	v8 =	vxor.u32 $0x80000000, v7  }
0x76: {  	(xrf0) =	vmax.scan.msk.u32 $0xffff, v8  }
0x77: {  	v6 =	vadd.s32 v7, v6;
	_ =	sdelay $0x4  }
0x78: {  	[tilespmem:v6+s14+$0x0] =	vst.idx.msk vm1, v5;
	v5, _, _ =	vpop (xrf0)  }
0x79: {  	(v2sf) =	vpush v5, $0xF;
	_ =	sdelay $0xb  }
0x7a: {  	v7 =	vor.u32 s17, v2  }
0x7b: {  	s18 =	simm.s32 $0x10;
	[tilespmem:v6+s15+$0x0] =	vst.idx.msk vm1, v7  }
0x7c: {  	s19 =	simm.s32 $0x20;
	s20 =	simm.s32 $0x10;
	v5 =	vld [tilespmem:s18+$0x0]  }
.LBB2_8:
0x7d: {  	p0 =	sne.s32 s19, $0x1FF0;
	s21 =	spop (v2sf)  }
0x7e: {  	s17 =	sadd.s32 s21, s17  }
0x7f: {  	s17 =	sadd.s32 $0x80000000, s17  }
0x80: {  	vm2 =	vmmov vm0;
	p1 =	slt.s32 s17, $0x470;
	v6 =	vmov s17  }
0x81: {  	vm1 =	vge.s32 v5, v4;
	vm2 =	vmneg @p1 vm2;
	v6 =	vadd.s32 $0xFFFFFFFF, v6  }
0x82: {  	vm1 =	vmand vm2, vm1;
	v6 =	vbroadcast v6, $0x0  }
0x83: {  	v7 =	vsel vm1, $0x1, v3  }
0x84: {  	(xrf0) =	vadd.scan.msk.s32 $0xffff, v7;
	_ =	sdelay $0x5  }
0x85: {  	v7, _, _ =	vpop (xrf0)  }
0x86: {  	v6 =	vadd.s32 v7, v6;
	v7 =	vxor.u32 $0x80000000, v7  }
0x87: {  	(xrf0) =	vmax.scan.msk.u32 $0xffff, v7;
	_ =	sdelay $0x3  }
0x88: {  	v7 =	vor.u32 s18, v2;
	s18 =	smov.u32 s19;
	[tilespmem:v6+s14+$0x0] =	vst.idx.msk vm1, v5  }
0x89: {  	[tilespmem:v6+s15+$0x0] =	vst.idx.msk vm1, v7  }
0x8a: {  	v5, _, _ =	vpop (xrf0)  }
0x8b: {  	(v2sf) =	vpush v5, $0xF;
	_ =	sdelay $0x9  }
.Ltmp3:
0x8c: {  	(pc) =	sbr.rel @p0 .LBB2_8-.Ltmp3, $3  }
0x8d: {  	_ =	sdelay $0x1  }
0x8e: {  	s20 =	sadd.s32 $0x10, s20  }
0x8f: {  	s19 =	sadd.s32 $0x10, s19;
	v5 =	vld [tilespmem:s20+$0x0]  }
0x90: {  	s19 =	spop (v2sf)  }
0x91: {  	s17 =	sadd.s32 s19, s17  }
0x92: {  	s17 =	sadd.s32 $0x80000000, s17  }
0x93: {  	vm1 =	vmmov vm0;
	p0 =	slt.s32 s17, $0x470  }
0x94: {  	vm2 =	vge.s32 v5, v4;
	vm1 =	vmneg @p0 vm1  }
0x95: {  	vm1 =	vmand vm1, vm2  }
0x96: {  	v4 =	vsel vm1, $0x1, v3  }
0x97: {  	(xrf0) =	vadd.scan.msk.s32 $0xffff, v4;
	_ =	sdelay $0x5  }
0x98: {  	v4, _, _ =	vpop (xrf0)  }
0x99: {  	v6 =	vxor.u32 $0x80000000, v4  }
0x9a: {  	(xrf0) =	vmax.scan.msk.u32 $0xffff, v6;
	_ =	sdelay $0x5  }
0x9b: {  	v6, _, _ =	vpop (xrf0)  }
0x9c: {  	(v2sf) =	vpush v6, $0xF;
	_ =	sdelay $0x2  }
0x9d: {  	v62 =	vmov s17  }
0x9e: {  	v6 =	vadd.s32 $0xFFFFFFFF, v62  }
0x9f: {  	v6 =	vbroadcast v6, $0x0;
	_ =	sdelay $0x1  }
0xa0: {  	v4 =	vadd.s32 v4, v6;
	_ =	sdelay $0x4  }
0xa1: {  	v63 =	vor.u32 s18, v2;
	[tilespmem:v4+s14+$0x0] =	vst.idx.msk vm1, v5  }
0xa2: {  	[tilespmem:v4+s15+$0x0] =	vst.idx.msk vm1, v63  }
0xa3: {  	[hbm4b:s9+s1] =	stream.linear.scatter [tilespmem:s14], [sflag:$0x1], $0x480, $0x38;
	[tilespmem:$0x2980] =	vst v63  }
0xa4: {  	s31 =	spop (v2sf)  }
0xa5: {  	s16 =	sadd.s32 $0x1, s16;
	_ =	swait.ge [sflag:s12], $0x480  }
0xa6: {  	p0 =	sne.s32 s16, s11;
	[sflag:s12] =	ssyncset.done $0x0  }
.Ltmp4:
0xa7: {  	[sflag:s12] =	ssyncadd.s32 $0xFFFFFB80;
	(pc) =	sbr.rel @p0 .LBB2_1-.Ltmp4, $4  }
0xa8: {  	[hbm4b:s10+s1] =	stream.linear.scatter [tilespmem:s15], [sflag:$0x1], $0x480, $0x38;
	[tilespmem:$0x2980] =	vst v63  }
0xa9: {  	_ =	swait.ge [sflag:s12], $0x480  }
0xaa: {  	[sflag:s12] =	ssyncset.done $0x0  }
0xab: {  	[sflag:s12] =	ssyncadd.s32 $0xFFFFFB80  }
0xac: {  	_ =	sfence.sel $0x180000  }
0xad: {  	[bflag:$0x0] =	sbarrier.arrive $0xFFFF  }
0xae: {  	p0 =	sne.s32 s2, $0x0;
	_ =	strace $0x90000047  }
0xaf: {  	s0 =	sadd.s32 @!p0 $0x100000, s0;
	[bflag:$0x2] =	sbarrier.arrive $0xFFFF  }
0xb0: {  	[sflag:s0] =	ssyncadd.tile.s32 @!p0 $0x1;
	_ =	shalt  }
.Lfunc_end2:
_tile_overlayer_lowered:
.L_overlay_start_2:
0xb1: {  	(tag) =	ssettag $0x2  }
0xb2: {  	s0 =	rddreg [dreg:$0x0];
	s2 =	stileid.u32  }
0xb3: {  	s1 =	rddreg [dreg:$0x1];
	p0 =	sne.s32 s2, $0x0  }
0xb4: {  	s3 =	rddreg [dreg:$0x2];
	[bflag:$0x3] =	sbarrier.arrive $0xFFFF;
	s2 =	simm.s32 @!p0 $0x1C01  }
0xb5: {  	[timem:s3], [sflag:s2] =	dma.local @!p0 [hbm:s0], s1  }
0xb6: {  	s0 =	simm.s32 @!p0 $0x1  }
0xb7: {  	_ =	swait.ge @!p0 [sflag:s0], s1  }
0xb8: {  	s1 =	ssub.s32 @!p0 $0x0, s1;
	[sflag:s0] =	ssyncset.done @!p0 $0x0  }
0xb9: {  	[sflag:s0] =	ssyncadd.s32 @!p0 s1  }
0xba: {  	[bflag:$0x3] =	sbarrier.arrive $0xFFFF  }
0xbb: {  	_ =	shalt  }

</sc_bundles>
